<compile_context>
chip_gen: v7x
topology: tpu7x:2x2x1
jax: 0.10.2.dev20260603
libtpu: 0.0.44.dev20260713+nightly
codegen_flags: <defaults>
</compile_context>

<pallas_src>
import functools

import jax
import jax.numpy as jnp
from jax import lax
from jax.experimental import pallas as pl
from jax.experimental.pallas import tpu as pltpu
from jax.experimental.pallas import tpu_sc as plsc

N_NODES = 10000
N_EDGES = 320000
D = 128
DP = D // 2
NC, NS = 2, 16
NW = NC * NS
C = 128
NCHUNK = 80
EPW = NCHUNK * C
E_PAD = NW * EPW
N_PAD = 10112
RPT = N_PAD // NS
_HI = -65536


@functools.cache
def _make_agg():
  mesh = plsc.VectorSubcoreMesh(core_axis_name="c", subcore_axis_name="s")
  out_type = jax.ShapeDtypeStruct((NC, N_PAD, D), jnp.float32)
  NPH = NCHUNK // 2
  scratch = [
      pltpu.VMEM((NPH, C), jnp.int32),
      pltpu.VMEM((C, DP), jnp.int32),
      pltpu.VMEM((C, DP), jnp.int32),
      pltpu.VMEM((C, D), jnp.float32),
      pltpu.VMEM((NCHUNK, C), jnp.int32),
      pltpu.VMEM_SHARED((N_PAD, D), jnp.float32),
      pltpu.SemaphoreType.DMA,
      pltpu.SemaphoreType.DMA,
  ]

  def body(x_hbm, src_hbm, dst_hbm, acc_out, src_all, pk0, pk1, rows_f,
           dst_all, acc_sh, semg0, semg1):
    _ZERO16 = jnp.zeros((16,), jnp.float32)
    c = lax.axis_index("c")
    s = lax.axis_index("s")
    w = c * NS + s
    base = s * RPT

    def zrow_body(i, carry):
      for j in range(D // 16):
        rows_f[i, pl.ds(j * 16, 16)] = _ZERO16
      return carry

    lax.fori_loop(0, C, zrow_body, 0)
    for k in range(RPT // C):
      pltpu.sync_copy(rows_f, acc_sh.at[pl.ds(base + k * C, C)])
    rem = RPT - (RPT // C) * C
    if rem:
      pltpu.sync_copy(rows_f.at[pl.ds(0, rem)],
                      acc_sh.at[pl.ds(base + (RPT // C) * C, rem)])
    pltpu.sync_copy(dst_hbm.at[w], dst_all)
    plsc.subcore_barrier()

    def widen(pk):
      def conv_body(i4, carry):
        i0 = 4 * i4
        for r in range(4):
          for g in range(DP // 16):
            v = pk[i0 + r, pl.ds(16 * g, 16)]
            rows_f[i0 + r, pl.ds(16 * g, 16)] = plsc.bitcast(
                v << 16, jnp.float32)
            rows_f[i0 + r, pl.ds(DP + 16 * g, 16)] = plsc.bitcast(
                v & _HI, jnp.float32)
        return carry

      lax.fori_loop(0, C // 4, conv_body, 0)

    for phase in range(2):
      jb = phase * NPH
      pltpu.sync_copy(src_hbm.at[w, phase], src_all)
      pltpu.async_copy(x_hbm.at[src_all.at[0]], pk0, semg0)

      def pair_body(k, carry):
        j0 = 2 * k
        j1 = j0 + 1
        pltpu.make_async_copy(x_hbm.at[src_all.at[j0]], pk0, semg0).wait()
        pltpu.async_copy(x_hbm.at[src_all.at[j1]], pk1, semg1)
        widen(pk0)
        pltpu.sync_copy(rows_f, acc_sh.at[dst_all.at[jb + j0]], add=True)

        pltpu.make_async_copy(x_hbm.at[src_all.at[j1]], pk1, semg1).wait()

        @pl.when(j0 + 2 < NPH)
        def _():
          pltpu.async_copy(x_hbm.at[src_all.at[j0 + 2]], pk0, semg0)

        widen(pk1)
        pltpu.sync_copy(rows_f, acc_sh.at[dst_all.at[jb + j1]], add=True)
        return carry

      lax.fori_loop(0, NPH // 2, pair_body, 0)
    plsc.subcore_barrier()

    pltpu.sync_copy(acc_sh.at[pl.ds(base, RPT)], acc_out.at[c, pl.ds(base, RPT)])

  return pl.kernel(body, mesh=mesh, out_type=out_type,
                   scratch_types=tuple(scratch),
                   compiler_params=pltpu.CompilerParams(
                       needs_layout_passes=False,
                       use_tc_tiling_on_sc=False))


HR = 80
EB = 2048


def _hist_body(dst_ref, o_ref):
  i = pl.program_id(0)

  @pl.when(i == 0)
  def _():
    o_ref[...] = jnp.zeros_like(o_ref)

  d = dst_ref[...]
  row_ids = jax.lax.broadcasted_iota(jnp.int32, (EB, HR), 1)
  col_ids = jax.lax.broadcasted_iota(jnp.int32, (EB, D), 1)
  oh_r = jnp.where(row_ids == (d >> 7), 1.0, 0.0).astype(jnp.float32)
  oh_c = jnp.where(col_ids == (d & 127), 1.0, 0.0).astype(jnp.float32)
  o_ref[...] += jax.lax.dot_general(
      oh_r, oh_c, (((0,), (0,)), ((), ())),
      preferred_element_type=jnp.float32)


def _hist(dst2):
  return pl.pallas_call(
      _hist_body,
      grid=(E_PAD // EB,),
      in_specs=[pl.BlockSpec((EB, 1), lambda i: (i, 0))],
      out_specs=pl.BlockSpec((HR, D), lambda i: (0, 0)),
      out_shape=jax.ShapeDtypeStruct((HR, D), jnp.float32),
  )(dst2)


def _pack_rows(o):
  lo = jax.lax.bitcast_convert_type(o[:, :DP], jnp.int32)
  hi = jax.lax.bitcast_convert_type(o[:, DP:], jnp.int32)
  lo16 = jax.lax.shift_right_logical(lo + 32768, 16)
  hi16 = (hi + 32768) & _HI
  return lo16 | hi16


def _unpack_rows(p):
  lo = jax.lax.bitcast_convert_type(p << 16, jnp.float32)
  hi = jax.lax.bitcast_convert_type(p & _HI, jnp.float32)
  return jnp.concatenate([lo, hi], axis=1)


R_TC = 632


def _dense1_body(acc_ref, cnt_ref, x_ref, wl_ref, wr_ref, b_ref, o_ref):
  a = acc_ref[0] + acc_ref[1]
  mean = a / jnp.clip(cnt_ref[...], 1.0, None)
  o = (jnp.dot(mean, wl_ref[...], preferred_element_type=jnp.float32)
       + b_ref[...]
       + jnp.dot(x_ref[...], wr_ref[...], preferred_element_type=jnp.float32))
  o = jnp.maximum(o, 0.0)
  o_ref[...] = _pack_rows(o)


def _dense2_body(acc_ref, cnt_ref, x_ref, wl_ref, wr_ref, b_ref, o_ref):
  a = acc_ref[0] + acc_ref[1]
  mean = a / jnp.clip(cnt_ref[...], 1.0, None)
  h = _unpack_rows(x_ref[...])
  o_ref[...] = (
      jnp.dot(mean, wl_ref[...], preferred_element_type=jnp.float32)
      + b_ref[...]
      + jnp.dot(h, wr_ref[...], preferred_element_type=jnp.float32))


def _dense(body, x_width, out_width, out_dtype):
  return pl.pallas_call(
      body,
      grid=(N_PAD // R_TC,),
      in_specs=[
          pl.BlockSpec((2, R_TC, D), lambda i: (0, i, 0)),
          pl.BlockSpec((R_TC, 1), lambda i: (i, 0)),
          pl.BlockSpec((R_TC, x_width), lambda i: (i, 0)),
          pl.BlockSpec((D, D), lambda i: (0, 0)),
          pl.BlockSpec((D, D), lambda i: (0, 0)),
          pl.BlockSpec((1, D), lambda i: (0, 0)),
      ],
      out_specs=pl.BlockSpec((R_TC, out_width), lambda i: (i, 0)),
      out_shape=jax.ShapeDtypeStruct((N_PAD, out_width), out_dtype),
  )


def kernel(x, edge_index, W_l1, W_r1, b1, W_l2, W_r2, b2):
  src = edge_index[0].astype(jnp.int32)
  dst = edge_index[1].astype(jnp.int32)
  src_p = jnp.pad(src, (0, E_PAD - N_EDGES)).reshape(NW, 2, NCHUNK // 2, C)
  dst_p = jnp.pad(dst, (0, E_PAD - N_EDGES),
                  constant_values=N_PAD - 1).reshape(NW, NCHUNK, C)
  x_p = jnp.pad(x, ((0, N_PAD - N_NODES), (0, 0)))
  xl = x_p[:, :DP].astype(jnp.bfloat16)
  xh = x_p[:, DP:].astype(jnp.bfloat16)
  xpk = jax.lax.bitcast_convert_type(jnp.stack([xl, xh], axis=-1), jnp.int32)

  x_p = pltpu.with_memory_space_constraint(x_p, pltpu.MemorySpace.HBM)
  src_p = pltpu.with_memory_space_constraint(src_p, pltpu.MemorySpace.HBM)
  dst_p = pltpu.with_memory_space_constraint(dst_p, pltpu.MemorySpace.HBM)
  xpk = pltpu.with_memory_space_constraint(xpk, pltpu.MemorySpace.HBM)

  dst2 = dst_p.reshape(E_PAD, 1)
  cnt = _hist(dst2).reshape(HR * D, 1)[:N_PAD]

  agg = _make_agg()
  acc1 = agg(xpk, src_p, dst_p)
  hpk = _dense(_dense1_body, D, DP, jnp.int32)(
      acc1, cnt, x_p, W_l1, W_r1, b1.reshape(1, D))
  hpk = pltpu.with_memory_space_constraint(hpk, pltpu.MemorySpace.HBM)
  acc2 = agg(hpk, src_p, dst_p)
  out = _dense(_dense2_body, DP, D, jnp.float32)(
      acc2, cnt, hpk, W_l2, W_r2, b2.reshape(1, D))
  return out[:N_NODES]

# --- scband reference (transcript-rebuilt; emitter-appended) ---
"""Pipeline reference for scband-graph-sage-31817117729422 (READ-ONLY COPY).

The authoritative reference and input builder live on the scoring server;
editing this copy changes nothing except your own understanding.
"""

import jax, jax.numpy as jnp
import numpy as np

N_NODES = 10000
N_EDGES = 320000
D_IN = 128
D_HID = 128
D_OUT = 128


def setup_inputs(seed: int = 0) -> dict:
    key = jax.random.key(seed)
    k = jax.random.split(key, 9)
    x = jax.random.normal(k[0], (N_NODES, D_IN), dtype=jnp.float32)
    edge_index = jax.random.randint(k[1], (2, N_EDGES), 0, N_NODES, dtype=jnp.int64)
    # Layer 1: SAGEConv(D_IN -> D_HID), mean aggregator
    s1 = 1.0 / np.sqrt(D_IN)
    W_l1 = jax.random.uniform(k[2], (D_IN, D_HID), minval=-s1, maxval=s1, dtype=jnp.float32)
    W_r1 = jax.random.uniform(k[3], (D_IN, D_HID), minval=-s1, maxval=s1, dtype=jnp.float32)
    b1 = jax.random.uniform(k[4], (D_HID,), minval=-s1, maxval=s1, dtype=jnp.float32)
    # Layer 2: SAGEConv(D_HID -> D_OUT)
    s2 = 1.0 / np.sqrt(D_HID)
    W_l2 = jax.random.uniform(k[5], (D_HID, D_OUT), minval=-s2, maxval=s2, dtype=jnp.float32)
    W_r2 = jax.random.uniform(k[6], (D_HID, D_OUT), minval=-s2, maxval=s2, dtype=jnp.float32)
    b2 = jax.random.uniform(k[7], (D_OUT,), minval=-s2, maxval=s2, dtype=jnp.float32)
    return {"x": x, "edge_index": edge_index, "W_l1": W_l1, "W_r1": W_r1, "b1": b1,
            "W_l2": W_l2, "W_r2": W_r2, "b2": b2}


def _sage_conv(x, edge_index, W_l, W_r, b):
    # PyG-style SAGEConv with mean aggregation:
    # out = lin_l(mean_{j in N(i)} x_j) + lin_r(x_i)
    src = edge_index[0]
    dst = edge_index[1]
    msg = jnp.take(x, src, axis=0)                                  # gather [E, d]
    summed = jax.ops.segment_sum(msg, dst, num_segments=x.shape[0])  # scatter-add
    cnt = jax.ops.segment_sum(jnp.ones((edge_index.shape[1],), dtype=x.dtype), dst,
                              num_segments=x.shape[0])
    mean = summed / jnp.clip(cnt, 1.0, None)[:, None]
    return mean @ W_l + b + x @ W_r


def reference(x, edge_index, W_l1, W_r1, b1, W_l2, W_r2, b2):
    # Layer 1 + ReLU (dropout is identity in eval mode)
    h = _sage_conv(x, edge_index, W_l1, W_r1, b1)
    h = jax.nn.relu(h)
    # Layer 2 (no activation on final layer)
    out = _sage_conv(h, edge_index, W_l2, W_r2, b2)
    return out

if __name__ == "__main__":
    import jax
    _d = setup_inputs()
    print(jax.jit(kernel)(*tuple(_d.values())))

</pallas_src>

<mosaic_0001>
#map = affine_map<(d0, d1) -> (0, 0)>
#map1 = affine_map<(d0, d1) -> (0, 0, 0, 0)>
#map2 = affine_map<(d0, d1) -> (0, 0, 0)>
module attributes {stable_mosaic.version = 14 : i64} {
  func.func @body(%arg0: i32, %arg1: i32, %arg2: memref<10112x64xi32, #tpu.memory_space<hbm>>, %arg3: memref<32x2x40x128xi32, #tpu.memory_space<hbm>>, %arg4: memref<32x80x128xi32, #tpu.memory_space<hbm>>, %arg5: memref<2x10112x128xf32, #tpu.memory_space<hbm>>, %arg6: memref<40x128xi32, #tpu.memory_space<vmem>>, %arg7: memref<128x64xi32, #tpu.memory_space<vmem>>, %arg8: memref<128x64xi32, #tpu.memory_space<vmem>>, %arg9: memref<128x128xf32, #tpu.memory_space<vmem>>, %arg10: memref<80x128xi32, #tpu.memory_space<vmem>>, %arg11: memref<10112x128xf32, #tpu.memory_space<vmem_shared>>, %arg12: memref<!tpu.dma_semaphore, #tpu.memory_space<semaphore_mem>>, %arg13: memref<!tpu.dma_semaphore, #tpu.memory_space<semaphore_mem>>) attributes {dimension_semantics = [#tpu.dimension_semantics<core_parallel>, #tpu.dimension_semantics<subcore_parallel>], iteration_bounds = array<i64: 2, 16>, scalar_prefetch = 0 : i64, scratch_operands = 8 : i64, tpu.core_type = #tpu.core_type<sc_vector_subcore>, window_params = [{transform_indices = #map}, {transform_indices = #map1}, {transform_indices = #map2}, {transform_indices = #map2}]} {
    %broadcast_in_dim3A = arith.constant 0.000000e+00 : f32
    %broadcast_in_dim3A_0 = vector.broadcast %broadcast_in_dim3A : f32 to vector<16xf32>
    %mul3A = arith.constant 16 : i32
    %mul3A_1 = arith.muli %arg0, %mul3A : i32
    %add3A = arith.addi %mul3A_1, %arg1 : i32
    %mul3A_2 = arith.constant 632 : i32
    %mul3A_3 = arith.muli %arg1, %mul3A_2 : i32
    %scan3A = arith.constant 0 : i32
    %scan3A_4 = arith.constant 0 : i32
    %scan3A_5 = arith.constant 128 : i32
    %scan3A_6 = arith.addi %scan3A_4, %scan3A_5 : i32
    %scan3A_7 = arith.constant 1 : i32
    scf.for %scan3A_46 = %scan3A_4 to %scan3A_6 step %scan3A_7  : i32 {
      %swap3A = arith.index_cast %scan3A_46 : i32 to index
      %swap3A_47 = arith.constant 0 : index
      %swap3A_48 = tpu.vector_load %arg9[%swap3A, %swap3A_47] {strides = array<i32>} : memref<128x128xf32, #tpu.memory_space<vmem>>, vector<16xf32>,
      tpu.vector_store %arg9[%swap3A, %swap3A_47], %broadcast_in_dim3A_0 {strides = array<i32>} : memref<128x128xf32, #tpu.memory_space<vmem>>, vector<16xf32>,
      %swap3A_49 = arith.index_cast %scan3A_46 : i32 to index
      %swap3A_50 = arith.constant 16 : index
      %swap3A_51 = tpu.vector_load %arg9[%swap3A_49, %swap3A_50] {strides = array<i32>} : memref<128x128xf32, #tpu.memory_space<vmem>>, vector<16xf32>,
      tpu.vector_store %arg9[%swap3A_49, %swap3A_50], %broadcast_in_dim3A_0 {strides = array<i32>} : memref<128x128xf32, #tpu.memory_space<vmem>>, vector<16xf32>,
      %swap3A_52 = arith.index_cast %scan3A_46 : i32 to index
      %swap3A_53 = arith.constant 32 : index
      %swap3A_54 = tpu.vector_load %arg9[%swap3A_52, %swap3A_53] {strides = array<i32>} : memref<128x128xf32, #tpu.memory_space<vmem>>, vector<16xf32>,
      tpu.vector_store %arg9[%swap3A_52, %swap3A_53], %broadcast_in_dim3A_0 {strides = array<i32>} : memref<128x128xf32, #tpu.memory_space<vmem>>, vector<16xf32>,
      %swap3A_55 = arith.index_cast %scan3A_46 : i32 to index
      %swap3A_56 = arith.constant 48 : index
      %swap3A_57 = tpu.vector_load %arg9[%swap3A_55, %swap3A_56] {strides = array<i32>} : memref<128x128xf32, #tpu.memory_space<vmem>>, vector<16xf32>,
      tpu.vector_store %arg9[%swap3A_55, %swap3A_56], %broadcast_in_dim3A_0 {strides = array<i32>} : memref<128x128xf32, #tpu.memory_space<vmem>>, vector<16xf32>,
      %swap3A_58 = arith.index_cast %scan3A_46 : i32 to index
      %swap3A_59 = arith.constant 64 : index
      %swap3A_60 = tpu.vector_load %arg9[%swap3A_58, %swap3A_59] {strides = array<i32>} : memref<128x128xf32, #tpu.memory_space<vmem>>, vector<16xf32>,
      tpu.vector_store %arg9[%swap3A_58, %swap3A_59], %broadcast_in_dim3A_0 {strides = array<i32>} : memref<128x128xf32, #tpu.memory_space<vmem>>, vector<16xf32>,
      %swap3A_61 = arith.index_cast %scan3A_46 : i32 to index
      %swap3A_62 = arith.constant 80 : index
      %swap3A_63 = tpu.vector_load %arg9[%swap3A_61, %swap3A_62] {strides = array<i32>} : memref<128x128xf32, #tpu.memory_space<vmem>>, vector<16xf32>,
      tpu.vector_store %arg9[%swap3A_61, %swap3A_62], %broadcast_in_dim3A_0 {strides = array<i32>} : memref<128x128xf32, #tpu.memory_space<vmem>>, vector<16xf32>,
      %swap3A_64 = arith.index_cast %scan3A_46 : i32 to index
      %swap3A_65 = arith.constant 96 : index
      %swap3A_66 = tpu.vector_load %arg9[%swap3A_64, %swap3A_65] {strides = array<i32>} : memref<128x128xf32, #tpu.memory_space<vmem>>, vector<16xf32>,
      tpu.vector_store %arg9[%swap3A_64, %swap3A_65], %broadcast_in_dim3A_0 {strides = array<i32>} : memref<128x128xf32, #tpu.memory_space<vmem>>, vector<16xf32>,
      %swap3A_67 = arith.index_cast %scan3A_46 : i32 to index
      %swap3A_68 = arith.constant 112 : index
      %swap3A_69 = tpu.vector_load %arg9[%swap3A_67, %swap3A_68] {strides = array<i32>} : memref<128x128xf32, #tpu.memory_space<vmem>>, vector<16xf32>,
      tpu.vector_store %arg9[%swap3A_67, %swap3A_68], %broadcast_in_dim3A_0 {strides = array<i32>} : memref<128x128xf32, #tpu.memory_space<vmem>>, vector<16xf32>,
    }
    %scan3A_8 = arith.constant 128 : i32
    %add3A_9 = arith.constant 0 : i32
    %add3A_10 = arith.addi %mul3A_3, %add3A_9 : i32
    "tpu.region"() ({
      %run_scoped3A_46 = tpu.sem_alloc : memref<!tpu.dma_semaphore, #tpu.memory_space<semaphore_mem>>
      %dma_start3A_47 = arith.constant 0 : i32
      %dma_start3A_48 = tpu.memref_slice %arg11[%add3A_10, %dma_start3A_47] : memref<10112x128xf32, #tpu.memory_space<vmem_shared>> -> memref<128x128xf32, #tpu.memory_space<vmem_shared>>
      %dma_start3A_49 = arith.constant 0 : i32
      %dma_start3A_50 = tpu.memref_slice %arg11[%add3A_10, %dma_start3A_49] : memref<10112x128xf32, #tpu.memory_space<vmem_shared>> -> memref<128x128xf32, #tpu.memory_space<vmem_shared>>
      tpu.enqueue_dma source(%arg9 : memref<128x128xf32, #tpu.memory_space<vmem>>) target(%dma_start3A_50 : memref<128x128xf32, #tpu.memory_space<vmem_shared>>) target_semaphore(%run_scoped3A_46 : memref<!tpu.dma_semaphore, #tpu.memory_space<semaphore_mem>>)
      %dma_wait3A = arith.constant 0 : i32
      %dma_wait3A_51 = tpu.memref_slice %arg11[%add3A_10, %dma_wait3A] : memref<10112x128xf32, #tpu.memory_space<vmem_shared>> -> memref<128x128xf32, #tpu.memory_space<vmem_shared>>
      %dma_wait3A_52 = arith.constant 0 : i32
      %dma_wait3A_53 = tpu.memref_slice %arg11[%add3A_10, %dma_wait3A_52] : memref<10112x128xf32, #tpu.memory_space<vmem_shared>> -> memref<128x128xf32, #tpu.memory_space<vmem_shared>>
      tpu.wait_dma2 semaphore(%run_scoped3A_46 : memref<!tpu.dma_semaphore, #tpu.memory_space<semaphore_mem>>) src(%arg9 : memref<128x128xf32, #tpu.memory_space<vmem>>) dst(%dma_wait3A_53 : memref<128x128xf32, #tpu.memory_space<vmem_shared>>)
      tpu.yield
    }) : () -> ()
    %add3A_11 = arith.constant 128 : i32
    %add3A_12 = arith.addi %mul3A_3, %add3A_11 : i32
    "tpu.region"() ({
      %run_scoped3A_46 = tpu.sem_alloc : memref<!tpu.dma_semaphore, #tpu.memory_space<semaphore_mem>>
      %dma_start3A_47 = arith.constant 0 : i32
      %dma_start3A_48 = tpu.memref_slice %arg11[%add3A_12, %dma_start3A_47] : memref<10112x128xf32, #tpu.memory_space<vmem_shared>> -> memref<128x128xf32, #tpu.memory_space<vmem_shared>>
      %dma_start3A_49 = arith.constant 0 : i32
      %dma_start3A_50 = tpu.memref_slice %arg11[%add3A_12, %dma_start3A_49] : memref<10112x128xf32, #tpu.memory_space<vmem_shared>> -> memref<128x128xf32, #tpu.memory_space<vmem_shared>>
      tpu.enqueue_dma source(%arg9 : memref<128x128xf32, #tpu.memory_space<vmem>>) target(%dma_start3A_50 : memref<128x128xf32, #tpu.memory_space<vmem_shared>>) target_semaphore(%run_scoped3A_46 : memref<!tpu.dma_semaphore, #tpu.memory_space<semaphore_mem>>)
      %dma_wait3A = arith.constant 0 : i32
      %dma_wait3A_51 = tpu.memref_slice %arg11[%add3A_12, %dma_wait3A] : memref<10112x128xf32, #tpu.memory_space<vmem_shared>> -> memref<128x128xf32, #tpu.memory_space<vmem_shared>>
      %dma_wait3A_52 = arith.constant 0 : i32
      %dma_wait3A_53 = tpu.memref_slice %arg11[%add3A_12, %dma_wait3A_52] : memref<10112x128xf32, #tpu.memory_space<vmem_shared>> -> memref<128x128xf32, #tpu.memory_space<vmem_shared>>
      tpu.wait_dma2 semaphore(%run_scoped3A_46 : memref<!tpu.dma_semaphore, #tpu.memory_space<semaphore_mem>>) src(%arg9 : memref<128x128xf32, #tpu.memory_space<vmem>>) dst(%dma_wait3A_53 : memref<128x128xf32, #tpu.memory_space<vmem_shared>>)
      tpu.yield
    }) : () -> ()
    %add3A_13 = arith.constant 256 : i32
    %add3A_14 = arith.addi %mul3A_3, %add3A_13 : i32
    "tpu.region"() ({
      %run_scoped3A_46 = tpu.sem_alloc : memref<!tpu.dma_semaphore, #tpu.memory_space<semaphore_mem>>
      %dma_start3A_47 = arith.constant 0 : i32
      %dma_start3A_48 = tpu.memref_slice %arg11[%add3A_14, %dma_start3A_47] : memref<10112x128xf32, #tpu.memory_space<vmem_shared>> -> memref<128x128xf32, #tpu.memory_space<vmem_shared>>
      %dma_start3A_49 = arith.constant 0 : i32
      %dma_start3A_50 = tpu.memref_slice %arg11[%add3A_14, %dma_start3A_49] : memref<10112x128xf32, #tpu.memory_space<vmem_shared>> -> memref<128x128xf32, #tpu.memory_space<vmem_shared>>
      tpu.enqueue_dma source(%arg9 : memref<128x128xf32, #tpu.memory_space<vmem>>) target(%dma_start3A_50 : memref<128x128xf32, #tpu.memory_space<vmem_shared>>) target_semaphore(%run_scoped3A_46 : memref<!tpu.dma_semaphore, #tpu.memory_space<semaphore_mem>>)
      %dma_wait3A = arith.constant 0 : i32
      %dma_wait3A_51 = tpu.memref_slice %arg11[%add3A_14, %dma_wait3A] : memref<10112x128xf32, #tpu.memory_space<vmem_shared>> -> memref<128x128xf32, #tpu.memory_space<vmem_shared>>
      %dma_wait3A_52 = arith.constant 0 : i32
      %dma_wait3A_53 = tpu.memref_slice %arg11[%add3A_14, %dma_wait3A_52] : memref<10112x128xf32, #tpu.memory_space<vmem_shared>> -> memref<128x128xf32, #tpu.memory_space<vmem_shared>>
      tpu.wait_dma2 semaphore(%run_scoped3A_46 : memref<!tpu.dma_semaphore, #tpu.memory_space<semaphore_mem>>) src(%arg9 : memref<128x128xf32, #tpu.memory_space<vmem>>) dst(%dma_wait3A_53 : memref<128x128xf32, #tpu.memory_space<vmem_shared>>)
      tpu.yield
    }) : () -> ()
    %add3A_15 = arith.constant 384 : i32
    %add3A_16 = arith.addi %mul3A_3, %add3A_15 : i32
    "tpu.region"() ({
      %run_scoped3A_46 = tpu.sem_alloc : memref<!tpu.dma_semaphore, #tpu.memory_space<semaphore_mem>>
      %dma_start3A_47 = arith.constant 0 : i32
      %dma_start3A_48 = tpu.memref_slice %arg11[%add3A_16, %dma_start3A_47] : memref<10112x128xf32, #tpu.memory_space<vmem_shared>> -> memref<128x128xf32, #tpu.memory_space<vmem_shared>>
      %dma_start3A_49 = arith.constant 0 : i32
      %dma_start3A_50 = tpu.memref_slice %arg11[%add3A_16, %dma_start3A_49] : memref<10112x128xf32, #tpu.memory_space<vmem_shared>> -> memref<128x128xf32, #tpu.memory_space<vmem_shared>>
      tpu.enqueue_dma source(%arg9 : memref<128x128xf32, #tpu.memory_space<vmem>>) target(%dma_start3A_50 : memref<128x128xf32, #tpu.memory_space<vmem_shared>>) target_semaphore(%run_scoped3A_46 : memref<!tpu.dma_semaphore, #tpu.memory_space<semaphore_mem>>)
      %dma_wait3A = arith.constant 0 : i32
      %dma_wait3A_51 = tpu.memref_slice %arg11[%add3A_16, %dma_wait3A] : memref<10112x128xf32, #tpu.memory_space<vmem_shared>> -> memref<128x128xf32, #tpu.memory_space<vmem_shared>>
      %dma_wait3A_52 = arith.constant 0 : i32
      %dma_wait3A_53 = tpu.memref_slice %arg11[%add3A_16, %dma_wait3A_52] : memref<10112x128xf32, #tpu.memory_space<vmem_shared>> -> memref<128x128xf32, #tpu.memory_space<vmem_shared>>
      tpu.wait_dma2 semaphore(%run_scoped3A_46 : memref<!tpu.dma_semaphore, #tpu.memory_space<semaphore_mem>>) src(%arg9 : memref<128x128xf32, #tpu.memory_space<vmem>>) dst(%dma_wait3A_53 : memref<128x128xf32, #tpu.memory_space<vmem_shared>>)
      tpu.yield
    }) : () -> ()
    %add3A_17 = arith.constant 512 : i32
    %add3A_18 = arith.addi %mul3A_3, %add3A_17 : i32
    "tpu.region"() ({
      %run_scoped3A_46 = tpu.sem_alloc : memref<!tpu.dma_semaphore, #tpu.memory_space<semaphore_mem>>
      %dma_start3A_47 = arith.constant 0 : i32
      %dma_start3A_48 = arith.constant 0 : i32
      %dma_start3A_49 = tpu.memref_slice %arg9[%dma_start3A_47, %dma_start3A_48] : memref<128x128xf32, #tpu.memory_space<vmem>> -> memref<120x128xf32, #tpu.memory_space<vmem>>
      %dma_start3A_50 = arith.constant 0 : i32
      %dma_start3A_51 = tpu.memref_slice %arg11[%add3A_18, %dma_start3A_50] : memref<10112x128xf32, #tpu.memory_space<vmem_shared>> -> memref<120x128xf32, #tpu.memory_space<vmem_shared>>
      %dma_start3A_52 = arith.constant 0 : i32
      %dma_start3A_53 = tpu.memref_slice %arg11[%add3A_18, %dma_start3A_52] : memref<10112x128xf32, #tpu.memory_space<vmem_shared>> -> memref<120x128xf32, #tpu.memory_space<vmem_shared>>
      %dma_start3A_54 = arith.constant 0 : i32
      %dma_start3A_55 = arith.constant 0 : i32
      %dma_start3A_56 = tpu.memref_slice %arg9[%dma_start3A_54, %dma_start3A_55] : memref<128x128xf32, #tpu.memory_space<vmem>> -> memref<120x128xf32, #tpu.memory_space<vmem>>
      tpu.enqueue_dma source(%dma_start3A_56 : memref<120x128xf32, #tpu.memory_space<vmem>>) target(%dma_start3A_53 : memref<120x128xf32, #tpu.memory_space<vmem_shared>>) target_semaphore(%run_scoped3A_46 : memref<!tpu.dma_semaphore, #tpu.memory_space<semaphore_mem>>)
      %dma_wait3A = arith.constant 0 : i32
      %dma_wait3A_57 = arith.constant 0 : i32
      %dma_wait3A_58 = tpu.memref_slice %arg9[%dma_wait3A, %dma_wait3A_57] : memref<128x128xf32, #tpu.memory_space<vmem>> -> memref<120x128xf32, #tpu.memory_space<vmem>>
      %dma_wait3A_59 = arith.constant 0 : i32
      %dma_wait3A_60 = tpu.memref_slice %arg11[%add3A_18, %dma_wait3A_59] : memref<10112x128xf32, #tpu.memory_space<vmem_shared>> -> memref<120x128xf32, #tpu.memory_space<vmem_shared>>
      %dma_wait3A_61 = arith.constant 0 : i32
      %dma_wait3A_62 = tpu.memref_slice %arg11[%add3A_18, %dma_wait3A_61] : memref<10112x128xf32, #tpu.memory_space<vmem_shared>> -> memref<120x128xf32, #tpu.memory_space<vmem_shared>>
      %dma_wait3A_63 = arith.constant 0 : i32
      %dma_wait3A_64 = arith.constant 0 : i32
      %dma_wait3A_65 = tpu.memref_slice %arg9[%dma_wait3A_63, %dma_wait3A_64] : memref<128x128xf32, #tpu.memory_space<vmem>> -> memref<120x128xf32, #tpu.memory_space<vmem>>
      tpu.wait_dma2 semaphore(%run_scoped3A_46 : memref<!tpu.dma_semaphore, #tpu.memory_space<semaphore_mem>>) src(%dma_wait3A_65 : memref<120x128xf32, #tpu.memory_space<vmem>>) dst(%dma_wait3A_62 : memref<120x128xf32, #tpu.memory_space<vmem_shared>>)
      tpu.yield
    }) : () -> ()
    "tpu.region"() ({
      %run_scoped3A_46 = tpu.sem_alloc : memref<!tpu.dma_semaphore, #tpu.memory_space<semaphore_mem>>
      %dma_start3A_47 = arith.constant 0 : i32
      %dma_start3A_48 = arith.constant 0 : i32
      %dma_start3A_49 = tpu.memref_slice %arg4[%add3A, %dma_start3A_47, %dma_start3A_48] : memref<32x80x128xi32, #tpu.memory_space<hbm>> -> memref<1x80x128xi32, #tpu.memory_space<hbm>>
      %dma_start3A_50 = tpu.memref_squeeze %dma_start3A_49 : memref<1x80x128xi32, #tpu.memory_space<hbm>> -> memref<80x128xi32, #tpu.memory_space<hbm>>
      %dma_start3A_51 = arith.constant 0 : i32
      %dma_start3A_52 = arith.constant 0 : i32
      %dma_start3A_53 = tpu.memref_slice %arg4[%add3A, %dma_start3A_51, %dma_start3A_52] : memref<32x80x128xi32, #tpu.memory_space<hbm>> -> memref<1x80x128xi32, #tpu.memory_space<hbm>>
      %dma_start3A_54 = tpu.memref_squeeze %dma_start3A_53 : memref<1x80x128xi32, #tpu.memory_space<hbm>> -> memref<80x128xi32, #tpu.memory_space<hbm>>
      tpu.enqueue_dma source(%dma_start3A_54 : memref<80x128xi32, #tpu.memory_space<hbm>>) target(%arg10 : memref<80x128xi32, #tpu.memory_space<vmem>>) target_semaphore(%run_scoped3A_46 : memref<!tpu.dma_semaphore, #tpu.memory_space<semaphore_mem>>)
      %dma_wait3A = arith.constant 0 : i32
      %dma_wait3A_55 = arith.constant 0 : i32
      %dma_wait3A_56 = tpu.memref_slice %arg4[%add3A, %dma_wait3A, %dma_wait3A_55] : memref<32x80x128xi32, #tpu.memory_space<hbm>> -> memref<1x80x128xi32, #tpu.memory_space<hbm>>
      %dma_wait3A_57 = tpu.memref_squeeze %dma_wait3A_56 : memref<1x80x128xi32, #tpu.memory_space<hbm>> -> memref<80x128xi32, #tpu.memory_space<hbm>>
      %dma_wait3A_58 = arith.constant 0 : i32
      %dma_wait3A_59 = arith.constant 0 : i32
      %dma_wait3A_60 = tpu.memref_slice %arg4[%add3A, %dma_wait3A_58, %dma_wait3A_59] : memref<32x80x128xi32, #tpu.memory_space<hbm>> -> memref<1x80x128xi32, #tpu.memory_space<hbm>>
      %dma_wait3A_61 = tpu.memref_squeeze %dma_wait3A_60 : memref<1x80x128xi32, #tpu.memory_space<hbm>> -> memref<80x128xi32, #tpu.memory_space<hbm>>
      tpu.wait_dma2 semaphore(%run_scoped3A_46 : memref<!tpu.dma_semaphore, #tpu.memory_space<semaphore_mem>>) src(%dma_wait3A_61 : memref<80x128xi32, #tpu.memory_space<hbm>>) dst(%arg10 : memref<80x128xi32, #tpu.memory_space<vmem>>)
      tpu.yield
    }) : () -> ()
    %barrier3A = arith.constant 0 : index
    tpu.barrier barrier_id(%barrier3A)
    %run_scoped3A = arith.constant 0 : i32
    "tpu.region"() ({
      %run_scoped3A_46 = tpu.sem_alloc : memref<!tpu.dma_semaphore, #tpu.memory_space<semaphore_mem>>
      %dma_start3A_47 = arith.constant 0 : i32
      %dma_start3A_48 = arith.constant 0 : i32
      %dma_start3A_49 = tpu.memref_slice %arg3[%add3A, %run_scoped3A, %dma_start3A_47, %dma_start3A_48] : memref<32x2x40x128xi32, #tpu.memory_space<hbm>> -> memref<1x1x40x128xi32, #tpu.memory_space<hbm>>
      %dma_start3A_50 = tpu.memref_squeeze %dma_start3A_49 : memref<1x1x40x128xi32, #tpu.memory_space<hbm>> -> memref<40x128xi32, #tpu.memory_space<hbm>>
      %dma_start3A_51 = arith.constant 0 : i32
      %dma_start3A_52 = arith.constant 0 : i32
      %dma_start3A_53 = tpu.memref_slice %arg3[%add3A, %run_scoped3A, %dma_start3A_51, %dma_start3A_52] : memref<32x2x40x128xi32, #tpu.memory_space<hbm>> -> memref<1x1x40x128xi32, #tpu.memory_space<hbm>>
      %dma_start3A_54 = tpu.memref_squeeze %dma_start3A_53 : memref<1x1x40x128xi32, #tpu.memory_space<hbm>> -> memref<40x128xi32, #tpu.memory_space<hbm>>
      tpu.enqueue_dma source(%dma_start3A_54 : memref<40x128xi32, #tpu.memory_space<hbm>>) target(%arg6 : memref<40x128xi32, #tpu.memory_space<vmem>>) target_semaphore(%run_scoped3A_46 : memref<!tpu.dma_semaphore, #tpu.memory_space<semaphore_mem>>)
      %dma_wait3A = arith.constant 0 : i32
      %dma_wait3A_55 = arith.constant 0 : i32
      %dma_wait3A_56 = tpu.memref_slice %arg3[%add3A, %run_scoped3A, %dma_wait3A, %dma_wait3A_55] : memref<32x2x40x128xi32, #tpu.memory_space<hbm>> -> memref<1x1x40x128xi32, #tpu.memory_space<hbm>>
      %dma_wait3A_57 = tpu.memref_squeeze %dma_wait3A_56 : memref<1x1x40x128xi32, #tpu.memory_space<hbm>> -> memref<40x128xi32, #tpu.memory_space<hbm>>
      %dma_wait3A_58 = arith.constant 0 : i32
      %dma_wait3A_59 = arith.constant 0 : i32
      %dma_wait3A_60 = tpu.memref_slice %arg3[%add3A, %run_scoped3A, %dma_wait3A_58, %dma_wait3A_59] : memref<32x2x40x128xi32, #tpu.memory_space<hbm>> -> memref<1x1x40x128xi32, #tpu.memory_space<hbm>>
      %dma_wait3A_61 = tpu.memref_squeeze %dma_wait3A_60 : memref<1x1x40x128xi32, #tpu.memory_space<hbm>> -> memref<40x128xi32, #tpu.memory_space<hbm>>
      tpu.wait_dma2 semaphore(%run_scoped3A_46 : memref<!tpu.dma_semaphore, #tpu.memory_space<semaphore_mem>>) src(%dma_wait3A_61 : memref<40x128xi32, #tpu.memory_space<hbm>>) dst(%arg6 : memref<40x128xi32, #tpu.memory_space<vmem>>)
      tpu.yield
    }) : () -> ()
    %dma_start3A = arith.constant 0 : i32
    %dma_start3A_19 = arith.constant 0 : i32
    %dma_start3A_20 = tpu.memref_slice %arg6[%dma_start3A, %dma_start3A_19] : memref<40x128xi32, #tpu.memory_space<vmem>> -> memref<1x128xi32, #tpu.memory_space<vmem>>
    %dma_start3A_21 = tpu.memref_squeeze %dma_start3A_20 : memref<1x128xi32, #tpu.memory_space<vmem>> -> memref<128xi32, #tpu.memory_space<vmem>>
    %dma_start3A_22 = arith.constant 0 : i32
    %dma_start3A_23 = arith.constant 0 : i32
    %dma_start3A_24 = tpu.memref_slice %arg2[%dma_start3A_22, %dma_start3A_23] : memref<10112x64xi32, #tpu.memory_space<hbm>> -> memref<10112x64xi32, #tpu.memory_space<hbm>>
    tpu.enqueue_indirect_dma source(%dma_start3A_24 : memref<10112x64xi32, #tpu.memory_space<hbm>>) target(%arg7 : memref<128x64xi32, #tpu.memory_space<vmem>>) offsets(%dma_start3A_21 : memref<128xi32, #tpu.memory_space<vmem>>) semaphore(%arg12 : memref<!tpu.dma_semaphore, #tpu.memory_space<semaphore_mem>>)
    %scan3A_25 = arith.constant 0 : i32
    %scan3A_26 = arith.constant 0 : i32
    %scan3A_27 = arith.constant 20 : i32
    %scan3A_28 = arith.addi %scan3A_26, %scan3A_27 : i32
    %scan3A_29 = arith.constant 1 : i32
    scf.for %scan3A_46 = %scan3A_26 to %scan3A_28 step %scan3A_29  : i32 {
      %mul3A_47 = arith.constant 2 : i32
      %mul3A_48 = arith.muli %mul3A_47, %scan3A_46 : i32
      %add3A_49 = arith.constant 1 : i32
      %add3A_50 = arith.addi %mul3A_48, %add3A_49 : i32
      %dma_wait3A = arith.constant 0 : i32
      %dma_wait3A_51 = tpu.memref_slice %arg6[%mul3A_48, %dma_wait3A] : memref<40x128xi32, #tpu.memory_space<vmem>> -> memref<1x128xi32, #tpu.memory_space<vmem>>
      %dma_wait3A_52 = tpu.memref_squeeze %dma_wait3A_51 : memref<1x128xi32, #tpu.memory_space<vmem>> -> memref<128xi32, #tpu.memory_space<vmem>>
      %dma_wait3A_53 = arith.constant 0 : i32
      %dma_wait3A_54 = arith.constant 0 : i32
      %dma_wait3A_55 = tpu.memref_slice %arg2[%dma_wait3A_53, %dma_wait3A_54] : memref<10112x64xi32, #tpu.memory_space<hbm>> -> memref<10112x64xi32, #tpu.memory_space<hbm>>
      tpu.wait_indirect_dma semaphore(%arg12 : memref<!tpu.dma_semaphore, #tpu.memory_space<semaphore_mem>>) src(%dma_wait3A_55 : memref<10112x64xi32, #tpu.memory_space<hbm>>) dst(%arg7 : memref<128x64xi32, #tpu.memory_space<vmem>>)
      %dma_start3A_56 = arith.constant 0 : i32
      %dma_start3A_57 = tpu.memref_slice %arg6[%add3A_50, %dma_start3A_56] : memref<40x128xi32, #tpu.memory_space<vmem>> -> memref<1x128xi32, #tpu.memory_space<vmem>>
      %dma_start3A_58 = tpu.memref_squeeze %dma_start3A_57 : memref<1x128xi32, #tpu.memory_space<vmem>> -> memref<128xi32, #tpu.memory_space<vmem>>
      %dma_start3A_59 = arith.constant 0 : i32
      %dma_start3A_60 = arith.constant 0 : i32
      %dma_start3A_61 = tpu.memref_slice %arg2[%dma_start3A_59, %dma_start3A_60] : memref<10112x64xi32, #tpu.memory_space<hbm>> -> memref<10112x64xi32, #tpu.memory_space<hbm>>
      tpu.enqueue_indirect_dma source(%dma_start3A_61 : memref<10112x64xi32, #tpu.memory_space<hbm>>) target(%arg8 : memref<128x64xi32, #tpu.memory_space<vmem>>) offsets(%dma_start3A_58 : memref<128xi32, #tpu.memory_space<vmem>>) semaphore(%arg13 : memref<!tpu.dma_semaphore, #tpu.memory_space<semaphore_mem>>)
      %scan3A_62 = arith.constant 0 : i32
      %scan3A_63 = arith.constant 0 : i32
      %scan3A_64 = arith.constant 32 : i32
      %scan3A_65 = arith.addi %scan3A_63, %scan3A_64 : i32
      %scan3A_66 = arith.constant 1 : i32
      scf.for %scan3A_88 = %scan3A_63 to %scan3A_65 step %scan3A_66  : i32 {
        %mul3A_89 = arith.constant 4 : i32
        %mul3A_90 = arith.muli %mul3A_89, %scan3A_88 : i32
        %add3A_91 = arith.constant 0 : i32
        %add3A_92 = arith.addi %mul3A_90, %add3A_91 : i32
        %get3A = arith.index_cast %add3A_92 : i32 to index
        %get3A_93 = arith.constant 0 : index
        %get3A_94 = tpu.vector_load %arg7[%get3A, %get3A_93] {strides = array<i32>} : memref<128x64xi32, #tpu.memory_space<vmem>>, vector<16xi32>,
        %shift_left3A = arith.constant 16 : i32
        %shift_left3A_95 = vector.broadcast %shift_left3A : i32 to vector<16xi32>
        %shift_left3A_96 = arith.shli %get3A_94, %shift_left3A_95 : vector<16xi32>
        %bitcast3A = vector.bitcast %shift_left3A_96 : vector<16xi32> to vector<16xf32>
        %add3A_97 = arith.constant 0 : i32
        %add3A_98 = arith.addi %mul3A_90, %add3A_97 : i32
        %swap3A = arith.index_cast %add3A_98 : i32 to index
        %swap3A_99 = arith.constant 0 : index
        %swap3A_100 = tpu.vector_load %arg9[%swap3A, %swap3A_99] {strides = array<i32>} : memref<128x128xf32, #tpu.memory_space<vmem>>, vector<16xf32>,
        tpu.vector_store %arg9[%swap3A, %swap3A_99], %bitcast3A {strides = array<i32>} : memref<128x128xf32, #tpu.memory_space<vmem>>, vector<16xf32>,
        %and3A = arith.constant -65536 : i32
        %and3A_101 = vector.broadcast %and3A : i32 to vector<16xi32>
        %and3A_102 = arith.andi %get3A_94, %and3A_101 : vector<16xi32>
        %bitcast3A_103 = vector.bitcast %and3A_102 : vector<16xi32> to vector<16xf32>
        %add3A_104 = arith.constant 0 : i32
        %add3A_105 = arith.addi %mul3A_90, %add3A_104 : i32
        %swap3A_106 = arith.index_cast %add3A_105 : i32 to index
        %swap3A_107 = arith.constant 64 : index
        %swap3A_108 = tpu.vector_load %arg9[%swap3A_106, %swap3A_107] {strides = array<i32>} : memref<128x128xf32, #tpu.memory_space<vmem>>, vector<16xf32>,
        tpu.vector_store %arg9[%swap3A_106, %swap3A_107], %bitcast3A_103 {strides = array<i32>} : memref<128x128xf32, #tpu.memory_space<vmem>>, vector<16xf32>,
        %add3A_109 = arith.constant 0 : i32
        %add3A_110 = arith.addi %mul3A_90, %add3A_109 : i32
        %get3A_111 = arith.index_cast %add3A_110 : i32 to index
        %get3A_112 = arith.constant 16 : index
        %get3A_113 = tpu.vector_load %arg7[%get3A_111, %get3A_112] {strides = array<i32>} : memref<128x64xi32, #tpu.memory_space<vmem>>, vector<16xi32>,
        %shift_left3A_114 = arith.constant 16 : i32
        %shift_left3A_115 = vector.broadcast %shift_left3A_114 : i32 to vector<16xi32>
        %shift_left3A_116 = arith.shli %get3A_113, %shift_left3A_115 : vector<16xi32>
        %bitcast3A_117 = vector.bitcast %shift_left3A_116 : vector<16xi32> to vector<16xf32>
        %add3A_118 = arith.constant 0 : i32
        %add3A_119 = arith.addi %mul3A_90, %add3A_118 : i32
        %swap3A_120 = arith.index_cast %add3A_119 : i32 to index
        %swap3A_121 = arith.constant 16 : index
        %swap3A_122 = tpu.vector_load %arg9[%swap3A_120, %swap3A_121] {strides = array<i32>} : memref<128x128xf32, #tpu.memory_space<vmem>>, vector<16xf32>,
        tpu.vector_store %arg9[%swap3A_120, %swap3A_121], %bitcast3A_117 {strides = array<i32>} : memref<128x128xf32, #tpu.memory_space<vmem>>, vector<16xf32>,
        %and3A_123 = arith.constant -65536 : i32
        %and3A_124 = vector.broadcast %and3A_123 : i32 to vector<16xi32>
        %and3A_125 = arith.andi %get3A_113, %and3A_124 : vector<16xi32>
        %bitcast3A_126 = vector.bitcast %and3A_125 : vector<16xi32> to vector<16xf32>
        %add3A_127 = arith.constant 0 : i32
        %add3A_128 = arith.addi %mul3A_90, %add3A_127 : i32
        %swap3A_129 = arith.index_cast %add3A_128 : i32 to index
        %swap3A_130 = arith.constant 80 : index
        %swap3A_131 = tpu.vector_load %arg9[%swap3A_129, %swap3A_130] {strides = array<i32>} : memref<128x128xf32, #tpu.memory_space<vmem>>, vector<16xf32>,
        tpu.vector_store %arg9[%swap3A_129, %swap3A_130], %bitcast3A_126 {strides = array<i32>} : memref<128x128xf32, #tpu.memory_space<vmem>>, vector<16xf32>,
        %add3A_132 = arith.constant 0 : i32
        %add3A_133 = arith.addi %mul3A_90, %add3A_132 : i32
        %get3A_134 = arith.index_cast %add3A_133 : i32 to index
        %get3A_135 = arith.constant 32 : index
        %get3A_136 = tpu.vector_load %arg7[%get3A_134, %get3A_135] {strides = array<i32>} : memref<128x64xi32, #tpu.memory_space<vmem>>, vector<16xi32>,
        %shift_left3A_137 = arith.constant 16 : i32
        %shift_left3A_138 = vector.broadcast %shift_left3A_137 : i32 to vector<16xi32>
        %shift_left3A_139 = arith.shli %get3A_136, %shift_left3A_138 : vector<16xi32>
        %bitcast3A_140 = vector.bitcast %shift_left3A_139 : vector<16xi32> to vector<16xf32>
        %add3A_141 = arith.constant 0 : i32
        %add3A_142 = arith.addi %mul3A_90, %add3A_141 : i32
        %swap3A_143 = arith.index_cast %add3A_142 : i32 to index
        %swap3A_144 = arith.constant 32 : index
        %swap3A_145 = tpu.vector_load %arg9[%swap3A_143, %swap3A_144] {strides = array<i32>} : memref<128x128xf32, #tpu.memory_space<vmem>>, vector<16xf32>,
        tpu.vector_store %arg9[%swap3A_143, %swap3A_144], %bitcast3A_140 {strides = array<i32>} : memref<128x128xf32, #tpu.memory_space<vmem>>, vector<16xf32>,
        %and3A_146 = arith.constant -65536 : i32
        %and3A_147 = vector.broadcast %and3A_146 : i32 to vector<16xi32>
        %and3A_148 = arith.andi %get3A_136, %and3A_147 : vector<16xi32>
        %bitcast3A_149 = vector.bitcast %and3A_148 : vector<16xi32> to vector<16xf32>
        %add3A_150 = arith.constant 0 : i32
        %add3A_151 = arith.addi %mul3A_90, %add3A_150 : i32
        %swap3A_152 = arith.index_cast %add3A_151 : i32 to index
        %swap3A_153 = arith.constant 96 : index
        %swap3A_154 = tpu.vector_load %arg9[%swap3A_152, %swap3A_153] {strides = array<i32>} : memref<128x128xf32, #tpu.memory_space<vmem>>, vector<16xf32>,
        tpu.vector_store %arg9[%swap3A_152, %swap3A_153], %bitcast3A_149 {strides = array<i32>} : memref<128x128xf32, #tpu.memory_space<vmem>>, vector<16xf32>,
        %add3A_155 = arith.constant 0 : i32
        %add3A_156 = arith.addi %mul3A_90, %add3A_155 : i32
        %get3A_157 = arith.index_cast %add3A_156 : i32 to index
        %get3A_158 = arith.constant 48 : index
        %get3A_159 = tpu.vector_load %arg7[%get3A_157, %get3A_158] {strides = array<i32>} : memref<128x64xi32, #tpu.memory_space<vmem>>, vector<16xi32>,
        %shift_left3A_160 = arith.constant 16 : i32
        %shift_left3A_161 = vector.broadcast %shift_left3A_160 : i32 to vector<16xi32>
        %shift_left3A_162 = arith.shli %get3A_159, %shift_left3A_161 : vector<16xi32>
        %bitcast3A_163 = vector.bitcast %shift_left3A_162 : vector<16xi32> to vector<16xf32>
        %add3A_164 = arith.constant 0 : i32
        %add3A_165 = arith.addi %mul3A_90, %add3A_164 : i32
        %swap3A_166 = arith.index_cast %add3A_165 : i32 to index
        %swap3A_167 = arith.constant 48 : index
        %swap3A_168 = tpu.vector_load %arg9[%swap3A_166, %swap3A_167] {strides = array<i32>} : memref<128x128xf32, #tpu.memory_space<vmem>>, vector<16xf32>,
        tpu.vector_store %arg9[%swap3A_166, %swap3A_167], %bitcast3A_163 {strides = array<i32>} : memref<128x128xf32, #tpu.memory_space<vmem>>, vector<16xf32>,
        %and3A_169 = arith.constant -65536 : i32
        %and3A_170 = vector.broadcast %and3A_169 : i32 to vector<16xi32>
        %and3A_171 = arith.andi %get3A_159, %and3A_170 : vector<16xi32>
        %bitcast3A_172 = vector.bitcast %and3A_171 : vector<16xi32> to vector<16xf32>
        %add3A_173 = arith.constant 0 : i32
        %add3A_174 = arith.addi %mul3A_90, %add3A_173 : i32
        %swap3A_175 = arith.index_cast %add3A_174 : i32 to index
        %swap3A_176 = arith.constant 112 : index
        %swap3A_177 = tpu.vector_load %arg9[%swap3A_175, %swap3A_176] {strides = array<i32>} : memref<128x128xf32, #tpu.memory_space<vmem>>, vector<16xf32>,
        tpu.vector_store %arg9[%swap3A_175, %swap3A_176], %bitcast3A_172 {strides = array<i32>} : memref<128x128xf32, #tpu.memory_space<vmem>>, vector<16xf32>,
        %add3A_178 = arith.constant 1 : i32
        %add3A_179 = arith.addi %mul3A_90, %add3A_178 : i32
        %get3A_180 = arith.index_cast %add3A_179 : i32 to index
        %get3A_181 = arith.constant 0 : index
        %get3A_182 = tpu.vector_load %arg7[%get3A_180, %get3A_181] {strides = array<i32>} : memref<128x64xi32, #tpu.memory_space<vmem>>, vector<16xi32>,
        %shift_left3A_183 = arith.constant 16 : i32
        %shift_left3A_184 = vector.broadcast %shift_left3A_183 : i32 to vector<16xi32>
        %shift_left3A_185 = arith.shli %get3A_182, %shift_left3A_184 : vector<16xi32>
        %bitcast3A_186 = vector.bitcast %shift_left3A_185 : vector<16xi32> to vector<16xf32>
        %add3A_187 = arith.constant 1 : i32
        %add3A_188 = arith.addi %mul3A_90, %add3A_187 : i32
        %swap3A_189 = arith.index_cast %add3A_188 : i32 to index
        %swap3A_190 = arith.constant 0 : index
        %swap3A_191 = tpu.vector_load %arg9[%swap3A_189, %swap3A_190] {strides = array<i32>} : memref<128x128xf32, #tpu.memory_space<vmem>>, vector<16xf32>,
        tpu.vector_store %arg9[%swap3A_189, %swap3A_190], %bitcast3A_186 {strides = array<i32>} : memref<128x128xf32, #tpu.memory_space<vmem>>, vector<16xf32>,
        %and3A_192 = arith.constant -65536 : i32
        %and3A_193 = vector.broadcast %and3A_192 : i32 to vector<16xi32>
        %and3A_194 = arith.andi %get3A_182, %and3A_193 : vector<16xi32>
        %bitcast3A_195 = vector.bitcast %and3A_194 : vector<16xi32> to vector<16xf32>
        %add3A_196 = arith.constant 1 : i32
        %add3A_197 = arith.addi %mul3A_90, %add3A_196 : i32
        %swap3A_198 = arith.index_cast %add3A_197 : i32 to index
        %swap3A_199 = arith.constant 64 : index
        %swap3A_200 = tpu.vector_load %arg9[%swap3A_198, %swap3A_199] {strides = array<i32>} : memref<128x128xf32, #tpu.memory_space<vmem>>, vector<16xf32>,
        tpu.vector_store %arg9[%swap3A_198, %swap3A_199], %bitcast3A_195 {strides = array<i32>} : memref<128x128xf32, #tpu.memory_space<vmem>>, vector<16xf32>,
        %add3A_201 = arith.constant 1 : i32
        %add3A_202 = arith.addi %mul3A_90, %add3A_201 : i32
        %get3A_203 = arith.index_cast %add3A_202 : i32 to index
        %get3A_204 = arith.constant 16 : index
        %get3A_205 = tpu.vector_load %arg7[%get3A_203, %get3A_204] {strides = array<i32>} : memref<128x64xi32, #tpu.memory_space<vmem>>, vector<16xi32>,
        %shift_left3A_206 = arith.constant 16 : i32
        %shift_left3A_207 = vector.broadcast %shift_left3A_206 : i32 to vector<16xi32>
        %shift_left3A_208 = arith.shli %get3A_205, %shift_left3A_207 : vector<16xi32>
        %bitcast3A_209 = vector.bitcast %shift_left3A_208 : vector<16xi32> to vector<16xf32>
        %add3A_210 = arith.constant 1 : i32
        %add3A_211 = arith.addi %mul3A_90, %add3A_210 : i32
        %swap3A_212 = arith.index_cast %add3A_211 : i32 to index
        %swap3A_213 = arith.constant 16 : index
        %swap3A_214 = tpu.vector_load %arg9[%swap3A_212, %swap3A_213] {strides = array<i32>} : memref<128x128xf32, #tpu.memory_space<vmem>>, vector<16xf32>,
        tpu.vector_store %arg9[%swap3A_212, %swap3A_213], %bitcast3A_209 {strides = array<i32>} : memref<128x128xf32, #tpu.memory_space<vmem>>, vector<16xf32>,
        %and3A_215 = arith.constant -65536 : i32
        %and3A_216 = vector.broadcast %and3A_215 : i32 to vector<16xi32>
        %and3A_217 = arith.andi %get3A_205, %and3A_216 : vector<16xi32>
        %bitcast3A_218 = vector.bitcast %and3A_217 : vector<16xi32> to vector<16xf32>
        %add3A_219 = arith.constant 1 : i32
        %add3A_220 = arith.addi %mul3A_90, %add3A_219 : i32
        %swap3A_221 = arith.index_cast %add3A_220 : i32 to index
        %swap3A_222 = arith.constant 80 : index
        %swap3A_223 = tpu.vector_load %arg9[%swap3A_221, %swap3A_222] {strides = array<i32>} : memref<128x128xf32, #tpu.memory_space<vmem>>, vector<16xf32>,
        tpu.vector_store %arg9[%swap3A_221, %swap3A_222], %bitcast3A_218 {strides = array<i32>} : memref<128x128xf32, #tpu.memory_space<vmem>>, vector<16xf32>,
        %add3A_224 = arith.constant 1 : i32
        %add3A_225 = arith.addi %mul3A_90, %add3A_224 : i32
        %get3A_226 = arith.index_cast %add3A_225 : i32 to index
        %get3A_227 = arith.constant 32 : index
        %get3A_228 = tpu.vector_load %arg7[%get3A_226, %get3A_227] {strides = array<i32>} : memref<128x64xi32, #tpu.memory_space<vmem>>, vector<16xi32>,
        %shift_left3A_229 = arith.constant 16 : i32
        %shift_left3A_230 = vector.broadcast %shift_left3A_229 : i32 to vector<16xi32>
        %shift_left3A_231 = arith.shli %get3A_228, %shift_left3A_230 : vector<16xi32>
        %bitcast3A_232 = vector.bitcast %shift_left3A_231 : vector<16xi32> to vector<16xf32>
        %add3A_233 = arith.constant 1 : i32
        %add3A_234 = arith.addi %mul3A_90, %add3A_233 : i32
        %swap3A_235 = arith.index_cast %add3A_234 : i32 to index
        %swap3A_236 = arith.constant 32 : index
        %swap3A_237 = tpu.vector_load %arg9[%swap3A_235, %swap3A_236] {strides = array<i32>} : memref<128x128xf32, #tpu.memory_space<vmem>>, vector<16xf32>,
        tpu.vector_store %arg9[%swap3A_235, %swap3A_236], %bitcast3A_232 {strides = array<i32>} : memref<128x128xf32, #tpu.memory_space<vmem>>, vector<16xf32>,
        %and3A_238 = arith.constant -65536 : i32
        %and3A_239 = vector.broadcast %and3A_238 : i32 to vector<16xi32>
        %and3A_240 = arith.andi %get3A_228, %and3A_239 : vector<16xi32>
        %bitcast3A_241 = vector.bitcast %and3A_240 : vector<16xi32> to vector<16xf32>
        %add3A_242 = arith.constant 1 : i32
        %add3A_243 = arith.addi %mul3A_90, %add3A_242 : i32
        %swap3A_244 = arith.index_cast %add3A_243 : i32 to index
        %swap3A_245 = arith.constant 96 : index
        %swap3A_246 = tpu.vector_load %arg9[%swap3A_244, %swap3A_245] {strides = array<i32>} : memref<128x128xf32, #tpu.memory_space<vmem>>, vector<16xf32>,
        tpu.vector_store %arg9[%swap3A_244, %swap3A_245], %bitcast3A_241 {strides = array<i32>} : memref<128x128xf32, #tpu.memory_space<vmem>>, vector<16xf32>,
        %add3A_247 = arith.constant 1 : i32
        %add3A_248 = arith.addi %mul3A_90, %add3A_247 : i32
        %get3A_249 = arith.index_cast %add3A_248 : i32 to index
        %get3A_250 = arith.constant 48 : index
        %get3A_251 = tpu.vector_load %arg7[%get3A_249, %get3A_250] {strides = array<i32>} : memref<128x64xi32, #tpu.memory_space<vmem>>, vector<16xi32>,
        %shift_left3A_252 = arith.constant 16 : i32
        %shift_left3A_253 = vector.broadcast %shift_left3A_252 : i32 to vector<16xi32>
        %shift_left3A_254 = arith.shli %get3A_251, %shift_left3A_253 : vector<16xi32>
        %bitcast3A_255 = vector.bitcast %shift_left3A_254 : vector<16xi32> to vector<16xf32>
        %add3A_256 = arith.constant 1 : i32
        %add3A_257 = arith.addi %mul3A_90, %add3A_256 : i32
        %swap3A_258 = arith.index_cast %add3A_257 : i32 to index
        %swap3A_259 = arith.constant 48 : index
        %swap3A_260 = tpu.vector_load %arg9[%swap3A_258, %swap3A_259] {strides = array<i32>} : memref<128x128xf32, #tpu.memory_space<vmem>>, vector<16xf32>,
        tpu.vector_store %arg9[%swap3A_258, %swap3A_259], %bitcast3A_255 {strides = array<i32>} : memref<128x128xf32, #tpu.memory_space<vmem>>, vector<16xf32>,
        %and3A_261 = arith.constant -65536 : i32
        %and3A_262 = vector.broadcast %and3A_261 : i32 to vector<16xi32>
        %and3A_263 = arith.andi %get3A_251, %and3A_262 : vector<16xi32>
        %bitcast3A_264 = vector.bitcast %and3A_263 : vector<16xi32> to vector<16xf32>
        %add3A_265 = arith.constant 1 : i32
        %add3A_266 = arith.addi %mul3A_90, %add3A_265 : i32
        %swap3A_267 = arith.index_cast %add3A_266 : i32 to index
        %swap3A_268 = arith.constant 112 : index
        %swap3A_269 = tpu.vector_load %arg9[%swap3A_267, %swap3A_268] {strides = array<i32>} : memref<128x128xf32, #tpu.memory_space<vmem>>, vector<16xf32>,
        tpu.vector_store %arg9[%swap3A_267, %swap3A_268], %bitcast3A_264 {strides = array<i32>} : memref<128x128xf32, #tpu.memory_space<vmem>>, vector<16xf32>,
        %add3A_270 = arith.constant 2 : i32
        %add3A_271 = arith.addi %mul3A_90, %add3A_270 : i32
        %get3A_272 = arith.index_cast %add3A_271 : i32 to index
        %get3A_273 = arith.constant 0 : index
        %get3A_274 = tpu.vector_load %arg7[%get3A_272, %get3A_273] {strides = array<i32>} : memref<128x64xi32, #tpu.memory_space<vmem>>, vector<16xi32>,
        %shift_left3A_275 = arith.constant 16 : i32
        %shift_left3A_276 = vector.broadcast %shift_left3A_275 : i32 to vector<16xi32>
        %shift_left3A_277 = arith.shli %get3A_274, %shift_left3A_276 : vector<16xi32>
        %bitcast3A_278 = vector.bitcast %shift_left3A_277 : vector<16xi32> to vector<16xf32>
        %add3A_279 = arith.constant 2 : i32
        %add3A_280 = arith.addi %mul3A_90, %add3A_279 : i32
        %swap3A_281 = arith.index_cast %add3A_280 : i32 to index
        %swap3A_282 = arith.constant 0 : index
        %swap3A_283 = tpu.vector_load %arg9[%swap3A_281, %swap3A_282] {strides = array<i32>} : memref<128x128xf32, #tpu.memory_space<vmem>>, vector<16xf32>,
        tpu.vector_store %arg9[%swap3A_281, %swap3A_282], %bitcast3A_278 {strides = array<i32>} : memref<128x128xf32, #tpu.memory_space<vmem>>, vector<16xf32>,
        %and3A_284 = arith.constant -65536 : i32
        %and3A_285 = vector.broadcast %and3A_284 : i32 to vector<16xi32>
        %and3A_286 = arith.andi %get3A_274, %and3A_285 : vector<16xi32>
        %bitcast3A_287 = vector.bitcast %and3A_286 : vector<16xi32> to vector<16xf32>
        %add3A_288 = arith.constant 2 : i32
        %add3A_289 = arith.addi %mul3A_90, %add3A_288 : i32
        %swap3A_290 = arith.index_cast %add3A_289 : i32 to index
        %swap3A_291 = arith.constant 64 : index
        %swap3A_292 = tpu.vector_load %arg9[%swap3A_290, %swap3A_291] {strides = array<i32>} : memref<128x128xf32, #tpu.memory_space<vmem>>, vector<16xf32>,
        tpu.vector_store %arg9[%swap3A_290, %swap3A_291], %bitcast3A_287 {strides = array<i32>} : memref<128x128xf32, #tpu.memory_space<vmem>>, vector<16xf32>,
        %add3A_293 = arith.constant 2 : i32
        %add3A_294 = arith.addi %mul3A_90, %add3A_293 : i32
        %get3A_295 = arith.index_cast %add3A_294 : i32 to index
        %get3A_296 = arith.constant 16 : index
        %get3A_297 = tpu.vector_load %arg7[%get3A_295, %get3A_296] {strides = array<i32>} : memref<128x64xi32, #tpu.memory_space<vmem>>, vector<16xi32>,
        %shift_left3A_298 = arith.constant 16 : i32
        %shift_left3A_299 = vector.broadcast %shift_left3A_298 : i32 to vector<16xi32>
        %shift_left3A_300 = arith.shli %get3A_297, %shift_left3A_299 : vector<16xi32>
        %bitcast3A_301 = vector.bitcast %shift_left3A_300 : vector<16xi32> to vector<16xf32>
        %add3A_302 = arith.constant 2 : i32
        %add3A_303 = arith.addi %mul3A_90, %add3A_302 : i32
        %swap3A_304 = arith.index_cast %add3A_303 : i32 to index
        %swap3A_305 = arith.constant 16 : index
        %swap3A_306 = tpu.vector_load %arg9[%swap3A_304, %swap3A_305] {strides = array<i32>} : memref<128x128xf32, #tpu.memory_space<vmem>>, vector<16xf32>,
        tpu.vector_store %arg9[%swap3A_304, %swap3A_305], %bitcast3A_301 {strides = array<i32>} : memref<128x128xf32, #tpu.memory_space<vmem>>, vector<16xf32>,
        %and3A_307 = arith.constant -65536 : i32
        %and3A_308 = vector.broadcast %and3A_307 : i32 to vector<16xi32>
        %and3A_309 = arith.andi %get3A_297, %and3A_308 : vector<16xi32>
        %bitcast3A_310 = vector.bitcast %and3A_309 : vector<16xi32> to vector<16xf32>
        %add3A_311 = arith.constant 2 : i32
        %add3A_312 = arith.addi %mul3A_90, %add3A_311 : i32
        %swap3A_313 = arith.index_cast %add3A_312 : i32 to index
        %swap3A_314 = arith.constant 80 : index
        %swap3A_315 = tpu.vector_load %arg9[%swap3A_313, %swap3A_314] {strides = array<i32>} : memref<128x128xf32, #tpu.memory_space<vmem>>, vector<16xf32>,
        tpu.vector_store %arg9[%swap3A_313, %swap3A_314], %bitcast3A_310 {strides = array<i32>} : memref<128x128xf32, #tpu.memory_space<vmem>>, vector<16xf32>,
        %add3A_316 = arith.constant 2 : i32
        %add3A_317 = arith.addi %mul3A_90, %add3A_316 : i32
        %get3A_318 = arith.index_cast %add3A_317 : i32 to index
        %get3A_319 = arith.constant 32 : index
        %get3A_320 = tpu.vector_load %arg7[%get3A_318, %get3A_319] {strides = array<i32>} : memref<128x64xi32, #tpu.memory_space<vmem>>, vector<16xi32>,
        %shift_left3A_321 = arith.constant 16 : i32
        %shift_left3A_322 = vector.broadcast %shift_left3A_321 : i32 to vector<16xi32>
        %shift_left3A_323 = arith.shli %get3A_320, %shift_left3A_322 : vector<16xi32>
        %bitcast3A_324 = vector.bitcast %shift_left3A_323 : vector<16xi32> to vector<16xf32>
        %add3A_325 = arith.constant 2 : i32
        %add3A_326 = arith.addi %mul3A_90, %add3A_325 : i32
        %swap3A_327 = arith.index_cast %add3A_326 : i32 to index
        %swap3A_328 = arith.constant 32 : index
        %swap3A_329 = tpu.vector_load %arg9[%swap3A_327, %swap3A_328] {strides = array<i32>} : memref<128x128xf32, #tpu.memory_space<vmem>>, vector<16xf32>,
        tpu.vector_store %arg9[%swap3A_327, %swap3A_328], %bitcast3A_324 {strides = array<i32>} : memref<128x128xf32, #tpu.memory_space<vmem>>, vector<16xf32>,
        %and3A_330 = arith.constant -65536 : i32
        %and3A_331 = vector.broadcast %and3A_330 : i32 to vector<16xi32>
        %and3A_332 = arith.andi %get3A_320, %and3A_331 : vector<16xi32>
        %bitcast3A_333 = vector.bitcast %and3A_332 : vector<16xi32> to vector<16xf32>
        %add3A_334 = arith.constant 2 : i32
        %add3A_335 = arith.addi %mul3A_90, %add3A_334 : i32
        %swap3A_336 = arith.index_cast %add3A_335 : i32 to index
        %swap3A_337 = arith.constant 96 : index
        %swap3A_338 = tpu.vector_load %arg9[%swap3A_336, %swap3A_337] {strides = array<i32>} : memref<128x128xf32, #tpu.memory_space<vmem>>, vector<16xf32>,
        tpu.vector_store %arg9[%swap3A_336, %swap3A_337], %bitcast3A_333 {strides = array<i32>} : memref<128x128xf32, #tpu.memory_space<vmem>>, vector<16xf32>,
        %add3A_339 = arith.constant 2 : i32
        %add3A_340 = arith.addi %mul3A_90, %add3A_339 : i32
        %get3A_341 = arith.index_cast %add3A_340 : i32 to index
        %get3A_342 = arith.constant 48 : index
        %get3A_343 = tpu.vector_load %arg7[%get3A_341, %get3A_342] {strides = array<i32>} : memref<128x64xi32, #tpu.memory_space<vmem>>, vector<16xi32>,
        %shift_left3A_344 = arith.constant 16 : i32
        %shift_left3A_345 = vector.broadcast %shift_left3A_344 : i32 to vector<16xi32>
        %shift_left3A_346 = arith.shli %get3A_343, %shift_left3A_345 : vector<16xi32>
        %bitcast3A_347 = vector.bitcast %shift_left3A_346 : vector<16xi32> to vector<16xf32>
        %add3A_348 = arith.constant 2 : i32
        %add3A_349 = arith.addi %mul3A_90, %add3A_348 : i32
        %swap3A_350 = arith.index_cast %add3A_349 : i32 to index
        %swap3A_351 = arith.constant 48 : index
        %swap3A_352 = tpu.vector_load %arg9[%swap3A_350, %swap3A_351] {strides = array<i32>} : memref<128x128xf32, #tpu.memory_space<vmem>>, vector<16xf32>,
        tpu.vector_store %arg9[%swap3A_350, %swap3A_351], %bitcast3A_347 {strides = array<i32>} : memref<128x128xf32, #tpu.memory_space<vmem>>, vector<16xf32>,
        %and3A_353 = arith.constant -65536 : i32
        %and3A_354 = vector.broadcast %and3A_353 : i32 to vector<16xi32>
        %and3A_355 = arith.andi %get3A_343, %and3A_354 : vector<16xi32>
        %bitcast3A_356 = vector.bitcast %and3A_355 : vector<16xi32> to vector<16xf32>
        %add3A_357 = arith.constant 2 : i32
        %add3A_358 = arith.addi %mul3A_90, %add3A_357 : i32
        %swap3A_359 = arith.index_cast %add3A_358 : i32 to index
        %swap3A_360 = arith.constant 112 : index
        %swap3A_361 = tpu.vector_load %arg9[%swap3A_359, %swap3A_360] {strides = array<i32>} : memref<128x128xf32, #tpu.memory_space<vmem>>, vector<16xf32>,
        tpu.vector_store %arg9[%swap3A_359, %swap3A_360], %bitcast3A_356 {strides = array<i32>} : memref<128x128xf32, #tpu.memory_space<vmem>>, vector<16xf32>,
        %add3A_362 = arith.constant 3 : i32
        %add3A_363 = arith.addi %mul3A_90, %add3A_362 : i32
        %get3A_364 = arith.index_cast %add3A_363 : i32 to index
        %get3A_365 = arith.constant 0 : index
        %get3A_366 = tpu.vector_load %arg7[%get3A_364, %get3A_365] {strides = array<i32>} : memref<128x64xi32, #tpu.memory_space<vmem>>, vector<16xi32>,
        %shift_left3A_367 = arith.constant 16 : i32
        %shift_left3A_368 = vector.broadcast %shift_left3A_367 : i32 to vector<16xi32>
        %shift_left3A_369 = arith.shli %get3A_366, %shift_left3A_368 : vector<16xi32>
        %bitcast3A_370 = vector.bitcast %shift_left3A_369 : vector<16xi32> to vector<16xf32>
        %add3A_371 = arith.constant 3 : i32
        %add3A_372 = arith.addi %mul3A_90, %add3A_371 : i32
        %swap3A_373 = arith.index_cast %add3A_372 : i32 to index
        %swap3A_374 = arith.constant 0 : index
        %swap3A_375 = tpu.vector_load %arg9[%swap3A_373, %swap3A_374] {strides = array<i32>} : memref<128x128xf32, #tpu.memory_space<vmem>>, vector<16xf32>,
        tpu.vector_store %arg9[%swap3A_373, %swap3A_374], %bitcast3A_370 {strides = array<i32>} : memref<128x128xf32, #tpu.memory_space<vmem>>, vector<16xf32>,
        %and3A_376 = arith.constant -65536 : i32
        %and3A_377 = vector.broadcast %and3A_376 : i32 to vector<16xi32>
        %and3A_378 = arith.andi %get3A_366, %and3A_377 : vector<16xi32>
        %bitcast3A_379 = vector.bitcast %and3A_378 : vector<16xi32> to vector<16xf32>
        %add3A_380 = arith.constant 3 : i32
        %add3A_381 = arith.addi %mul3A_90, %add3A_380 : i32
        %swap3A_382 = arith.index_cast %add3A_381 : i32 to index
        %swap3A_383 = arith.constant 64 : index
        %swap3A_384 = tpu.vector_load %arg9[%swap3A_382, %swap3A_383] {strides = array<i32>} : memref<128x128xf32, #tpu.memory_space<vmem>>, vector<16xf32>,
        tpu.vector_store %arg9[%swap3A_382, %swap3A_383], %bitcast3A_379 {strides = array<i32>} : memref<128x128xf32, #tpu.memory_space<vmem>>, vector<16xf32>,
        %add3A_385 = arith.constant 3 : i32
        %add3A_386 = arith.addi %mul3A_90, %add3A_385 : i32
        %get3A_387 = arith.index_cast %add3A_386 : i32 to index
        %get3A_388 = arith.constant 16 : index
        %get3A_389 = tpu.vector_load %arg7[%get3A_387, %get3A_388] {strides = array<i32>} : memref<128x64xi32, #tpu.memory_space<vmem>>, vector<16xi32>,
        %shift_left3A_390 = arith.constant 16 : i32
        %shift_left3A_391 = vector.broadcast %shift_left3A_390 : i32 to vector<16xi32>
        %shift_left3A_392 = arith.shli %get3A_389, %shift_left3A_391 : vector<16xi32>
        %bitcast3A_393 = vector.bitcast %shift_left3A_392 : vector<16xi32> to vector<16xf32>
        %add3A_394 = arith.constant 3 : i32
        %add3A_395 = arith.addi %mul3A_90, %add3A_394 : i32
        %swap3A_396 = arith.index_cast %add3A_395 : i32 to index
        %swap3A_397 = arith.constant 16 : index
        %swap3A_398 = tpu.vector_load %arg9[%swap3A_396, %swap3A_397] {strides = array<i32>} : memref<128x128xf32, #tpu.memory_space<vmem>>, vector<16xf32>,
        tpu.vector_store %arg9[%swap3A_396, %swap3A_397], %bitcast3A_393 {strides = array<i32>} : memref<128x128xf32, #tpu.memory_space<vmem>>, vector<16xf32>,
        %and3A_399 = arith.constant -65536 : i32
        %and3A_400 = vector.broadcast %and3A_399 : i32 to vector<16xi32>
        %and3A_401 = arith.andi %get3A_389, %and3A_400 : vector<16xi32>
        %bitcast3A_402 = vector.bitcast %and3A_401 : vector<16xi32> to vector<16xf32>
        %add3A_403 = arith.constant 3 : i32
        %add3A_404 = arith.addi %mul3A_90, %add3A_403 : i32
        %swap3A_405 = arith.index_cast %add3A_404 : i32 to index
        %swap3A_406 = arith.constant 80 : index
        %swap3A_407 = tpu.vector_load %arg9[%swap3A_405, %swap3A_406] {strides = array<i32>} : memref<128x128xf32, #tpu.memory_space<vmem>>, vector<16xf32>,
        tpu.vector_store %arg9[%swap3A_405, %swap3A_406], %bitcast3A_402 {strides = array<i32>} : memref<128x128xf32, #tpu.memory_space<vmem>>, vector<16xf32>,
        %add3A_408 = arith.constant 3 : i32
        %add3A_409 = arith.addi %mul3A_90, %add3A_408 : i32
        %get3A_410 = arith.index_cast %add3A_409 : i32 to index
        %get3A_411 = arith.constant 32 : index
        %get3A_412 = tpu.vector_load %arg7[%get3A_410, %get3A_411] {strides = array<i32>} : memref<128x64xi32, #tpu.memory_space<vmem>>, vector<16xi32>,
        %shift_left3A_413 = arith.constant 16 : i32
        %shift_left3A_414 = vector.broadcast %shift_left3A_413 : i32 to vector<16xi32>
        %shift_left3A_415 = arith.shli %get3A_412, %shift_left3A_414 : vector<16xi32>
        %bitcast3A_416 = vector.bitcast %shift_left3A_415 : vector<16xi32> to vector<16xf32>
        %add3A_417 = arith.constant 3 : i32
        %add3A_418 = arith.addi %mul3A_90, %add3A_417 : i32
        %swap3A_419 = arith.index_cast %add3A_418 : i32 to index
        %swap3A_420 = arith.constant 32 : index
        %swap3A_421 = tpu.vector_load %arg9[%swap3A_419, %swap3A_420] {strides = array<i32>} : memref<128x128xf32, #tpu.memory_space<vmem>>, vector<16xf32>,
        tpu.vector_store %arg9[%swap3A_419, %swap3A_420], %bitcast3A_416 {strides = array<i32>} : memref<128x128xf32, #tpu.memory_space<vmem>>, vector<16xf32>,
        %and3A_422 = arith.constant -65536 : i32
        %and3A_423 = vector.broadcast %and3A_422 : i32 to vector<16xi32>
        %and3A_424 = arith.andi %get3A_412, %and3A_423 : vector<16xi32>
        %bitcast3A_425 = vector.bitcast %and3A_424 : vector<16xi32> to vector<16xf32>
        %add3A_426 = arith.constant 3 : i32
        %add3A_427 = arith.addi %mul3A_90, %add3A_426 : i32
        %swap3A_428 = arith.index_cast %add3A_427 : i32 to index
        %swap3A_429 = arith.constant 96 : index
        %swap3A_430 = tpu.vector_load %arg9[%swap3A_428, %swap3A_429] {strides = array<i32>} : memref<128x128xf32, #tpu.memory_space<vmem>>, vector<16xf32>,
        tpu.vector_store %arg9[%swap3A_428, %swap3A_429], %bitcast3A_425 {strides = array<i32>} : memref<128x128xf32, #tpu.memory_space<vmem>>, vector<16xf32>,
        %add3A_431 = arith.constant 3 : i32
        %add3A_432 = arith.addi %mul3A_90, %add3A_431 : i32
        %get3A_433 = arith.index_cast %add3A_432 : i32 to index
        %get3A_434 = arith.constant 48 : index
        %get3A_435 = tpu.vector_load %arg7[%get3A_433, %get3A_434] {strides = array<i32>} : memref<128x64xi32, #tpu.memory_space<vmem>>, vector<16xi32>,
        %shift_left3A_436 = arith.constant 16 : i32
        %shift_left3A_437 = vector.broadcast %shift_left3A_436 : i32 to vector<16xi32>
        %shift_left3A_438 = arith.shli %get3A_435, %shift_left3A_437 : vector<16xi32>
        %bitcast3A_439 = vector.bitcast %shift_left3A_438 : vector<16xi32> to vector<16xf32>
        %add3A_440 = arith.constant 3 : i32
        %add3A_441 = arith.addi %mul3A_90, %add3A_440 : i32
        %swap3A_442 = arith.index_cast %add3A_441 : i32 to index
        %swap3A_443 = arith.constant 48 : index
        %swap3A_444 = tpu.vector_load %arg9[%swap3A_442, %swap3A_443] {strides = array<i32>} : memref<128x128xf32, #tpu.memory_space<vmem>>, vector<16xf32>,
        tpu.vector_store %arg9[%swap3A_442, %swap3A_443], %bitcast3A_439 {strides = array<i32>} : memref<128x128xf32, #tpu.memory_space<vmem>>, vector<16xf32>,
        %and3A_445 = arith.constant -65536 : i32
        %and3A_446 = vector.broadcast %and3A_445 : i32 to vector<16xi32>
        %and3A_447 = arith.andi %get3A_435, %and3A_446 : vector<16xi32>
        %bitcast3A_448 = vector.bitcast %and3A_447 : vector<16xi32> to vector<16xf32>
        %add3A_449 = arith.constant 3 : i32
        %add3A_450 = arith.addi %mul3A_90, %add3A_449 : i32
        %swap3A_451 = arith.index_cast %add3A_450 : i32 to index
        %swap3A_452 = arith.constant 112 : index
        %swap3A_453 = tpu.vector_load %arg9[%swap3A_451, %swap3A_452] {strides = array<i32>} : memref<128x128xf32, #tpu.memory_space<vmem>>, vector<16xf32>,
        tpu.vector_store %arg9[%swap3A_451, %swap3A_452], %bitcast3A_448 {strides = array<i32>} : memref<128x128xf32, #tpu.memory_space<vmem>>, vector<16xf32>,
      }
      %scan3A_67 = arith.constant 32 : i32
      %add3A_68 = arith.constant 0 : i32
      %add3A_69 = arith.addi %add3A_68, %mul3A_48 : i32
      "tpu.region"() ({
        %run_scoped3A_88 = tpu.sem_alloc : memref<!tpu.dma_semaphore, #tpu.memory_space<semaphore_mem>>
        %dma_start3A_89 = arith.constant 0 : i32
        %dma_start3A_90 = tpu.memref_slice %arg10[%add3A_69, %dma_start3A_89] : memref<80x128xi32, #tpu.memory_space<vmem>> -> memref<1x128xi32, #tpu.memory_space<vmem>>
        %dma_start3A_91 = tpu.memref_squeeze %dma_start3A_90 : memref<1x128xi32, #tpu.memory_space<vmem>> -> memref<128xi32, #tpu.memory_space<vmem>>
        %dma_start3A_92 = arith.constant 0 : i32
        %dma_start3A_93 = arith.constant 0 : i32
        %dma_start3A_94 = tpu.memref_slice %arg11[%dma_start3A_92, %dma_start3A_93] : memref<10112x128xf32, #tpu.memory_space<vmem_shared>> -> memref<10112x128xf32, #tpu.memory_space<vmem_shared>>
        tpu.enqueue_indirect_dma source(%arg9 : memref<128x128xf32, #tpu.memory_space<vmem>>) target(%dma_start3A_94 : memref<10112x128xf32, #tpu.memory_space<vmem_shared>>) offsets(%dma_start3A_91 : memref<128xi32, #tpu.memory_space<vmem>>) semaphore(%run_scoped3A_88 : memref<!tpu.dma_semaphore, #tpu.memory_space<semaphore_mem>>) {add = true}
        %dma_wait3A_95 = arith.constant 0 : i32
        %dma_wait3A_96 = tpu.memref_slice %arg10[%add3A_69, %dma_wait3A_95] : memref<80x128xi32, #tpu.memory_space<vmem>> -> memref<1x128xi32, #tpu.memory_space<vmem>>
        %dma_wait3A_97 = tpu.memref_squeeze %dma_wait3A_96 : memref<1x128xi32, #tpu.memory_space<vmem>> -> memref<128xi32, #tpu.memory_space<vmem>>
        %dma_wait3A_98 = arith.constant 0 : i32
        %dma_wait3A_99 = arith.constant 0 : i32
        %dma_wait3A_100 = tpu.memref_slice %arg11[%dma_wait3A_98, %dma_wait3A_99] : memref<10112x128xf32, #tpu.memory_space<vmem_shared>> -> memref<10112x128xf32, #tpu.memory_space<vmem_shared>>
        tpu.wait_indirect_dma semaphore(%run_scoped3A_88 : memref<!tpu.dma_semaphore, #tpu.memory_space<semaphore_mem>>) src(%arg9 : memref<128x128xf32, #tpu.memory_space<vmem>>) dst(%dma_wait3A_100 : memref<10112x128xf32, #tpu.memory_space<vmem_shared>>)
        tpu.yield
      }) : () -> ()
      %dma_wait3A_70 = arith.constant 0 : i32
      %dma_wait3A_71 = tpu.memref_slice %arg6[%add3A_50, %dma_wait3A_70] : memref<40x128xi32, #tpu.memory_space<vmem>> -> memref<1x128xi32, #tpu.memory_space<vmem>>
      %dma_wait3A_72 = tpu.memref_squeeze %dma_wait3A_71 : memref<1x128xi32, #tpu.memory_space<vmem>> -> memref<128xi32, #tpu.memory_space<vmem>>
      %dma_wait3A_73 = arith.constant 0 : i32
      %dma_wait3A_74 = arith.constant 0 : i32
      %dma_wait3A_75 = tpu.memref_slice %arg2[%dma_wait3A_73, %dma_wait3A_74] : memref<10112x64xi32, #tpu.memory_space<hbm>> -> memref<10112x64xi32, #tpu.memory_space<hbm>>
      tpu.wait_indirect_dma semaphore(%arg13 : memref<!tpu.dma_semaphore, #tpu.memory_space<semaphore_mem>>) src(%dma_wait3A_75 : memref<10112x64xi32, #tpu.memory_space<hbm>>) dst(%arg8 : memref<128x64xi32, #tpu.memory_space<vmem>>)
      %add3A_76 = arith.constant 2 : i32
      %add3A_77 = arith.addi %mul3A_48, %add3A_76 : i32
      %lt3A = arith.constant 40 : i32
      %lt3A_78 = arith.cmpi slt, %add3A_77, %lt3A : i32
      %convert_element_type3A = arith.extui %lt3A_78 : i1 to i32
      %cond3A = arith.constant 0 : i32
      %cond3A_79 = arith.cmpi ne, %convert_element_type3A, %cond3A : i32
      scf.if %cond3A_79 {
        %add3A_88 = arith.constant 2 : i32
        %add3A_89 = arith.addi %mul3A_48, %add3A_88 : i32
        %dma_start3A_90 = arith.constant 0 : i32
        %dma_start3A_91 = tpu.memref_slice %arg6[%add3A_89, %dma_start3A_90] : memref<40x128xi32, #tpu.memory_space<vmem>> -> memref<1x128xi32, #tpu.memory_space<vmem>>
        %dma_start3A_92 = tpu.memref_squeeze %dma_start3A_91 : memref<1x128xi32, #tpu.memory_space<vmem>> -> memref<128xi32, #tpu.memory_space<vmem>>
        %dma_start3A_93 = arith.constant 0 : i32
        %dma_start3A_94 = arith.constant 0 : i32
        %dma_start3A_95 = tpu.memref_slice %arg2[%dma_start3A_93, %dma_start3A_94] : memref<10112x64xi32, #tpu.memory_space<hbm>> -> memref<10112x64xi32, #tpu.memory_space<hbm>>
        tpu.enqueue_indirect_dma source(%dma_start3A_95 : memref<10112x64xi32, #tpu.memory_space<hbm>>) target(%arg7 : memref<128x64xi32, #tpu.memory_space<vmem>>) offsets(%dma_start3A_92 : memref<128xi32, #tpu.memory_space<vmem>>) semaphore(%arg12 : memref<!tpu.dma_semaphore, #tpu.memory_space<semaphore_mem>>)
      } else {
      }
      %scan3A_80 = arith.constant 0 : i32
      %scan3A_81 = arith.constant 0 : i32
      %scan3A_82 = arith.constant 32 : i32
      %scan3A_83 = arith.addi %scan3A_81, %scan3A_82 : i32
      %scan3A_84 = arith.constant 1 : i32
      scf.for %scan3A_88 = %scan3A_81 to %scan3A_83 step %scan3A_84  : i32 {
        %mul3A_89 = arith.constant 4 : i32
        %mul3A_90 = arith.muli %mul3A_89, %scan3A_88 : i32
        %add3A_91 = arith.constant 0 : i32
        %add3A_92 = arith.addi %mul3A_90, %add3A_91 : i32
        %get3A = arith.index_cast %add3A_92 : i32 to index
        %get3A_93 = arith.constant 0 : index
        %get3A_94 = tpu.vector_load %arg8[%get3A, %get3A_93] {strides = array<i32>} : memref<128x64xi32, #tpu.memory_space<vmem>>, vector<16xi32>,
        %shift_left3A = arith.constant 16 : i32
        %shift_left3A_95 = vector.broadcast %shift_left3A : i32 to vector<16xi32>
        %shift_left3A_96 = arith.shli %get3A_94, %shift_left3A_95 : vector<16xi32>
        %bitcast3A = vector.bitcast %shift_left3A_96 : vector<16xi32> to vector<16xf32>
        %add3A_97 = arith.constant 0 : i32
        %add3A_98 = arith.addi %mul3A_90, %add3A_97 : i32
        %swap3A = arith.index_cast %add3A_98 : i32 to index
        %swap3A_99 = arith.constant 0 : index
        %swap3A_100 = tpu.vector_load %arg9[%swap3A, %swap3A_99] {strides = array<i32>} : memref<128x128xf32, #tpu.memory_space<vmem>>, vector<16xf32>,
        tpu.vector_store %arg9[%swap3A, %swap3A_99], %bitcast3A {strides = array<i32>} : memref<128x128xf32, #tpu.memory_space<vmem>>, vector<16xf32>,
        %and3A = arith.constant -65536 : i32
        %and3A_101 = vector.broadcast %and3A : i32 to vector<16xi32>
        %and3A_102 = arith.andi %get3A_94, %and3A_101 : vector<16xi32>
        %bitcast3A_103 = vector.bitcast %and3A_102 : vector<16xi32> to vector<16xf32>
        %add3A_104 = arith.constant 0 : i32
        %add3A_105 = arith.addi %mul3A_90, %add3A_104 : i32
        %swap3A_106 = arith.index_cast %add3A_105 : i32 to index
        %swap3A_107 = arith.constant 64 : index
        %swap3A_108 = tpu.vector_load %arg9[%swap3A_106, %swap3A_107] {strides = array<i32>} : memref<128x128xf32, #tpu.memory_space<vmem>>, vector<16xf32>,
        tpu.vector_store %arg9[%swap3A_106, %swap3A_107], %bitcast3A_103 {strides = array<i32>} : memref<128x128xf32, #tpu.memory_space<vmem>>, vector<16xf32>,
        %add3A_109 = arith.constant 0 : i32
        %add3A_110 = arith.addi %mul3A_90, %add3A_109 : i32
        %get3A_111 = arith.index_cast %add3A_110 : i32 to index
        %get3A_112 = arith.constant 16 : index
        %get3A_113 = tpu.vector_load %arg8[%get3A_111, %get3A_112] {strides = array<i32>} : memref<128x64xi32, #tpu.memory_space<vmem>>, vector<16xi32>,
        %shift_left3A_114 = arith.constant 16 : i32
        %shift_left3A_115 = vector.broadcast %shift_left3A_114 : i32 to vector<16xi32>
        %shift_left3A_116 = arith.shli %get3A_113, %shift_left3A_115 : vector<16xi32>
        %bitcast3A_117 = vector.bitcast %shift_left3A_116 : vector<16xi32> to vector<16xf32>
        %add3A_118 = arith.constant 0 : i32
        %add3A_119 = arith.addi %mul3A_90, %add3A_118 : i32
        %swap3A_120 = arith.index_cast %add3A_119 : i32 to index
        %swap3A_121 = arith.constant 16 : index
        %swap3A_122 = tpu.vector_load %arg9[%swap3A_120, %swap3A_121] {strides = array<i32>} : memref<128x128xf32, #tpu.memory_space<vmem>>, vector<16xf32>,
        tpu.vector_store %arg9[%swap3A_120, %swap3A_121], %bitcast3A_117 {strides = array<i32>} : memref<128x128xf32, #tpu.memory_space<vmem>>, vector<16xf32>,
        %and3A_123 = arith.constant -65536 : i32
        %and3A_124 = vector.broadcast %and3A_123 : i32 to vector<16xi32>
        %and3A_125 = arith.andi %get3A_113, %and3A_124 : vector<16xi32>
        %bitcast3A_126 = vector.bitcast %and3A_125 : vector<16xi32> to vector<16xf32>
        %add3A_127 = arith.constant 0 : i32
        %add3A_128 = arith.addi %mul3A_90, %add3A_127 : i32
        %swap3A_129 = arith.index_cast %add3A_128 : i32 to index
        %swap3A_130 = arith.constant 80 : index
        %swap3A_131 = tpu.vector_load %arg9[%swap3A_129, %swap3A_130] {strides = array<i32>} : memref<128x128xf32, #tpu.memory_space<vmem>>, vector<16xf32>,
        tpu.vector_store %arg9[%swap3A_129, %swap3A_130], %bitcast3A_126 {strides = array<i32>} : memref<128x128xf32, #tpu.memory_space<vmem>>, vector<16xf32>,
        %add3A_132 = arith.constant 0 : i32
        %add3A_133 = arith.addi %mul3A_90, %add3A_132 : i32
        %get3A_134 = arith.index_cast %add3A_133 : i32 to index
        %get3A_135 = arith.constant 32 : index
        %get3A_136 = tpu.vector_load %arg8[%get3A_134, %get3A_135] {strides = array<i32>} : memref<128x64xi32, #tpu.memory_space<vmem>>, vector<16xi32>,
        %shift_left3A_137 = arith.constant 16 : i32
        %shift_left3A_138 = vector.broadcast %shift_left3A_137 : i32 to vector<16xi32>
        %shift_left3A_139 = arith.shli %get3A_136, %shift_left3A_138 : vector<16xi32>
        %bitcast3A_140 = vector.bitcast %shift_left3A_139 : vector<16xi32> to vector<16xf32>
        %add3A_141 = arith.constant 0 : i32
        %add3A_142 = arith.addi %mul3A_90, %add3A_141 : i32
        %swap3A_143 = arith.index_cast %add3A_142 : i32 to index
        %swap3A_144 = arith.constant 32 : index
        %swap3A_145 = tpu.vector_load %arg9[%swap3A_143, %swap3A_144] {strides = array<i32>} : memref<128x128xf32, #tpu.memory_space<vmem>>, vector<16xf32>,
        tpu.vector_store %arg9[%swap3A_143, %swap3A_144], %bitcast3A_140 {strides = array<i32>} : memref<128x128xf32, #tpu.memory_space<vmem>>, vector<16xf32>,
        %and3A_146 = arith.constant -65536 : i32
        %and3A_147 = vector.broadcast %and3A_146 : i32 to vector<16xi32>
        %and3A_148 = arith.andi %get3A_136, %and3A_147 : vector<16xi32>
        %bitcast3A_149 = vector.bitcast %and3A_148 : vector<16xi32> to vector<16xf32>
        %add3A_150 = arith.constant 0 : i32
        %add3A_151 = arith.addi %mul3A_90, %add3A_150 : i32
        %swap3A_152 = arith.index_cast %add3A_151 : i32 to index
        %swap3A_153 = arith.constant 96 : index
        %swap3A_154 = tpu.vector_load %arg9[%swap3A_152, %swap3A_153] {strides = array<i32>} : memref<128x128xf32, #tpu.memory_space<vmem>>, vector<16xf32>,
        tpu.vector_store %arg9[%swap3A_152, %swap3A_153], %bitcast3A_149 {strides = array<i32>} : memref<128x128xf32, #tpu.memory_space<vmem>>, vector<16xf32>,
        %add3A_155 = arith.constant 0 : i32
        %add3A_156 = arith.addi %mul3A_90, %add3A_155 : i32
        %get3A_157 = arith.index_cast %add3A_156 : i32 to index
        %get3A_158 = arith.constant 48 : index
        %get3A_159 = tpu.vector_load %arg8[%get3A_157, %get3A_158] {strides = array<i32>} : memref<128x64xi32, #tpu.memory_space<vmem>>, vector<16xi32>,
        %shift_left3A_160 = arith.constant 16 : i32
        %shift_left3A_161 = vector.broadcast %shift_left3A_160 : i32 to vector<16xi32>
        %shift_left3A_162 = arith.shli %get3A_159, %shift_left3A_161 : vector<16xi32>
        %bitcast3A_163 = vector.bitcast %shift_left3A_162 : vector<16xi32> to vector<16xf32>
        %add3A_164 = arith.constant 0 : i32
        %add3A_165 = arith.addi %mul3A_90, %add3A_164 : i32
        %swap3A_166 = arith.index_cast %add3A_165 : i32 to index
        %swap3A_167 = arith.constant 48 : index
        %swap3A_168 = tpu.vector_load %arg9[%swap3A_166, %swap3A_167] {strides = array<i32>} : memref<128x128xf32, #tpu.memory_space<vmem>>, vector<16xf32>,
        tpu.vector_store %arg9[%swap3A_166, %swap3A_167], %bitcast3A_163 {strides = array<i32>} : memref<128x128xf32, #tpu.memory_space<vmem>>, vector<16xf32>,
        %and3A_169 = arith.constant -65536 : i32
        %and3A_170 = vector.broadcast %and3A_169 : i32 to vector<16xi32>
        %and3A_171 = arith.andi %get3A_159, %and3A_170 : vector<16xi32>
        %bitcast3A_172 = vector.bitcast %and3A_171 : vector<16xi32> to vector<16xf32>
        %add3A_173 = arith.constant 0 : i32
        %add3A_174 = arith.addi %mul3A_90, %add3A_173 : i32
        %swap3A_175 = arith.index_cast %add3A_174 : i32 to index
        %swap3A_176 = arith.constant 112 : index
        %swap3A_177 = tpu.vector_load %arg9[%swap3A_175, %swap3A_176] {strides = array<i32>} : memref<128x128xf32, #tpu.memory_space<vmem>>, vector<16xf32>,
        tpu.vector_store %arg9[%swap3A_175, %swap3A_176], %bitcast3A_172 {strides = array<i32>} : memref<128x128xf32, #tpu.memory_space<vmem>>, vector<16xf32>,
        %add3A_178 = arith.constant 1 : i32
        %add3A_179 = arith.addi %mul3A_90, %add3A_178 : i32
        %get3A_180 = arith.index_cast %add3A_179 : i32 to index
        %get3A_181 = arith.constant 0 : index
        %get3A_182 = tpu.vector_load %arg8[%get3A_180, %get3A_181] {strides = array<i32>} : memref<128x64xi32, #tpu.memory_space<vmem>>, vector<16xi32>,
        %shift_left3A_183 = arith.constant 16 : i32
        %shift_left3A_184 = vector.broadcast %shift_left3A_183 : i32 to vector<16xi32>
        %shift_left3A_185 = arith.shli %get3A_182, %shift_left3A_184 : vector<16xi32>
        %bitcast3A_186 = vector.bitcast %shift_left3A_185 : vector<16xi32> to vector<16xf32>
        %add3A_187 = arith.constant 1 : i32
        %add3A_188 = arith.addi %mul3A_90, %add3A_187 : i32
        %swap3A_189 = arith.index_cast %add3A_188 : i32 to index
        %swap3A_190 = arith.constant 0 : index
        %swap3A_191 = tpu.vector_load %arg9[%swap3A_189, %swap3A_190] {strides = array<i32>} : memref<128x128xf32, #tpu.memory_space<vmem>>, vector<16xf32>,
        tpu.vector_store %arg9[%swap3A_189, %swap3A_190], %bitcast3A_186 {strides = array<i32>} : memref<128x128xf32, #tpu.memory_space<vmem>>, vector<16xf32>,
        %and3A_192 = arith.constant -65536 : i32
        %and3A_193 = vector.broadcast %and3A_192 : i32 to vector<16xi32>
        %and3A_194 = arith.andi %get3A_182, %and3A_193 : vector<16xi32>
        %bitcast3A_195 = vector.bitcast %and3A_194 : vector<16xi32> to vector<16xf32>
        %add3A_196 = arith.constant 1 : i32
        %add3A_197 = arith.addi %mul3A_90, %add3A_196 : i32
        %swap3A_198 = arith.index_cast %add3A_197 : i32 to index
        %swap3A_199 = arith.constant 64 : index
        %swap3A_200 = tpu.vector_load %arg9[%swap3A_198, %swap3A_199] {strides = array<i32>} : memref<128x128xf32, #tpu.memory_space<vmem>>, vector<16xf32>,
        tpu.vector_store %arg9[%swap3A_198, %swap3A_199], %bitcast3A_195 {strides = array<i32>} : memref<128x128xf32, #tpu.memory_space<vmem>>, vector<16xf32>,
        %add3A_201 = arith.constant 1 : i32
        %add3A_202 = arith.addi %mul3A_90, %add3A_201 : i32
        %get3A_203 = arith.index_cast %add3A_202 : i32 to index
        %get3A_204 = arith.constant 16 : index
        %get3A_205 = tpu.vector_load %arg8[%get3A_203, %get3A_204] {strides = array<i32>} : memref<128x64xi32, #tpu.memory_space<vmem>>, vector<16xi32>,
        %shift_left3A_206 = arith.constant 16 : i32
        %shift_left3A_207 = vector.broadcast %shift_left3A_206 : i32 to vector<16xi32>
        %shift_left3A_208 = arith.shli %get3A_205, %shift_left3A_207 : vector<16xi32>
        %bitcast3A_209 = vector.bitcast %shift_left3A_208 : vector<16xi32> to vector<16xf32>
        %add3A_210 = arith.constant 1 : i32
        %add3A_211 = arith.addi %mul3A_90, %add3A_210 : i32
        %swap3A_212 = arith.index_cast %add3A_211 : i32 to index
        %swap3A_213 = arith.constant 16 : index
        %swap3A_214 = tpu.vector_load %arg9[%swap3A_212, %swap3A_213] {strides = array<i32>} : memref<128x128xf32, #tpu.memory_space<vmem>>, vector<16xf32>,
        tpu.vector_store %arg9[%swap3A_212, %swap3A_213], %bitcast3A_209 {strides = array<i32>} : memref<128x128xf32, #tpu.memory_space<vmem>>, vector<16xf32>,
        %and3A_215 = arith.constant -65536 : i32
        %and3A_216 = vector.broadcast %and3A_215 : i32 to vector<16xi32>
        %and3A_217 = arith.andi %get3A_205, %and3A_216 : vector<16xi32>
        %bitcast3A_218 = vector.bitcast %and3A_217 : vector<16xi32> to vector<16xf32>
        %add3A_219 = arith.constant 1 : i32
        %add3A_220 = arith.addi %mul3A_90, %add3A_219 : i32
        %swap3A_221 = arith.index_cast %add3A_220 : i32 to index
        %swap3A_222 = arith.constant 80 : index
        %swap3A_223 = tpu.vector_load %arg9[%swap3A_221, %swap3A_222] {strides = array<i32>} : memref<128x128xf32, #tpu.memory_space<vmem>>, vector<16xf32>,
        tpu.vector_store %arg9[%swap3A_221, %swap3A_222], %bitcast3A_218 {strides = array<i32>} : memref<128x128xf32, #tpu.memory_space<vmem>>, vector<16xf32>,
        %add3A_224 = arith.constant 1 : i32
        %add3A_225 = arith.addi %mul3A_90, %add3A_224 : i32
        %get3A_226 = arith.index_cast %add3A_225 : i32 to index
        %get3A_227 = arith.constant 32 : index
        %get3A_228 = tpu.vector_load %arg8[%get3A_226, %get3A_227] {strides = array<i32>} : memref<128x64xi32, #tpu.memory_space<vmem>>, vector<16xi32>,
        %shift_left3A_229 = arith.constant 16 : i32
        %shift_left3A_230 = vector.broadcast %shift_left3A_229 : i32 to vector<16xi32>
        %shift_left3A_231 = arith.shli %get3A_228, %shift_left3A_230 : vector<16xi32>
        %bitcast3A_232 = vector.bitcast %shift_left3A_231 : vector<16xi32> to vector<16xf32>
        %add3A_233 = arith.constant 1 : i32
        %add3A_234 = arith.addi %mul3A_90, %add3A_233 : i32
        %swap3A_235 = arith.index_cast %add3A_234 : i32 to index
        %swap3A_236 = arith.constant 32 : index
        %swap3A_237 = tpu.vector_load %arg9[%swap3A_235, %swap3A_236] {strides = array<i32>} : memref<128x128xf32, #tpu.memory_space<vmem>>, vector<16xf32>,
        tpu.vector_store %arg9[%swap3A_235, %swap3A_236], %bitcast3A_232 {strides = array<i32>} : memref<128x128xf32, #tpu.memory_space<vmem>>, vector<16xf32>,
        %and3A_238 = arith.constant -65536 : i32
        %and3A_239 = vector.broadcast %and3A_238 : i32 to vector<16xi32>
        %and3A_240 = arith.andi %get3A_228, %and3A_239 : vector<16xi32>
        %bitcast3A_241 = vector.bitcast %and3A_240 : vector<16xi32> to vector<16xf32>
        %add3A_242 = arith.constant 1 : i32
        %add3A_243 = arith.addi %mul3A_90, %add3A_242 : i32
        %swap3A_244 = arith.index_cast %add3A_243 : i32 to index
        %swap3A_245 = arith.constant 96 : index
        %swap3A_246 = tpu.vector_load %arg9[%swap3A_244, %swap3A_245] {strides = array<i32>} : memref<128x128xf32, #tpu.memory_space<vmem>>, vector<16xf32>,
        tpu.vector_store %arg9[%swap3A_244, %swap3A_245], %bitcast3A_241 {strides = array<i32>} : memref<128x128xf32, #tpu.memory_space<vmem>>, vector<16xf32>,
        %add3A_247 = arith.constant 1 : i32
        %add3A_248 = arith.addi %mul3A_90, %add3A_247 : i32
        %get3A_249 = arith.index_cast %add3A_248 : i32 to index
        %get3A_250 = arith.constant 48 : index
        %get3A_251 = tpu.vector_load %arg8[%get3A_249, %get3A_250] {strides = array<i32>} : memref<128x64xi32, #tpu.memory_space<vmem>>, vector<16xi32>,
        %shift_left3A_252 = arith.constant 16 : i32
        %shift_left3A_253 = vector.broadcast %shift_left3A_252 : i32 to vector<16xi32>
        %shift_left3A_254 = arith.shli %get3A_251, %shift_left3A_253 : vector<16xi32>
        %bitcast3A_255 = vector.bitcast %shift_left3A_254 : vector<16xi32> to vector<16xf32>
        %add3A_256 = arith.constant 1 : i32
        %add3A_257 = arith.addi %mul3A_90, %add3A_256 : i32
        %swap3A_258 = arith.index_cast %add3A_257 : i32 to index
        %swap3A_259 = arith.constant 48 : index
        %swap3A_260 = tpu.vector_load %arg9[%swap3A_258, %swap3A_259] {strides = array<i32>} : memref<128x128xf32, #tpu.memory_space<vmem>>, vector<16xf32>,
        tpu.vector_store %arg9[%swap3A_258, %swap3A_259], %bitcast3A_255 {strides = array<i32>} : memref<128x128xf32, #tpu.memory_space<vmem>>, vector<16xf32>,
        %and3A_261 = arith.constant -65536 : i32
        %and3A_262 = vector.broadcast %and3A_261 : i32 to vector<16xi32>
        %and3A_263 = arith.andi %get3A_251, %and3A_262 : vector<16xi32>
        %bitcast3A_264 = vector.bitcast %and3A_263 : vector<16xi32> to vector<16xf32>
        %add3A_265 = arith.constant 1 : i32
        %add3A_266 = arith.addi %mul3A_90, %add3A_265 : i32
        %swap3A_267 = arith.index_cast %add3A_266 : i32 to index
        %swap3A_268 = arith.constant 112 : index
        %swap3A_269 = tpu.vector_load %arg9[%swap3A_267, %swap3A_268] {strides = array<i32>} : memref<128x128xf32, #tpu.memory_space<vmem>>, vector<16xf32>,
        tpu.vector_store %arg9[%swap3A_267, %swap3A_268], %bitcast3A_264 {strides = array<i32>} : memref<128x128xf32, #tpu.memory_space<vmem>>, vector<16xf32>,
        %add3A_270 = arith.constant 2 : i32
        %add3A_271 = arith.addi %mul3A_90, %add3A_270 : i32
        %get3A_272 = arith.index_cast %add3A_271 : i32 to index
        %get3A_273 = arith.constant 0 : index
        %get3A_274 = tpu.vector_load %arg8[%get3A_272, %get3A_273] {strides = array<i32>} : memref<128x64xi32, #tpu.memory_space<vmem>>, vector<16xi32>,
        %shift_left3A_275 = arith.constant 16 : i32
        %shift_left3A_276 = vector.broadcast %shift_left3A_275 : i32 to vector<16xi32>
        %shift_left3A_277 = arith.shli %get3A_274, %shift_left3A_276 : vector<16xi32>
        %bitcast3A_278 = vector.bitcast %shift_left3A_277 : vector<16xi32> to vector<16xf32>
        %add3A_279 = arith.constant 2 : i32
        %add3A_280 = arith.addi %mul3A_90, %add3A_279 : i32
        %swap3A_281 = arith.index_cast %add3A_280 : i32 to index
        %swap3A_282 = arith.constant 0 : index
        %swap3A_283 = tpu.vector_load %arg9[%swap3A_281, %swap3A_282] {strides = array<i32>} : memref<128x128xf32, #tpu.memory_space<vmem>>, vector<16xf32>,
        tpu.vector_store %arg9[%swap3A_281, %swap3A_282], %bitcast3A_278 {strides = array<i32>} : memref<128x128xf32, #tpu.memory_space<vmem>>, vector<16xf32>,
        %and3A_284 = arith.constant -65536 : i32
        %and3A_285 = vector.broadcast %and3A_284 : i32 to vector<16xi32>
        %and3A_286 = arith.andi %get3A_274, %and3A_285 : vector<16xi32>
        %bitcast3A_287 = vector.bitcast %and3A_286 : vector<16xi32> to vector<16xf32>
        %add3A_288 = arith.constant 2 : i32
        %add3A_289 = arith.addi %mul3A_90, %add3A_288 : i32
        %swap3A_290 = arith.index_cast %add3A_289 : i32 to index
        %swap3A_291 = arith.constant 64 : index
        %swap3A_292 = tpu.vector_load %arg9[%swap3A_290, %swap3A_291] {strides = array<i32>} : memref<128x128xf32, #tpu.memory_space<vmem>>, vector<16xf32>,
        tpu.vector_store %arg9[%swap3A_290, %swap3A_291], %bitcast3A_287 {strides = array<i32>} : memref<128x128xf32, #tpu.memory_space<vmem>>, vector<16xf32>,
        %add3A_293 = arith.constant 2 : i32
        %add3A_294 = arith.addi %mul3A_90, %add3A_293 : i32
        %get3A_295 = arith.index_cast %add3A_294 : i32 to index
        %get3A_296 = arith.constant 16 : index
        %get3A_297 = tpu.vector_load %arg8[%get3A_295, %get3A_296] {strides = array<i32>} : memref<128x64xi32, #tpu.memory_space<vmem>>, vector<16xi32>,
        %shift_left3A_298 = arith.constant 16 : i32
        %shift_left3A_299 = vector.broadcast %shift_left3A_298 : i32 to vector<16xi32>
        %shift_left3A_300 = arith.shli %get3A_297, %shift_left3A_299 : vector<16xi32>
        %bitcast3A_301 = vector.bitcast %shift_left3A_300 : vector<16xi32> to vector<16xf32>
        %add3A_302 = arith.constant 2 : i32
        %add3A_303 = arith.addi %mul3A_90, %add3A_302 : i32
        %swap3A_304 = arith.index_cast %add3A_303 : i32 to index
        %swap3A_305 = arith.constant 16 : index
        %swap3A_306 = tpu.vector_load %arg9[%swap3A_304, %swap3A_305] {strides = array<i32>} : memref<128x128xf32, #tpu.memory_space<vmem>>, vector<16xf32>,
        tpu.vector_store %arg9[%swap3A_304, %swap3A_305], %bitcast3A_301 {strides = array<i32>} : memref<128x128xf32, #tpu.memory_space<vmem>>, vector<16xf32>,
        %and3A_307 = arith.constant -65536 : i32
        %and3A_308 = vector.broadcast %and3A_307 : i32 to vector<16xi32>
        %and3A_309 = arith.andi %get3A_297, %and3A_308 : vector<16xi32>
        %bitcast3A_310 = vector.bitcast %and3A_309 : vector<16xi32> to vector<16xf32>
        %add3A_311 = arith.constant 2 : i32
        %add3A_312 = arith.addi %mul3A_90, %add3A_311 : i32
        %swap3A_313 = arith.index_cast %add3A_312 : i32 to index
        %swap3A_314 = arith.constant 80 : index
        %swap3A_315 = tpu.vector_load %arg9[%swap3A_313, %swap3A_314] {strides = array<i32>} : memref<128x128xf32, #tpu.memory_space<vmem>>, vector<16xf32>,
        tpu.vector_store %arg9[%swap3A_313, %swap3A_314], %bitcast3A_310 {strides = array<i32>} : memref<128x128xf32, #tpu.memory_space<vmem>>, vector<16xf32>,
        %add3A_316 = arith.constant 2 : i32
        %add3A_317 = arith.addi %mul3A_90, %add3A_316 : i32
        %get3A_318 = arith.index_cast %add3A_317 : i32 to index
        %get3A_319 = arith.constant 32 : index
        %get3A_320 = tpu.vector_load %arg8[%get3A_318, %get3A_319] {strides = array<i32>} : memref<128x64xi32, #tpu.memory_space<vmem>>, vector<16xi32>,
        %shift_left3A_321 = arith.constant 16 : i32
        %shift_left3A_322 = vector.broadcast %shift_left3A_321 : i32 to vector<16xi32>
        %shift_left3A_323 = arith.shli %get3A_320, %shift_left3A_322 : vector<16xi32>
        %bitcast3A_324 = vector.bitcast %shift_left3A_323 : vector<16xi32> to vector<16xf32>
        %add3A_325 = arith.constant 2 : i32
        %add3A_326 = arith.addi %mul3A_90, %add3A_325 : i32
        %swap3A_327 = arith.index_cast %add3A_326 : i32 to index
        %swap3A_328 = arith.constant 32 : index
        %swap3A_329 = tpu.vector_load %arg9[%swap3A_327, %swap3A_328] {strides = array<i32>} : memref<128x128xf32, #tpu.memory_space<vmem>>, vector<16xf32>,
        tpu.vector_store %arg9[%swap3A_327, %swap3A_328], %bitcast3A_324 {strides = array<i32>} : memref<128x128xf32, #tpu.memory_space<vmem>>, vector<16xf32>,
        %and3A_330 = arith.constant -65536 : i32
        %and3A_331 = vector.broadcast %and3A_330 : i32 to vector<16xi32>
        %and3A_332 = arith.andi %get3A_320, %and3A_331 : vector<16xi32>
        %bitcast3A_333 = vector.bitcast %and3A_332 : vector<16xi32> to vector<16xf32>
        %add3A_334 = arith.constant 2 : i32
        %add3A_335 = arith.addi %mul3A_90, %add3A_334 : i32
        %swap3A_336 = arith.index_cast %add3A_335 : i32 to index
        %swap3A_337 = arith.constant 96 : index
        %swap3A_338 = tpu.vector_load %arg9[%swap3A_336, %swap3A_337] {strides = array<i32>} : memref<128x128xf32, #tpu.memory_space<vmem>>, vector<16xf32>,
        tpu.vector_store %arg9[%swap3A_336, %swap3A_337], %bitcast3A_333 {strides = array<i32>} : memref<128x128xf32, #tpu.memory_space<vmem>>, vector<16xf32>,
        %add3A_339 = arith.constant 2 : i32
        %add3A_340 = arith.addi %mul3A_90, %add3A_339 : i32
        %get3A_341 = arith.index_cast %add3A_340 : i32 to index
        %get3A_342 = arith.constant 48 : index
        %get3A_343 = tpu.vector_load %arg8[%get3A_341, %get3A_342] {strides = array<i32>} : memref<128x64xi32, #tpu.memory_space<vmem>>, vector<16xi32>,
        %shift_left3A_344 = arith.constant 16 : i32
        %shift_left3A_345 = vector.broadcast %shift_left3A_344 : i32 to vector<16xi32>
        %shift_left3A_346 = arith.shli %get3A_343, %shift_left3A_345 : vector<16xi32>
        %bitcast3A_347 = vector.bitcast %shift_left3A_346 : vector<16xi32> to vector<16xf32>
        %add3A_348 = arith.constant 2 : i32
        %add3A_349 = arith.addi %mul3A_90, %add3A_348 : i32
        %swap3A_350 = arith.index_cast %add3A_349 : i32 to index
        %swap3A_351 = arith.constant 48 : index
        %swap3A_352 = tpu.vector_load %arg9[%swap3A_350, %swap3A_351] {strides = array<i32>} : memref<128x128xf32, #tpu.memory_space<vmem>>, vector<16xf32>,
        tpu.vector_store %arg9[%swap3A_350, %swap3A_351], %bitcast3A_347 {strides = array<i32>} : memref<128x128xf32, #tpu.memory_space<vmem>>, vector<16xf32>,
        %and3A_353 = arith.constant -65536 : i32
        %and3A_354 = vector.broadcast %and3A_353 : i32 to vector<16xi32>
        %and3A_355 = arith.andi %get3A_343, %and3A_354 : vector<16xi32>
        %bitcast3A_356 = vector.bitcast %and3A_355 : vector<16xi32> to vector<16xf32>
        %add3A_357 = arith.constant 2 : i32
        %add3A_358 = arith.addi %mul3A_90, %add3A_357 : i32
        %swap3A_359 = arith.index_cast %add3A_358 : i32 to index
        %swap3A_360 = arith.constant 112 : index
        %swap3A_361 = tpu.vector_load %arg9[%swap3A_359, %swap3A_360] {strides = array<i32>} : memref<128x128xf32, #tpu.memory_space<vmem>>, vector<16xf32>,
        tpu.vector_store %arg9[%swap3A_359, %swap3A_360], %bitcast3A_356 {strides = array<i32>} : memref<128x128xf32, #tpu.memory_space<vmem>>, vector<16xf32>,
        %add3A_362 = arith.constant 3 : i32
        %add3A_363 = arith.addi %mul3A_90, %add3A_362 : i32
        %get3A_364 = arith.index_cast %add3A_363 : i32 to index
        %get3A_365 = arith.constant 0 : index
        %get3A_366 = tpu.vector_load %arg8[%get3A_364, %get3A_365] {strides = array<i32>} : memref<128x64xi32, #tpu.memory_space<vmem>>, vector<16xi32>,
        %shift_left3A_367 = arith.constant 16 : i32
        %shift_left3A_368 = vector.broadcast %shift_left3A_367 : i32 to vector<16xi32>
        %shift_left3A_369 = arith.shli %get3A_366, %shift_left3A_368 : vector<16xi32>
        %bitcast3A_370 = vector.bitcast %shift_left3A_369 : vector<16xi32> to vector<16xf32>
        %add3A_371 = arith.constant 3 : i32
        %add3A_372 = arith.addi %mul3A_90, %add3A_371 : i32
        %swap3A_373 = arith.index_cast %add3A_372 : i32 to index
        %swap3A_374 = arith.constant 0 : index
        %swap3A_375 = tpu.vector_load %arg9[%swap3A_373, %swap3A_374] {strides = array<i32>} : memref<128x128xf32, #tpu.memory_space<vmem>>, vector<16xf32>,
        tpu.vector_store %arg9[%swap3A_373, %swap3A_374], %bitcast3A_370 {strides = array<i32>} : memref<128x128xf32, #tpu.memory_space<vmem>>, vector<16xf32>,
        %and3A_376 = arith.constant -65536 : i32
        %and3A_377 = vector.broadcast %and3A_376 : i32 to vector<16xi32>
        %and3A_378 = arith.andi %get3A_366, %and3A_377 : vector<16xi32>
        %bitcast3A_379 = vector.bitcast %and3A_378 : vector<16xi32> to vector<16xf32>
        %add3A_380 = arith.constant 3 : i32
        %add3A_381 = arith.addi %mul3A_90, %add3A_380 : i32
        %swap3A_382 = arith.index_cast %add3A_381 : i32 to index
        %swap3A_383 = arith.constant 64 : index
        %swap3A_384 = tpu.vector_load %arg9[%swap3A_382, %swap3A_383] {strides = array<i32>} : memref<128x128xf32, #tpu.memory_space<vmem>>, vector<16xf32>,
        tpu.vector_store %arg9[%swap3A_382, %swap3A_383], %bitcast3A_379 {strides = array<i32>} : memref<128x128xf32, #tpu.memory_space<vmem>>, vector<16xf32>,
        %add3A_385 = arith.constant 3 : i32
        %add3A_386 = arith.addi %mul3A_90, %add3A_385 : i32
        %get3A_387 = arith.index_cast %add3A_386 : i32 to index
        %get3A_388 = arith.constant 16 : index
        %get3A_389 = tpu.vector_load %arg8[%get3A_387, %get3A_388] {strides = array<i32>} : memref<128x64xi32, #tpu.memory_space<vmem>>, vector<16xi32>,
        %shift_left3A_390 = arith.constant 16 : i32
        %shift_left3A_391 = vector.broadcast %shift_left3A_390 : i32 to vector<16xi32>
        %shift_left3A_392 = arith.shli %get3A_389, %shift_left3A_391 : vector<16xi32>
        %bitcast3A_393 = vector.bitcast %shift_left3A_392 : vector<16xi32> to vector<16xf32>
        %add3A_394 = arith.constant 3 : i32
        %add3A_395 = arith.addi %mul3A_90, %add3A_394 : i32
        %swap3A_396 = arith.index_cast %add3A_395 : i32 to index
        %swap3A_397 = arith.constant 16 : index
        %swap3A_398 = tpu.vector_load %arg9[%swap3A_396, %swap3A_397] {strides = array<i32>} : memref<128x128xf32, #tpu.memory_space<vmem>>, vector<16xf32>,
        tpu.vector_store %arg9[%swap3A_396, %swap3A_397], %bitcast3A_393 {strides = array<i32>} : memref<128x128xf32, #tpu.memory_space<vmem>>, vector<16xf32>,
        %and3A_399 = arith.constant -65536 : i32
        %and3A_400 = vector.broadcast %and3A_399 : i32 to vector<16xi32>
        %and3A_401 = arith.andi %get3A_389, %and3A_400 : vector<16xi32>
        %bitcast3A_402 = vector.bitcast %and3A_401 : vector<16xi32> to vector<16xf32>
        %add3A_403 = arith.constant 3 : i32
        %add3A_404 = arith.addi %mul3A_90, %add3A_403 : i32
        %swap3A_405 = arith.index_cast %add3A_404 : i32 to index
        %swap3A_406 = arith.constant 80 : index
        %swap3A_407 = tpu.vector_load %arg9[%swap3A_405, %swap3A_406] {strides = array<i32>} : memref<128x128xf32, #tpu.memory_space<vmem>>, vector<16xf32>,
        tpu.vector_store %arg9[%swap3A_405, %swap3A_406], %bitcast3A_402 {strides = array<i32>} : memref<128x128xf32, #tpu.memory_space<vmem>>, vector<16xf32>,
        %add3A_408 = arith.constant 3 : i32
        %add3A_409 = arith.addi %mul3A_90, %add3A_408 : i32
        %get3A_410 = arith.index_cast %add3A_409 : i32 to index
        %get3A_411 = arith.constant 32 : index
        %get3A_412 = tpu.vector_load %arg8[%get3A_410, %get3A_411] {strides = array<i32>} : memref<128x64xi32, #tpu.memory_space<vmem>>, vector<16xi32>,
        %shift_left3A_413 = arith.constant 16 : i32
        %shift_left3A_414 = vector.broadcast %shift_left3A_413 : i32 to vector<16xi32>
        %shift_left3A_415 = arith.shli %get3A_412, %shift_left3A_414 : vector<16xi32>
        %bitcast3A_416 = vector.bitcast %shift_left3A_415 : vector<16xi32> to vector<16xf32>
        %add3A_417 = arith.constant 3 : i32
        %add3A_418 = arith.addi %mul3A_90, %add3A_417 : i32
        %swap3A_419 = arith.index_cast %add3A_418 : i32 to index
        %swap3A_420 = arith.constant 32 : index
        %swap3A_421 = tpu.vector_load %arg9[%swap3A_419, %swap3A_420] {strides = array<i32>} : memref<128x128xf32, #tpu.memory_space<vmem>>, vector<16xf32>,
        tpu.vector_store %arg9[%swap3A_419, %swap3A_420], %bitcast3A_416 {strides = array<i32>} : memref<128x128xf32, #tpu.memory_space<vmem>>, vector<16xf32>,
        %and3A_422 = arith.constant -65536 : i32
        %and3A_423 = vector.broadcast %and3A_422 : i32 to vector<16xi32>
        %and3A_424 = arith.andi %get3A_412, %and3A_423 : vector<16xi32>
        %bitcast3A_425 = vector.bitcast %and3A_424 : vector<16xi32> to vector<16xf32>
        %add3A_426 = arith.constant 3 : i32
        %add3A_427 = arith.addi %mul3A_90, %add3A_426 : i32
        %swap3A_428 = arith.index_cast %add3A_427 : i32 to index
        %swap3A_429 = arith.constant 96 : index
        %swap3A_430 = tpu.vector_load %arg9[%swap3A_428, %swap3A_429] {strides = array<i32>} : memref<128x128xf32, #tpu.memory_space<vmem>>, vector<16xf32>,
        tpu.vector_store %arg9[%swap3A_428, %swap3A_429], %bitcast3A_425 {strides = array<i32>} : memref<128x128xf32, #tpu.memory_space<vmem>>, vector<16xf32>,
        %add3A_431 = arith.constant 3 : i32
        %add3A_432 = arith.addi %mul3A_90, %add3A_431 : i32
        %get3A_433 = arith.index_cast %add3A_432 : i32 to index
        %get3A_434 = arith.constant 48 : index
        %get3A_435 = tpu.vector_load %arg8[%get3A_433, %get3A_434] {strides = array<i32>} : memref<128x64xi32, #tpu.memory_space<vmem>>, vector<16xi32>,
        %shift_left3A_436 = arith.constant 16 : i32
        %shift_left3A_437 = vector.broadcast %shift_left3A_436 : i32 to vector<16xi32>
        %shift_left3A_438 = arith.shli %get3A_435, %shift_left3A_437 : vector<16xi32>
        %bitcast3A_439 = vector.bitcast %shift_left3A_438 : vector<16xi32> to vector<16xf32>
        %add3A_440 = arith.constant 3 : i32
        %add3A_441 = arith.addi %mul3A_90, %add3A_440 : i32
        %swap3A_442 = arith.index_cast %add3A_441 : i32 to index
        %swap3A_443 = arith.constant 48 : index
        %swap3A_444 = tpu.vector_load %arg9[%swap3A_442, %swap3A_443] {strides = array<i32>} : memref<128x128xf32, #tpu.memory_space<vmem>>, vector<16xf32>,
        tpu.vector_store %arg9[%swap3A_442, %swap3A_443], %bitcast3A_439 {strides = array<i32>} : memref<128x128xf32, #tpu.memory_space<vmem>>, vector<16xf32>,
        %and3A_445 = arith.constant -65536 : i32
        %and3A_446 = vector.broadcast %and3A_445 : i32 to vector<16xi32>
        %and3A_447 = arith.andi %get3A_435, %and3A_446 : vector<16xi32>
        %bitcast3A_448 = vector.bitcast %and3A_447 : vector<16xi32> to vector<16xf32>
        %add3A_449 = arith.constant 3 : i32
        %add3A_450 = arith.addi %mul3A_90, %add3A_449 : i32
        %swap3A_451 = arith.index_cast %add3A_450 : i32 to index
        %swap3A_452 = arith.constant 112 : index
        %swap3A_453 = tpu.vector_load %arg9[%swap3A_451, %swap3A_452] {strides = array<i32>} : memref<128x128xf32, #tpu.memory_space<vmem>>, vector<16xf32>,
        tpu.vector_store %arg9[%swap3A_451, %swap3A_452], %bitcast3A_448 {strides = array<i32>} : memref<128x128xf32, #tpu.memory_space<vmem>>, vector<16xf32>,
      }
      %scan3A_85 = arith.constant 32 : i32
      %add3A_86 = arith.constant 0 : i32
      %add3A_87 = arith.addi %add3A_86, %add3A_50 : i32
      "tpu.region"() ({
        %run_scoped3A_88 = tpu.sem_alloc : memref<!tpu.dma_semaphore, #tpu.memory_space<semaphore_mem>>
        %dma_start3A_89 = arith.constant 0 : i32
        %dma_start3A_90 = tpu.memref_slice %arg10[%add3A_87, %dma_start3A_89] : memref<80x128xi32, #tpu.memory_space<vmem>> -> memref<1x128xi32, #tpu.memory_space<vmem>>
        %dma_start3A_91 = tpu.memref_squeeze %dma_start3A_90 : memref<1x128xi32, #tpu.memory_space<vmem>> -> memref<128xi32, #tpu.memory_space<vmem>>
        %dma_start3A_92 = arith.constant 0 : i32
        %dma_start3A_93 = arith.constant 0 : i32
        %dma_start3A_94 = tpu.memref_slice %arg11[%dma_start3A_92, %dma_start3A_93] : memref<10112x128xf32, #tpu.memory_space<vmem_shared>> -> memref<10112x128xf32, #tpu.memory_space<vmem_shared>>
        tpu.enqueue_indirect_dma source(%arg9 : memref<128x128xf32, #tpu.memory_space<vmem>>) target(%dma_start3A_94 : memref<10112x128xf32, #tpu.memory_space<vmem_shared>>) offsets(%dma_start3A_91 : memref<128xi32, #tpu.memory_space<vmem>>) semaphore(%run_scoped3A_88 : memref<!tpu.dma_semaphore, #tpu.memory_space<semaphore_mem>>) {add = true}
        %dma_wait3A_95 = arith.constant 0 : i32
        %dma_wait3A_96 = tpu.memref_slice %arg10[%add3A_87, %dma_wait3A_95] : memref<80x128xi32, #tpu.memory_space<vmem>> -> memref<1x128xi32, #tpu.memory_space<vmem>>
        %dma_wait3A_97 = tpu.memref_squeeze %dma_wait3A_96 : memref<1x128xi32, #tpu.memory_space<vmem>> -> memref<128xi32, #tpu.memory_space<vmem>>
        %dma_wait3A_98 = arith.constant 0 : i32
        %dma_wait3A_99 = arith.constant 0 : i32
        %dma_wait3A_100 = tpu.memref_slice %arg11[%dma_wait3A_98, %dma_wait3A_99] : memref<10112x128xf32, #tpu.memory_space<vmem_shared>> -> memref<10112x128xf32, #tpu.memory_space<vmem_shared>>
        tpu.wait_indirect_dma semaphore(%run_scoped3A_88 : memref<!tpu.dma_semaphore, #tpu.memory_space<semaphore_mem>>) src(%arg9 : memref<128x128xf32, #tpu.memory_space<vmem>>) dst(%dma_wait3A_100 : memref<10112x128xf32, #tpu.memory_space<vmem_shared>>)
        tpu.yield
      }) : () -> ()
    }
    %scan3A_30 = arith.constant 20 : i32
    %run_scoped3A_31 = arith.constant 1 : i32
    "tpu.region"() ({
      %run_scoped3A_46 = tpu.sem_alloc : memref<!tpu.dma_semaphore, #tpu.memory_space<semaphore_mem>>
      %dma_start3A_47 = arith.constant 0 : i32
      %dma_start3A_48 = arith.constant 0 : i32
      %dma_start3A_49 = tpu.memref_slice %arg3[%add3A, %run_scoped3A_31, %dma_start3A_47, %dma_start3A_48] : memref<32x2x40x128xi32, #tpu.memory_space<hbm>> -> memref<1x1x40x128xi32, #tpu.memory_space<hbm>>
      %dma_start3A_50 = tpu.memref_squeeze %dma_start3A_49 : memref<1x1x40x128xi32, #tpu.memory_space<hbm>> -> memref<40x128xi32, #tpu.memory_space<hbm>>
      %dma_start3A_51 = arith.constant 0 : i32
      %dma_start3A_52 = arith.constant 0 : i32
      %dma_start3A_53 = tpu.memref_slice %arg3[%add3A, %run_scoped3A_31, %dma_start3A_51, %dma_start3A_52] : memref<32x2x40x128xi32, #tpu.memory_space<hbm>> -> memref<1x1x40x128xi32, #tpu.memory_space<hbm>>
      %dma_start3A_54 = tpu.memref_squeeze %dma_start3A_53 : memref<1x1x40x128xi32, #tpu.memory_space<hbm>> -> memref<40x128xi32, #tpu.memory_space<hbm>>
      tpu.enqueue_dma source(%dma_start3A_54 : memref<40x128xi32, #tpu.memory_space<hbm>>) target(%arg6 : memref<40x128xi32, #tpu.memory_space<vmem>>) target_semaphore(%run_scoped3A_46 : memref<!tpu.dma_semaphore, #tpu.memory_space<semaphore_mem>>)
      %dma_wait3A = arith.constant 0 : i32
      %dma_wait3A_55 = arith.constant 0 : i32
      %dma_wait3A_56 = tpu.memref_slice %arg3[%add3A, %run_scoped3A_31, %dma_wait3A, %dma_wait3A_55] : memref<32x2x40x128xi32, #tpu.memory_space<hbm>> -> memref<1x1x40x128xi32, #tpu.memory_space<hbm>>
      %dma_wait3A_57 = tpu.memref_squeeze %dma_wait3A_56 : memref<1x1x40x128xi32, #tpu.memory_space<hbm>> -> memref<40x128xi32, #tpu.memory_space<hbm>>
      %dma_wait3A_58 = arith.constant 0 : i32
      %dma_wait3A_59 = arith.constant 0 : i32
      %dma_wait3A_60 = tpu.memref_slice %arg3[%add3A, %run_scoped3A_31, %dma_wait3A_58, %dma_wait3A_59] : memref<32x2x40x128xi32, #tpu.memory_space<hbm>> -> memref<1x1x40x128xi32, #tpu.memory_space<hbm>>
      %dma_wait3A_61 = tpu.memref_squeeze %dma_wait3A_60 : memref<1x1x40x128xi32, #tpu.memory_space<hbm>> -> memref<40x128xi32, #tpu.memory_space<hbm>>
      tpu.wait_dma2 semaphore(%run_scoped3A_46 : memref<!tpu.dma_semaphore, #tpu.memory_space<semaphore_mem>>) src(%dma_wait3A_61 : memref<40x128xi32, #tpu.memory_space<hbm>>) dst(%arg6 : memref<40x128xi32, #tpu.memory_space<vmem>>)
      tpu.yield
    }) : () -> ()
    %dma_start3A_32 = arith.constant 0 : i32
    %dma_start3A_33 = arith.constant 0 : i32
    %dma_start3A_34 = tpu.memref_slice %arg6[%dma_start3A_32, %dma_start3A_33] : memref<40x128xi32, #tpu.memory_space<vmem>> -> memref<1x128xi32, #tpu.memory_space<vmem>>
    %dma_start3A_35 = tpu.memref_squeeze %dma_start3A_34 : memref<1x128xi32, #tpu.memory_space<vmem>> -> memref<128xi32, #tpu.memory_space<vmem>>
    %dma_start3A_36 = arith.constant 0 : i32
    %dma_start3A_37 = arith.constant 0 : i32
    %dma_start3A_38 = tpu.memref_slice %arg2[%dma_start3A_36, %dma_start3A_37] : memref<10112x64xi32, #tpu.memory_space<hbm>> -> memref<10112x64xi32, #tpu.memory_space<hbm>>
    tpu.enqueue_indirect_dma source(%dma_start3A_38 : memref<10112x64xi32, #tpu.memory_space<hbm>>) target(%arg7 : memref<128x64xi32, #tpu.memory_space<vmem>>) offsets(%dma_start3A_35 : memref<128xi32, #tpu.memory_space<vmem>>) semaphore(%arg12 : memref<!tpu.dma_semaphore, #tpu.memory_space<semaphore_mem>>)
    %scan3A_39 = arith.constant 0 : i32
    %scan3A_40 = arith.constant 0 : i32
    %scan3A_41 = arith.constant 20 : i32
    %scan3A_42 = arith.addi %scan3A_40, %scan3A_41 : i32
    %scan3A_43 = arith.constant 1 : i32
    scf.for %scan3A_46 = %scan3A_40 to %scan3A_42 step %scan3A_43  : i32 {
      %mul3A_47 = arith.constant 2 : i32
      %mul3A_48 = arith.muli %mul3A_47, %scan3A_46 : i32
      %add3A_49 = arith.constant 1 : i32
      %add3A_50 = arith.addi %mul3A_48, %add3A_49 : i32
      %dma_wait3A = arith.constant 0 : i32
      %dma_wait3A_51 = tpu.memref_slice %arg6[%mul3A_48, %dma_wait3A] : memref<40x128xi32, #tpu.memory_space<vmem>> -> memref<1x128xi32, #tpu.memory_space<vmem>>
      %dma_wait3A_52 = tpu.memref_squeeze %dma_wait3A_51 : memref<1x128xi32, #tpu.memory_space<vmem>> -> memref<128xi32, #tpu.memory_space<vmem>>
      %dma_wait3A_53 = arith.constant 0 : i32
      %dma_wait3A_54 = arith.constant 0 : i32
      %dma_wait3A_55 = tpu.memref_slice %arg2[%dma_wait3A_53, %dma_wait3A_54] : memref<10112x64xi32, #tpu.memory_space<hbm>> -> memref<10112x64xi32, #tpu.memory_space<hbm>>
      tpu.wait_indirect_dma semaphore(%arg12 : memref<!tpu.dma_semaphore, #tpu.memory_space<semaphore_mem>>) src(%dma_wait3A_55 : memref<10112x64xi32, #tpu.memory_space<hbm>>) dst(%arg7 : memref<128x64xi32, #tpu.memory_space<vmem>>)
      %dma_start3A_56 = arith.constant 0 : i32
      %dma_start3A_57 = tpu.memref_slice %arg6[%add3A_50, %dma_start3A_56] : memref<40x128xi32, #tpu.memory_space<vmem>> -> memref<1x128xi32, #tpu.memory_space<vmem>>
      %dma_start3A_58 = tpu.memref_squeeze %dma_start3A_57 : memref<1x128xi32, #tpu.memory_space<vmem>> -> memref<128xi32, #tpu.memory_space<vmem>>
      %dma_start3A_59 = arith.constant 0 : i32
      %dma_start3A_60 = arith.constant 0 : i32
      %dma_start3A_61 = tpu.memref_slice %arg2[%dma_start3A_59, %dma_start3A_60] : memref<10112x64xi32, #tpu.memory_space<hbm>> -> memref<10112x64xi32, #tpu.memory_space<hbm>>
      tpu.enqueue_indirect_dma source(%dma_start3A_61 : memref<10112x64xi32, #tpu.memory_space<hbm>>) target(%arg8 : memref<128x64xi32, #tpu.memory_space<vmem>>) offsets(%dma_start3A_58 : memref<128xi32, #tpu.memory_space<vmem>>) semaphore(%arg13 : memref<!tpu.dma_semaphore, #tpu.memory_space<semaphore_mem>>)
      %scan3A_62 = arith.constant 0 : i32
      %scan3A_63 = arith.constant 0 : i32
      %scan3A_64 = arith.constant 32 : i32
      %scan3A_65 = arith.addi %scan3A_63, %scan3A_64 : i32
      %scan3A_66 = arith.constant 1 : i32
      scf.for %scan3A_88 = %scan3A_63 to %scan3A_65 step %scan3A_66  : i32 {
        %mul3A_89 = arith.constant 4 : i32
        %mul3A_90 = arith.muli %mul3A_89, %scan3A_88 : i32
        %add3A_91 = arith.constant 0 : i32
        %add3A_92 = arith.addi %mul3A_90, %add3A_91 : i32
        %get3A = arith.index_cast %add3A_92 : i32 to index
        %get3A_93 = arith.constant 0 : index
        %get3A_94 = tpu.vector_load %arg7[%get3A, %get3A_93] {strides = array<i32>} : memref<128x64xi32, #tpu.memory_space<vmem>>, vector<16xi32>,
        %shift_left3A = arith.constant 16 : i32
        %shift_left3A_95 = vector.broadcast %shift_left3A : i32 to vector<16xi32>
        %shift_left3A_96 = arith.shli %get3A_94, %shift_left3A_95 : vector<16xi32>
        %bitcast3A = vector.bitcast %shift_left3A_96 : vector<16xi32> to vector<16xf32>
        %add3A_97 = arith.constant 0 : i32
        %add3A_98 = arith.addi %mul3A_90, %add3A_97 : i32
        %swap3A = arith.index_cast %add3A_98 : i32 to index
        %swap3A_99 = arith.constant 0 : index
        %swap3A_100 = tpu.vector_load %arg9[%swap3A, %swap3A_99] {strides = array<i32>} : memref<128x128xf32, #tpu.memory_space<vmem>>, vector<16xf32>,
        tpu.vector_store %arg9[%swap3A, %swap3A_99], %bitcast3A {strides = array<i32>} : memref<128x128xf32, #tpu.memory_space<vmem>>, vector<16xf32>,
        %and3A = arith.constant -65536 : i32
        %and3A_101 = vector.broadcast %and3A : i32 to vector<16xi32>
        %and3A_102 = arith.andi %get3A_94, %and3A_101 : vector<16xi32>
        %bitcast3A_103 = vector.bitcast %and3A_102 : vector<16xi32> to vector<16xf32>
        %add3A_104 = arith.constant 0 : i32
        %add3A_105 = arith.addi %mul3A_90, %add3A_104 : i32
        %swap3A_106 = arith.index_cast %add3A_105 : i32 to index
        %swap3A_107 = arith.constant 64 : index
        %swap3A_108 = tpu.vector_load %arg9[%swap3A_106, %swap3A_107] {strides = array<i32>} : memref<128x128xf32, #tpu.memory_space<vmem>>, vector<16xf32>,
        tpu.vector_store %arg9[%swap3A_106, %swap3A_107], %bitcast3A_103 {strides = array<i32>} : memref<128x128xf32, #tpu.memory_space<vmem>>, vector<16xf32>,
        %add3A_109 = arith.constant 0 : i32
        %add3A_110 = arith.addi %mul3A_90, %add3A_109 : i32
        %get3A_111 = arith.index_cast %add3A_110 : i32 to index
        %get3A_112 = arith.constant 16 : index
        %get3A_113 = tpu.vector_load %arg7[%get3A_111, %get3A_112] {strides = array<i32>} : memref<128x64xi32, #tpu.memory_space<vmem>>, vector<16xi32>,
        %shift_left3A_114 = arith.constant 16 : i32
        %shift_left3A_115 = vector.broadcast %shift_left3A_114 : i32 to vector<16xi32>
        %shift_left3A_116 = arith.shli %get3A_113, %shift_left3A_115 : vector<16xi32>
        %bitcast3A_117 = vector.bitcast %shift_left3A_116 : vector<16xi32> to vector<16xf32>
        %add3A_118 = arith.constant 0 : i32
        %add3A_119 = arith.addi %mul3A_90, %add3A_118 : i32
        %swap3A_120 = arith.index_cast %add3A_119 : i32 to index
        %swap3A_121 = arith.constant 16 : index
        %swap3A_122 = tpu.vector_load %arg9[%swap3A_120, %swap3A_121] {strides = array<i32>} : memref<128x128xf32, #tpu.memory_space<vmem>>, vector<16xf32>,
        tpu.vector_store %arg9[%swap3A_120, %swap3A_121], %bitcast3A_117 {strides = array<i32>} : memref<128x128xf32, #tpu.memory_space<vmem>>, vector<16xf32>,
        %and3A_123 = arith.constant -65536 : i32
        %and3A_124 = vector.broadcast %and3A_123 : i32 to vector<16xi32>
        %and3A_125 = arith.andi %get3A_113, %and3A_124 : vector<16xi32>
        %bitcast3A_126 = vector.bitcast %and3A_125 : vector<16xi32> to vector<16xf32>
        %add3A_127 = arith.constant 0 : i32
        %add3A_128 = arith.addi %mul3A_90, %add3A_127 : i32
        %swap3A_129 = arith.index_cast %add3A_128 : i32 to index
        %swap3A_130 = arith.constant 80 : index
        %swap3A_131 = tpu.vector_load %arg9[%swap3A_129, %swap3A_130] {strides = array<i32>} : memref<128x128xf32, #tpu.memory_space<vmem>>, vector<16xf32>,
        tpu.vector_store %arg9[%swap3A_129, %swap3A_130], %bitcast3A_126 {strides = array<i32>} : memref<128x128xf32, #tpu.memory_space<vmem>>, vector<16xf32>,
        %add3A_132 = arith.constant 0 : i32
        %add3A_133 = arith.addi %mul3A_90, %add3A_132 : i32
        %get3A_134 = arith.index_cast %add3A_133 : i32 to index
        %get3A_135 = arith.constant 32 : index
        %get3A_136 = tpu.vector_load %arg7[%get3A_134, %get3A_135] {strides = array<i32>} : memref<128x64xi32, #tpu.memory_space<vmem>>, vector<16xi32>,
        %shift_left3A_137 = arith.constant 16 : i32
        %shift_left3A_138 = vector.broadcast %shift_left3A_137 : i32 to vector<16xi32>
        %shift_left3A_139 = arith.shli %get3A_136, %shift_left3A_138 : vector<16xi32>
        %bitcast3A_140 = vector.bitcast %shift_left3A_139 : vector<16xi32> to vector<16xf32>
        %add3A_141 = arith.constant 0 : i32
        %add3A_142 = arith.addi %mul3A_90, %add3A_141 : i32
        %swap3A_143 = arith.index_cast %add3A_142 : i32 to index
        %swap3A_144 = arith.constant 32 : index
        %swap3A_145 = tpu.vector_load %arg9[%swap3A_143, %swap3A_144] {strides = array<i32>} : memref<128x128xf32, #tpu.memory_space<vmem>>, vector<16xf32>,
        tpu.vector_store %arg9[%swap3A_143, %swap3A_144], %bitcast3A_140 {strides = array<i32>} : memref<128x128xf32, #tpu.memory_space<vmem>>, vector<16xf32>,
        %and3A_146 = arith.constant -65536 : i32
        %and3A_147 = vector.broadcast %and3A_146 : i32 to vector<16xi32>
        %and3A_148 = arith.andi %get3A_136, %and3A_147 : vector<16xi32>
        %bitcast3A_149 = vector.bitcast %and3A_148 : vector<16xi32> to vector<16xf32>
        %add3A_150 = arith.constant 0 : i32
        %add3A_151 = arith.addi %mul3A_90, %add3A_150 : i32
        %swap3A_152 = arith.index_cast %add3A_151 : i32 to index
        %swap3A_153 = arith.constant 96 : index
        %swap3A_154 = tpu.vector_load %arg9[%swap3A_152, %swap3A_153] {strides = array<i32>} : memref<128x128xf32, #tpu.memory_space<vmem>>, vector<16xf32>,
        tpu.vector_store %arg9[%swap3A_152, %swap3A_153], %bitcast3A_149 {strides = array<i32>} : memref<128x128xf32, #tpu.memory_space<vmem>>, vector<16xf32>,
        %add3A_155 = arith.constant 0 : i32
        %add3A_156 = arith.addi %mul3A_90, %add3A_155 : i32
        %get3A_157 = arith.index_cast %add3A_156 : i32 to index
        %get3A_158 = arith.constant 48 : index
        %get3A_159 = tpu.vector_load %arg7[%get3A_157, %get3A_158] {strides = array<i32>} : memref<128x64xi32, #tpu.memory_space<vmem>>, vector<16xi32>,
        %shift_left3A_160 = arith.constant 16 : i32
        %shift_left3A_161 = vector.broadcast %shift_left3A_160 : i32 to vector<16xi32>
        %shift_left3A_162 = arith.shli %get3A_159, %shift_left3A_161 : vector<16xi32>
        %bitcast3A_163 = vector.bitcast %shift_left3A_162 : vector<16xi32> to vector<16xf32>
        %add3A_164 = arith.constant 0 : i32
        %add3A_165 = arith.addi %mul3A_90, %add3A_164 : i32
        %swap3A_166 = arith.index_cast %add3A_165 : i32 to index
        %swap3A_167 = arith.constant 48 : index
        %swap3A_168 = tpu.vector_load %arg9[%swap3A_166, %swap3A_167] {strides = array<i32>} : memref<128x128xf32, #tpu.memory_space<vmem>>, vector<16xf32>,
        tpu.vector_store %arg9[%swap3A_166, %swap3A_167], %bitcast3A_163 {strides = array<i32>} : memref<128x128xf32, #tpu.memory_space<vmem>>, vector<16xf32>,
        %and3A_169 = arith.constant -65536 : i32
        %and3A_170 = vector.broadcast %and3A_169 : i32 to vector<16xi32>
        %and3A_171 = arith.andi %get3A_159, %and3A_170 : vector<16xi32>
        %bitcast3A_172 = vector.bitcast %and3A_171 : vector<16xi32> to vector<16xf32>
        %add3A_173 = arith.constant 0 : i32
        %add3A_174 = arith.addi %mul3A_90, %add3A_173 : i32
        %swap3A_175 = arith.index_cast %add3A_174 : i32 to index
        %swap3A_176 = arith.constant 112 : index
        %swap3A_177 = tpu.vector_load %arg9[%swap3A_175, %swap3A_176] {strides = array<i32>} : memref<128x128xf32, #tpu.memory_space<vmem>>, vector<16xf32>,
        tpu.vector_store %arg9[%swap3A_175, %swap3A_176], %bitcast3A_172 {strides = array<i32>} : memref<128x128xf32, #tpu.memory_space<vmem>>, vector<16xf32>,
        %add3A_178 = arith.constant 1 : i32
        %add3A_179 = arith.addi %mul3A_90, %add3A_178 : i32
        %get3A_180 = arith.index_cast %add3A_179 : i32 to index
        %get3A_181 = arith.constant 0 : index
        %get3A_182 = tpu.vector_load %arg7[%get3A_180, %get3A_181] {strides = array<i32>} : memref<128x64xi32, #tpu.memory_space<vmem>>, vector<16xi32>,
        %shift_left3A_183 = arith.constant 16 : i32
        %shift_left3A_184 = vector.broadcast %shift_left3A_183 : i32 to vector<16xi32>
        %shift_left3A_185 = arith.shli %get3A_182, %shift_left3A_184 : vector<16xi32>
        %bitcast3A_186 = vector.bitcast %shift_left3A_185 : vector<16xi32> to vector<16xf32>
        %add3A_187 = arith.constant 1 : i32
        %add3A_188 = arith.addi %mul3A_90, %add3A_187 : i32
        %swap3A_189 = arith.index_cast %add3A_188 : i32 to index
        %swap3A_190 = arith.constant 0 : index
        %swap3A_191 = tpu.vector_load %arg9[%swap3A_189, %swap3A_190] {strides = array<i32>} : memref<128x128xf32, #tpu.memory_space<vmem>>, vector<16xf32>,
        tpu.vector_store %arg9[%swap3A_189, %swap3A_190], %bitcast3A_186 {strides = array<i32>} : memref<128x128xf32, #tpu.memory_space<vmem>>, vector<16xf32>,
        %and3A_192 = arith.constant -65536 : i32
        %and3A_193 = vector.broadcast %and3A_192 : i32 to vector<16xi32>
        %and3A_194 = arith.andi %get3A_182, %and3A_193 : vector<16xi32>
        %bitcast3A_195 = vector.bitcast %and3A_194 : vector<16xi32> to vector<16xf32>
        %add3A_196 = arith.constant 1 : i32
        %add3A_197 = arith.addi %mul3A_90, %add3A_196 : i32
        %swap3A_198 = arith.index_cast %add3A_197 : i32 to index
        %swap3A_199 = arith.constant 64 : index
        %swap3A_200 = tpu.vector_load %arg9[%swap3A_198, %swap3A_199] {strides = array<i32>} : memref<128x128xf32, #tpu.memory_space<vmem>>, vector<16xf32>,
        tpu.vector_store %arg9[%swap3A_198, %swap3A_199], %bitcast3A_195 {strides = array<i32>} : memref<128x128xf32, #tpu.memory_space<vmem>>, vector<16xf32>,
        %add3A_201 = arith.constant 1 : i32
        %add3A_202 = arith.addi %mul3A_90, %add3A_201 : i32
        %get3A_203 = arith.index_cast %add3A_202 : i32 to index
        %get3A_204 = arith.constant 16 : index
        %get3A_205 = tpu.vector_load %arg7[%get3A_203, %get3A_204] {strides = array<i32>} : memref<128x64xi32, #tpu.memory_space<vmem>>, vector<16xi32>,
        %shift_left3A_206 = arith.constant 16 : i32
        %shift_left3A_207 = vector.broadcast %shift_left3A_206 : i32 to vector<16xi32>
        %shift_left3A_208 = arith.shli %get3A_205, %shift_left3A_207 : vector<16xi32>
        %bitcast3A_209 = vector.bitcast %shift_left3A_208 : vector<16xi32> to vector<16xf32>
        %add3A_210 = arith.constant 1 : i32
        %add3A_211 = arith.addi %mul3A_90, %add3A_210 : i32
        %swap3A_212 = arith.index_cast %add3A_211 : i32 to index
        %swap3A_213 = arith.constant 16 : index
        %swap3A_214 = tpu.vector_load %arg9[%swap3A_212, %swap3A_213] {strides = array<i32>} : memref<128x128xf32, #tpu.memory_space<vmem>>, vector<16xf32>,
        tpu.vector_store %arg9[%swap3A_212, %swap3A_213], %bitcast3A_209 {strides = array<i32>} : memref<128x128xf32, #tpu.memory_space<vmem>>, vector<16xf32>,
        %and3A_215 = arith.constant -65536 : i32
        %and3A_216 = vector.broadcast %and3A_215 : i32 to vector<16xi32>
        %and3A_217 = arith.andi %get3A_205, %and3A_216 : vector<16xi32>
        %bitcast3A_218 = vector.bitcast %and3A_217 : vector<16xi32> to vector<16xf32>
        %add3A_219 = arith.constant 1 : i32
        %add3A_220 = arith.addi %mul3A_90, %add3A_219 : i32
        %swap3A_221 = arith.index_cast %add3A_220 : i32 to index
        %swap3A_222 = arith.constant 80 : index
        %swap3A_223 = tpu.vector_load %arg9[%swap3A_221, %swap3A_222] {strides = array<i32>} : memref<128x128xf32, #tpu.memory_space<vmem>>, vector<16xf32>,
        tpu.vector_store %arg9[%swap3A_221, %swap3A_222], %bitcast3A_218 {strides = array<i32>} : memref<128x128xf32, #tpu.memory_space<vmem>>, vector<16xf32>,
        %add3A_224 = arith.constant 1 : i32
        %add3A_225 = arith.addi %mul3A_90, %add3A_224 : i32
        %get3A_226 = arith.index_cast %add3A_225 : i32 to index
        %get3A_227 = arith.constant 32 : index
        %get3A_228 = tpu.vector_load %arg7[%get3A_226, %get3A_227] {strides = array<i32>} : memref<128x64xi32, #tpu.memory_space<vmem>>, vector<16xi32>,
        %shift_left3A_229 = arith.constant 16 : i32
        %shift_left3A_230 = vector.broadcast %shift_left3A_229 : i32 to vector<16xi32>
        %shift_left3A_231 = arith.shli %get3A_228, %shift_left3A_230 : vector<16xi32>
        %bitcast3A_232 = vector.bitcast %shift_left3A_231 : vector<16xi32> to vector<16xf32>
        %add3A_233 = arith.constant 1 : i32
        %add3A_234 = arith.addi %mul3A_90, %add3A_233 : i32
        %swap3A_235 = arith.index_cast %add3A_234 : i32 to index
        %swap3A_236 = arith.constant 32 : index
        %swap3A_237 = tpu.vector_load %arg9[%swap3A_235, %swap3A_236] {strides = array<i32>} : memref<128x128xf32, #tpu.memory_space<vmem>>, vector<16xf32>,
        tpu.vector_store %arg9[%swap3A_235, %swap3A_236], %bitcast3A_232 {strides = array<i32>} : memref<128x128xf32, #tpu.memory_space<vmem>>, vector<16xf32>,
        %and3A_238 = arith.constant -65536 : i32
        %and3A_239 = vector.broadcast %and3A_238 : i32 to vector<16xi32>
        %and3A_240 = arith.andi %get3A_228, %and3A_239 : vector<16xi32>
        %bitcast3A_241 = vector.bitcast %and3A_240 : vector<16xi32> to vector<16xf32>
        %add3A_242 = arith.constant 1 : i32
        %add3A_243 = arith.addi %mul3A_90, %add3A_242 : i32
        %swap3A_244 = arith.index_cast %add3A_243 : i32 to index
        %swap3A_245 = arith.constant 96 : index
        %swap3A_246 = tpu.vector_load %arg9[%swap3A_244, %swap3A_245] {strides = array<i32>} : memref<128x128xf32, #tpu.memory_space<vmem>>, vector<16xf32>,
        tpu.vector_store %arg9[%swap3A_244, %swap3A_245], %bitcast3A_241 {strides = array<i32>} : memref<128x128xf32, #tpu.memory_space<vmem>>, vector<16xf32>,
        %add3A_247 = arith.constant 1 : i32
        %add3A_248 = arith.addi %mul3A_90, %add3A_247 : i32
        %get3A_249 = arith.index_cast %add3A_248 : i32 to index
        %get3A_250 = arith.constant 48 : index
        %get3A_251 = tpu.vector_load %arg7[%get3A_249, %get3A_250] {strides = array<i32>} : memref<128x64xi32, #tpu.memory_space<vmem>>, vector<16xi32>,
        %shift_left3A_252 = arith.constant 16 : i32
        %shift_left3A_253 = vector.broadcast %shift_left3A_252 : i32 to vector<16xi32>
        %shift_left3A_254 = arith.shli %get3A_251, %shift_left3A_253 : vector<16xi32>
        %bitcast3A_255 = vector.bitcast %shift_left3A_254 : vector<16xi32> to vector<16xf32>
        %add3A_256 = arith.constant 1 : i32
        %add3A_257 = arith.addi %mul3A_90, %add3A_256 : i32
        %swap3A_258 = arith.index_cast %add3A_257 : i32 to index
        %swap3A_259 = arith.constant 48 : index
        %swap3A_260 = tpu.vector_load %arg9[%swap3A_258, %swap3A_259] {strides = array<i32>} : memref<128x128xf32, #tpu.memory_space<vmem>>, vector<16xf32>,
        tpu.vector_store %arg9[%swap3A_258, %swap3A_259], %bitcast3A_255 {strides = array<i32>} : memref<128x128xf32, #tpu.memory_space<vmem>>, vector<16xf32>,
        %and3A_261 = arith.constant -65536 : i32
        %and3A_262 = vector.broadcast %and3A_261 : i32 to vector<16xi32>
        %and3A_263 = arith.andi %get3A_251, %and3A_262 : vector<16xi32>
        %bitcast3A_264 = vector.bitcast %and3A_263 : vector<16xi32> to vector<16xf32>
        %add3A_265 = arith.constant 1 : i32
        %add3A_266 = arith.addi %mul3A_90, %add3A_265 : i32
        %swap3A_267 = arith.index_cast %add3A_266 : i32 to index
        %swap3A_268 = arith.constant 112 : index
        %swap3A_269 = tpu.vector_load %arg9[%swap3A_267, %swap3A_268] {strides = array<i32>} : memref<128x128xf32, #tpu.memory_space<vmem>>, vector<16xf32>,
        tpu.vector_store %arg9[%swap3A_267, %swap3A_268], %bitcast3A_264 {strides = array<i32>} : memref<128x128xf32, #tpu.memory_space<vmem>>, vector<16xf32>,
        %add3A_270 = arith.constant 2 : i32
        %add3A_271 = arith.addi %mul3A_90, %add3A_270 : i32
        %get3A_272 = arith.index_cast %add3A_271 : i32 to index
        %get3A_273 = arith.constant 0 : index
        %get3A_274 = tpu.vector_load %arg7[%get3A_272, %get3A_273] {strides = array<i32>} : memref<128x64xi32, #tpu.memory_space<vmem>>, vector<16xi32>,
        %shift_left3A_275 = arith.constant 16 : i32
        %shift_left3A_276 = vector.broadcast %shift_left3A_275 : i32 to vector<16xi32>
        %shift_left3A_277 = arith.shli %get3A_274, %shift_left3A_276 : vector<16xi32>
        %bitcast3A_278 = vector.bitcast %shift_left3A_277 : vector<16xi32> to vector<16xf32>
        %add3A_279 = arith.constant 2 : i32
        %add3A_280 = arith.addi %mul3A_90, %add3A_279 : i32
        %swap3A_281 = arith.index_cast %add3A_280 : i32 to index
        %swap3A_282 = arith.constant 0 : index
        %swap3A_283 = tpu.vector_load %arg9[%swap3A_281, %swap3A_282] {strides = array<i32>} : memref<128x128xf32, #tpu.memory_space<vmem>>, vector<16xf32>,
        tpu.vector_store %arg9[%swap3A_281, %swap3A_282], %bitcast3A_278 {strides = array<i32>} : memref<128x128xf32, #tpu.memory_space<vmem>>, vector<16xf32>,
        %and3A_284 = arith.constant -65536 : i32
        %and3A_285 = vector.broadcast %and3A_284 : i32 to vector<16xi32>
        %and3A_286 = arith.andi %get3A_274, %and3A_285 : vector<16xi32>
        %bitcast3A_287 = vector.bitcast %and3A_286 : vector<16xi32> to vector<16xf32>
        %add3A_288 = arith.constant 2 : i32
        %add3A_289 = arith.addi %mul3A_90, %add3A_288 : i32
        %swap3A_290 = arith.index_cast %add3A_289 : i32 to index
        %swap3A_291 = arith.constant 64 : index
        %swap3A_292 = tpu.vector_load %arg9[%swap3A_290, %swap3A_291] {strides = array<i32>} : memref<128x128xf32, #tpu.memory_space<vmem>>, vector<16xf32>,
        tpu.vector_store %arg9[%swap3A_290, %swap3A_291], %bitcast3A_287 {strides = array<i32>} : memref<128x128xf32, #tpu.memory_space<vmem>>, vector<16xf32>,
        %add3A_293 = arith.constant 2 : i32
        %add3A_294 = arith.addi %mul3A_90, %add3A_293 : i32
        %get3A_295 = arith.index_cast %add3A_294 : i32 to index
        %get3A_296 = arith.constant 16 : index
        %get3A_297 = tpu.vector_load %arg7[%get3A_295, %get3A_296] {strides = array<i32>} : memref<128x64xi32, #tpu.memory_space<vmem>>, vector<16xi32>,
        %shift_left3A_298 = arith.constant 16 : i32
        %shift_left3A_299 = vector.broadcast %shift_left3A_298 : i32 to vector<16xi32>
        %shift_left3A_300 = arith.shli %get3A_297, %shift_left3A_299 : vector<16xi32>
        %bitcast3A_301 = vector.bitcast %shift_left3A_300 : vector<16xi32> to vector<16xf32>
        %add3A_302 = arith.constant 2 : i32
        %add3A_303 = arith.addi %mul3A_90, %add3A_302 : i32
        %swap3A_304 = arith.index_cast %add3A_303 : i32 to index
        %swap3A_305 = arith.constant 16 : index
        %swap3A_306 = tpu.vector_load %arg9[%swap3A_304, %swap3A_305] {strides = array<i32>} : memref<128x128xf32, #tpu.memory_space<vmem>>, vector<16xf32>,
        tpu.vector_store %arg9[%swap3A_304, %swap3A_305], %bitcast3A_301 {strides = array<i32>} : memref<128x128xf32, #tpu.memory_space<vmem>>, vector<16xf32>,
        %and3A_307 = arith.constant -65536 : i32
        %and3A_308 = vector.broadcast %and3A_307 : i32 to vector<16xi32>
        %and3A_309 = arith.andi %get3A_297, %and3A_308 : vector<16xi32>
        %bitcast3A_310 = vector.bitcast %and3A_309 : vector<16xi32> to vector<16xf32>
        %add3A_311 = arith.constant 2 : i32
        %add3A_312 = arith.addi %mul3A_90, %add3A_311 : i32
        %swap3A_313 = arith.index_cast %add3A_312 : i32 to index
        %swap3A_314 = arith.constant 80 : index
        %swap3A_315 = tpu.vector_load %arg9[%swap3A_313, %swap3A_314] {strides = array<i32>} : memref<128x128xf32, #tpu.memory_space<vmem>>, vector<16xf32>,
        tpu.vector_store %arg9[%swap3A_313, %swap3A_314], %bitcast3A_310 {strides = array<i32>} : memref<128x128xf32, #tpu.memory_space<vmem>>, vector<16xf32>,
        %add3A_316 = arith.constant 2 : i32
        %add3A_317 = arith.addi %mul3A_90, %add3A_316 : i32
        %get3A_318 = arith.index_cast %add3A_317 : i32 to index
        %get3A_319 = arith.constant 32 : index
        %get3A_320 = tpu.vector_load %arg7[%get3A_318, %get3A_319] {strides = array<i32>} : memref<128x64xi32, #tpu.memory_space<vmem>>, vector<16xi32>,
        %shift_left3A_321 = arith.constant 16 : i32
        %shift_left3A_322 = vector.broadcast %shift_left3A_321 : i32 to vector<16xi32>
        %shift_left3A_323 = arith.shli %get3A_320, %shift_left3A_322 : vector<16xi32>
        %bitcast3A_324 = vector.bitcast %shift_left3A_323 : vector<16xi32> to vector<16xf32>
        %add3A_325 = arith.constant 2 : i32
        %add3A_326 = arith.addi %mul3A_90, %add3A_325 : i32
        %swap3A_327 = arith.index_cast %add3A_326 : i32 to index
        %swap3A_328 = arith.constant 32 : index
        %swap3A_329 = tpu.vector_load %arg9[%swap3A_327, %swap3A_328] {strides = array<i32>} : memref<128x128xf32, #tpu.memory_space<vmem>>, vector<16xf32>,
        tpu.vector_store %arg9[%swap3A_327, %swap3A_328], %bitcast3A_324 {strides = array<i32>} : memref<128x128xf32, #tpu.memory_space<vmem>>, vector<16xf32>,
        %and3A_330 = arith.constant -65536 : i32
        %and3A_331 = vector.broadcast %and3A_330 : i32 to vector<16xi32>
        %and3A_332 = arith.andi %get3A_320, %and3A_331 : vector<16xi32>
        %bitcast3A_333 = vector.bitcast %and3A_332 : vector<16xi32> to vector<16xf32>
        %add3A_334 = arith.constant 2 : i32
        %add3A_335 = arith.addi %mul3A_90, %add3A_334 : i32
        %swap3A_336 = arith.index_cast %add3A_335 : i32 to index
        %swap3A_337 = arith.constant 96 : index
        %swap3A_338 = tpu.vector_load %arg9[%swap3A_336, %swap3A_337] {strides = array<i32>} : memref<128x128xf32, #tpu.memory_space<vmem>>, vector<16xf32>,
        tpu.vector_store %arg9[%swap3A_336, %swap3A_337], %bitcast3A_333 {strides = array<i32>} : memref<128x128xf32, #tpu.memory_space<vmem>>, vector<16xf32>,
        %add3A_339 = arith.constant 2 : i32
        %add3A_340 = arith.addi %mul3A_90, %add3A_339 : i32
        %get3A_341 = arith.index_cast %add3A_340 : i32 to index
        %get3A_342 = arith.constant 48 : index
        %get3A_343 = tpu.vector_load %arg7[%get3A_341, %get3A_342] {strides = array<i32>} : memref<128x64xi32, #tpu.memory_space<vmem>>, vector<16xi32>,
        %shift_left3A_344 = arith.constant 16 : i32
        %shift_left3A_345 = vector.broadcast %shift_left3A_344 : i32 to vector<16xi32>
        %shift_left3A_346 = arith.shli %get3A_343, %shift_left3A_345 : vector<16xi32>
        %bitcast3A_347 = vector.bitcast %shift_left3A_346 : vector<16xi32> to vector<16xf32>
        %add3A_348 = arith.constant 2 : i32
        %add3A_349 = arith.addi %mul3A_90, %add3A_348 : i32
        %swap3A_350 = arith.index_cast %add3A_349 : i32 to index
        %swap3A_351 = arith.constant 48 : index
        %swap3A_352 = tpu.vector_load %arg9[%swap3A_350, %swap3A_351] {strides = array<i32>} : memref<128x128xf32, #tpu.memory_space<vmem>>, vector<16xf32>,
        tpu.vector_store %arg9[%swap3A_350, %swap3A_351], %bitcast3A_347 {strides = array<i32>} : memref<128x128xf32, #tpu.memory_space<vmem>>, vector<16xf32>,
        %and3A_353 = arith.constant -65536 : i32
        %and3A_354 = vector.broadcast %and3A_353 : i32 to vector<16xi32>
        %and3A_355 = arith.andi %get3A_343, %and3A_354 : vector<16xi32>
        %bitcast3A_356 = vector.bitcast %and3A_355 : vector<16xi32> to vector<16xf32>
        %add3A_357 = arith.constant 2 : i32
        %add3A_358 = arith.addi %mul3A_90, %add3A_357 : i32
        %swap3A_359 = arith.index_cast %add3A_358 : i32 to index
        %swap3A_360 = arith.constant 112 : index
        %swap3A_361 = tpu.vector_load %arg9[%swap3A_359, %swap3A_360] {strides = array<i32>} : memref<128x128xf32, #tpu.memory_space<vmem>>, vector<16xf32>,
        tpu.vector_store %arg9[%swap3A_359, %swap3A_360], %bitcast3A_356 {strides = array<i32>} : memref<128x128xf32, #tpu.memory_space<vmem>>, vector<16xf32>,
        %add3A_362 = arith.constant 3 : i32
        %add3A_363 = arith.addi %mul3A_90, %add3A_362 : i32
        %get3A_364 = arith.index_cast %add3A_363 : i32 to index
        %get3A_365 = arith.constant 0 : index
        %get3A_366 = tpu.vector_load %arg7[%get3A_364, %get3A_365] {strides = array<i32>} : memref<128x64xi32, #tpu.memory_space<vmem>>, vector<16xi32>,
        %shift_left3A_367 = arith.constant 16 : i32
        %shift_left3A_368 = vector.broadcast %shift_left3A_367 : i32 to vector<16xi32>
        %shift_left3A_369 = arith.shli %get3A_366, %shift_left3A_368 : vector<16xi32>
        %bitcast3A_370 = vector.bitcast %shift_left3A_369 : vector<16xi32> to vector<16xf32>
        %add3A_371 = arith.constant 3 : i32
        %add3A_372 = arith.addi %mul3A_90, %add3A_371 : i32
        %swap3A_373 = arith.index_cast %add3A_372 : i32 to index
        %swap3A_374 = arith.constant 0 : index
        %swap3A_375 = tpu.vector_load %arg9[%swap3A_373, %swap3A_374] {strides = array<i32>} : memref<128x128xf32, #tpu.memory_space<vmem>>, vector<16xf32>,
        tpu.vector_store %arg9[%swap3A_373, %swap3A_374], %bitcast3A_370 {strides = array<i32>} : memref<128x128xf32, #tpu.memory_space<vmem>>, vector<16xf32>,
        %and3A_376 = arith.constant -65536 : i32
        %and3A_377 = vector.broadcast %and3A_376 : i32 to vector<16xi32>
        %and3A_378 = arith.andi %get3A_366, %and3A_377 : vector<16xi32>
        %bitcast3A_379 = vector.bitcast %and3A_378 : vector<16xi32> to vector<16xf32>
        %add3A_380 = arith.constant 3 : i32
        %add3A_381 = arith.addi %mul3A_90, %add3A_380 : i32
        %swap3A_382 = arith.index_cast %add3A_381 : i32 to index
        %swap3A_383 = arith.constant 64 : index
        %swap3A_384 = tpu.vector_load %arg9[%swap3A_382, %swap3A_383] {strides = array<i32>} : memref<128x128xf32, #tpu.memory_space<vmem>>, vector<16xf32>,
        tpu.vector_store %arg9[%swap3A_382, %swap3A_383], %bitcast3A_379 {strides = array<i32>} : memref<128x128xf32, #tpu.memory_space<vmem>>, vector<16xf32>,
        %add3A_385 = arith.constant 3 : i32
        %add3A_386 = arith.addi %mul3A_90, %add3A_385 : i32
        %get3A_387 = arith.index_cast %add3A_386 : i32 to index
        %get3A_388 = arith.constant 16 : index
        %get3A_389 = tpu.vector_load %arg7[%get3A_387, %get3A_388] {strides = array<i32>} : memref<128x64xi32, #tpu.memory_space<vmem>>, vector<16xi32>,
        %shift_left3A_390 = arith.constant 16 : i32
        %shift_left3A_391 = vector.broadcast %shift_left3A_390 : i32 to vector<16xi32>
        %shift_left3A_392 = arith.shli %get3A_389, %shift_left3A_391 : vector<16xi32>
        %bitcast3A_393 = vector.bitcast %shift_left3A_392 : vector<16xi32> to vector<16xf32>
        %add3A_394 = arith.constant 3 : i32
        %add3A_395 = arith.addi %mul3A_90, %add3A_394 : i32
        %swap3A_396 = arith.index_cast %add3A_395 : i32 to index
        %swap3A_397 = arith.constant 16 : index
        %swap3A_398 = tpu.vector_load %arg9[%swap3A_396, %swap3A_397] {strides = array<i32>} : memref<128x128xf32, #tpu.memory_space<vmem>>, vector<16xf32>,
        tpu.vector_store %arg9[%swap3A_396, %swap3A_397], %bitcast3A_393 {strides = array<i32>} : memref<128x128xf32, #tpu.memory_space<vmem>>, vector<16xf32>,
        %and3A_399 = arith.constant -65536 : i32
        %and3A_400 = vector.broadcast %and3A_399 : i32 to vector<16xi32>
        %and3A_401 = arith.andi %get3A_389, %and3A_400 : vector<16xi32>
        %bitcast3A_402 = vector.bitcast %and3A_401 : vector<16xi32> to vector<16xf32>
        %add3A_403 = arith.constant 3 : i32
        %add3A_404 = arith.addi %mul3A_90, %add3A_403 : i32
        %swap3A_405 = arith.index_cast %add3A_404 : i32 to index
        %swap3A_406 = arith.constant 80 : index
        %swap3A_407 = tpu.vector_load %arg9[%swap3A_405, %swap3A_406] {strides = array<i32>} : memref<128x128xf32, #tpu.memory_space<vmem>>, vector<16xf32>,
        tpu.vector_store %arg9[%swap3A_405, %swap3A_406], %bitcast3A_402 {strides = array<i32>} : memref<128x128xf32, #tpu.memory_space<vmem>>, vector<16xf32>,
        %add3A_408 = arith.constant 3 : i32
        %add3A_409 = arith.addi %mul3A_90, %add3A_408 : i32
        %get3A_410 = arith.index_cast %add3A_409 : i32 to index
        %get3A_411 = arith.constant 32 : index
        %get3A_412 = tpu.vector_load %arg7[%get3A_410, %get3A_411] {strides = array<i32>} : memref<128x64xi32, #tpu.memory_space<vmem>>, vector<16xi32>,
        %shift_left3A_413 = arith.constant 16 : i32
        %shift_left3A_414 = vector.broadcast %shift_left3A_413 : i32 to vector<16xi32>
        %shift_left3A_415 = arith.shli %get3A_412, %shift_left3A_414 : vector<16xi32>
        %bitcast3A_416 = vector.bitcast %shift_left3A_415 : vector<16xi32> to vector<16xf32>
        %add3A_417 = arith.constant 3 : i32
        %add3A_418 = arith.addi %mul3A_90, %add3A_417 : i32
        %swap3A_419 = arith.index_cast %add3A_418 : i32 to index
        %swap3A_420 = arith.constant 32 : index
        %swap3A_421 = tpu.vector_load %arg9[%swap3A_419, %swap3A_420] {strides = array<i32>} : memref<128x128xf32, #tpu.memory_space<vmem>>, vector<16xf32>,
        tpu.vector_store %arg9[%swap3A_419, %swap3A_420], %bitcast3A_416 {strides = array<i32>} : memref<128x128xf32, #tpu.memory_space<vmem>>, vector<16xf32>,
        %and3A_422 = arith.constant -65536 : i32
        %and3A_423 = vector.broadcast %and3A_422 : i32 to vector<16xi32>
        %and3A_424 = arith.andi %get3A_412, %and3A_423 : vector<16xi32>
        %bitcast3A_425 = vector.bitcast %and3A_424 : vector<16xi32> to vector<16xf32>
        %add3A_426 = arith.constant 3 : i32
        %add3A_427 = arith.addi %mul3A_90, %add3A_426 : i32
        %swap3A_428 = arith.index_cast %add3A_427 : i32 to index
        %swap3A_429 = arith.constant 96 : index
        %swap3A_430 = tpu.vector_load %arg9[%swap3A_428, %swap3A_429] {strides = array<i32>} : memref<128x128xf32, #tpu.memory_space<vmem>>, vector<16xf32>,
        tpu.vector_store %arg9[%swap3A_428, %swap3A_429], %bitcast3A_425 {strides = array<i32>} : memref<128x128xf32, #tpu.memory_space<vmem>>, vector<16xf32>,
        %add3A_431 = arith.constant 3 : i32
        %add3A_432 = arith.addi %mul3A_90, %add3A_431 : i32
        %get3A_433 = arith.index_cast %add3A_432 : i32 to index
        %get3A_434 = arith.constant 48 : index
        %get3A_435 = tpu.vector_load %arg7[%get3A_433, %get3A_434] {strides = array<i32>} : memref<128x64xi32, #tpu.memory_space<vmem>>, vector<16xi32>,
        %shift_left3A_436 = arith.constant 16 : i32
        %shift_left3A_437 = vector.broadcast %shift_left3A_436 : i32 to vector<16xi32>
        %shift_left3A_438 = arith.shli %get3A_435, %shift_left3A_437 : vector<16xi32>
        %bitcast3A_439 = vector.bitcast %shift_left3A_438 : vector<16xi32> to vector<16xf32>
        %add3A_440 = arith.constant 3 : i32
        %add3A_441 = arith.addi %mul3A_90, %add3A_440 : i32
        %swap3A_442 = arith.index_cast %add3A_441 : i32 to index
        %swap3A_443 = arith.constant 48 : index
        %swap3A_444 = tpu.vector_load %arg9[%swap3A_442, %swap3A_443] {strides = array<i32>} : memref<128x128xf32, #tpu.memory_space<vmem>>, vector<16xf32>,
        tpu.vector_store %arg9[%swap3A_442, %swap3A_443], %bitcast3A_439 {strides = array<i32>} : memref<128x128xf32, #tpu.memory_space<vmem>>, vector<16xf32>,
        %and3A_445 = arith.constant -65536 : i32
        %and3A_446 = vector.broadcast %and3A_445 : i32 to vector<16xi32>
        %and3A_447 = arith.andi %get3A_435, %and3A_446 : vector<16xi32>
        %bitcast3A_448 = vector.bitcast %and3A_447 : vector<16xi32> to vector<16xf32>
        %add3A_449 = arith.constant 3 : i32
        %add3A_450 = arith.addi %mul3A_90, %add3A_449 : i32
        %swap3A_451 = arith.index_cast %add3A_450 : i32 to index
        %swap3A_452 = arith.constant 112 : index
        %swap3A_453 = tpu.vector_load %arg9[%swap3A_451, %swap3A_452] {strides = array<i32>} : memref<128x128xf32, #tpu.memory_space<vmem>>, vector<16xf32>,
        tpu.vector_store %arg9[%swap3A_451, %swap3A_452], %bitcast3A_448 {strides = array<i32>} : memref<128x128xf32, #tpu.memory_space<vmem>>, vector<16xf32>,
      }
      %scan3A_67 = arith.constant 32 : i32
      %add3A_68 = arith.constant 40 : i32
      %add3A_69 = arith.addi %add3A_68, %mul3A_48 : i32
      "tpu.region"() ({
        %run_scoped3A_88 = tpu.sem_alloc : memref<!tpu.dma_semaphore, #tpu.memory_space<semaphore_mem>>
        %dma_start3A_89 = arith.constant 0 : i32
        %dma_start3A_90 = tpu.memref_slice %arg10[%add3A_69, %dma_start3A_89] : memref<80x128xi32, #tpu.memory_space<vmem>> -> memref<1x128xi32, #tpu.memory_space<vmem>>
        %dma_start3A_91 = tpu.memref_squeeze %dma_start3A_90 : memref<1x128xi32, #tpu.memory_space<vmem>> -> memref<128xi32, #tpu.memory_space<vmem>>
        %dma_start3A_92 = arith.constant 0 : i32
        %dma_start3A_93 = arith.constant 0 : i32
        %dma_start3A_94 = tpu.memref_slice %arg11[%dma_start3A_92, %dma_start3A_93] : memref<10112x128xf32, #tpu.memory_space<vmem_shared>> -> memref<10112x128xf32, #tpu.memory_space<vmem_shared>>
        tpu.enqueue_indirect_dma source(%arg9 : memref<128x128xf32, #tpu.memory_space<vmem>>) target(%dma_start3A_94 : memref<10112x128xf32, #tpu.memory_space<vmem_shared>>) offsets(%dma_start3A_91 : memref<128xi32, #tpu.memory_space<vmem>>) semaphore(%run_scoped3A_88 : memref<!tpu.dma_semaphore, #tpu.memory_space<semaphore_mem>>) {add = true}
        %dma_wait3A_95 = arith.constant 0 : i32
        %dma_wait3A_96 = tpu.memref_slice %arg10[%add3A_69, %dma_wait3A_95] : memref<80x128xi32, #tpu.memory_space<vmem>> -> memref<1x128xi32, #tpu.memory_space<vmem>>
        %dma_wait3A_97 = tpu.memref_squeeze %dma_wait3A_96 : memref<1x128xi32, #tpu.memory_space<vmem>> -> memref<128xi32, #tpu.memory_space<vmem>>
        %dma_wait3A_98 = arith.constant 0 : i32
        %dma_wait3A_99 = arith.constant 0 : i32
        %dma_wait3A_100 = tpu.memref_slice %arg11[%dma_wait3A_98, %dma_wait3A_99] : memref<10112x128xf32, #tpu.memory_space<vmem_shared>> -> memref<10112x128xf32, #tpu.memory_space<vmem_shared>>
        tpu.wait_indirect_dma semaphore(%run_scoped3A_88 : memref<!tpu.dma_semaphore, #tpu.memory_space<semaphore_mem>>) src(%arg9 : memref<128x128xf32, #tpu.memory_space<vmem>>) dst(%dma_wait3A_100 : memref<10112x128xf32, #tpu.memory_space<vmem_shared>>)
        tpu.yield
      }) : () -> ()
      %dma_wait3A_70 = arith.constant 0 : i32
      %dma_wait3A_71 = tpu.memref_slice %arg6[%add3A_50, %dma_wait3A_70] : memref<40x128xi32, #tpu.memory_space<vmem>> -> memref<1x128xi32, #tpu.memory_space<vmem>>
      %dma_wait3A_72 = tpu.memref_squeeze %dma_wait3A_71 : memref<1x128xi32, #tpu.memory_space<vmem>> -> memref<128xi32, #tpu.memory_space<vmem>>
      %dma_wait3A_73 = arith.constant 0 : i32
      %dma_wait3A_74 = arith.constant 0 : i32
      %dma_wait3A_75 = tpu.memref_slice %arg2[%dma_wait3A_73, %dma_wait3A_74] : memref<10112x64xi32, #tpu.memory_space<hbm>> -> memref<10112x64xi32, #tpu.memory_space<hbm>>
      tpu.wait_indirect_dma semaphore(%arg13 : memref<!tpu.dma_semaphore, #tpu.memory_space<semaphore_mem>>) src(%dma_wait3A_75 : memref<10112x64xi32, #tpu.memory_space<hbm>>) dst(%arg8 : memref<128x64xi32, #tpu.memory_space<vmem>>)
      %add3A_76 = arith.constant 2 : i32
      %add3A_77 = arith.addi %mul3A_48, %add3A_76 : i32
      %lt3A = arith.constant 40 : i32
      %lt3A_78 = arith.cmpi slt, %add3A_77, %lt3A : i32
      %convert_element_type3A = arith.extui %lt3A_78 : i1 to i32
      %cond3A = arith.constant 0 : i32
      %cond3A_79 = arith.cmpi ne, %convert_element_type3A, %cond3A : i32
      scf.if %cond3A_79 {
        %add3A_88 = arith.constant 2 : i32
        %add3A_89 = arith.addi %mul3A_48, %add3A_88 : i32
        %dma_start3A_90 = arith.constant 0 : i32
        %dma_start3A_91 = tpu.memref_slice %arg6[%add3A_89, %dma_start3A_90] : memref<40x128xi32, #tpu.memory_space<vmem>> -> memref<1x128xi32, #tpu.memory_space<vmem>>
        %dma_start3A_92 = tpu.memref_squeeze %dma_start3A_91 : memref<1x128xi32, #tpu.memory_space<vmem>> -> memref<128xi32, #tpu.memory_space<vmem>>
        %dma_start3A_93 = arith.constant 0 : i32
        %dma_start3A_94 = arith.constant 0 : i32
        %dma_start3A_95 = tpu.memref_slice %arg2[%dma_start3A_93, %dma_start3A_94] : memref<10112x64xi32, #tpu.memory_space<hbm>> -> memref<10112x64xi32, #tpu.memory_space<hbm>>
        tpu.enqueue_indirect_dma source(%dma_start3A_95 : memref<10112x64xi32, #tpu.memory_space<hbm>>) target(%arg7 : memref<128x64xi32, #tpu.memory_space<vmem>>) offsets(%dma_start3A_92 : memref<128xi32, #tpu.memory_space<vmem>>) semaphore(%arg12 : memref<!tpu.dma_semaphore, #tpu.memory_space<semaphore_mem>>)
      } else {
      }
      %scan3A_80 = arith.constant 0 : i32
      %scan3A_81 = arith.constant 0 : i32
      %scan3A_82 = arith.constant 32 : i32
      %scan3A_83 = arith.addi %scan3A_81, %scan3A_82 : i32
      %scan3A_84 = arith.constant 1 : i32
      scf.for %scan3A_88 = %scan3A_81 to %scan3A_83 step %scan3A_84  : i32 {
        %mul3A_89 = arith.constant 4 : i32
        %mul3A_90 = arith.muli %mul3A_89, %scan3A_88 : i32
        %add3A_91 = arith.constant 0 : i32
        %add3A_92 = arith.addi %mul3A_90, %add3A_91 : i32
        %get3A = arith.index_cast %add3A_92 : i32 to index
        %get3A_93 = arith.constant 0 : index
        %get3A_94 = tpu.vector_load %arg8[%get3A, %get3A_93] {strides = array<i32>} : memref<128x64xi32, #tpu.memory_space<vmem>>, vector<16xi32>,
        %shift_left3A = arith.constant 16 : i32
        %shift_left3A_95 = vector.broadcast %shift_left3A : i32 to vector<16xi32>
        %shift_left3A_96 = arith.shli %get3A_94, %shift_left3A_95 : vector<16xi32>
        %bitcast3A = vector.bitcast %shift_left3A_96 : vector<16xi32> to vector<16xf32>
        %add3A_97 = arith.constant 0 : i32
        %add3A_98 = arith.addi %mul3A_90, %add3A_97 : i32
        %swap3A = arith.index_cast %add3A_98 : i32 to index
        %swap3A_99 = arith.constant 0 : index
        %swap3A_100 = tpu.vector_load %arg9[%swap3A, %swap3A_99] {strides = array<i32>} : memref<128x128xf32, #tpu.memory_space<vmem>>, vector<16xf32>,
        tpu.vector_store %arg9[%swap3A, %swap3A_99], %bitcast3A {strides = array<i32>} : memref<128x128xf32, #tpu.memory_space<vmem>>, vector<16xf32>,
        %and3A = arith.constant -65536 : i32
        %and3A_101 = vector.broadcast %and3A : i32 to vector<16xi32>
        %and3A_102 = arith.andi %get3A_94, %and3A_101 : vector<16xi32>
        %bitcast3A_103 = vector.bitcast %and3A_102 : vector<16xi32> to vector<16xf32>
        %add3A_104 = arith.constant 0 : i32
        %add3A_105 = arith.addi %mul3A_90, %add3A_104 : i32
        %swap3A_106 = arith.index_cast %add3A_105 : i32 to index
        %swap3A_107 = arith.constant 64 : index
        %swap3A_108 = tpu.vector_load %arg9[%swap3A_106, %swap3A_107] {strides = array<i32>} : memref<128x128xf32, #tpu.memory_space<vmem>>, vector<16xf32>,
        tpu.vector_store %arg9[%swap3A_106, %swap3A_107], %bitcast3A_103 {strides = array<i32>} : memref<128x128xf32, #tpu.memory_space<vmem>>, vector<16xf32>,
        %add3A_109 = arith.constant 0 : i32
        %add3A_110 = arith.addi %mul3A_90, %add3A_109 : i32
        %get3A_111 = arith.index_cast %add3A_110 : i32 to index
        %get3A_112 = arith.constant 16 : index
        %get3A_113 = tpu.vector_load %arg8[%get3A_111, %get3A_112] {strides = array<i32>} : memref<128x64xi32, #tpu.memory_space<vmem>>, vector<16xi32>,
        %shift_left3A_114 = arith.constant 16 : i32
        %shift_left3A_115 = vector.broadcast %shift_left3A_114 : i32 to vector<16xi32>
        %shift_left3A_116 = arith.shli %get3A_113, %shift_left3A_115 : vector<16xi32>
        %bitcast3A_117 = vector.bitcast %shift_left3A_116 : vector<16xi32> to vector<16xf32>
        %add3A_118 = arith.constant 0 : i32
        %add3A_119 = arith.addi %mul3A_90, %add3A_118 : i32
        %swap3A_120 = arith.index_cast %add3A_119 : i32 to index
        %swap3A_121 = arith.constant 16 : index
        %swap3A_122 = tpu.vector_load %arg9[%swap3A_120, %swap3A_121] {strides = array<i32>} : memref<128x128xf32, #tpu.memory_space<vmem>>, vector<16xf32>,
        tpu.vector_store %arg9[%swap3A_120, %swap3A_121], %bitcast3A_117 {strides = array<i32>} : memref<128x128xf32, #tpu.memory_space<vmem>>, vector<16xf32>,
        %and3A_123 = arith.constant -65536 : i32
        %and3A_124 = vector.broadcast %and3A_123 : i32 to vector<16xi32>
        %and3A_125 = arith.andi %get3A_113, %and3A_124 : vector<16xi32>
        %bitcast3A_126 = vector.bitcast %and3A_125 : vector<16xi32> to vector<16xf32>
        %add3A_127 = arith.constant 0 : i32
        %add3A_128 = arith.addi %mul3A_90, %add3A_127 : i32
        %swap3A_129 = arith.index_cast %add3A_128 : i32 to index
        %swap3A_130 = arith.constant 80 : index
        %swap3A_131 = tpu.vector_load %arg9[%swap3A_129, %swap3A_130] {strides = array<i32>} : memref<128x128xf32, #tpu.memory_space<vmem>>, vector<16xf32>,
        tpu.vector_store %arg9[%swap3A_129, %swap3A_130], %bitcast3A_126 {strides = array<i32>} : memref<128x128xf32, #tpu.memory_space<vmem>>, vector<16xf32>,
        %add3A_132 = arith.constant 0 : i32
        %add3A_133 = arith.addi %mul3A_90, %add3A_132 : i32
        %get3A_134 = arith.index_cast %add3A_133 : i32 to index
        %get3A_135 = arith.constant 32 : index
        %get3A_136 = tpu.vector_load %arg8[%get3A_134, %get3A_135] {strides = array<i32>} : memref<128x64xi32, #tpu.memory_space<vmem>>, vector<16xi32>,
        %shift_left3A_137 = arith.constant 16 : i32
        %shift_left3A_138 = vector.broadcast %shift_left3A_137 : i32 to vector<16xi32>
        %shift_left3A_139 = arith.shli %get3A_136, %shift_left3A_138 : vector<16xi32>
        %bitcast3A_140 = vector.bitcast %shift_left3A_139 : vector<16xi32> to vector<16xf32>
        %add3A_141 = arith.constant 0 : i32
        %add3A_142 = arith.addi %mul3A_90, %add3A_141 : i32
        %swap3A_143 = arith.index_cast %add3A_142 : i32 to index
        %swap3A_144 = arith.constant 32 : index
        %swap3A_145 = tpu.vector_load %arg9[%swap3A_143, %swap3A_144] {strides = array<i32>} : memref<128x128xf32, #tpu.memory_space<vmem>>, vector<16xf32>,
        tpu.vector_store %arg9[%swap3A_143, %swap3A_144], %bitcast3A_140 {strides = array<i32>} : memref<128x128xf32, #tpu.memory_space<vmem>>, vector<16xf32>,
        %and3A_146 = arith.constant -65536 : i32
        %and3A_147 = vector.broadcast %and3A_146 : i32 to vector<16xi32>
        %and3A_148 = arith.andi %get3A_136, %and3A_147 : vector<16xi32>
        %bitcast3A_149 = vector.bitcast %and3A_148 : vector<16xi32> to vector<16xf32>
        %add3A_150 = arith.constant 0 : i32
        %add3A_151 = arith.addi %mul3A_90, %add3A_150 : i32
        %swap3A_152 = arith.index_cast %add3A_151 : i32 to index
        %swap3A_153 = arith.constant 96 : index
        %swap3A_154 = tpu.vector_load %arg9[%swap3A_152, %swap3A_153] {strides = array<i32>} : memref<128x128xf32, #tpu.memory_space<vmem>>, vector<16xf32>,
        tpu.vector_store %arg9[%swap3A_152, %swap3A_153], %bitcast3A_149 {strides = array<i32>} : memref<128x128xf32, #tpu.memory_space<vmem>>, vector<16xf32>,
        %add3A_155 = arith.constant 0 : i32
        %add3A_156 = arith.addi %mul3A_90, %add3A_155 : i32
        %get3A_157 = arith.index_cast %add3A_156 : i32 to index
        %get3A_158 = arith.constant 48 : index
        %get3A_159 = tpu.vector_load %arg8[%get3A_157, %get3A_158] {strides = array<i32>} : memref<128x64xi32, #tpu.memory_space<vmem>>, vector<16xi32>,
        %shift_left3A_160 = arith.constant 16 : i32
        %shift_left3A_161 = vector.broadcast %shift_left3A_160 : i32 to vector<16xi32>
        %shift_left3A_162 = arith.shli %get3A_159, %shift_left3A_161 : vector<16xi32>
        %bitcast3A_163 = vector.bitcast %shift_left3A_162 : vector<16xi32> to vector<16xf32>
        %add3A_164 = arith.constant 0 : i32
        %add3A_165 = arith.addi %mul3A_90, %add3A_164 : i32
        %swap3A_166 = arith.index_cast %add3A_165 : i32 to index
        %swap3A_167 = arith.constant 48 : index
        %swap3A_168 = tpu.vector_load %arg9[%swap3A_166, %swap3A_167] {strides = array<i32>} : memref<128x128xf32, #tpu.memory_space<vmem>>, vector<16xf32>,
        tpu.vector_store %arg9[%swap3A_166, %swap3A_167], %bitcast3A_163 {strides = array<i32>} : memref<128x128xf32, #tpu.memory_space<vmem>>, vector<16xf32>,
        %and3A_169 = arith.constant -65536 : i32
        %and3A_170 = vector.broadcast %and3A_169 : i32 to vector<16xi32>
        %and3A_171 = arith.andi %get3A_159, %and3A_170 : vector<16xi32>
        %bitcast3A_172 = vector.bitcast %and3A_171 : vector<16xi32> to vector<16xf32>
        %add3A_173 = arith.constant 0 : i32
        %add3A_174 = arith.addi %mul3A_90, %add3A_173 : i32
        %swap3A_175 = arith.index_cast %add3A_174 : i32 to index
        %swap3A_176 = arith.constant 112 : index
        %swap3A_177 = tpu.vector_load %arg9[%swap3A_175, %swap3A_176] {strides = array<i32>} : memref<128x128xf32, #tpu.memory_space<vmem>>, vector<16xf32>,
        tpu.vector_store %arg9[%swap3A_175, %swap3A_176], %bitcast3A_172 {strides = array<i32>} : memref<128x128xf32, #tpu.memory_space<vmem>>, vector<16xf32>,
        %add3A_178 = arith.constant 1 : i32
        %add3A_179 = arith.addi %mul3A_90, %add3A_178 : i32
        %get3A_180 = arith.index_cast %add3A_179 : i32 to index
        %get3A_181 = arith.constant 0 : index
        %get3A_182 = tpu.vector_load %arg8[%get3A_180, %get3A_181] {strides = array<i32>} : memref<128x64xi32, #tpu.memory_space<vmem>>, vector<16xi32>,
        %shift_left3A_183 = arith.constant 16 : i32
        %shift_left3A_184 = vector.broadcast %shift_left3A_183 : i32 to vector<16xi32>
        %shift_left3A_185 = arith.shli %get3A_182, %shift_left3A_184 : vector<16xi32>
        %bitcast3A_186 = vector.bitcast %shift_left3A_185 : vector<16xi32> to vector<16xf32>
        %add3A_187 = arith.constant 1 : i32
        %add3A_188 = arith.addi %mul3A_90, %add3A_187 : i32
        %swap3A_189 = arith.index_cast %add3A_188 : i32 to index
        %swap3A_190 = arith.constant 0 : index
        %swap3A_191 = tpu.vector_load %arg9[%swap3A_189, %swap3A_190] {strides = array<i32>} : memref<128x128xf32, #tpu.memory_space<vmem>>, vector<16xf32>,
        tpu.vector_store %arg9[%swap3A_189, %swap3A_190], %bitcast3A_186 {strides = array<i32>} : memref<128x128xf32, #tpu.memory_space<vmem>>, vector<16xf32>,
        %and3A_192 = arith.constant -65536 : i32
        %and3A_193 = vector.broadcast %and3A_192 : i32 to vector<16xi32>
        %and3A_194 = arith.andi %get3A_182, %and3A_193 : vector<16xi32>
        %bitcast3A_195 = vector.bitcast %and3A_194 : vector<16xi32> to vector<16xf32>
        %add3A_196 = arith.constant 1 : i32
        %add3A_197 = arith.addi %mul3A_90, %add3A_196 : i32
        %swap3A_198 = arith.index_cast %add3A_197 : i32 to index
        %swap3A_199 = arith.constant 64 : index
        %swap3A_200 = tpu.vector_load %arg9[%swap3A_198, %swap3A_199] {strides = array<i32>} : memref<128x128xf32, #tpu.memory_space<vmem>>, vector<16xf32>,
        tpu.vector_store %arg9[%swap3A_198, %swap3A_199], %bitcast3A_195 {strides = array<i32>} : memref<128x128xf32, #tpu.memory_space<vmem>>, vector<16xf32>,
        %add3A_201 = arith.constant 1 : i32
        %add3A_202 = arith.addi %mul3A_90, %add3A_201 : i32
        %get3A_203 = arith.index_cast %add3A_202 : i32 to index
        %get3A_204 = arith.constant 16 : index
        %get3A_205 = tpu.vector_load %arg8[%get3A_203, %get3A_204] {strides = array<i32>} : memref<128x64xi32, #tpu.memory_space<vmem>>, vector<16xi32>,
        %shift_left3A_206 = arith.constant 16 : i32
        %shift_left3A_207 = vector.broadcast %shift_left3A_206 : i32 to vector<16xi32>
        %shift_left3A_208 = arith.shli %get3A_205, %shift_left3A_207 : vector<16xi32>
        %bitcast3A_209 = vector.bitcast %shift_left3A_208 : vector<16xi32> to vector<16xf32>
        %add3A_210 = arith.constant 1 : i32
        %add3A_211 = arith.addi %mul3A_90, %add3A_210 : i32
        %swap3A_212 = arith.index_cast %add3A_211 : i32 to index
        %swap3A_213 = arith.constant 16 : index
        %swap3A_214 = tpu.vector_load %arg9[%swap3A_212, %swap3A_213] {strides = array<i32>} : memref<128x128xf32, #tpu.memory_space<vmem>>, vector<16xf32>,
        tpu.vector_store %arg9[%swap3A_212, %swap3A_213], %bitcast3A_209 {strides = array<i32>} : memref<128x128xf32, #tpu.memory_space<vmem>>, vector<16xf32>,
        %and3A_215 = arith.constant -65536 : i32
        %and3A_216 = vector.broadcast %and3A_215 : i32 to vector<16xi32>
        %and3A_217 = arith.andi %get3A_205, %and3A_216 : vector<16xi32>
        %bitcast3A_218 = vector.bitcast %and3A_217 : vector<16xi32> to vector<16xf32>
        %add3A_219 = arith.constant 1 : i32
        %add3A_220 = arith.addi %mul3A_90, %add3A_219 : i32
        %swap3A_221 = arith.index_cast %add3A_220 : i32 to index
        %swap3A_222 = arith.constant 80 : index
        %swap3A_223 = tpu.vector_load %arg9[%swap3A_221, %swap3A_222] {strides = array<i32>} : memref<128x128xf32, #tpu.memory_space<vmem>>, vector<16xf32>,
        tpu.vector_store %arg9[%swap3A_221, %swap3A_222], %bitcast3A_218 {strides = array<i32>} : memref<128x128xf32, #tpu.memory_space<vmem>>, vector<16xf32>,
        %add3A_224 = arith.constant 1 : i32
        %add3A_225 = arith.addi %mul3A_90, %add3A_224 : i32
        %get3A_226 = arith.index_cast %add3A_225 : i32 to index
        %get3A_227 = arith.constant 32 : index
        %get3A_228 = tpu.vector_load %arg8[%get3A_226, %get3A_227] {strides = array<i32>} : memref<128x64xi32, #tpu.memory_space<vmem>>, vector<16xi32>,
        %shift_left3A_229 = arith.constant 16 : i32
        %shift_left3A_230 = vector.broadcast %shift_left3A_229 : i32 to vector<16xi32>
        %shift_left3A_231 = arith.shli %get3A_228, %shift_left3A_230 : vector<16xi32>
        %bitcast3A_232 = vector.bitcast %shift_left3A_231 : vector<16xi32> to vector<16xf32>
        %add3A_233 = arith.constant 1 : i32
        %add3A_234 = arith.addi %mul3A_90, %add3A_233 : i32
        %swap3A_235 = arith.index_cast %add3A_234 : i32 to index
        %swap3A_236 = arith.constant 32 : index
        %swap3A_237 = tpu.vector_load %arg9[%swap3A_235, %swap3A_236] {strides = array<i32>} : memref<128x128xf32, #tpu.memory_space<vmem>>, vector<16xf32>,
        tpu.vector_store %arg9[%swap3A_235, %swap3A_236], %bitcast3A_232 {strides = array<i32>} : memref<128x128xf32, #tpu.memory_space<vmem>>, vector<16xf32>,
        %and3A_238 = arith.constant -65536 : i32
        %and3A_239 = vector.broadcast %and3A_238 : i32 to vector<16xi32>
        %and3A_240 = arith.andi %get3A_228, %and3A_239 : vector<16xi32>
        %bitcast3A_241 = vector.bitcast %and3A_240 : vector<16xi32> to vector<16xf32>
        %add3A_242 = arith.constant 1 : i32
        %add3A_243 = arith.addi %mul3A_90, %add3A_242 : i32
        %swap3A_244 = arith.index_cast %add3A_243 : i32 to index
        %swap3A_245 = arith.constant 96 : index
        %swap3A_246 = tpu.vector_load %arg9[%swap3A_244, %swap3A_245] {strides = array<i32>} : memref<128x128xf32, #tpu.memory_space<vmem>>, vector<16xf32>,
        tpu.vector_store %arg9[%swap3A_244, %swap3A_245], %bitcast3A_241 {strides = array<i32>} : memref<128x128xf32, #tpu.memory_space<vmem>>, vector<16xf32>,
        %add3A_247 = arith.constant 1 : i32
        %add3A_248 = arith.addi %mul3A_90, %add3A_247 : i32
        %get3A_249 = arith.index_cast %add3A_248 : i32 to index
        %get3A_250 = arith.constant 48 : index
        %get3A_251 = tpu.vector_load %arg8[%get3A_249, %get3A_250] {strides = array<i32>} : memref<128x64xi32, #tpu.memory_space<vmem>>, vector<16xi32>,
        %shift_left3A_252 = arith.constant 16 : i32
        %shift_left3A_253 = vector.broadcast %shift_left3A_252 : i32 to vector<16xi32>
        %shift_left3A_254 = arith.shli %get3A_251, %shift_left3A_253 : vector<16xi32>
        %bitcast3A_255 = vector.bitcast %shift_left3A_254 : vector<16xi32> to vector<16xf32>
        %add3A_256 = arith.constant 1 : i32
        %add3A_257 = arith.addi %mul3A_90, %add3A_256 : i32
        %swap3A_258 = arith.index_cast %add3A_257 : i32 to index
        %swap3A_259 = arith.constant 48 : index
        %swap3A_260 = tpu.vector_load %arg9[%swap3A_258, %swap3A_259] {strides = array<i32>} : memref<128x128xf32, #tpu.memory_space<vmem>>, vector<16xf32>,
        tpu.vector_store %arg9[%swap3A_258, %swap3A_259], %bitcast3A_255 {strides = array<i32>} : memref<128x128xf32, #tpu.memory_space<vmem>>, vector<16xf32>,
        %and3A_261 = arith.constant -65536 : i32
        %and3A_262 = vector.broadcast %and3A_261 : i32 to vector<16xi32>
        %and3A_263 = arith.andi %get3A_251, %and3A_262 : vector<16xi32>
        %bitcast3A_264 = vector.bitcast %and3A_263 : vector<16xi32> to vector<16xf32>
        %add3A_265 = arith.constant 1 : i32
        %add3A_266 = arith.addi %mul3A_90, %add3A_265 : i32
        %swap3A_267 = arith.index_cast %add3A_266 : i32 to index
        %swap3A_268 = arith.constant 112 : index
        %swap3A_269 = tpu.vector_load %arg9[%swap3A_267, %swap3A_268] {strides = array<i32>} : memref<128x128xf32, #tpu.memory_space<vmem>>, vector<16xf32>,
        tpu.vector_store %arg9[%swap3A_267, %swap3A_268], %bitcast3A_264 {strides = array<i32>} : memref<128x128xf32, #tpu.memory_space<vmem>>, vector<16xf32>,
        %add3A_270 = arith.constant 2 : i32
        %add3A_271 = arith.addi %mul3A_90, %add3A_270 : i32
        %get3A_272 = arith.index_cast %add3A_271 : i32 to index
        %get3A_273 = arith.constant 0 : index
        %get3A_274 = tpu.vector_load %arg8[%get3A_272, %get3A_273] {strides = array<i32>} : memref<128x64xi32, #tpu.memory_space<vmem>>, vector<16xi32>,
        %shift_left3A_275 = arith.constant 16 : i32
        %shift_left3A_276 = vector.broadcast %shift_left3A_275 : i32 to vector<16xi32>
        %shift_left3A_277 = arith.shli %get3A_274, %shift_left3A_276 : vector<16xi32>
        %bitcast3A_278 = vector.bitcast %shift_left3A_277 : vector<16xi32> to vector<16xf32>
        %add3A_279 = arith.constant 2 : i32
        %add3A_280 = arith.addi %mul3A_90, %add3A_279 : i32
        %swap3A_281 = arith.index_cast %add3A_280 : i32 to index
        %swap3A_282 = arith.constant 0 : index
        %swap3A_283 = tpu.vector_load %arg9[%swap3A_281, %swap3A_282] {strides = array<i32>} : memref<128x128xf32, #tpu.memory_space<vmem>>, vector<16xf32>,
        tpu.vector_store %arg9[%swap3A_281, %swap3A_282], %bitcast3A_278 {strides = array<i32>} : memref<128x128xf32, #tpu.memory_space<vmem>>, vector<16xf32>,
        %and3A_284 = arith.constant -65536 : i32
        %and3A_285 = vector.broadcast %and3A_284 : i32 to vector<16xi32>
        %and3A_286 = arith.andi %get3A_274, %and3A_285 : vector<16xi32>
        %bitcast3A_287 = vector.bitcast %and3A_286 : vector<16xi32> to vector<16xf32>
        %add3A_288 = arith.constant 2 : i32
        %add3A_289 = arith.addi %mul3A_90, %add3A_288 : i32
        %swap3A_290 = arith.index_cast %add3A_289 : i32 to index
        %swap3A_291 = arith.constant 64 : index
        %swap3A_292 = tpu.vector_load %arg9[%swap3A_290, %swap3A_291] {strides = array<i32>} : memref<128x128xf32, #tpu.memory_space<vmem>>, vector<16xf32>,
        tpu.vector_store %arg9[%swap3A_290, %swap3A_291], %bitcast3A_287 {strides = array<i32>} : memref<128x128xf32, #tpu.memory_space<vmem>>, vector<16xf32>,
        %add3A_293 = arith.constant 2 : i32
        %add3A_294 = arith.addi %mul3A_90, %add3A_293 : i32
        %get3A_295 = arith.index_cast %add3A_294 : i32 to index
        %get3A_296 = arith.constant 16 : index
        %get3A_297 = tpu.vector_load %arg8[%get3A_295, %get3A_296] {strides = array<i32>} : memref<128x64xi32, #tpu.memory_space<vmem>>, vector<16xi32>,
        %shift_left3A_298 = arith.constant 16 : i32
        %shift_left3A_299 = vector.broadcast %shift_left3A_298 : i32 to vector<16xi32>
        %shift_left3A_300 = arith.shli %get3A_297, %shift_left3A_299 : vector<16xi32>
        %bitcast3A_301 = vector.bitcast %shift_left3A_300 : vector<16xi32> to vector<16xf32>
        %add3A_302 = arith.constant 2 : i32
        %add3A_303 = arith.addi %mul3A_90, %add3A_302 : i32
        %swap3A_304 = arith.index_cast %add3A_303 : i32 to index
        %swap3A_305 = arith.constant 16 : index
        %swap3A_306 = tpu.vector_load %arg9[%swap3A_304, %swap3A_305] {strides = array<i32>} : memref<128x128xf32, #tpu.memory_space<vmem>>, vector<16xf32>,
        tpu.vector_store %arg9[%swap3A_304, %swap3A_305], %bitcast3A_301 {strides = array<i32>} : memref<128x128xf32, #tpu.memory_space<vmem>>, vector<16xf32>,
        %and3A_307 = arith.constant -65536 : i32
        %and3A_308 = vector.broadcast %and3A_307 : i32 to vector<16xi32>
        %and3A_309 = arith.andi %get3A_297, %and3A_308 : vector<16xi32>
        %bitcast3A_310 = vector.bitcast %and3A_309 : vector<16xi32> to vector<16xf32>
        %add3A_311 = arith.constant 2 : i32
        %add3A_312 = arith.addi %mul3A_90, %add3A_311 : i32
        %swap3A_313 = arith.index_cast %add3A_312 : i32 to index
        %swap3A_314 = arith.constant 80 : index
        %swap3A_315 = tpu.vector_load %arg9[%swap3A_313, %swap3A_314] {strides = array<i32>} : memref<128x128xf32, #tpu.memory_space<vmem>>, vector<16xf32>,
        tpu.vector_store %arg9[%swap3A_313, %swap3A_314], %bitcast3A_310 {strides = array<i32>} : memref<128x128xf32, #tpu.memory_space<vmem>>, vector<16xf32>,
        %add3A_316 = arith.constant 2 : i32
        %add3A_317 = arith.addi %mul3A_90, %add3A_316 : i32
        %get3A_318 = arith.index_cast %add3A_317 : i32 to index
        %get3A_319 = arith.constant 32 : index
        %get3A_320 = tpu.vector_load %arg8[%get3A_318, %get3A_319] {strides = array<i32>} : memref<128x64xi32, #tpu.memory_space<vmem>>, vector<16xi32>,
        %shift_left3A_321 = arith.constant 16 : i32
        %shift_left3A_322 = vector.broadcast %shift_left3A_321 : i32 to vector<16xi32>
        %shift_left3A_323 = arith.shli %get3A_320, %shift_left3A_322 : vector<16xi32>
        %bitcast3A_324 = vector.bitcast %shift_left3A_323 : vector<16xi32> to vector<16xf32>
        %add3A_325 = arith.constant 2 : i32
        %add3A_326 = arith.addi %mul3A_90, %add3A_325 : i32
        %swap3A_327 = arith.index_cast %add3A_326 : i32 to index
        %swap3A_328 = arith.constant 32 : index
        %swap3A_329 = tpu.vector_load %arg9[%swap3A_327, %swap3A_328] {strides = array<i32>} : memref<128x128xf32, #tpu.memory_space<vmem>>, vector<16xf32>,
        tpu.vector_store %arg9[%swap3A_327, %swap3A_328], %bitcast3A_324 {strides = array<i32>} : memref<128x128xf32, #tpu.memory_space<vmem>>, vector<16xf32>,
        %and3A_330 = arith.constant -65536 : i32
        %and3A_331 = vector.broadcast %and3A_330 : i32 to vector<16xi32>
        %and3A_332 = arith.andi %get3A_320, %and3A_331 : vector<16xi32>
        %bitcast3A_333 = vector.bitcast %and3A_332 : vector<16xi32> to vector<16xf32>
        %add3A_334 = arith.constant 2 : i32
        %add3A_335 = arith.addi %mul3A_90, %add3A_334 : i32
        %swap3A_336 = arith.index_cast %add3A_335 : i32 to index
        %swap3A_337 = arith.constant 96 : index
        %swap3A_338 = tpu.vector_load %arg9[%swap3A_336, %swap3A_337] {strides = array<i32>} : memref<128x128xf32, #tpu.memory_space<vmem>>, vector<16xf32>,
        tpu.vector_store %arg9[%swap3A_336, %swap3A_337], %bitcast3A_333 {strides = array<i32>} : memref<128x128xf32, #tpu.memory_space<vmem>>, vector<16xf32>,
        %add3A_339 = arith.constant 2 : i32
        %add3A_340 = arith.addi %mul3A_90, %add3A_339 : i32
        %get3A_341 = arith.index_cast %add3A_340 : i32 to index
        %get3A_342 = arith.constant 48 : index
        %get3A_343 = tpu.vector_load %arg8[%get3A_341, %get3A_342] {strides = array<i32>} : memref<128x64xi32, #tpu.memory_space<vmem>>, vector<16xi32>,
        %shift_left3A_344 = arith.constant 16 : i32
        %shift_left3A_345 = vector.broadcast %shift_left3A_344 : i32 to vector<16xi32>
        %shift_left3A_346 = arith.shli %get3A_343, %shift_left3A_345 : vector<16xi32>
        %bitcast3A_347 = vector.bitcast %shift_left3A_346 : vector<16xi32> to vector<16xf32>
        %add3A_348 = arith.constant 2 : i32
        %add3A_349 = arith.addi %mul3A_90, %add3A_348 : i32
        %swap3A_350 = arith.index_cast %add3A_349 : i32 to index
        %swap3A_351 = arith.constant 48 : index
        %swap3A_352 = tpu.vector_load %arg9[%swap3A_350, %swap3A_351] {strides = array<i32>} : memref<128x128xf32, #tpu.memory_space<vmem>>, vector<16xf32>,
        tpu.vector_store %arg9[%swap3A_350, %swap3A_351], %bitcast3A_347 {strides = array<i32>} : memref<128x128xf32, #tpu.memory_space<vmem>>, vector<16xf32>,
        %and3A_353 = arith.constant -65536 : i32
        %and3A_354 = vector.broadcast %and3A_353 : i32 to vector<16xi32>
        %and3A_355 = arith.andi %get3A_343, %and3A_354 : vector<16xi32>
        %bitcast3A_356 = vector.bitcast %and3A_355 : vector<16xi32> to vector<16xf32>
        %add3A_357 = arith.constant 2 : i32
        %add3A_358 = arith.addi %mul3A_90, %add3A_357 : i32
        %swap3A_359 = arith.index_cast %add3A_358 : i32 to index
        %swap3A_360 = arith.constant 112 : index
        %swap3A_361 = tpu.vector_load %arg9[%swap3A_359, %swap3A_360] {strides = array<i32>} : memref<128x128xf32, #tpu.memory_space<vmem>>, vector<16xf32>,
        tpu.vector_store %arg9[%swap3A_359, %swap3A_360], %bitcast3A_356 {strides = array<i32>} : memref<128x128xf32, #tpu.memory_space<vmem>>, vector<16xf32>,
        %add3A_362 = arith.constant 3 : i32
        %add3A_363 = arith.addi %mul3A_90, %add3A_362 : i32
        %get3A_364 = arith.index_cast %add3A_363 : i32 to index
        %get3A_365 = arith.constant 0 : index
        %get3A_366 = tpu.vector_load %arg8[%get3A_364, %get3A_365] {strides = array<i32>} : memref<128x64xi32, #tpu.memory_space<vmem>>, vector<16xi32>,
        %shift_left3A_367 = arith.constant 16 : i32
        %shift_left3A_368 = vector.broadcast %shift_left3A_367 : i32 to vector<16xi32>
        %shift_left3A_369 = arith.shli %get3A_366, %shift_left3A_368 : vector<16xi32>
        %bitcast3A_370 = vector.bitcast %shift_left3A_369 : vector<16xi32> to vector<16xf32>
        %add3A_371 = arith.constant 3 : i32
        %add3A_372 = arith.addi %mul3A_90, %add3A_371 : i32
        %swap3A_373 = arith.index_cast %add3A_372 : i32 to index
        %swap3A_374 = arith.constant 0 : index
        %swap3A_375 = tpu.vector_load %arg9[%swap3A_373, %swap3A_374] {strides = array<i32>} : memref<128x128xf32, #tpu.memory_space<vmem>>, vector<16xf32>,
        tpu.vector_store %arg9[%swap3A_373, %swap3A_374], %bitcast3A_370 {strides = array<i32>} : memref<128x128xf32, #tpu.memory_space<vmem>>, vector<16xf32>,
        %and3A_376 = arith.constant -65536 : i32
        %and3A_377 = vector.broadcast %and3A_376 : i32 to vector<16xi32>
        %and3A_378 = arith.andi %get3A_366, %and3A_377 : vector<16xi32>
        %bitcast3A_379 = vector.bitcast %and3A_378 : vector<16xi32> to vector<16xf32>
        %add3A_380 = arith.constant 3 : i32
        %add3A_381 = arith.addi %mul3A_90, %add3A_380 : i32
        %swap3A_382 = arith.index_cast %add3A_381 : i32 to index
        %swap3A_383 = arith.constant 64 : index
        %swap3A_384 = tpu.vector_load %arg9[%swap3A_382, %swap3A_383] {strides = array<i32>} : memref<128x128xf32, #tpu.memory_space<vmem>>, vector<16xf32>,
        tpu.vector_store %arg9[%swap3A_382, %swap3A_383], %bitcast3A_379 {strides = array<i32>} : memref<128x128xf32, #tpu.memory_space<vmem>>, vector<16xf32>,
        %add3A_385 = arith.constant 3 : i32
        %add3A_386 = arith.addi %mul3A_90, %add3A_385 : i32
        %get3A_387 = arith.index_cast %add3A_386 : i32 to index
        %get3A_388 = arith.constant 16 : index
        %get3A_389 = tpu.vector_load %arg8[%get3A_387, %get3A_388] {strides = array<i32>} : memref<128x64xi32, #tpu.memory_space<vmem>>, vector<16xi32>,
        %shift_left3A_390 = arith.constant 16 : i32
        %shift_left3A_391 = vector.broadcast %shift_left3A_390 : i32 to vector<16xi32>
        %shift_left3A_392 = arith.shli %get3A_389, %shift_left3A_391 : vector<16xi32>
        %bitcast3A_393 = vector.bitcast %shift_left3A_392 : vector<16xi32> to vector<16xf32>
        %add3A_394 = arith.constant 3 : i32
        %add3A_395 = arith.addi %mul3A_90, %add3A_394 : i32
        %swap3A_396 = arith.index_cast %add3A_395 : i32 to index
        %swap3A_397 = arith.constant 16 : index
        %swap3A_398 = tpu.vector_load %arg9[%swap3A_396, %swap3A_397] {strides = array<i32>} : memref<128x128xf32, #tpu.memory_space<vmem>>, vector<16xf32>,
        tpu.vector_store %arg9[%swap3A_396, %swap3A_397], %bitcast3A_393 {strides = array<i32>} : memref<128x128xf32, #tpu.memory_space<vmem>>, vector<16xf32>,
        %and3A_399 = arith.constant -65536 : i32
        %and3A_400 = vector.broadcast %and3A_399 : i32 to vector<16xi32>
        %and3A_401 = arith.andi %get3A_389, %and3A_400 : vector<16xi32>
        %bitcast3A_402 = vector.bitcast %and3A_401 : vector<16xi32> to vector<16xf32>
        %add3A_403 = arith.constant 3 : i32
        %add3A_404 = arith.addi %mul3A_90, %add3A_403 : i32
        %swap3A_405 = arith.index_cast %add3A_404 : i32 to index
        %swap3A_406 = arith.constant 80 : index
        %swap3A_407 = tpu.vector_load %arg9[%swap3A_405, %swap3A_406] {strides = array<i32>} : memref<128x128xf32, #tpu.memory_space<vmem>>, vector<16xf32>,
        tpu.vector_store %arg9[%swap3A_405, %swap3A_406], %bitcast3A_402 {strides = array<i32>} : memref<128x128xf32, #tpu.memory_space<vmem>>, vector<16xf32>,
        %add3A_408 = arith.constant 3 : i32
        %add3A_409 = arith.addi %mul3A_90, %add3A_408 : i32
        %get3A_410 = arith.index_cast %add3A_409 : i32 to index
        %get3A_411 = arith.constant 32 : index
        %get3A_412 = tpu.vector_load %arg8[%get3A_410, %get3A_411] {strides = array<i32>} : memref<128x64xi32, #tpu.memory_space<vmem>>, vector<16xi32>,
        %shift_left3A_413 = arith.constant 16 : i32
        %shift_left3A_414 = vector.broadcast %shift_left3A_413 : i32 to vector<16xi32>
        %shift_left3A_415 = arith.shli %get3A_412, %shift_left3A_414 : vector<16xi32>
        %bitcast3A_416 = vector.bitcast %shift_left3A_415 : vector<16xi32> to vector<16xf32>
        %add3A_417 = arith.constant 3 : i32
        %add3A_418 = arith.addi %mul3A_90, %add3A_417 : i32
        %swap3A_419 = arith.index_cast %add3A_418 : i32 to index
        %swap3A_420 = arith.constant 32 : index
        %swap3A_421 = tpu.vector_load %arg9[%swap3A_419, %swap3A_420] {strides = array<i32>} : memref<128x128xf32, #tpu.memory_space<vmem>>, vector<16xf32>,
        tpu.vector_store %arg9[%swap3A_419, %swap3A_420], %bitcast3A_416 {strides = array<i32>} : memref<128x128xf32, #tpu.memory_space<vmem>>, vector<16xf32>,
        %and3A_422 = arith.constant -65536 : i32
        %and3A_423 = vector.broadcast %and3A_422 : i32 to vector<16xi32>
        %and3A_424 = arith.andi %get3A_412, %and3A_423 : vector<16xi32>
        %bitcast3A_425 = vector.bitcast %and3A_424 : vector<16xi32> to vector<16xf32>
        %add3A_426 = arith.constant 3 : i32
        %add3A_427 = arith.addi %mul3A_90, %add3A_426 : i32
        %swap3A_428 = arith.index_cast %add3A_427 : i32 to index
        %swap3A_429 = arith.constant 96 : index
        %swap3A_430 = tpu.vector_load %arg9[%swap3A_428, %swap3A_429] {strides = array<i32>} : memref<128x128xf32, #tpu.memory_space<vmem>>, vector<16xf32>,
        tpu.vector_store %arg9[%swap3A_428, %swap3A_429], %bitcast3A_425 {strides = array<i32>} : memref<128x128xf32, #tpu.memory_space<vmem>>, vector<16xf32>,
        %add3A_431 = arith.constant 3 : i32
        %add3A_432 = arith.addi %mul3A_90, %add3A_431 : i32
        %get3A_433 = arith.index_cast %add3A_432 : i32 to index
        %get3A_434 = arith.constant 48 : index
        %get3A_435 = tpu.vector_load %arg8[%get3A_433, %get3A_434] {strides = array<i32>} : memref<128x64xi32, #tpu.memory_space<vmem>>, vector<16xi32>,
        %shift_left3A_436 = arith.constant 16 : i32
        %shift_left3A_437 = vector.broadcast %shift_left3A_436 : i32 to vector<16xi32>
        %shift_left3A_438 = arith.shli %get3A_435, %shift_left3A_437 : vector<16xi32>
        %bitcast3A_439 = vector.bitcast %shift_left3A_438 : vector<16xi32> to vector<16xf32>
        %add3A_440 = arith.constant 3 : i32
        %add3A_441 = arith.addi %mul3A_90, %add3A_440 : i32
        %swap3A_442 = arith.index_cast %add3A_441 : i32 to index
        %swap3A_443 = arith.constant 48 : index
        %swap3A_444 = tpu.vector_load %arg9[%swap3A_442, %swap3A_443] {strides = array<i32>} : memref<128x128xf32, #tpu.memory_space<vmem>>, vector<16xf32>,
        tpu.vector_store %arg9[%swap3A_442, %swap3A_443], %bitcast3A_439 {strides = array<i32>} : memref<128x128xf32, #tpu.memory_space<vmem>>, vector<16xf32>,
        %and3A_445 = arith.constant -65536 : i32
        %and3A_446 = vector.broadcast %and3A_445 : i32 to vector<16xi32>
        %and3A_447 = arith.andi %get3A_435, %and3A_446 : vector<16xi32>
        %bitcast3A_448 = vector.bitcast %and3A_447 : vector<16xi32> to vector<16xf32>
        %add3A_449 = arith.constant 3 : i32
        %add3A_450 = arith.addi %mul3A_90, %add3A_449 : i32
        %swap3A_451 = arith.index_cast %add3A_450 : i32 to index
        %swap3A_452 = arith.constant 112 : index
        %swap3A_453 = tpu.vector_load %arg9[%swap3A_451, %swap3A_452] {strides = array<i32>} : memref<128x128xf32, #tpu.memory_space<vmem>>, vector<16xf32>,
        tpu.vector_store %arg9[%swap3A_451, %swap3A_452], %bitcast3A_448 {strides = array<i32>} : memref<128x128xf32, #tpu.memory_space<vmem>>, vector<16xf32>,
      }
      %scan3A_85 = arith.constant 32 : i32
      %add3A_86 = arith.constant 40 : i32
      %add3A_87 = arith.addi %add3A_86, %add3A_50 : i32
      "tpu.region"() ({
        %run_scoped3A_88 = tpu.sem_alloc : memref<!tpu.dma_semaphore, #tpu.memory_space<semaphore_mem>>
        %dma_start3A_89 = arith.constant 0 : i32
        %dma_start3A_90 = tpu.memref_slice %arg10[%add3A_87, %dma_start3A_89] : memref<80x128xi32, #tpu.memory_space<vmem>> -> memref<1x128xi32, #tpu.memory_space<vmem>>
        %dma_start3A_91 = tpu.memref_squeeze %dma_start3A_90 : memref<1x128xi32, #tpu.memory_space<vmem>> -> memref<128xi32, #tpu.memory_space<vmem>>
        %dma_start3A_92 = arith.constant 0 : i32
        %dma_start3A_93 = arith.constant 0 : i32
        %dma_start3A_94 = tpu.memref_slice %arg11[%dma_start3A_92, %dma_start3A_93] : memref<10112x128xf32, #tpu.memory_space<vmem_shared>> -> memref<10112x128xf32, #tpu.memory_space<vmem_shared>>
        tpu.enqueue_indirect_dma source(%arg9 : memref<128x128xf32, #tpu.memory_space<vmem>>) target(%dma_start3A_94 : memref<10112x128xf32, #tpu.memory_space<vmem_shared>>) offsets(%dma_start3A_91 : memref<128xi32, #tpu.memory_space<vmem>>) semaphore(%run_scoped3A_88 : memref<!tpu.dma_semaphore, #tpu.memory_space<semaphore_mem>>) {add = true}
        %dma_wait3A_95 = arith.constant 0 : i32
        %dma_wait3A_96 = tpu.memref_slice %arg10[%add3A_87, %dma_wait3A_95] : memref<80x128xi32, #tpu.memory_space<vmem>> -> memref<1x128xi32, #tpu.memory_space<vmem>>
        %dma_wait3A_97 = tpu.memref_squeeze %dma_wait3A_96 : memref<1x128xi32, #tpu.memory_space<vmem>> -> memref<128xi32, #tpu.memory_space<vmem>>
        %dma_wait3A_98 = arith.constant 0 : i32
        %dma_wait3A_99 = arith.constant 0 : i32
        %dma_wait3A_100 = tpu.memref_slice %arg11[%dma_wait3A_98, %dma_wait3A_99] : memref<10112x128xf32, #tpu.memory_space<vmem_shared>> -> memref<10112x128xf32, #tpu.memory_space<vmem_shared>>
        tpu.wait_indirect_dma semaphore(%run_scoped3A_88 : memref<!tpu.dma_semaphore, #tpu.memory_space<semaphore_mem>>) src(%arg9 : memref<128x128xf32, #tpu.memory_space<vmem>>) dst(%dma_wait3A_100 : memref<10112x128xf32, #tpu.memory_space<vmem_shared>>)
        tpu.yield
      }) : () -> ()
    }
    %scan3A_44 = arith.constant 20 : i32
    %barrier3A_45 = arith.constant 0 : index
    tpu.barrier barrier_id(%barrier3A_45)
    "tpu.region"() ({
      %run_scoped3A_46 = tpu.sem_alloc : memref<!tpu.dma_semaphore, #tpu.memory_space<semaphore_mem>>
      %dma_start3A_47 = arith.constant 0 : i32
      %dma_start3A_48 = tpu.memref_slice %arg5[%arg0, %mul3A_3, %dma_start3A_47] : memref<2x10112x128xf32, #tpu.memory_space<hbm>> -> memref<1x632x128xf32, #tpu.memory_space<hbm>>
      %dma_start3A_49 = tpu.memref_squeeze %dma_start3A_48 : memref<1x632x128xf32, #tpu.memory_space<hbm>> -> memref<632x128xf32, #tpu.memory_space<hbm>>
      %dma_start3A_50 = arith.constant 0 : i32
      %dma_start3A_51 = tpu.memref_slice %arg11[%mul3A_3, %dma_start3A_50] : memref<10112x128xf32, #tpu.memory_space<vmem_shared>> -> memref<632x128xf32, #tpu.memory_space<vmem_shared>>
      tpu.enqueue_dma source(%dma_start3A_51 : memref<632x128xf32, #tpu.memory_space<vmem_shared>>) target(%dma_start3A_49 : memref<632x128xf32, #tpu.memory_space<hbm>>) target_semaphore(%run_scoped3A_46 : memref<!tpu.dma_semaphore, #tpu.memory_space<semaphore_mem>>)
      %dma_wait3A = arith.constant 0 : i32
      %dma_wait3A_52 = tpu.memref_slice %arg5[%arg0, %mul3A_3, %dma_wait3A] : memref<2x10112x128xf32, #tpu.memory_space<hbm>> -> memref<1x632x128xf32, #tpu.memory_space<hbm>>
      %dma_wait3A_53 = tpu.memref_squeeze %dma_wait3A_52 : memref<1x632x128xf32, #tpu.memory_space<hbm>> -> memref<632x128xf32, #tpu.memory_space<hbm>>
      %dma_wait3A_54 = arith.constant 0 : i32
      %dma_wait3A_55 = tpu.memref_slice %arg11[%mul3A_3, %dma_wait3A_54] : memref<10112x128xf32, #tpu.memory_space<vmem_shared>> -> memref<632x128xf32, #tpu.memory_space<vmem_shared>>
      tpu.wait_dma2 semaphore(%run_scoped3A_46 : memref<!tpu.dma_semaphore, #tpu.memory_space<semaphore_mem>>) src(%dma_wait3A_55 : memref<632x128xf32, #tpu.memory_space<vmem_shared>>) dst(%dma_wait3A_53 : memref<632x128xf32, #tpu.memory_space<hbm>>)
      tpu.yield
    }) : () -> ()
    return
  }
}

#map = affine_map<(d0, d1) -> (0, 0)>
#map1 = affine_map<(d0, d1) -> (0, 0, 0, 0)>
#map2 = affine_map<(d0, d1) -> (0, 0, 0)>
module attributes {stable_mosaic.version = 14 : i64} {
  func.func @body(%arg0: i32, %arg1: i32, %arg2: memref<10112x64xi32, #tpu.memory_space<hbm>>, %arg3: memref<32x2x40x128xi32, #tpu.memory_space<hbm>>, %arg4: memref<32x80x128xi32, #tpu.memory_space<hbm>>, %arg5: memref<2x10112x128xf32, #tpu.memory_space<hbm>>, %arg6: memref<40x128xi32, #tpu.memory_space<vmem>>, %arg7: memref<128x64xi32, #tpu.memory_space<vmem>>, %arg8: memref<128x64xi32, #tpu.memory_space<vmem>>, %arg9: memref<128x128xf32, #tpu.memory_space<vmem>>, %arg10: memref<80x128xi32, #tpu.memory_space<vmem>>, %arg11: memref<10112x128xf32, #tpu.memory_space<vmem_shared>>, %arg12: memref<!tpu.dma_semaphore, #tpu.memory_space<semaphore_mem>>, %arg13: memref<!tpu.dma_semaphore, #tpu.memory_space<semaphore_mem>>) attributes {dimension_semantics = [#tpu.dimension_semantics<core_parallel>, #tpu.dimension_semantics<subcore_parallel>], iteration_bounds = array<i64: 2, 16>, scalar_prefetch = 0 : i64, scratch_operands = 8 : i64, tpu.core_type = #tpu.core_type<sc_vector_subcore>, window_params = [{transform_indices = #map}, {transform_indices = #map1}, {transform_indices = #map2}, {transform_indices = #map2}]} {
    %broadcast_in_dim3A = arith.constant 0.000000e+00 : f32
    %broadcast_in_dim3A_0 = vector.broadcast %broadcast_in_dim3A : f32 to vector<16xf32>
    %mul3A = arith.constant 16 : i32
    %mul3A_1 = arith.muli %arg0, %mul3A : i32
    %add3A = arith.addi %mul3A_1, %arg1 : i32
    %mul3A_2 = arith.constant 632 : i32
    %mul3A_3 = arith.muli %arg1, %mul3A_2 : i32
    %scan3A = arith.constant 0 : i32
    %scan3A_4 = arith.constant 0 : i32
    %scan3A_5 = arith.constant 128 : i32
    %scan3A_6 = arith.addi %scan3A_4, %scan3A_5 : i32
    %scan3A_7 = arith.constant 1 : i32
    scf.for %scan3A_46 = %scan3A_4 to %scan3A_6 step %scan3A_7  : i32 {
      %swap3A = arith.index_cast %scan3A_46 : i32 to index
      %swap3A_47 = arith.constant 0 : index
      %swap3A_48 = tpu.vector_load %arg9[%swap3A, %swap3A_47] {strides = array<i32>} : memref<128x128xf32, #tpu.memory_space<vmem>>, vector<16xf32>,
      tpu.vector_store %arg9[%swap3A, %swap3A_47], %broadcast_in_dim3A_0 {strides = array<i32>} : memref<128x128xf32, #tpu.memory_space<vmem>>, vector<16xf32>,
      %swap3A_49 = arith.index_cast %scan3A_46 : i32 to index
      %swap3A_50 = arith.constant 16 : index
      %swap3A_51 = tpu.vector_load %arg9[%swap3A_49, %swap3A_50] {strides = array<i32>} : memref<128x128xf32, #tpu.memory_space<vmem>>, vector<16xf32>,
      tpu.vector_store %arg9[%swap3A_49, %swap3A_50], %broadcast_in_dim3A_0 {strides = array<i32>} : memref<128x128xf32, #tpu.memory_space<vmem>>, vector<16xf32>,
      %swap3A_52 = arith.index_cast %scan3A_46 : i32 to index
      %swap3A_53 = arith.constant 32 : index
      %swap3A_54 = tpu.vector_load %arg9[%swap3A_52, %swap3A_53] {strides = array<i32>} : memref<128x128xf32, #tpu.memory_space<vmem>>, vector<16xf32>,
      tpu.vector_store %arg9[%swap3A_52, %swap3A_53], %broadcast_in_dim3A_0 {strides = array<i32>} : memref<128x128xf32, #tpu.memory_space<vmem>>, vector<16xf32>,
      %swap3A_55 = arith.index_cast %scan3A_46 : i32 to index
      %swap3A_56 = arith.constant 48 : index
      %swap3A_57 = tpu.vector_load %arg9[%swap3A_55, %swap3A_56] {strides = array<i32>} : memref<128x128xf32, #tpu.memory_space<vmem>>, vector<16xf32>,
      tpu.vector_store %arg9[%swap3A_55, %swap3A_56], %broadcast_in_dim3A_0 {strides = array<i32>} : memref<128x128xf32, #tpu.memory_space<vmem>>, vector<16xf32>,
      %swap3A_58 = arith.index_cast %scan3A_46 : i32 to index
      %swap3A_59 = arith.constant 64 : index
      %swap3A_60 = tpu.vector_load %arg9[%swap3A_58, %swap3A_59] {strides = array<i32>} : memref<128x128xf32, #tpu.memory_space<vmem>>, vector<16xf32>,
      tpu.vector_store %arg9[%swap3A_58, %swap3A_59], %broadcast_in_dim3A_0 {strides = array<i32>} : memref<128x128xf32, #tpu.memory_space<vmem>>, vector<16xf32>,
      %swap3A_61 = arith.index_cast %scan3A_46 : i32 to index
      %swap3A_62 = arith.constant 80 : index
      %swap3A_63 = tpu.vector_load %arg9[%swap3A_61, %swap3A_62] {strides = array<i32>} : memref<128x128xf32, #tpu.memory_space<vmem>>, vector<16xf32>,
      tpu.vector_store %arg9[%swap3A_61, %swap3A_62], %broadcast_in_dim3A_0 {strides = array<i32>} : memref<128x128xf32, #tpu.memory_space<vmem>>, vector<16xf32>,
      %swap3A_64 = arith.index_cast %scan3A_46 : i32 to index
      %swap3A_65 = arith.constant 96 : index
      %swap3A_66 = tpu.vector_load %arg9[%swap3A_64, %swap3A_65] {strides = array<i32>} : memref<128x128xf32, #tpu.memory_space<vmem>>, vector<16xf32>,
      tpu.vector_store %arg9[%swap3A_64, %swap3A_65], %broadcast_in_dim3A_0 {strides = array<i32>} : memref<128x128xf32, #tpu.memory_space<vmem>>, vector<16xf32>,
      %swap3A_67 = arith.index_cast %scan3A_46 : i32 to index
      %swap3A_68 = arith.constant 112 : index
      %swap3A_69 = tpu.vector_load %arg9[%swap3A_67, %swap3A_68] {strides = array<i32>} : memref<128x128xf32, #tpu.memory_space<vmem>>, vector<16xf32>,
      tpu.vector_store %arg9[%swap3A_67, %swap3A_68], %broadcast_in_dim3A_0 {strides = array<i32>} : memref<128x128xf32, #tpu.memory_space<vmem>>, vector<16xf32>,
    }
    %scan3A_8 = arith.constant 128 : i32
    %add3A_9 = arith.constant 0 : i32
    %add3A_10 = arith.addi %mul3A_3, %add3A_9 : i32
    "tpu.region"() ({
      %run_scoped3A_46 = tpu.sem_alloc : memref<!tpu.dma_semaphore, #tpu.memory_space<semaphore_mem>>
      %dma_start3A_47 = arith.constant 0 : i32
      %dma_start3A_48 = tpu.memref_slice %arg11[%add3A_10, %dma_start3A_47] : memref<10112x128xf32, #tpu.memory_space<vmem_shared>> -> memref<128x128xf32, #tpu.memory_space<vmem_shared>>
      %dma_start3A_49 = arith.constant 0 : i32
      %dma_start3A_50 = tpu.memref_slice %arg11[%add3A_10, %dma_start3A_49] : memref<10112x128xf32, #tpu.memory_space<vmem_shared>> -> memref<128x128xf32, #tpu.memory_space<vmem_shared>>
      tpu.enqueue_dma source(%arg9 : memref<128x128xf32, #tpu.memory_space<vmem>>) target(%dma_start3A_50 : memref<128x128xf32, #tpu.memory_space<vmem_shared>>) target_semaphore(%run_scoped3A_46 : memref<!tpu.dma_semaphore, #tpu.memory_space<semaphore_mem>>)
      %dma_wait3A = arith.constant 0 : i32
      %dma_wait3A_51 = tpu.memref_slice %arg11[%add3A_10, %dma_wait3A] : memref<10112x128xf32, #tpu.memory_space<vmem_shared>> -> memref<128x128xf32, #tpu.memory_space<vmem_shared>>
      %dma_wait3A_52 = arith.constant 0 : i32
      %dma_wait3A_53 = tpu.memref_slice %arg11[%add3A_10, %dma_wait3A_52] : memref<10112x128xf32, #tpu.memory_space<vmem_shared>> -> memref<128x128xf32, #tpu.memory_space<vmem_shared>>
      tpu.wait_dma2 semaphore(%run_scoped3A_46 : memref<!tpu.dma_semaphore, #tpu.memory_space<semaphore_mem>>) src(%arg9 : memref<128x128xf32, #tpu.memory_space<vmem>>) dst(%dma_wait3A_53 : memref<128x128xf32, #tpu.memory_space<vmem_shared>>)
      tpu.yield
    }) : () -> ()
    %add3A_11 = arith.constant 128 : i32
    %add3A_12 = arith.addi %mul3A_3, %add3A_11 : i32
    "tpu.region"() ({
      %run_scoped3A_46 = tpu.sem_alloc : memref<!tpu.dma_semaphore, #tpu.memory_space<semaphore_mem>>
      %dma_start3A_47 = arith.constant 0 : i32
      %dma_start3A_48 = tpu.memref_slice %arg11[%add3A_12, %dma_start3A_47] : memref<10112x128xf32, #tpu.memory_space<vmem_shared>> -> memref<128x128xf32, #tpu.memory_space<vmem_shared>>
      %dma_start3A_49 = arith.constant 0 : i32
      %dma_start3A_50 = tpu.memref_slice %arg11[%add3A_12, %dma_start3A_49] : memref<10112x128xf32, #tpu.memory_space<vmem_shared>> -> memref<128x128xf32, #tpu.memory_space<vmem_shared>>
      tpu.enqueue_dma source(%arg9 : memref<128x128xf32, #tpu.memory_space<vmem>>) target(%dma_start3A_50 : memref<128x128xf32, #tpu.memory_space<vmem_shared>>) target_semaphore(%run_scoped3A_46 : memref<!tpu.dma_semaphore, #tpu.memory_space<semaphore_mem>>)
      %dma_wait3A = arith.constant 0 : i32
      %dma_wait3A_51 = tpu.memref_slice %arg11[%add3A_12, %dma_wait3A] : memref<10112x128xf32, #tpu.memory_space<vmem_shared>> -> memref<128x128xf32, #tpu.memory_space<vmem_shared>>
      %dma_wait3A_52 = arith.constant 0 : i32
      %dma_wait3A_53 = tpu.memref_slice %arg11[%add3A_12, %dma_wait3A_52] : memref<10112x128xf32, #tpu.memory_space<vmem_shared>> -> memref<128x128xf32, #tpu.memory_space<vmem_shared>>
      tpu.wait_dma2 semaphore(%run_scoped3A_46 : memref<!tpu.dma_semaphore, #tpu.memory_space<semaphore_mem>>) src(%arg9 : memref<128x128xf32, #tpu.memory_space<vmem>>) dst(%dma_wait3A_53 : memref<128x128xf32, #tpu.memory_space<vmem_shared>>)
      tpu.yield
    }) : () -> ()
    %add3A_13 = arith.constant 256 : i32
    %add3A_14 = arith.addi %mul3A_3, %add3A_13 : i32
    "tpu.region"() ({
      %run_scoped3A_46 = tpu.sem_alloc : memref<!tpu.dma_semaphore, #tpu.memory_space<semaphore_mem>>
      %dma_start3A_47 = arith.constant 0 : i32
      %dma_start3A_48 = tpu.memref_slice %arg11[%add3A_14, %dma_start3A_47] : memref<10112x128xf32, #tpu.memory_space<vmem_shared>> -> memref<128x128xf32, #tpu.memory_space<vmem_shared>>
      %dma_start3A_49 = arith.constant 0 : i32
      %dma_start3A_50 = tpu.memref_slice %arg11[%add3A_14, %dma_start3A_49] : memref<10112x128xf32, #tpu.memory_space<vmem_shared>> -> memref<128x128xf32, #tpu.memory_space<vmem_shared>>
      tpu.enqueue_dma source(%arg9 : memref<128x128xf32, #tpu.memory_space<vmem>>) target(%dma_start3A_50 : memref<128x128xf32, #tpu.memory_space<vmem_shared>>) target_semaphore(%run_scoped3A_46 : memref<!tpu.dma_semaphore, #tpu.memory_space<semaphore_mem>>)
      %dma_wait3A = arith.constant 0 : i32
      %dma_wait3A_51 = tpu.memref_slice %arg11[%add3A_14, %dma_wait3A] : memref<10112x128xf32, #tpu.memory_space<vmem_shared>> -> memref<128x128xf32, #tpu.memory_space<vmem_shared>>
      %dma_wait3A_52 = arith.constant 0 : i32
      %dma_wait3A_53 = tpu.memref_slice %arg11[%add3A_14, %dma_wait3A_52] : memref<10112x128xf32, #tpu.memory_space<vmem_shared>> -> memref<128x128xf32, #tpu.memory_space<vmem_shared>>
      tpu.wait_dma2 semaphore(%run_scoped3A_46 : memref<!tpu.dma_semaphore, #tpu.memory_space<semaphore_mem>>) src(%arg9 : memref<128x128xf32, #tpu.memory_space<vmem>>) dst(%dma_wait3A_53 : memref<128x128xf32, #tpu.memory_space<vmem_shared>>)
      tpu.yield
    }) : () -> ()
    %add3A_15 = arith.constant 384 : i32
    %add3A_16 = arith.addi %mul3A_3, %add3A_15 : i32
    "tpu.region"() ({
      %run_scoped3A_46 = tpu.sem_alloc : memref<!tpu.dma_semaphore, #tpu.memory_space<semaphore_mem>>
      %dma_start3A_47 = arith.constant 0 : i32
      %dma_start3A_48 = tpu.memref_slice %arg11[%add3A_16, %dma_start3A_47] : memref<10112x128xf32, #tpu.memory_space<vmem_shared>> -> memref<128x128xf32, #tpu.memory_space<vmem_shared>>
      %dma_start3A_49 = arith.constant 0 : i32
      %dma_start3A_50 = tpu.memref_slice %arg11[%add3A_16, %dma_start3A_49] : memref<10112x128xf32, #tpu.memory_space<vmem_shared>> -> memref<128x128xf32, #tpu.memory_space<vmem_shared>>
      tpu.enqueue_dma source(%arg9 : memref<128x128xf32, #tpu.memory_space<vmem>>) target(%dma_start3A_50 : memref<128x128xf32, #tpu.memory_space<vmem_shared>>) target_semaphore(%run_scoped3A_46 : memref<!tpu.dma_semaphore, #tpu.memory_space<semaphore_mem>>)
      %dma_wait3A = arith.constant 0 : i32
      %dma_wait3A_51 = tpu.memref_slice %arg11[%add3A_16, %dma_wait3A] : memref<10112x128xf32, #tpu.memory_space<vmem_shared>> -> memref<128x128xf32, #tpu.memory_space<vmem_shared>>
      %dma_wait3A_52 = arith.constant 0 : i32
      %dma_wait3A_53 = tpu.memref_slice %arg11[%add3A_16, %dma_wait3A_52] : memref<10112x128xf32, #tpu.memory_space<vmem_shared>> -> memref<128x128xf32, #tpu.memory_space<vmem_shared>>
      tpu.wait_dma2 semaphore(%run_scoped3A_46 : memref<!tpu.dma_semaphore, #tpu.memory_space<semaphore_mem>>) src(%arg9 : memref<128x128xf32, #tpu.memory_space<vmem>>) dst(%dma_wait3A_53 : memref<128x128xf32, #tpu.memory_space<vmem_shared>>)
      tpu.yield
    }) : () -> ()
    %add3A_17 = arith.constant 512 : i32
    %add3A_18 = arith.addi %mul3A_3, %add3A_17 : i32
    "tpu.region"() ({
      %run_scoped3A_46 = tpu.sem_alloc : memref<!tpu.dma_semaphore, #tpu.memory_space<semaphore_mem>>
      %dma_start3A_47 = arith.constant 0 : i32
      %dma_start3A_48 = arith.constant 0 : i32
      %dma_start3A_49 = tpu.memref_slice %arg9[%dma_start3A_47, %dma_start3A_48] : memref<128x128xf32, #tpu.memory_space<vmem>> -> memref<120x128xf32, #tpu.memory_space<vmem>>
      %dma_start3A_50 = arith.constant 0 : i32
      %dma_start3A_51 = tpu.memref_slice %arg11[%add3A_18, %dma_start3A_50] : memref<10112x128xf32, #tpu.memory_space<vmem_shared>> -> memref<120x128xf32, #tpu.memory_space<vmem_shared>>
      %dma_start3A_52 = arith.constant 0 : i32
      %dma_start3A_53 = tpu.memref_slice %arg11[%add3A_18, %dma_start3A_52] : memref<10112x128xf32, #tpu.memory_space<vmem_shared>> -> memref<120x128xf32, #tpu.memory_space<vmem_shared>>
      %dma_start3A_54 = arith.constant 0 : i32
      %dma_start3A_55 = arith.constant 0 : i32
      %dma_start3A_56 = tpu.memref_slice %arg9[%dma_start3A_54, %dma_start3A_55] : memref<128x128xf32, #tpu.memory_space<vmem>> -> memref<120x128xf32, #tpu.memory_space<vmem>>
      tpu.enqueue_dma source(%dma_start3A_56 : memref<120x128xf32, #tpu.memory_space<vmem>>) target(%dma_start3A_53 : memref<120x128xf32, #tpu.memory_space<vmem_shared>>) target_semaphore(%run_scoped3A_46 : memref<!tpu.dma_semaphore, #tpu.memory_space<semaphore_mem>>)
      %dma_wait3A = arith.constant 0 : i32
      %dma_wait3A_57 = arith.constant 0 : i32
      %dma_wait3A_58 = tpu.memref_slice %arg9[%dma_wait3A, %dma_wait3A_57] : memref<128x128xf32, #tpu.memory_space<vmem>> -> memref<120x128xf32, #tpu.memory_space<vmem>>
      %dma_wait3A_59 = arith.constant 0 : i32
      %dma_wait3A_60 = tpu.memref_slice %arg11[%add3A_18, %dma_wait3A_59] : memref<10112x128xf32, #tpu.memory_space<vmem_shared>> -> memref<120x128xf32, #tpu.memory_space<vmem_shared>>
      %dma_wait3A_61 = arith.constant 0 : i32
      %dma_wait3A_62 = tpu.memref_slice %arg11[%add3A_18, %dma_wait3A_61] : memref<10112x128xf32, #tpu.memory_space<vmem_shared>> -> memref<120x128xf32, #tpu.memory_space<vmem_shared>>
      %dma_wait3A_63 = arith.constant 0 : i32
      %dma_wait3A_64 = arith.constant 0 : i32
      %dma_wait3A_65 = tpu.memref_slice %arg9[%dma_wait3A_63, %dma_wait3A_64] : memref<128x128xf32, #tpu.memory_space<vmem>> -> memref<120x128xf32, #tpu.memory_space<vmem>>
      tpu.wait_dma2 semaphore(%run_scoped3A_46 : memref<!tpu.dma_semaphore, #tpu.memory_space<semaphore_mem>>) src(%dma_wait3A_65 : memref<120x128xf32, #tpu.memory_space<vmem>>) dst(%dma_wait3A_62 : memref<120x128xf32, #tpu.memory_space<vmem_shared>>)
      tpu.yield
    }) : () -> ()
    "tpu.region"() ({
      %run_scoped3A_46 = tpu.sem_alloc : memref<!tpu.dma_semaphore, #tpu.memory_space<semaphore_mem>>
      %dma_start3A_47 = arith.constant 0 : i32
      %dma_start3A_48 = arith.constant 0 : i32
      %dma_start3A_49 = tpu.memref_slice %arg4[%add3A, %dma_start3A_47, %dma_start3A_48] : memref<32x80x128xi32, #tpu.memory_space<hbm>> -> memref<1x80x128xi32, #tpu.memory_space<hbm>>
      %dma_start3A_50 = tpu.memref_squeeze %dma_start3A_49 : memref<1x80x128xi32, #tpu.memory_space<hbm>> -> memref<80x128xi32, #tpu.memory_space<hbm>>
      %dma_start3A_51 = arith.constant 0 : i32
      %dma_start3A_52 = arith.constant 0 : i32
      %dma_start3A_53 = tpu.memref_slice %arg4[%add3A, %dma_start3A_51, %dma_start3A_52] : memref<32x80x128xi32, #tpu.memory_space<hbm>> -> memref<1x80x128xi32, #tpu.memory_space<hbm>>
      %dma_start3A_54 = tpu.memref_squeeze %dma_start3A_53 : memref<1x80x128xi32, #tpu.memory_space<hbm>> -> memref<80x128xi32, #tpu.memory_space<hbm>>
      tpu.enqueue_dma source(%dma_start3A_54 : memref<80x128xi32, #tpu.memory_space<hbm>>) target(%arg10 : memref<80x128xi32, #tpu.memory_space<vmem>>) target_semaphore(%run_scoped3A_46 : memref<!tpu.dma_semaphore, #tpu.memory_space<semaphore_mem>>)
      %dma_wait3A = arith.constant 0 : i32
      %dma_wait3A_55 = arith.constant 0 : i32
      %dma_wait3A_56 = tpu.memref_slice %arg4[%add3A, %dma_wait3A, %dma_wait3A_55] : memref<32x80x128xi32, #tpu.memory_space<hbm>> -> memref<1x80x128xi32, #tpu.memory_space<hbm>>
      %dma_wait3A_57 = tpu.memref_squeeze %dma_wait3A_56 : memref<1x80x128xi32, #tpu.memory_space<hbm>> -> memref<80x128xi32, #tpu.memory_space<hbm>>
      %dma_wait3A_58 = arith.constant 0 : i32
      %dma_wait3A_59 = arith.constant 0 : i32
      %dma_wait3A_60 = tpu.memref_slice %arg4[%add3A, %dma_wait3A_58, %dma_wait3A_59] : memref<32x80x128xi32, #tpu.memory_space<hbm>> -> memref<1x80x128xi32, #tpu.memory_space<hbm>>
      %dma_wait3A_61 = tpu.memref_squeeze %dma_wait3A_60 : memref<1x80x128xi32, #tpu.memory_space<hbm>> -> memref<80x128xi32, #tpu.memory_space<hbm>>
      tpu.wait_dma2 semaphore(%run_scoped3A_46 : memref<!tpu.dma_semaphore, #tpu.memory_space<semaphore_mem>>) src(%dma_wait3A_61 : memref<80x128xi32, #tpu.memory_space<hbm>>) dst(%arg10 : memref<80x128xi32, #tpu.memory_space<vmem>>)
      tpu.yield
    }) : () -> ()
    %barrier3A = arith.constant 0 : index
    tpu.barrier barrier_id(%barrier3A)
    %run_scoped3A = arith.constant 0 : i32
    "tpu.region"() ({
      %run_scoped3A_46 = tpu.sem_alloc : memref<!tpu.dma_semaphore, #tpu.memory_space<semaphore_mem>>
      %dma_start3A_47 = arith.constant 0 : i32
      %dma_start3A_48 = arith.constant 0 : i32
      %dma_start3A_49 = tpu.memref_slice %arg3[%add3A, %run_scoped3A, %dma_start3A_47, %dma_start3A_48] : memref<32x2x40x128xi32, #tpu.memory_space<hbm>> -> memref<1x1x40x128xi32, #tpu.memory_space<hbm>>
      %dma_start3A_50 = tpu.memref_squeeze %dma_start3A_49 : memref<1x1x40x128xi32, #tpu.memory_space<hbm>> -> memref<40x128xi32, #tpu.memory_space<hbm>>
      %dma_start3A_51 = arith.constant 0 : i32
      %dma_start3A_52 = arith.constant 0 : i32
      %dma_start3A_53 = tpu.memref_slice %arg3[%add3A, %run_scoped3A, %dma_start3A_51, %dma_start3A_52] : memref<32x2x40x128xi32, #tpu.memory_space<hbm>> -> memref<1x1x40x128xi32, #tpu.memory_space<hbm>>
      %dma_start3A_54 = tpu.memref_squeeze %dma_start3A_53 : memref<1x1x40x128xi32, #tpu.memory_space<hbm>> -> memref<40x128xi32, #tpu.memory_space<hbm>>
      tpu.enqueue_dma source(%dma_start3A_54 : memref<40x128xi32, #tpu.memory_space<hbm>>) target(%arg6 : memref<40x128xi32, #tpu.memory_space<vmem>>) target_semaphore(%run_scoped3A_46 : memref<!tpu.dma_semaphore, #tpu.memory_space<semaphore_mem>>)
      %dma_wait3A = arith.constant 0 : i32
      %dma_wait3A_55 = arith.constant 0 : i32
      %dma_wait3A_56 = tpu.memref_slice %arg3[%add3A, %run_scoped3A, %dma_wait3A, %dma_wait3A_55] : memref<32x2x40x128xi32, #tpu.memory_space<hbm>> -> memref<1x1x40x128xi32, #tpu.memory_space<hbm>>
      %dma_wait3A_57 = tpu.memref_squeeze %dma_wait3A_56 : memref<1x1x40x128xi32, #tpu.memory_space<hbm>> -> memref<40x128xi32, #tpu.memory_space<hbm>>
      %dma_wait3A_58 = arith.constant 0 : i32
      %dma_wait3A_59 = arith.constant 0 : i32
      %dma_wait3A_60 = tpu.memref_slice %arg3[%add3A, %run_scoped3A, %dma_wait3A_58, %dma_wait3A_59] : memref<32x2x40x128xi32, #tpu.memory_space<hbm>> -> memref<1x1x40x128xi32, #tpu.memory_space<hbm>>
      %dma_wait3A_61 = tpu.memref_squeeze %dma_wait3A_60 : memref<1x1x40x128xi32, #tpu.memory_space<hbm>> -> memref<40x128xi32, #tpu.memory_space<hbm>>
      tpu.wait_dma2 semaphore(%run_scoped3A_46 : memref<!tpu.dma_semaphore, #tpu.memory_space<semaphore_mem>>) src(%dma_wait3A_61 : memref<40x128xi32, #tpu.memory_space<hbm>>) dst(%arg6 : memref<40x128xi32, #tpu.memory_space<vmem>>)
      tpu.yield
    }) : () -> ()
    %dma_start3A = arith.constant 0 : i32
    %dma_start3A_19 = arith.constant 0 : i32
    %dma_start3A_20 = tpu.memref_slice %arg6[%dma_start3A, %dma_start3A_19] : memref<40x128xi32, #tpu.memory_space<vmem>> -> memref<1x128xi32, #tpu.memory_space<vmem>>
    %dma_start3A_21 = tpu.memref_squeeze %dma_start3A_20 : memref<1x128xi32, #tpu.memory_space<vmem>> -> memref<128xi32, #tpu.memory_space<vmem>>
    %dma_start3A_22 = arith.constant 0 : i32
    %dma_start3A_23 = arith.constant 0 : i32
    %dma_start3A_24 = tpu.memref_slice %arg2[%dma_start3A_22, %dma_start3A_23] : memref<10112x64xi32, #tpu.memory_space<hbm>> -> memref<10112x64xi32, #tpu.memory_space<hbm>>
    tpu.enqueue_indirect_dma source(%dma_start3A_24 : memref<10112x64xi32, #tpu.memory_space<hbm>>) target(%arg7 : memref<128x64xi32, #tpu.memory_space<vmem>>) offsets(%dma_start3A_21 : memref<128xi32, #tpu.memory_space<vmem>>) semaphore(%arg12 : memref<!tpu.dma_semaphore, #tpu.memory_space<semaphore_mem>>)
    %scan3A_25 = arith.constant 0 : i32
    %scan3A_26 = arith.constant 0 : i32
    %scan3A_27 = arith.constant 20 : i32
    %scan3A_28 = arith.addi %scan3A_26, %scan3A_27 : i32
    %scan3A_29 = arith.constant 1 : i32
    scf.for %scan3A_46 = %scan3A_26 to %scan3A_28 step %scan3A_29  : i32 {
      %mul3A_47 = arith.constant 2 : i32
      %mul3A_48 = arith.muli %mul3A_47, %scan3A_46 : i32
      %add3A_49 = arith.constant 1 : i32
      %add3A_50 = arith.addi %mul3A_48, %add3A_49 : i32
      %dma_wait3A = arith.constant 0 : i32
      %dma_wait3A_51 = tpu.memref_slice %arg6[%mul3A_48, %dma_wait3A] : memref<40x128xi32, #tpu.memory_space<vmem>> -> memref<1x128xi32, #tpu.memory_space<vmem>>
      %dma_wait3A_52 = tpu.memref_squeeze %dma_wait3A_51 : memref<1x128xi32, #tpu.memory_space<vmem>> -> memref<128xi32, #tpu.memory_space<vmem>>
      %dma_wait3A_53 = arith.constant 0 : i32
      %dma_wait3A_54 = arith.constant 0 : i32
      %dma_wait3A_55 = tpu.memref_slice %arg2[%dma_wait3A_53, %dma_wait3A_54] : memref<10112x64xi32, #tpu.memory_space<hbm>> -> memref<10112x64xi32, #tpu.memory_space<hbm>>
      tpu.wait_indirect_dma semaphore(%arg12 : memref<!tpu.dma_semaphore, #tpu.memory_space<semaphore_mem>>) src(%dma_wait3A_55 : memref<10112x64xi32, #tpu.memory_space<hbm>>) dst(%arg7 : memref<128x64xi32, #tpu.memory_space<vmem>>)
      %dma_start3A_56 = arith.constant 0 : i32
      %dma_start3A_57 = tpu.memref_slice %arg6[%add3A_50, %dma_start3A_56] : memref<40x128xi32, #tpu.memory_space<vmem>> -> memref<1x128xi32, #tpu.memory_space<vmem>>
      %dma_start3A_58 = tpu.memref_squeeze %dma_start3A_57 : memref<1x128xi32, #tpu.memory_space<vmem>> -> memref<128xi32, #tpu.memory_space<vmem>>
      %dma_start3A_59 = arith.constant 0 : i32
      %dma_start3A_60 = arith.constant 0 : i32
      %dma_start3A_61 = tpu.memref_slice %arg2[%dma_start3A_59, %dma_start3A_60] : memref<10112x64xi32, #tpu.memory_space<hbm>> -> memref<10112x64xi32, #tpu.memory_space<hbm>>
      tpu.enqueue_indirect_dma source(%dma_start3A_61 : memref<10112x64xi32, #tpu.memory_space<hbm>>) target(%arg8 : memref<128x64xi32, #tpu.memory_space<vmem>>) offsets(%dma_start3A_58 : memref<128xi32, #tpu.memory_space<vmem>>) semaphore(%arg13 : memref<!tpu.dma_semaphore, #tpu.memory_space<semaphore_mem>>)
      %scan3A_62 = arith.constant 0 : i32
      %scan3A_63 = arith.constant 0 : i32
      %scan3A_64 = arith.constant 32 : i32
      %scan3A_65 = arith.addi %scan3A_63, %scan3A_64 : i32
      %scan3A_66 = arith.constant 1 : i32
      scf.for %scan3A_88 = %scan3A_63 to %scan3A_65 step %scan3A_66  : i32 {
        %mul3A_89 = arith.constant 4 : i32
        %mul3A_90 = arith.muli %mul3A_89, %scan3A_88 : i32
        %add3A_91 = arith.constant 0 : i32
        %add3A_92 = arith.addi %mul3A_90, %add3A_91 : i32
        %get3A = arith.index_cast %add3A_92 : i32 to index
        %get3A_93 = arith.constant 0 : index
        %get3A_94 = tpu.vector_load %arg7[%get3A, %get3A_93] {strides = array<i32>} : memref<128x64xi32, #tpu.memory_space<vmem>>, vector<16xi32>,
        %shift_left3A = arith.constant 16 : i32
        %shift_left3A_95 = vector.broadcast %shift_left3A : i32 to vector<16xi32>
        %shift_left3A_96 = arith.shli %get3A_94, %shift_left3A_95 : vector<16xi32>
        %bitcast3A = vector.bitcast %shift_left3A_96 : vector<16xi32> to vector<16xf32>
        %add3A_97 = arith.constant 0 : i32
        %add3A_98 = arith.addi %mul3A_90, %add3A_97 : i32
        %swap3A = arith.index_cast %add3A_98 : i32 to index
        %swap3A_99 = arith.constant 0 : index
        %swap3A_100 = tpu.vector_load %arg9[%swap3A, %swap3A_99] {strides = array<i32>} : memref<128x128xf32, #tpu.memory_space<vmem>>, vector<16xf32>,
        tpu.vector_store %arg9[%swap3A, %swap3A_99], %bitcast3A {strides = array<i32>} : memref<128x128xf32, #tpu.memory_space<vmem>>, vector<16xf32>,
        %and3A = arith.constant -65536 : i32
        %and3A_101 = vector.broadcast %and3A : i32 to vector<16xi32>
        %and3A_102 = arith.andi %get3A_94, %and3A_101 : vector<16xi32>
        %bitcast3A_103 = vector.bitcast %and3A_102 : vector<16xi32> to vector<16xf32>
        %add3A_104 = arith.constant 0 : i32
        %add3A_105 = arith.addi %mul3A_90, %add3A_104 : i32
        %swap3A_106 = arith.index_cast %add3A_105 : i32 to index
        %swap3A_107 = arith.constant 64 : index
        %swap3A_108 = tpu.vector_load %arg9[%swap3A_106, %swap3A_107] {strides = array<i32>} : memref<128x128xf32, #tpu.memory_space<vmem>>, vector<16xf32>,
        tpu.vector_store %arg9[%swap3A_106, %swap3A_107], %bitcast3A_103 {strides = array<i32>} : memref<128x128xf32, #tpu.memory_space<vmem>>, vector<16xf32>,
        %add3A_109 = arith.constant 0 : i32
        %add3A_110 = arith.addi %mul3A_90, %add3A_109 : i32
        %get3A_111 = arith.index_cast %add3A_110 : i32 to index
        %get3A_112 = arith.constant 16 : index
        %get3A_113 = tpu.vector_load %arg7[%get3A_111, %get3A_112] {strides = array<i32>} : memref<128x64xi32, #tpu.memory_space<vmem>>, vector<16xi32>,
        %shift_left3A_114 = arith.constant 16 : i32
        %shift_left3A_115 = vector.broadcast %shift_left3A_114 : i32 to vector<16xi32>
        %shift_left3A_116 = arith.shli %get3A_113, %shift_left3A_115 : vector<16xi32>
        %bitcast3A_117 = vector.bitcast %shift_left3A_116 : vector<16xi32> to vector<16xf32>
        %add3A_118 = arith.constant 0 : i32
        %add3A_119 = arith.addi %mul3A_90, %add3A_118 : i32
        %swap3A_120 = arith.index_cast %add3A_119 : i32 to index
        %swap3A_121 = arith.constant 16 : index
        %swap3A_122 = tpu.vector_load %arg9[%swap3A_120, %swap3A_121] {strides = array<i32>} : memref<128x128xf32, #tpu.memory_space<vmem>>, vector<16xf32>,
        tpu.vector_store %arg9[%swap3A_120, %swap3A_121], %bitcast3A_117 {strides = array<i32>} : memref<128x128xf32, #tpu.memory_space<vmem>>, vector<16xf32>,
        %and3A_123 = arith.constant -65536 : i32
        %and3A_124 = vector.broadcast %and3A_123 : i32 to vector<16xi32>
        %and3A_125 = arith.andi %get3A_113, %and3A_124 : vector<16xi32>
        %bitcast3A_126 = vector.bitcast %and3A_125 : vector<16xi32> to vector<16xf32>
        %add3A_127 = arith.constant 0 : i32
        %add3A_128 = arith.addi %mul3A_90, %add3A_127 : i32
        %swap3A_129 = arith.index_cast %add3A_128 : i32 to index
        %swap3A_130 = arith.constant 80 : index
        %swap3A_131 = tpu.vector_load %arg9[%swap3A_129, %swap3A_130] {strides = array<i32>} : memref<128x128xf32, #tpu.memory_space<vmem>>, vector<16xf32>,
        tpu.vector_store %arg9[%swap3A_129, %swap3A_130], %bitcast3A_126 {strides = array<i32>} : memref<128x128xf32, #tpu.memory_space<vmem>>, vector<16xf32>,
        %add3A_132 = arith.constant 0 : i32
        %add3A_133 = arith.addi %mul3A_90, %add3A_132 : i32
        %get3A_134 = arith.index_cast %add3A_133 : i32 to index
        %get3A_135 = arith.constant 32 : index
        %get3A_136 = tpu.vector_load %arg7[%get3A_134, %get3A_135] {strides = array<i32>} : memref<128x64xi32, #tpu.memory_space<vmem>>, vector<16xi32>,
        %shift_left3A_137 = arith.constant 16 : i32
        %shift_left3A_138 = vector.broadcast %shift_left3A_137 : i32 to vector<16xi32>
        %shift_left3A_139 = arith.shli %get3A_136, %shift_left3A_138 : vector<16xi32>
        %bitcast3A_140 = vector.bitcast %shift_left3A_139 : vector<16xi32> to vector<16xf32>
        %add3A_141 = arith.constant 0 : i32
        %add3A_142 = arith.addi %mul3A_90, %add3A_141 : i32
        %swap3A_143 = arith.index_cast %add3A_142 : i32 to index
        %swap3A_144 = arith.constant 32 : index
        %swap3A_145 = tpu.vector_load %arg9[%swap3A_143, %swap3A_144] {strides = array<i32>} : memref<128x128xf32, #tpu.memory_space<vmem>>, vector<16xf32>,
        tpu.vector_store %arg9[%swap3A_143, %swap3A_144], %bitcast3A_140 {strides = array<i32>} : memref<128x128xf32, #tpu.memory_space<vmem>>, vector<16xf32>,
        %and3A_146 = arith.constant -65536 : i32
        %and3A_147 = vector.broadcast %and3A_146 : i32 to vector<16xi32>
        %and3A_148 = arith.andi %get3A_136, %and3A_147 : vector<16xi32>
        %bitcast3A_149 = vector.bitcast %and3A_148 : vector<16xi32> to vector<16xf32>
        %add3A_150 = arith.constant 0 : i32
        %add3A_151 = arith.addi %mul3A_90, %add3A_150 : i32
        %swap3A_152 = arith.index_cast %add3A_151 : i32 to index
        %swap3A_153 = arith.constant 96 : index
        %swap3A_154 = tpu.vector_load %arg9[%swap3A_152, %swap3A_153] {strides = array<i32>} : memref<128x128xf32, #tpu.memory_space<vmem>>, vector<16xf32>,
        tpu.vector_store %arg9[%swap3A_152, %swap3A_153], %bitcast3A_149 {strides = array<i32>} : memref<128x128xf32, #tpu.memory_space<vmem>>, vector<16xf32>,
        %add3A_155 = arith.constant 0 : i32
        %add3A_156 = arith.addi %mul3A_90, %add3A_155 : i32
        %get3A_157 = arith.index_cast %add3A_156 : i32 to index
        %get3A_158 = arith.constant 48 : index
        %get3A_159 = tpu.vector_load %arg7[%get3A_157, %get3A_158] {strides = array<i32>} : memref<128x64xi32, #tpu.memory_space<vmem>>, vector<16xi32>,
        %shift_left3A_160 = arith.constant 16 : i32
        %shift_left3A_161 = vector.broadcast %shift_left3A_160 : i32 to vector<16xi32>
        %shift_left3A_162 = arith.shli %get3A_159, %shift_left3A_161 : vector<16xi32>
        %bitcast3A_163 = vector.bitcast %shift_left3A_162 : vector<16xi32> to vector<16xf32>
        %add3A_164 = arith.constant 0 : i32
        %add3A_165 = arith.addi %mul3A_90, %add3A_164 : i32
        %swap3A_166 = arith.index_cast %add3A_165 : i32 to index
        %swap3A_167 = arith.constant 48 : index
        %swap3A_168 = tpu.vector_load %arg9[%swap3A_166, %swap3A_167] {strides = array<i32>} : memref<128x128xf32, #tpu.memory_space<vmem>>, vector<16xf32>,
        tpu.vector_store %arg9[%swap3A_166, %swap3A_167], %bitcast3A_163 {strides = array<i32>} : memref<128x128xf32, #tpu.memory_space<vmem>>, vector<16xf32>,
        %and3A_169 = arith.constant -65536 : i32
        %and3A_170 = vector.broadcast %and3A_169 : i32 to vector<16xi32>
        %and3A_171 = arith.andi %get3A_159, %and3A_170 : vector<16xi32>
        %bitcast3A_172 = vector.bitcast %and3A_171 : vector<16xi32> to vector<16xf32>
        %add3A_173 = arith.constant 0 : i32
        %add3A_174 = arith.addi %mul3A_90, %add3A_173 : i32
        %swap3A_175 = arith.index_cast %add3A_174 : i32 to index
        %swap3A_176 = arith.constant 112 : index
        %swap3A_177 = tpu.vector_load %arg9[%swap3A_175, %swap3A_176] {strides = array<i32>} : memref<128x128xf32, #tpu.memory_space<vmem>>, vector<16xf32>,
        tpu.vector_store %arg9[%swap3A_175, %swap3A_176], %bitcast3A_172 {strides = array<i32>} : memref<128x128xf32, #tpu.memory_space<vmem>>, vector<16xf32>,
        %add3A_178 = arith.constant 1 : i32
        %add3A_179 = arith.addi %mul3A_90, %add3A_178 : i32
        %get3A_180 = arith.index_cast %add3A_179 : i32 to index
        %get3A_181 = arith.constant 0 : index
        %get3A_182 = tpu.vector_load %arg7[%get3A_180, %get3A_181] {strides = array<i32>} : memref<128x64xi32, #tpu.memory_space<vmem>>, vector<16xi32>,
        %shift_left3A_183 = arith.constant 16 : i32
        %shift_left3A_184 = vector.broadcast %shift_left3A_183 : i32 to vector<16xi32>
        %shift_left3A_185 = arith.shli %get3A_182, %shift_left3A_184 : vector<16xi32>
        %bitcast3A_186 = vector.bitcast %shift_left3A_185 : vector<16xi32> to vector<16xf32>
        %add3A_187 = arith.constant 1 : i32
        %add3A_188 = arith.addi %mul3A_90, %add3A_187 : i32
        %swap3A_189 = arith.index_cast %add3A_188 : i32 to index
        %swap3A_190 = arith.constant 0 : index
        %swap3A_191 = tpu.vector_load %arg9[%swap3A_189, %swap3A_190] {strides = array<i32>} : memref<128x128xf32, #tpu.memory_space<vmem>>, vector<16xf32>,
        tpu.vector_store %arg9[%swap3A_189, %swap3A_190], %bitcast3A_186 {strides = array<i32>} : memref<128x128xf32, #tpu.memory_space<vmem>>, vector<16xf32>,
        %and3A_192 = arith.constant -65536 : i32
        %and3A_193 = vector.broadcast %and3A_192 : i32 to vector<16xi32>
        %and3A_194 = arith.andi %get3A_182, %and3A_193 : vector<16xi32>
        %bitcast3A_195 = vector.bitcast %and3A_194 : vector<16xi32> to vector<16xf32>
        %add3A_196 = arith.constant 1 : i32
        %add3A_197 = arith.addi %mul3A_90, %add3A_196 : i32
        %swap3A_198 = arith.index_cast %add3A_197 : i32 to index
        %swap3A_199 = arith.constant 64 : index
        %swap3A_200 = tpu.vector_load %arg9[%swap3A_198, %swap3A_199] {strides = array<i32>} : memref<128x128xf32, #tpu.memory_space<vmem>>, vector<16xf32>,
        tpu.vector_store %arg9[%swap3A_198, %swap3A_199], %bitcast3A_195 {strides = array<i32>} : memref<128x128xf32, #tpu.memory_space<vmem>>, vector<16xf32>,
        %add3A_201 = arith.constant 1 : i32
        %add3A_202 = arith.addi %mul3A_90, %add3A_201 : i32
        %get3A_203 = arith.index_cast %add3A_202 : i32 to index
        %get3A_204 = arith.constant 16 : index
        %get3A_205 = tpu.vector_load %arg7[%get3A_203, %get3A_204] {strides = array<i32>} : memref<128x64xi32, #tpu.memory_space<vmem>>, vector<16xi32>,
        %shift_left3A_206 = arith.constant 16 : i32
        %shift_left3A_207 = vector.broadcast %shift_left3A_206 : i32 to vector<16xi32>
        %shift_left3A_208 = arith.shli %get3A_205, %shift_left3A_207 : vector<16xi32>
        %bitcast3A_209 = vector.bitcast %shift_left3A_208 : vector<16xi32> to vector<16xf32>
        %add3A_210 = arith.constant 1 : i32
        %add3A_211 = arith.addi %mul3A_90, %add3A_210 : i32
        %swap3A_212 = arith.index_cast %add3A_211 : i32 to index
        %swap3A_213 = arith.constant 16 : index
        %swap3A_214 = tpu.vector_load %arg9[%swap3A_212, %swap3A_213] {strides = array<i32>} : memref<128x128xf32, #tpu.memory_space<vmem>>, vector<16xf32>,
        tpu.vector_store %arg9[%swap3A_212, %swap3A_213], %bitcast3A_209 {strides = array<i32>} : memref<128x128xf32, #tpu.memory_space<vmem>>, vector<16xf32>,
        %and3A_215 = arith.constant -65536 : i32
        %and3A_216 = vector.broadcast %and3A_215 : i32 to vector<16xi32>
        %and3A_217 = arith.andi %get3A_205, %and3A_216 : vector<16xi32>
        %bitcast3A_218 = vector.bitcast %and3A_217 : vector<16xi32> to vector<16xf32>
        %add3A_219 = arith.constant 1 : i32
        %add3A_220 = arith.addi %mul3A_90, %add3A_219 : i32
        %swap3A_221 = arith.index_cast %add3A_220 : i32 to index
        %swap3A_222 = arith.constant 80 : index
        %swap3A_223 = tpu.vector_load %arg9[%swap3A_221, %swap3A_222] {strides = array<i32>} : memref<128x128xf32, #tpu.memory_space<vmem>>, vector<16xf32>,
        tpu.vector_store %arg9[%swap3A_221, %swap3A_222], %bitcast3A_218 {strides = array<i32>} : memref<128x128xf32, #tpu.memory_space<vmem>>, vector<16xf32>,
        %add3A_224 = arith.constant 1 : i32
        %add3A_225 = arith.addi %mul3A_90, %add3A_224 : i32
        %get3A_226 = arith.index_cast %add3A_225 : i32 to index
        %get3A_227 = arith.constant 32 : index
        %get3A_228 = tpu.vector_load %arg7[%get3A_226, %get3A_227] {strides = array<i32>} : memref<128x64xi32, #tpu.memory_space<vmem>>, vector<16xi32>,
        %shift_left3A_229 = arith.constant 16 : i32
        %shift_left3A_230 = vector.broadcast %shift_left3A_229 : i32 to vector<16xi32>
        %shift_left3A_231 = arith.shli %get3A_228, %shift_left3A_230 : vector<16xi32>
        %bitcast3A_232 = vector.bitcast %shift_left3A_231 : vector<16xi32> to vector<16xf32>
        %add3A_233 = arith.constant 1 : i32
        %add3A_234 = arith.addi %mul3A_90, %add3A_233 : i32
        %swap3A_235 = arith.index_cast %add3A_234 : i32 to index
        %swap3A_236 = arith.constant 32 : index
        %swap3A_237 = tpu.vector_load %arg9[%swap3A_235, %swap3A_236] {strides = array<i32>} : memref<128x128xf32, #tpu.memory_space<vmem>>, vector<16xf32>,
        tpu.vector_store %arg9[%swap3A_235, %swap3A_236], %bitcast3A_232 {strides = array<i32>} : memref<128x128xf32, #tpu.memory_space<vmem>>, vector<16xf32>,
        %and3A_238 = arith.constant -65536 : i32
        %and3A_239 = vector.broadcast %and3A_238 : i32 to vector<16xi32>
        %and3A_240 = arith.andi %get3A_228, %and3A_239 : vector<16xi32>
        %bitcast3A_241 = vector.bitcast %and3A_240 : vector<16xi32> to vector<16xf32>
        %add3A_242 = arith.constant 1 : i32
        %add3A_243 = arith.addi %mul3A_90, %add3A_242 : i32
        %swap3A_244 = arith.index_cast %add3A_243 : i32 to index
        %swap3A_245 = arith.constant 96 : index
        %swap3A_246 = tpu.vector_load %arg9[%swap3A_244, %swap3A_245] {strides = array<i32>} : memref<128x128xf32, #tpu.memory_space<vmem>>, vector<16xf32>,
        tpu.vector_store %arg9[%swap3A_244, %swap3A_245], %bitcast3A_241 {strides = array<i32>} : memref<128x128xf32, #tpu.memory_space<vmem>>, vector<16xf32>,
        %add3A_247 = arith.constant 1 : i32
        %add3A_248 = arith.addi %mul3A_90, %add3A_247 : i32
        %get3A_249 = arith.index_cast %add3A_248 : i32 to index
        %get3A_250 = arith.constant 48 : index
        %get3A_251 = tpu.vector_load %arg7[%get3A_249, %get3A_250] {strides = array<i32>} : memref<128x64xi32, #tpu.memory_space<vmem>>, vector<16xi32>,
        %shift_left3A_252 = arith.constant 16 : i32
        %shift_left3A_253 = vector.broadcast %shift_left3A_252 : i32 to vector<16xi32>
        %shift_left3A_254 = arith.shli %get3A_251, %shift_left3A_253 : vector<16xi32>
        %bitcast3A_255 = vector.bitcast %shift_left3A_254 : vector<16xi32> to vector<16xf32>
        %add3A_256 = arith.constant 1 : i32
        %add3A_257 = arith.addi %mul3A_90, %add3A_256 : i32
        %swap3A_258 = arith.index_cast %add3A_257 : i32 to index
        %swap3A_259 = arith.constant 48 : index
        %swap3A_260 = tpu.vector_load %arg9[%swap3A_258, %swap3A_259] {strides = array<i32>} : memref<128x128xf32, #tpu.memory_space<vmem>>, vector<16xf32>,
        tpu.vector_store %arg9[%swap3A_258, %swap3A_259], %bitcast3A_255 {strides = array<i32>} : memref<128x128xf32, #tpu.memory_space<vmem>>, vector<16xf32>,
        %and3A_261 = arith.constant -65536 : i32
        %and3A_262 = vector.broadcast %and3A_261 : i32 to vector<16xi32>
        %and3A_263 = arith.andi %get3A_251, %and3A_262 : vector<16xi32>
        %bitcast3A_264 = vector.bitcast %and3A_263 : vector<16xi32> to vector<16xf32>
        %add3A_265 = arith.constant 1 : i32
        %add3A_266 = arith.addi %mul3A_90, %add3A_265 : i32
        %swap3A_267 = arith.index_cast %add3A_266 : i32 to index
        %swap3A_268 = arith.constant 112 : index
        %swap3A_269 = tpu.vector_load %arg9[%swap3A_267, %swap3A_268] {strides = array<i32>} : memref<128x128xf32, #tpu.memory_space<vmem>>, vector<16xf32>,
        tpu.vector_store %arg9[%swap3A_267, %swap3A_268], %bitcast3A_264 {strides = array<i32>} : memref<128x128xf32, #tpu.memory_space<vmem>>, vector<16xf32>,
        %add3A_270 = arith.constant 2 : i32
        %add3A_271 = arith.addi %mul3A_90, %add3A_270 : i32
        %get3A_272 = arith.index_cast %add3A_271 : i32 to index
        %get3A_273 = arith.constant 0 : index
        %get3A_274 = tpu.vector_load %arg7[%get3A_272, %get3A_273] {strides = array<i32>} : memref<128x64xi32, #tpu.memory_space<vmem>>, vector<16xi32>,
        %shift_left3A_275 = arith.constant 16 : i32
        %shift_left3A_276 = vector.broadcast %shift_left3A_275 : i32 to vector<16xi32>
        %shift_left3A_277 = arith.shli %get3A_274, %shift_left3A_276 : vector<16xi32>
        %bitcast3A_278 = vector.bitcast %shift_left3A_277 : vector<16xi32> to vector<16xf32>
        %add3A_279 = arith.constant 2 : i32
        %add3A_280 = arith.addi %mul3A_90, %add3A_279 : i32
        %swap3A_281 = arith.index_cast %add3A_280 : i32 to index
        %swap3A_282 = arith.constant 0 : index
        %swap3A_283 = tpu.vector_load %arg9[%swap3A_281, %swap3A_282] {strides = array<i32>} : memref<128x128xf32, #tpu.memory_space<vmem>>, vector<16xf32>,
        tpu.vector_store %arg9[%swap3A_281, %swap3A_282], %bitcast3A_278 {strides = array<i32>} : memref<128x128xf32, #tpu.memory_space<vmem>>, vector<16xf32>,
        %and3A_284 = arith.constant -65536 : i32
        %and3A_285 = vector.broadcast %and3A_284 : i32 to vector<16xi32>
        %and3A_286 = arith.andi %get3A_274, %and3A_285 : vector<16xi32>
        %bitcast3A_287 = vector.bitcast %and3A_286 : vector<16xi32> to vector<16xf32>
        %add3A_288 = arith.constant 2 : i32
        %add3A_289 = arith.addi %mul3A_90, %add3A_288 : i32
        %swap3A_290 = arith.index_cast %add3A_289 : i32 to index
        %swap3A_291 = arith.constant 64 : index
        %swap3A_292 = tpu.vector_load %arg9[%swap3A_290, %swap3A_291] {strides = array<i32>} : memref<128x128xf32, #tpu.memory_space<vmem>>, vector<16xf32>,
        tpu.vector_store %arg9[%swap3A_290, %swap3A_291], %bitcast3A_287 {strides = array<i32>} : memref<128x128xf32, #tpu.memory_space<vmem>>, vector<16xf32>,
        %add3A_293 = arith.constant 2 : i32
        %add3A_294 = arith.addi %mul3A_90, %add3A_293 : i32
        %get3A_295 = arith.index_cast %add3A_294 : i32 to index
        %get3A_296 = arith.constant 16 : index
        %get3A_297 = tpu.vector_load %arg7[%get3A_295, %get3A_296] {strides = array<i32>} : memref<128x64xi32, #tpu.memory_space<vmem>>, vector<16xi32>,
        %shift_left3A_298 = arith.constant 16 : i32
        %shift_left3A_299 = vector.broadcast %shift_left3A_298 : i32 to vector<16xi32>
        %shift_left3A_300 = arith.shli %get3A_297, %shift_left3A_299 : vector<16xi32>
        %bitcast3A_301 = vector.bitcast %shift_left3A_300 : vector<16xi32> to vector<16xf32>
        %add3A_302 = arith.constant 2 : i32
        %add3A_303 = arith.addi %mul3A_90, %add3A_302 : i32
        %swap3A_304 = arith.index_cast %add3A_303 : i32 to index
        %swap3A_305 = arith.constant 16 : index
        %swap3A_306 = tpu.vector_load %arg9[%swap3A_304, %swap3A_305] {strides = array<i32>} : memref<128x128xf32, #tpu.memory_space<vmem>>, vector<16xf32>,
        tpu.vector_store %arg9[%swap3A_304, %swap3A_305], %bitcast3A_301 {strides = array<i32>} : memref<128x128xf32, #tpu.memory_space<vmem>>, vector<16xf32>,
        %and3A_307 = arith.constant -65536 : i32
        %and3A_308 = vector.broadcast %and3A_307 : i32 to vector<16xi32>
        %and3A_309 = arith.andi %get3A_297, %and3A_308 : vector<16xi32>
        %bitcast3A_310 = vector.bitcast %and3A_309 : vector<16xi32> to vector<16xf32>
        %add3A_311 = arith.constant 2 : i32
        %add3A_312 = arith.addi %mul3A_90, %add3A_311 : i32
        %swap3A_313 = arith.index_cast %add3A_312 : i32 to index
        %swap3A_314 = arith.constant 80 : index
        %swap3A_315 = tpu.vector_load %arg9[%swap3A_313, %swap3A_314] {strides = array<i32>} : memref<128x128xf32, #tpu.memory_space<vmem>>, vector<16xf32>,
        tpu.vector_store %arg9[%swap3A_313, %swap3A_314], %bitcast3A_310 {strides = array<i32>} : memref<128x128xf32, #tpu.memory_space<vmem>>, vector<16xf32>,
        %add3A_316 = arith.constant 2 : i32
        %add3A_317 = arith.addi %mul3A_90, %add3A_316 : i32
        %get3A_318 = arith.index_cast %add3A_317 : i32 to index
        %get3A_319 = arith.constant 32 : index
        %get3A_320 = tpu.vector_load %arg7[%get3A_318, %get3A_319] {strides = array<i32>} : memref<128x64xi32, #tpu.memory_space<vmem>>, vector<16xi32>,
        %shift_left3A_321 = arith.constant 16 : i32
        %shift_left3A_322 = vector.broadcast %shift_left3A_321 : i32 to vector<16xi32>
        %shift_left3A_323 = arith.shli %get3A_320, %shift_left3A_322 : vector<16xi32>
        %bitcast3A_324 = vector.bitcast %shift_left3A_323 : vector<16xi32> to vector<16xf32>
        %add3A_325 = arith.constant 2 : i32
        %add3A_326 = arith.addi %mul3A_90, %add3A_325 : i32
        %swap3A_327 = arith.index_cast %add3A_326 : i32 to index
        %swap3A_328 = arith.constant 32 : index
        %swap3A_329 = tpu.vector_load %arg9[%swap3A_327, %swap3A_328] {strides = array<i32>} : memref<128x128xf32, #tpu.memory_space<vmem>>, vector<16xf32>,
        tpu.vector_store %arg9[%swap3A_327, %swap3A_328], %bitcast3A_324 {strides = array<i32>} : memref<128x128xf32, #tpu.memory_space<vmem>>, vector<16xf32>,
        %and3A_330 = arith.constant -65536 : i32
        %and3A_331 = vector.broadcast %and3A_330 : i32 to vector<16xi32>
        %and3A_332 = arith.andi %get3A_320, %and3A_331 : vector<16xi32>
        %bitcast3A_333 = vector.bitcast %and3A_332 : vector<16xi32> to vector<16xf32>
        %add3A_334 = arith.constant 2 : i32
        %add3A_335 = arith.addi %mul3A_90, %add3A_334 : i32
        %swap3A_336 = arith.index_cast %add3A_335 : i32 to index
        %swap3A_337 = arith.constant 96 : index
        %swap3A_338 = tpu.vector_load %arg9[%swap3A_336, %swap3A_337] {strides = array<i32>} : memref<128x128xf32, #tpu.memory_space<vmem>>, vector<16xf32>,
        tpu.vector_store %arg9[%swap3A_336, %swap3A_337], %bitcast3A_333 {strides = array<i32>} : memref<128x128xf32, #tpu.memory_space<vmem>>, vector<16xf32>,
        %add3A_339 = arith.constant 2 : i32
        %add3A_340 = arith.addi %mul3A_90, %add3A_339 : i32
        %get3A_341 = arith.index_cast %add3A_340 : i32 to index
        %get3A_342 = arith.constant 48 : index
        %get3A_343 = tpu.vector_load %arg7[%get3A_341, %get3A_342] {strides = array<i32>} : memref<128x64xi32, #tpu.memory_space<vmem>>, vector<16xi32>,
        %shift_left3A_344 = arith.constant 16 : i32
        %shift_left3A_345 = vector.broadcast %shift_left3A_344 : i32 to vector<16xi32>
        %shift_left3A_346 = arith.shli %get3A_343, %shift_left3A_345 : vector<16xi32>
        %bitcast3A_347 = vector.bitcast %shift_left3A_346 : vector<16xi32> to vector<16xf32>
        %add3A_348 = arith.constant 2 : i32
        %add3A_349 = arith.addi %mul3A_90, %add3A_348 : i32
        %swap3A_350 = arith.index_cast %add3A_349 : i32 to index
        %swap3A_351 = arith.constant 48 : index
        %swap3A_352 = tpu.vector_load %arg9[%swap3A_350, %swap3A_351] {strides = array<i32>} : memref<128x128xf32, #tpu.memory_space<vmem>>, vector<16xf32>,
        tpu.vector_store %arg9[%swap3A_350, %swap3A_351], %bitcast3A_347 {strides = array<i32>} : memref<128x128xf32, #tpu.memory_space<vmem>>, vector<16xf32>,
        %and3A_353 = arith.constant -65536 : i32
        %and3A_354 = vector.broadcast %and3A_353 : i32 to vector<16xi32>
        %and3A_355 = arith.andi %get3A_343, %and3A_354 : vector<16xi32>
        %bitcast3A_356 = vector.bitcast %and3A_355 : vector<16xi32> to vector<16xf32>
        %add3A_357 = arith.constant 2 : i32
        %add3A_358 = arith.addi %mul3A_90, %add3A_357 : i32
        %swap3A_359 = arith.index_cast %add3A_358 : i32 to index
        %swap3A_360 = arith.constant 112 : index
        %swap3A_361 = tpu.vector_load %arg9[%swap3A_359, %swap3A_360] {strides = array<i32>} : memref<128x128xf32, #tpu.memory_space<vmem>>, vector<16xf32>,
        tpu.vector_store %arg9[%swap3A_359, %swap3A_360], %bitcast3A_356 {strides = array<i32>} : memref<128x128xf32, #tpu.memory_space<vmem>>, vector<16xf32>,
        %add3A_362 = arith.constant 3 : i32
        %add3A_363 = arith.addi %mul3A_90, %add3A_362 : i32
        %get3A_364 = arith.index_cast %add3A_363 : i32 to index
        %get3A_365 = arith.constant 0 : index
        %get3A_366 = tpu.vector_load %arg7[%get3A_364, %get3A_365] {strides = array<i32>} : memref<128x64xi32, #tpu.memory_space<vmem>>, vector<16xi32>,
        %shift_left3A_367 = arith.constant 16 : i32
        %shift_left3A_368 = vector.broadcast %shift_left3A_367 : i32 to vector<16xi32>
        %shift_left3A_369 = arith.shli %get3A_366, %shift_left3A_368 : vector<16xi32>
        %bitcast3A_370 = vector.bitcast %shift_left3A_369 : vector<16xi32> to vector<16xf32>
        %add3A_371 = arith.constant 3 : i32
        %add3A_372 = arith.addi %mul3A_90, %add3A_371 : i32
        %swap3A_373 = arith.index_cast %add3A_372 : i32 to index
        %swap3A_374 = arith.constant 0 : index
        %swap3A_375 = tpu.vector_load %arg9[%swap3A_373, %swap3A_374] {strides = array<i32>} : memref<128x128xf32, #tpu.memory_space<vmem>>, vector<16xf32>,
        tpu.vector_store %arg9[%swap3A_373, %swap3A_374], %bitcast3A_370 {strides = array<i32>} : memref<128x128xf32, #tpu.memory_space<vmem>>, vector<16xf32>,
        %and3A_376 = arith.constant -65536 : i32
        %and3A_377 = vector.broadcast %and3A_376 : i32 to vector<16xi32>
        %and3A_378 = arith.andi %get3A_366, %and3A_377 : vector<16xi32>
        %bitcast3A_379 = vector.bitcast %and3A_378 : vector<16xi32> to vector<16xf32>
        %add3A_380 = arith.constant 3 : i32
        %add3A_381 = arith.addi %mul3A_90, %add3A_380 : i32
        %swap3A_382 = arith.index_cast %add3A_381 : i32 to index
        %swap3A_383 = arith.constant 64 : index
        %swap3A_384 = tpu.vector_load %arg9[%swap3A_382, %swap3A_383] {strides = array<i32>} : memref<128x128xf32, #tpu.memory_space<vmem>>, vector<16xf32>,
        tpu.vector_store %arg9[%swap3A_382, %swap3A_383], %bitcast3A_379 {strides = array<i32>} : memref<128x128xf32, #tpu.memory_space<vmem>>, vector<16xf32>,
        %add3A_385 = arith.constant 3 : i32
        %add3A_386 = arith.addi %mul3A_90, %add3A_385 : i32
        %get3A_387 = arith.index_cast %add3A_386 : i32 to index
        %get3A_388 = arith.constant 16 : index
        %get3A_389 = tpu.vector_load %arg7[%get3A_387, %get3A_388] {strides = array<i32>} : memref<128x64xi32, #tpu.memory_space<vmem>>, vector<16xi32>,
        %shift_left3A_390 = arith.constant 16 : i32
        %shift_left3A_391 = vector.broadcast %shift_left3A_390 : i32 to vector<16xi32>
        %shift_left3A_392 = arith.shli %get3A_389, %shift_left3A_391 : vector<16xi32>
        %bitcast3A_393 = vector.bitcast %shift_left3A_392 : vector<16xi32> to vector<16xf32>
        %add3A_394 = arith.constant 3 : i32
        %add3A_395 = arith.addi %mul3A_90, %add3A_394 : i32
        %swap3A_396 = arith.index_cast %add3A_395 : i32 to index
        %swap3A_397 = arith.constant 16 : index
        %swap3A_398 = tpu.vector_load %arg9[%swap3A_396, %swap3A_397] {strides = array<i32>} : memref<128x128xf32, #tpu.memory_space<vmem>>, vector<16xf32>,
        tpu.vector_store %arg9[%swap3A_396, %swap3A_397], %bitcast3A_393 {strides = array<i32>} : memref<128x128xf32, #tpu.memory_space<vmem>>, vector<16xf32>,
        %and3A_399 = arith.constant -65536 : i32
        %and3A_400 = vector.broadcast %and3A_399 : i32 to vector<16xi32>
        %and3A_401 = arith.andi %get3A_389, %and3A_400 : vector<16xi32>
        %bitcast3A_402 = vector.bitcast %and3A_401 : vector<16xi32> to vector<16xf32>
        %add3A_403 = arith.constant 3 : i32
        %add3A_404 = arith.addi %mul3A_90, %add3A_403 : i32
        %swap3A_405 = arith.index_cast %add3A_404 : i32 to index
        %swap3A_406 = arith.constant 80 : index
        %swap3A_407 = tpu.vector_load %arg9[%swap3A_405, %swap3A_406] {strides = array<i32>} : memref<128x128xf32, #tpu.memory_space<vmem>>, vector<16xf32>,
        tpu.vector_store %arg9[%swap3A_405, %swap3A_406], %bitcast3A_402 {strides = array<i32>} : memref<128x128xf32, #tpu.memory_space<vmem>>, vector<16xf32>,
        %add3A_408 = arith.constant 3 : i32
        %add3A_409 = arith.addi %mul3A_90, %add3A_408 : i32
        %get3A_410 = arith.index_cast %add3A_409 : i32 to index
        %get3A_411 = arith.constant 32 : index
        %get3A_412 = tpu.vector_load %arg7[%get3A_410, %get3A_411] {strides = array<i32>} : memref<128x64xi32, #tpu.memory_space<vmem>>, vector<16xi32>,
        %shift_left3A_413 = arith.constant 16 : i32
        %shift_left3A_414 = vector.broadcast %shift_left3A_413 : i32 to vector<16xi32>
        %shift_left3A_415 = arith.shli %get3A_412, %shift_left3A_414 : vector<16xi32>
        %bitcast3A_416 = vector.bitcast %shift_left3A_415 : vector<16xi32> to vector<16xf32>
        %add3A_417 = arith.constant 3 : i32
        %add3A_418 = arith.addi %mul3A_90, %add3A_417 : i32
        %swap3A_419 = arith.index_cast %add3A_418 : i32 to index
        %swap3A_420 = arith.constant 32 : index
        %swap3A_421 = tpu.vector_load %arg9[%swap3A_419, %swap3A_420] {strides = array<i32>} : memref<128x128xf32, #tpu.memory_space<vmem>>, vector<16xf32>,
        tpu.vector_store %arg9[%swap3A_419, %swap3A_420], %bitcast3A_416 {strides = array<i32>} : memref<128x128xf32, #tpu.memory_space<vmem>>, vector<16xf32>,
        %and3A_422 = arith.constant -65536 : i32
        %and3A_423 = vector.broadcast %and3A_422 : i32 to vector<16xi32>
        %and3A_424 = arith.andi %get3A_412, %and3A_423 : vector<16xi32>
        %bitcast3A_425 = vector.bitcast %and3A_424 : vector<16xi32> to vector<16xf32>
        %add3A_426 = arith.constant 3 : i32
        %add3A_427 = arith.addi %mul3A_90, %add3A_426 : i32
        %swap3A_428 = arith.index_cast %add3A_427 : i32 to index
        %swap3A_429 = arith.constant 96 : index
        %swap3A_430 = tpu.vector_load %arg9[%swap3A_428, %swap3A_429] {strides = array<i32>} : memref<128x128xf32, #tpu.memory_space<vmem>>, vector<16xf32>,
        tpu.vector_store %arg9[%swap3A_428, %swap3A_429], %bitcast3A_425 {strides = array<i32>} : memref<128x128xf32, #tpu.memory_space<vmem>>, vector<16xf32>,
        %add3A_431 = arith.constant 3 : i32
        %add3A_432 = arith.addi %mul3A_90, %add3A_431 : i32
        %get3A_433 = arith.index_cast %add3A_432 : i32 to index
        %get3A_434 = arith.constant 48 : index
        %get3A_435 = tpu.vector_load %arg7[%get3A_433, %get3A_434] {strides = array<i32>} : memref<128x64xi32, #tpu.memory_space<vmem>>, vector<16xi32>,
        %shift_left3A_436 = arith.constant 16 : i32
        %shift_left3A_437 = vector.broadcast %shift_left3A_436 : i32 to vector<16xi32>
        %shift_left3A_438 = arith.shli %get3A_435, %shift_left3A_437 : vector<16xi32>
        %bitcast3A_439 = vector.bitcast %shift_left3A_438 : vector<16xi32> to vector<16xf32>
        %add3A_440 = arith.constant 3 : i32
        %add3A_441 = arith.addi %mul3A_90, %add3A_440 : i32
        %swap3A_442 = arith.index_cast %add3A_441 : i32 to index
        %swap3A_443 = arith.constant 48 : index
        %swap3A_444 = tpu.vector_load %arg9[%swap3A_442, %swap3A_443] {strides = array<i32>} : memref<128x128xf32, #tpu.memory_space<vmem>>, vector<16xf32>,
        tpu.vector_store %arg9[%swap3A_442, %swap3A_443], %bitcast3A_439 {strides = array<i32>} : memref<128x128xf32, #tpu.memory_space<vmem>>, vector<16xf32>,
        %and3A_445 = arith.constant -65536 : i32
        %and3A_446 = vector.broadcast %and3A_445 : i32 to vector<16xi32>
        %and3A_447 = arith.andi %get3A_435, %and3A_446 : vector<16xi32>
        %bitcast3A_448 = vector.bitcast %and3A_447 : vector<16xi32> to vector<16xf32>
        %add3A_449 = arith.constant 3 : i32
        %add3A_450 = arith.addi %mul3A_90, %add3A_449 : i32
        %swap3A_451 = arith.index_cast %add3A_450 : i32 to index
        %swap3A_452 = arith.constant 112 : index
        %swap3A_453 = tpu.vector_load %arg9[%swap3A_451, %swap3A_452] {strides = array<i32>} : memref<128x128xf32, #tpu.memory_space<vmem>>, vector<16xf32>,
        tpu.vector_store %arg9[%swap3A_451, %swap3A_452], %bitcast3A_448 {strides = array<i32>} : memref<128x128xf32, #tpu.memory_space<vmem>>, vector<16xf32>,
      }
      %scan3A_67 = arith.constant 32 : i32
      %add3A_68 = arith.constant 0 : i32
      %add3A_69 = arith.addi %add3A_68, %mul3A_48 : i32
      "tpu.region"() ({
        %run_scoped3A_88 = tpu.sem_alloc : memref<!tpu.dma_semaphore, #tpu.memory_space<semaphore_mem>>
        %dma_start3A_89 = arith.constant 0 : i32
        %dma_start3A_90 = tpu.memref_slice %arg10[%add3A_69, %dma_start3A_89] : memref<80x128xi32, #tpu.memory_space<vmem>> -> memref<1x128xi32, #tpu.memory_space<vmem>>
        %dma_start3A_91 = tpu.memref_squeeze %dma_start3A_90 : memref<1x128xi32, #tpu.memory_space<vmem>> -> memref<128xi32, #tpu.memory_space<vmem>>
        %dma_start3A_92 = arith.constant 0 : i32
        %dma_start3A_93 = arith.constant 0 : i32
        %dma_start3A_94 = tpu.memref_slice %arg11[%dma_start3A_92, %dma_start3A_93] : memref<10112x128xf32, #tpu.memory_space<vmem_shared>> -> memref<10112x128xf32, #tpu.memory_space<vmem_shared>>
        tpu.enqueue_indirect_dma source(%arg9 : memref<128x128xf32, #tpu.memory_space<vmem>>) target(%dma_start3A_94 : memref<10112x128xf32, #tpu.memory_space<vmem_shared>>) offsets(%dma_start3A_91 : memref<128xi32, #tpu.memory_space<vmem>>) semaphore(%run_scoped3A_88 : memref<!tpu.dma_semaphore, #tpu.memory_space<semaphore_mem>>) {add = true}
        %dma_wait3A_95 = arith.constant 0 : i32
        %dma_wait3A_96 = tpu.memref_slice %arg10[%add3A_69, %dma_wait3A_95] : memref<80x128xi32, #tpu.memory_space<vmem>> -> memref<1x128xi32, #tpu.memory_space<vmem>>
        %dma_wait3A_97 = tpu.memref_squeeze %dma_wait3A_96 : memref<1x128xi32, #tpu.memory_space<vmem>> -> memref<128xi32, #tpu.memory_space<vmem>>
        %dma_wait3A_98 = arith.constant 0 : i32
        %dma_wait3A_99 = arith.constant 0 : i32
        %dma_wait3A_100 = tpu.memref_slice %arg11[%dma_wait3A_98, %dma_wait3A_99] : memref<10112x128xf32, #tpu.memory_space<vmem_shared>> -> memref<10112x128xf32, #tpu.memory_space<vmem_shared>>
        tpu.wait_indirect_dma semaphore(%run_scoped3A_88 : memref<!tpu.dma_semaphore, #tpu.memory_space<semaphore_mem>>) src(%arg9 : memref<128x128xf32, #tpu.memory_space<vmem>>) dst(%dma_wait3A_100 : memref<10112x128xf32, #tpu.memory_space<vmem_shared>>)
        tpu.yield
      }) : () -> ()
      %dma_wait3A_70 = arith.constant 0 : i32
      %dma_wait3A_71 = tpu.memref_slice %arg6[%add3A_50, %dma_wait3A_70] : memref<40x128xi32, #tpu.memory_space<vmem>> -> memref<1x128xi32, #tpu.memory_space<vmem>>
      %dma_wait3A_72 = tpu.memref_squeeze %dma_wait3A_71 : memref<1x128xi32, #tpu.memory_space<vmem>> -> memref<128xi32, #tpu.memory_space<vmem>>
      %dma_wait3A_73 = arith.constant 0 : i32
      %dma_wait3A_74 = arith.constant 0 : i32
      %dma_wait3A_75 = tpu.memref_slice %arg2[%dma_wait3A_73, %dma_wait3A_74] : memref<10112x64xi32, #tpu.memory_space<hbm>> -> memref<10112x64xi32, #tpu.memory_space<hbm>>
      tpu.wait_indirect_dma semaphore(%arg13 : memref<!tpu.dma_semaphore, #tpu.memory_space<semaphore_mem>>) src(%dma_wait3A_75 : memref<10112x64xi32, #tpu.memory_space<hbm>>) dst(%arg8 : memref<128x64xi32, #tpu.memory_space<vmem>>)
      %add3A_76 = arith.constant 2 : i32
      %add3A_77 = arith.addi %mul3A_48, %add3A_76 : i32
      %lt3A = arith.constant 40 : i32
      %lt3A_78 = arith.cmpi slt, %add3A_77, %lt3A : i32
      %convert_element_type3A = arith.extui %lt3A_78 : i1 to i32
      %cond3A = arith.constant 0 : i32
      %cond3A_79 = arith.cmpi ne, %convert_element_type3A, %cond3A : i32
      scf.if %cond3A_79 {
        %add3A_88 = arith.constant 2 : i32
        %add3A_89 = arith.addi %mul3A_48, %add3A_88 : i32
        %dma_start3A_90 = arith.constant 0 : i32
        %dma_start3A_91 = tpu.memref_slice %arg6[%add3A_89, %dma_start3A_90] : memref<40x128xi32, #tpu.memory_space<vmem>> -> memref<1x128xi32, #tpu.memory_space<vmem>>
        %dma_start3A_92 = tpu.memref_squeeze %dma_start3A_91 : memref<1x128xi32, #tpu.memory_space<vmem>> -> memref<128xi32, #tpu.memory_space<vmem>>
        %dma_start3A_93 = arith.constant 0 : i32
        %dma_start3A_94 = arith.constant 0 : i32
        %dma_start3A_95 = tpu.memref_slice %arg2[%dma_start3A_93, %dma_start3A_94] : memref<10112x64xi32, #tpu.memory_space<hbm>> -> memref<10112x64xi32, #tpu.memory_space<hbm>>
        tpu.enqueue_indirect_dma source(%dma_start3A_95 : memref<10112x64xi32, #tpu.memory_space<hbm>>) target(%arg7 : memref<128x64xi32, #tpu.memory_space<vmem>>) offsets(%dma_start3A_92 : memref<128xi32, #tpu.memory_space<vmem>>) semaphore(%arg12 : memref<!tpu.dma_semaphore, #tpu.memory_space<semaphore_mem>>)
      } else {
      }
      %scan3A_80 = arith.constant 0 : i32
      %scan3A_81 = arith.constant 0 : i32
      %scan3A_82 = arith.constant 32 : i32
      %scan3A_83 = arith.addi %scan3A_81, %scan3A_82 : i32
      %scan3A_84 = arith.constant 1 : i32
      scf.for %scan3A_88 = %scan3A_81 to %scan3A_83 step %scan3A_84  : i32 {
        %mul3A_89 = arith.constant 4 : i32
        %mul3A_90 = arith.muli %mul3A_89, %scan3A_88 : i32
        %add3A_91 = arith.constant 0 : i32
        %add3A_92 = arith.addi %mul3A_90, %add3A_91 : i32
        %get3A = arith.index_cast %add3A_92 : i32 to index
        %get3A_93 = arith.constant 0 : index
        %get3A_94 = tpu.vector_load %arg8[%get3A, %get3A_93] {strides = array<i32>} : memref<128x64xi32, #tpu.memory_space<vmem>>, vector<16xi32>,
        %shift_left3A = arith.constant 16 : i32
        %shift_left3A_95 = vector.broadcast %shift_left3A : i32 to vector<16xi32>
        %shift_left3A_96 = arith.shli %get3A_94, %shift_left3A_95 : vector<16xi32>
        %bitcast3A = vector.bitcast %shift_left3A_96 : vector<16xi32> to vector<16xf32>
        %add3A_97 = arith.constant 0 : i32
        %add3A_98 = arith.addi %mul3A_90, %add3A_97 : i32
        %swap3A = arith.index_cast %add3A_98 : i32 to index
        %swap3A_99 = arith.constant 0 : index
        %swap3A_100 = tpu.vector_load %arg9[%swap3A, %swap3A_99] {strides = array<i32>} : memref<128x128xf32, #tpu.memory_space<vmem>>, vector<16xf32>,
        tpu.vector_store %arg9[%swap3A, %swap3A_99], %bitcast3A {strides = array<i32>} : memref<128x128xf32, #tpu.memory_space<vmem>>, vector<16xf32>,
        %and3A = arith.constant -65536 : i32
        %and3A_101 = vector.broadcast %and3A : i32 to vector<16xi32>
        %and3A_102 = arith.andi %get3A_94, %and3A_101 : vector<16xi32>
        %bitcast3A_103 = vector.bitcast %and3A_102 : vector<16xi32> to vector<16xf32>
        %add3A_104 = arith.constant 0 : i32
        %add3A_105 = arith.addi %mul3A_90, %add3A_104 : i32
        %swap3A_106 = arith.index_cast %add3A_105 : i32 to index
        %swap3A_107 = arith.constant 64 : index
        %swap3A_108 = tpu.vector_load %arg9[%swap3A_106, %swap3A_107] {strides = array<i32>} : memref<128x128xf32, #tpu.memory_space<vmem>>, vector<16xf32>,
        tpu.vector_store %arg9[%swap3A_106, %swap3A_107], %bitcast3A_103 {strides = array<i32>} : memref<128x128xf32, #tpu.memory_space<vmem>>, vector<16xf32>,
        %add3A_109 = arith.constant 0 : i32
        %add3A_110 = arith.addi %mul3A_90, %add3A_109 : i32
        %get3A_111 = arith.index_cast %add3A_110 : i32 to index
        %get3A_112 = arith.constant 16 : index
        %get3A_113 = tpu.vector_load %arg8[%get3A_111, %get3A_112] {strides = array<i32>} : memref<128x64xi32, #tpu.memory_space<vmem>>, vector<16xi32>,
        %shift_left3A_114 = arith.constant 16 : i32
        %shift_left3A_115 = vector.broadcast %shift_left3A_114 : i32 to vector<16xi32>
        %shift_left3A_116 = arith.shli %get3A_113, %shift_left3A_115 : vector<16xi32>
        %bitcast3A_117 = vector.bitcast %shift_left3A_116 : vector<16xi32> to vector<16xf32>
        %add3A_118 = arith.constant 0 : i32
        %add3A_119 = arith.addi %mul3A_90, %add3A_118 : i32
        %swap3A_120 = arith.index_cast %add3A_119 : i32 to index
        %swap3A_121 = arith.constant 16 : index
        %swap3A_122 = tpu.vector_load %arg9[%swap3A_120, %swap3A_121] {strides = array<i32>} : memref<128x128xf32, #tpu.memory_space<vmem>>, vector<16xf32>,
        tpu.vector_store %arg9[%swap3A_120, %swap3A_121], %bitcast3A_117 {strides = array<i32>} : memref<128x128xf32, #tpu.memory_space<vmem>>, vector<16xf32>,
        %and3A_123 = arith.constant -65536 : i32
        %and3A_124 = vector.broadcast %and3A_123 : i32 to vector<16xi32>
        %and3A_125 = arith.andi %get3A_113, %and3A_124 : vector<16xi32>
        %bitcast3A_126 = vector.bitcast %and3A_125 : vector<16xi32> to vector<16xf32>
        %add3A_127 = arith.constant 0 : i32
        %add3A_128 = arith.addi %mul3A_90, %add3A_127 : i32
        %swap3A_129 = arith.index_cast %add3A_128 : i32 to index
        %swap3A_130 = arith.constant 80 : index
        %swap3A_131 = tpu.vector_load %arg9[%swap3A_129, %swap3A_130] {strides = array<i32>} : memref<128x128xf32, #tpu.memory_space<vmem>>, vector<16xf32>,
        tpu.vector_store %arg9[%swap3A_129, %swap3A_130], %bitcast3A_126 {strides = array<i32>} : memref<128x128xf32, #tpu.memory_space<vmem>>, vector<16xf32>,
        %add3A_132 = arith.constant 0 : i32
        %add3A_133 = arith.addi %mul3A_90, %add3A_132 : i32
        %get3A_134 = arith.index_cast %add3A_133 : i32 to index
        %get3A_135 = arith.constant 32 : index
        %get3A_136 = tpu.vector_load %arg8[%get3A_134, %get3A_135] {strides = array<i32>} : memref<128x64xi32, #tpu.memory_space<vmem>>, vector<16xi32>,
        %shift_left3A_137 = arith.constant 16 : i32
        %shift_left3A_138 = vector.broadcast %shift_left3A_137 : i32 to vector<16xi32>
        %shift_left3A_139 = arith.shli %get3A_136, %shift_left3A_138 : vector<16xi32>
        %bitcast3A_140 = vector.bitcast %shift_left3A_139 : vector<16xi32> to vector<16xf32>
        %add3A_141 = arith.constant 0 : i32
        %add3A_142 = arith.addi %mul3A_90, %add3A_141 : i32
        %swap3A_143 = arith.index_cast %add3A_142 : i32 to index
        %swap3A_144 = arith.constant 32 : index
        %swap3A_145 = tpu.vector_load %arg9[%swap3A_143, %swap3A_144] {strides = array<i32>} : memref<128x128xf32, #tpu.memory_space<vmem>>, vector<16xf32>,
        tpu.vector_store %arg9[%swap3A_143, %swap3A_144], %bitcast3A_140 {strides = array<i32>} : memref<128x128xf32, #tpu.memory_space<vmem>>, vector<16xf32>,
        %and3A_146 = arith.constant -65536 : i32
        %and3A_147 = vector.broadcast %and3A_146 : i32 to vector<16xi32>
        %and3A_148 = arith.andi %get3A_136, %and3A_147 : vector<16xi32>
        %bitcast3A_149 = vector.bitcast %and3A_148 : vector<16xi32> to vector<16xf32>
        %add3A_150 = arith.constant 0 : i32
        %add3A_151 = arith.addi %mul3A_90, %add3A_150 : i32
        %swap3A_152 = arith.index_cast %add3A_151 : i32 to index
        %swap3A_153 = arith.constant 96 : index
        %swap3A_154 = tpu.vector_load %arg9[%swap3A_152, %swap3A_153] {strides = array<i32>} : memref<128x128xf32, #tpu.memory_space<vmem>>, vector<16xf32>,
        tpu.vector_store %arg9[%swap3A_152, %swap3A_153], %bitcast3A_149 {strides = array<i32>} : memref<128x128xf32, #tpu.memory_space<vmem>>, vector<16xf32>,
        %add3A_155 = arith.constant 0 : i32
        %add3A_156 = arith.addi %mul3A_90, %add3A_155 : i32
        %get3A_157 = arith.index_cast %add3A_156 : i32 to index
        %get3A_158 = arith.constant 48 : index
        %get3A_159 = tpu.vector_load %arg8[%get3A_157, %get3A_158] {strides = array<i32>} : memref<128x64xi32, #tpu.memory_space<vmem>>, vector<16xi32>,
        %shift_left3A_160 = arith.constant 16 : i32
        %shift_left3A_161 = vector.broadcast %shift_left3A_160 : i32 to vector<16xi32>
        %shift_left3A_162 = arith.shli %get3A_159, %shift_left3A_161 : vector<16xi32>
        %bitcast3A_163 = vector.bitcast %shift_left3A_162 : vector<16xi32> to vector<16xf32>
        %add3A_164 = arith.constant 0 : i32
        %add3A_165 = arith.addi %mul3A_90, %add3A_164 : i32
        %swap3A_166 = arith.index_cast %add3A_165 : i32 to index
        %swap3A_167 = arith.constant 48 : index
        %swap3A_168 = tpu.vector_load %arg9[%swap3A_166, %swap3A_167] {strides = array<i32>} : memref<128x128xf32, #tpu.memory_space<vmem>>, vector<16xf32>,
        tpu.vector_store %arg9[%swap3A_166, %swap3A_167], %bitcast3A_163 {strides = array<i32>} : memref<128x128xf32, #tpu.memory_space<vmem>>, vector<16xf32>,
        %and3A_169 = arith.constant -65536 : i32
        %and3A_170 = vector.broadcast %and3A_169 : i32 to vector<16xi32>
        %and3A_171 = arith.andi %get3A_159, %and3A_170 : vector<16xi32>
        %bitcast3A_172 = vector.bitcast %and3A_171 : vector<16xi32> to vector<16xf32>
        %add3A_173 = arith.constant 0 : i32
        %add3A_174 = arith.addi %mul3A_90, %add3A_173 : i32
        %swap3A_175 = arith.index_cast %add3A_174 : i32 to index
        %swap3A_176 = arith.constant 112 : index
        %swap3A_177 = tpu.vector_load %arg9[%swap3A_175, %swap3A_176] {strides = array<i32>} : memref<128x128xf32, #tpu.memory_space<vmem>>, vector<16xf32>,
        tpu.vector_store %arg9[%swap3A_175, %swap3A_176], %bitcast3A_172 {strides = array<i32>} : memref<128x128xf32, #tpu.memory_space<vmem>>, vector<16xf32>,
        %add3A_178 = arith.constant 1 : i32
        %add3A_179 = arith.addi %mul3A_90, %add3A_178 : i32
        %get3A_180 = arith.index_cast %add3A_179 : i32 to index
        %get3A_181 = arith.constant 0 : index
        %get3A_182 = tpu.vector_load %arg8[%get3A_180, %get3A_181] {strides = array<i32>} : memref<128x64xi32, #tpu.memory_space<vmem>>, vector<16xi32>,
        %shift_left3A_183 = arith.constant 16 : i32
        %shift_left3A_184 = vector.broadcast %shift_left3A_183 : i32 to vector<16xi32>
        %shift_left3A_185 = arith.shli %get3A_182, %shift_left3A_184 : vector<16xi32>
        %bitcast3A_186 = vector.bitcast %shift_left3A_185 : vector<16xi32> to vector<16xf32>
        %add3A_187 = arith.constant 1 : i32
        %add3A_188 = arith.addi %mul3A_90, %add3A_187 : i32
        %swap3A_189 = arith.index_cast %add3A_188 : i32 to index
        %swap3A_190 = arith.constant 0 : index
        %swap3A_191 = tpu.vector_load %arg9[%swap3A_189, %swap3A_190] {strides = array<i32>} : memref<128x128xf32, #tpu.memory_space<vmem>>, vector<16xf32>,
        tpu.vector_store %arg9[%swap3A_189, %swap3A_190], %bitcast3A_186 {strides = array<i32>} : memref<128x128xf32, #tpu.memory_space<vmem>>, vector<16xf32>,
        %and3A_192 = arith.constant -65536 : i32
        %and3A_193 = vector.broadcast %and3A_192 : i32 to vector<16xi32>
        %and3A_194 = arith.andi %get3A_182, %and3A_193 : vector<16xi32>
        %bitcast3A_195 = vector.bitcast %and3A_194 : vector<16xi32> to vector<16xf32>
        %add3A_196 = arith.constant 1 : i32
        %add3A_197 = arith.addi %mul3A_90, %add3A_196 : i32
        %swap3A_198 = arith.index_cast %add3A_197 : i32 to index
        %swap3A_199 = arith.constant 64 : index
        %swap3A_200 = tpu.vector_load %arg9[%swap3A_198, %swap3A_199] {strides = array<i32>} : memref<128x128xf32, #tpu.memory_space<vmem>>, vector<16xf32>,
        tpu.vector_store %arg9[%swap3A_198, %swap3A_199], %bitcast3A_195 {strides = array<i32>} : memref<128x128xf32, #tpu.memory_space<vmem>>, vector<16xf32>,
        %add3A_201 = arith.constant 1 : i32
        %add3A_202 = arith.addi %mul3A_90, %add3A_201 : i32
        %get3A_203 = arith.index_cast %add3A_202 : i32 to index
        %get3A_204 = arith.constant 16 : index
        %get3A_205 = tpu.vector_load %arg8[%get3A_203, %get3A_204] {strides = array<i32>} : memref<128x64xi32, #tpu.memory_space<vmem>>, vector<16xi32>,
        %shift_left3A_206 = arith.constant 16 : i32
        %shift_left3A_207 = vector.broadcast %shift_left3A_206 : i32 to vector<16xi32>
        %shift_left3A_208 = arith.shli %get3A_205, %shift_left3A_207 : vector<16xi32>
        %bitcast3A_209 = vector.bitcast %shift_left3A_208 : vector<16xi32> to vector<16xf32>
        %add3A_210 = arith.constant 1 : i32
        %add3A_211 = arith.addi %mul3A_90, %add3A_210 : i32
        %swap3A_212 = arith.index_cast %add3A_211 : i32 to index
        %swap3A_213 = arith.constant 16 : index
        %swap3A_214 = tpu.vector_load %arg9[%swap3A_212, %swap3A_213] {strides = array<i32>} : memref<128x128xf32, #tpu.memory_space<vmem>>, vector<16xf32>,
        tpu.vector_store %arg9[%swap3A_212, %swap3A_213], %bitcast3A_209 {strides = array<i32>} : memref<128x128xf32, #tpu.memory_space<vmem>>, vector<16xf32>,
        %and3A_215 = arith.constant -65536 : i32
        %and3A_216 = vector.broadcast %and3A_215 : i32 to vector<16xi32>
        %and3A_217 = arith.andi %get3A_205, %and3A_216 : vector<16xi32>
        %bitcast3A_218 = vector.bitcast %and3A_217 : vector<16xi32> to vector<16xf32>
        %add3A_219 = arith.constant 1 : i32
        %add3A_220 = arith.addi %mul3A_90, %add3A_219 : i32
        %swap3A_221 = arith.index_cast %add3A_220 : i32 to index
        %swap3A_222 = arith.constant 80 : index
        %swap3A_223 = tpu.vector_load %arg9[%swap3A_221, %swap3A_222] {strides = array<i32>} : memref<128x128xf32, #tpu.memory_space<vmem>>, vector<16xf32>,
        tpu.vector_store %arg9[%swap3A_221, %swap3A_222], %bitcast3A_218 {strides = array<i32>} : memref<128x128xf32, #tpu.memory_space<vmem>>, vector<16xf32>,
        %add3A_224 = arith.constant 1 : i32
        %add3A_225 = arith.addi %mul3A_90, %add3A_224 : i32
        %get3A_226 = arith.index_cast %add3A_225 : i32 to index
        %get3A_227 = arith.constant 32 : index
        %get3A_228 = tpu.vector_load %arg8[%get3A_226, %get3A_227] {strides = array<i32>} : memref<128x64xi32, #tpu.memory_space<vmem>>, vector<16xi32>,
        %shift_left3A_229 = arith.constant 16 : i32
        %shift_left3A_230 = vector.broadcast %shift_left3A_229 : i32 to vector<16xi32>
        %shift_left3A_231 = arith.shli %get3A_228, %shift_left3A_230 : vector<16xi32>
        %bitcast3A_232 = vector.bitcast %shift_left3A_231 : vector<16xi32> to vector<16xf32>
        %add3A_233 = arith.constant 1 : i32
        %add3A_234 = arith.addi %mul3A_90, %add3A_233 : i32
        %swap3A_235 = arith.index_cast %add3A_234 : i32 to index
        %swap3A_236 = arith.constant 32 : index
        %swap3A_237 = tpu.vector_load %arg9[%swap3A_235, %swap3A_236] {strides = array<i32>} : memref<128x128xf32, #tpu.memory_space<vmem>>, vector<16xf32>,
        tpu.vector_store %arg9[%swap3A_235, %swap3A_236], %bitcast3A_232 {strides = array<i32>} : memref<128x128xf32, #tpu.memory_space<vmem>>, vector<16xf32>,
        %and3A_238 = arith.constant -65536 : i32
        %and3A_239 = vector.broadcast %and3A_238 : i32 to vector<16xi32>
        %and3A_240 = arith.andi %get3A_228, %and3A_239 : vector<16xi32>
        %bitcast3A_241 = vector.bitcast %and3A_240 : vector<16xi32> to vector<16xf32>
        %add3A_242 = arith.constant 1 : i32
        %add3A_243 = arith.addi %mul3A_90, %add3A_242 : i32
        %swap3A_244 = arith.index_cast %add3A_243 : i32 to index
        %swap3A_245 = arith.constant 96 : index
        %swap3A_246 = tpu.vector_load %arg9[%swap3A_244, %swap3A_245] {strides = array<i32>} : memref<128x128xf32, #tpu.memory_space<vmem>>, vector<16xf32>,
        tpu.vector_store %arg9[%swap3A_244, %swap3A_245], %bitcast3A_241 {strides = array<i32>} : memref<128x128xf32, #tpu.memory_space<vmem>>, vector<16xf32>,
        %add3A_247 = arith.constant 1 : i32
        %add3A_248 = arith.addi %mul3A_90, %add3A_247 : i32
        %get3A_249 = arith.index_cast %add3A_248 : i32 to index
        %get3A_250 = arith.constant 48 : index
        %get3A_251 = tpu.vector_load %arg8[%get3A_249, %get3A_250] {strides = array<i32>} : memref<128x64xi32, #tpu.memory_space<vmem>>, vector<16xi32>,
        %shift_left3A_252 = arith.constant 16 : i32
        %shift_left3A_253 = vector.broadcast %shift_left3A_252 : i32 to vector<16xi32>
        %shift_left3A_254 = arith.shli %get3A_251, %shift_left3A_253 : vector<16xi32>
        %bitcast3A_255 = vector.bitcast %shift_left3A_254 : vector<16xi32> to vector<16xf32>
        %add3A_256 = arith.constant 1 : i32
        %add3A_257 = arith.addi %mul3A_90, %add3A_256 : i32
        %swap3A_258 = arith.index_cast %add3A_257 : i32 to index
        %swap3A_259 = arith.constant 48 : index
        %swap3A_260 = tpu.vector_load %arg9[%swap3A_258, %swap3A_259] {strides = array<i32>} : memref<128x128xf32, #tpu.memory_space<vmem>>, vector<16xf32>,
        tpu.vector_store %arg9[%swap3A_258, %swap3A_259], %bitcast3A_255 {strides = array<i32>} : memref<128x128xf32, #tpu.memory_space<vmem>>, vector<16xf32>,
        %and3A_261 = arith.constant -65536 : i32
        %and3A_262 = vector.broadcast %and3A_261 : i32 to vector<16xi32>
        %and3A_263 = arith.andi %get3A_251, %and3A_262 : vector<16xi32>
        %bitcast3A_264 = vector.bitcast %and3A_263 : vector<16xi32> to vector<16xf32>
        %add3A_265 = arith.constant 1 : i32
        %add3A_266 = arith.addi %mul3A_90, %add3A_265 : i32
        %swap3A_267 = arith.index_cast %add3A_266 : i32 to index
        %swap3A_268 = arith.constant 112 : index
        %swap3A_269 = tpu.vector_load %arg9[%swap3A_267, %swap3A_268] {strides = array<i32>} : memref<128x128xf32, #tpu.memory_space<vmem>>, vector<16xf32>,
        tpu.vector_store %arg9[%swap3A_267, %swap3A_268], %bitcast3A_264 {strides = array<i32>} : memref<128x128xf32, #tpu.memory_space<vmem>>, vector<16xf32>,
        %add3A_270 = arith.constant 2 : i32
        %add3A_271 = arith.addi %mul3A_90, %add3A_270 : i32
        %get3A_272 = arith.index_cast %add3A_271 : i32 to index
        %get3A_273 = arith.constant 0 : index
        %get3A_274 = tpu.vector_load %arg8[%get3A_272, %get3A_273] {strides = array<i32>} : memref<128x64xi32, #tpu.memory_space<vmem>>, vector<16xi32>,
        %shift_left3A_275 = arith.constant 16 : i32
        %shift_left3A_276 = vector.broadcast %shift_left3A_275 : i32 to vector<16xi32>
        %shift_left3A_277 = arith.shli %get3A_274, %shift_left3A_276 : vector<16xi32>
        %bitcast3A_278 = vector.bitcast %shift_left3A_277 : vector<16xi32> to vector<16xf32>
        %add3A_279 = arith.constant 2 : i32
        %add3A_280 = arith.addi %mul3A_90, %add3A_279 : i32
        %swap3A_281 = arith.index_cast %add3A_280 : i32 to index
        %swap3A_282 = arith.constant 0 : index
        %swap3A_283 = tpu.vector_load %arg9[%swap3A_281, %swap3A_282] {strides = array<i32>} : memref<128x128xf32, #tpu.memory_space<vmem>>, vector<16xf32>,
        tpu.vector_store %arg9[%swap3A_281, %swap3A_282], %bitcast3A_278 {strides = array<i32>} : memref<128x128xf32, #tpu.memory_space<vmem>>, vector<16xf32>,
        %and3A_284 = arith.constant -65536 : i32
        %and3A_285 = vector.broadcast %and3A_284 : i32 to vector<16xi32>
        %and3A_286 = arith.andi %get3A_274, %and3A_285 : vector<16xi32>
        %bitcast3A_287 = vector.bitcast %and3A_286 : vector<16xi32> to vector<16xf32>
        %add3A_288 = arith.constant 2 : i32
        %add3A_289 = arith.addi %mul3A_90, %add3A_288 : i32
        %swap3A_290 = arith.index_cast %add3A_289 : i32 to index
        %swap3A_291 = arith.constant 64 : index
        %swap3A_292 = tpu.vector_load %arg9[%swap3A_290, %swap3A_291] {strides = array<i32>} : memref<128x128xf32, #tpu.memory_space<vmem>>, vector<16xf32>,
        tpu.vector_store %arg9[%swap3A_290, %swap3A_291], %bitcast3A_287 {strides = array<i32>} : memref<128x128xf32, #tpu.memory_space<vmem>>, vector<16xf32>,
        %add3A_293 = arith.constant 2 : i32
        %add3A_294 = arith.addi %mul3A_90, %add3A_293 : i32
        %get3A_295 = arith.index_cast %add3A_294 : i32 to index
        %get3A_296 = arith.constant 16 : index
        %get3A_297 = tpu.vector_load %arg8[%get3A_295, %get3A_296] {strides = array<i32>} : memref<128x64xi32, #tpu.memory_space<vmem>>, vector<16xi32>,
        %shift_left3A_298 = arith.constant 16 : i32
        %shift_left3A_299 = vector.broadcast %shift_left3A_298 : i32 to vector<16xi32>
        %shift_left3A_300 = arith.shli %get3A_297, %shift_left3A_299 : vector<16xi32>
        %bitcast3A_301 = vector.bitcast %shift_left3A_300 : vector<16xi32> to vector<16xf32>
        %add3A_302 = arith.constant 2 : i32
        %add3A_303 = arith.addi %mul3A_90, %add3A_302 : i32
        %swap3A_304 = arith.index_cast %add3A_303 : i32 to index
        %swap3A_305 = arith.constant 16 : index
        %swap3A_306 = tpu.vector_load %arg9[%swap3A_304, %swap3A_305] {strides = array<i32>} : memref<128x128xf32, #tpu.memory_space<vmem>>, vector<16xf32>,
        tpu.vector_store %arg9[%swap3A_304, %swap3A_305], %bitcast3A_301 {strides = array<i32>} : memref<128x128xf32, #tpu.memory_space<vmem>>, vector<16xf32>,
        %and3A_307 = arith.constant -65536 : i32
        %and3A_308 = vector.broadcast %and3A_307 : i32 to vector<16xi32>
        %and3A_309 = arith.andi %get3A_297, %and3A_308 : vector<16xi32>
        %bitcast3A_310 = vector.bitcast %and3A_309 : vector<16xi32> to vector<16xf32>
        %add3A_311 = arith.constant 2 : i32
        %add3A_312 = arith.addi %mul3A_90, %add3A_311 : i32
        %swap3A_313 = arith.index_cast %add3A_312 : i32 to index
        %swap3A_314 = arith.constant 80 : index
        %swap3A_315 = tpu.vector_load %arg9[%swap3A_313, %swap3A_314] {strides = array<i32>} : memref<128x128xf32, #tpu.memory_space<vmem>>, vector<16xf32>,
        tpu.vector_store %arg9[%swap3A_313, %swap3A_314], %bitcast3A_310 {strides = array<i32>} : memref<128x128xf32, #tpu.memory_space<vmem>>, vector<16xf32>,
        %add3A_316 = arith.constant 2 : i32
        %add3A_317 = arith.addi %mul3A_90, %add3A_316 : i32
        %get3A_318 = arith.index_cast %add3A_317 : i32 to index
        %get3A_319 = arith.constant 32 : index
        %get3A_320 = tpu.vector_load %arg8[%get3A_318, %get3A_319] {strides = array<i32>} : memref<128x64xi32, #tpu.memory_space<vmem>>, vector<16xi32>,
        %shift_left3A_321 = arith.constant 16 : i32
        %shift_left3A_322 = vector.broadcast %shift_left3A_321 : i32 to vector<16xi32>
        %shift_left3A_323 = arith.shli %get3A_320, %shift_left3A_322 : vector<16xi32>
        %bitcast3A_324 = vector.bitcast %shift_left3A_323 : vector<16xi32> to vector<16xf32>
        %add3A_325 = arith.constant 2 : i32
        %add3A_326 = arith.addi %mul3A_90, %add3A_325 : i32
        %swap3A_327 = arith.index_cast %add3A_326 : i32 to index
        %swap3A_328 = arith.constant 32 : index
        %swap3A_329 = tpu.vector_load %arg9[%swap3A_327, %swap3A_328] {strides = array<i32>} : memref<128x128xf32, #tpu.memory_space<vmem>>, vector<16xf32>,
        tpu.vector_store %arg9[%swap3A_327, %swap3A_328], %bitcast3A_324 {strides = array<i32>} : memref<128x128xf32, #tpu.memory_space<vmem>>, vector<16xf32>,
        %and3A_330 = arith.constant -65536 : i32
        %and3A_331 = vector.broadcast %and3A_330 : i32 to vector<16xi32>
        %and3A_332 = arith.andi %get3A_320, %and3A_331 : vector<16xi32>
        %bitcast3A_333 = vector.bitcast %and3A_332 : vector<16xi32> to vector<16xf32>
        %add3A_334 = arith.constant 2 : i32
        %add3A_335 = arith.addi %mul3A_90, %add3A_334 : i32
        %swap3A_336 = arith.index_cast %add3A_335 : i32 to index
        %swap3A_337 = arith.constant 96 : index
        %swap3A_338 = tpu.vector_load %arg9[%swap3A_336, %swap3A_337] {strides = array<i32>} : memref<128x128xf32, #tpu.memory_space<vmem>>, vector<16xf32>,
        tpu.vector_store %arg9[%swap3A_336, %swap3A_337], %bitcast3A_333 {strides = array<i32>} : memref<128x128xf32, #tpu.memory_space<vmem>>, vector<16xf32>,
        %add3A_339 = arith.constant 2 : i32
        %add3A_340 = arith.addi %mul3A_90, %add3A_339 : i32
        %get3A_341 = arith.index_cast %add3A_340 : i32 to index
        %get3A_342 = arith.constant 48 : index
        %get3A_343 = tpu.vector_load %arg8[%get3A_341, %get3A_342] {strides = array<i32>} : memref<128x64xi32, #tpu.memory_space<vmem>>, vector<16xi32>,
        %shift_left3A_344 = arith.constant 16 : i32
        %shift_left3A_345 = vector.broadcast %shift_left3A_344 : i32 to vector<16xi32>
        %shift_left3A_346 = arith.shli %get3A_343, %shift_left3A_345 : vector<16xi32>
        %bitcast3A_347 = vector.bitcast %shift_left3A_346 : vector<16xi32> to vector<16xf32>
        %add3A_348 = arith.constant 2 : i32
        %add3A_349 = arith.addi %mul3A_90, %add3A_348 : i32
        %swap3A_350 = arith.index_cast %add3A_349 : i32 to index
        %swap3A_351 = arith.constant 48 : index
        %swap3A_352 = tpu.vector_load %arg9[%swap3A_350, %swap3A_351] {strides = array<i32>} : memref<128x128xf32, #tpu.memory_space<vmem>>, vector<16xf32>,
        tpu.vector_store %arg9[%swap3A_350, %swap3A_351], %bitcast3A_347 {strides = array<i32>} : memref<128x128xf32, #tpu.memory_space<vmem>>, vector<16xf32>,
        %and3A_353 = arith.constant -65536 : i32
        %and3A_354 = vector.broadcast %and3A_353 : i32 to vector<16xi32>
        %and3A_355 = arith.andi %get3A_343, %and3A_354 : vector<16xi32>
        %bitcast3A_356 = vector.bitcast %and3A_355 : vector<16xi32> to vector<16xf32>
        %add3A_357 = arith.constant 2 : i32
        %add3A_358 = arith.addi %mul3A_90, %add3A_357 : i32
        %swap3A_359 = arith.index_cast %add3A_358 : i32 to index
        %swap3A_360 = arith.constant 112 : index
        %swap3A_361 = tpu.vector_load %arg9[%swap3A_359, %swap3A_360] {strides = array<i32>} : memref<128x128xf32, #tpu.memory_space<vmem>>, vector<16xf32>,
        tpu.vector_store %arg9[%swap3A_359, %swap3A_360], %bitcast3A_356 {strides = array<i32>} : memref<128x128xf32, #tpu.memory_space<vmem>>, vector<16xf32>,
        %add3A_362 = arith.constant 3 : i32
        %add3A_363 = arith.addi %mul3A_90, %add3A_362 : i32
        %get3A_364 = arith.index_cast %add3A_363 : i32 to index
        %get3A_365 = arith.constant 0 : index
        %get3A_366 = tpu.vector_load %arg8[%get3A_364, %get3A_365] {strides = array<i32>} : memref<128x64xi32, #tpu.memory_space<vmem>>, vector<16xi32>,
        %shift_left3A_367 = arith.constant 16 : i32
        %shift_left3A_368 = vector.broadcast %shift_left3A_367 : i32 to vector<16xi32>
        %shift_left3A_369 = arith.shli %get3A_366, %shift_left3A_368 : vector<16xi32>
        %bitcast3A_370 = vector.bitcast %shift_left3A_369 : vector<16xi32> to vector<16xf32>
        %add3A_371 = arith.constant 3 : i32
        %add3A_372 = arith.addi %mul3A_90, %add3A_371 : i32
        %swap3A_373 = arith.index_cast %add3A_372 : i32 to index
        %swap3A_374 = arith.constant 0 : index
        %swap3A_375 = tpu.vector_load %arg9[%swap3A_373, %swap3A_374] {strides = array<i32>} : memref<128x128xf32, #tpu.memory_space<vmem>>, vector<16xf32>,
        tpu.vector_store %arg9[%swap3A_373, %swap3A_374], %bitcast3A_370 {strides = array<i32>} : memref<128x128xf32, #tpu.memory_space<vmem>>, vector<16xf32>,
        %and3A_376 = arith.constant -65536 : i32
        %and3A_377 = vector.broadcast %and3A_376 : i32 to vector<16xi32>
        %and3A_378 = arith.andi %get3A_366, %and3A_377 : vector<16xi32>
        %bitcast3A_379 = vector.bitcast %and3A_378 : vector<16xi32> to vector<16xf32>
        %add3A_380 = arith.constant 3 : i32
        %add3A_381 = arith.addi %mul3A_90, %add3A_380 : i32
        %swap3A_382 = arith.index_cast %add3A_381 : i32 to index
        %swap3A_383 = arith.constant 64 : index
        %swap3A_384 = tpu.vector_load %arg9[%swap3A_382, %swap3A_383] {strides = array<i32>} : memref<128x128xf32, #tpu.memory_space<vmem>>, vector<16xf32>,
        tpu.vector_store %arg9[%swap3A_382, %swap3A_383], %bitcast3A_379 {strides = array<i32>} : memref<128x128xf32, #tpu.memory_space<vmem>>, vector<16xf32>,
        %add3A_385 = arith.constant 3 : i32
        %add3A_386 = arith.addi %mul3A_90, %add3A_385 : i32
        %get3A_387 = arith.index_cast %add3A_386 : i32 to index
        %get3A_388 = arith.constant 16 : index
        %get3A_389 = tpu.vector_load %arg8[%get3A_387, %get3A_388] {strides = array<i32>} : memref<128x64xi32, #tpu.memory_space<vmem>>, vector<16xi32>,
        %shift_left3A_390 = arith.constant 16 : i32
        %shift_left3A_391 = vector.broadcast %shift_left3A_390 : i32 to vector<16xi32>
        %shift_left3A_392 = arith.shli %get3A_389, %shift_left3A_391 : vector<16xi32>
        %bitcast3A_393 = vector.bitcast %shift_left3A_392 : vector<16xi32> to vector<16xf32>
        %add3A_394 = arith.constant 3 : i32
        %add3A_395 = arith.addi %mul3A_90, %add3A_394 : i32
        %swap3A_396 = arith.index_cast %add3A_395 : i32 to index
        %swap3A_397 = arith.constant 16 : index
        %swap3A_398 = tpu.vector_load %arg9[%swap3A_396, %swap3A_397] {strides = array<i32>} : memref<128x128xf32, #tpu.memory_space<vmem>>, vector<16xf32>,
        tpu.vector_store %arg9[%swap3A_396, %swap3A_397], %bitcast3A_393 {strides = array<i32>} : memref<128x128xf32, #tpu.memory_space<vmem>>, vector<16xf32>,
        %and3A_399 = arith.constant -65536 : i32
        %and3A_400 = vector.broadcast %and3A_399 : i32 to vector<16xi32>
        %and3A_401 = arith.andi %get3A_389, %and3A_400 : vector<16xi32>
        %bitcast3A_402 = vector.bitcast %and3A_401 : vector<16xi32> to vector<16xf32>
        %add3A_403 = arith.constant 3 : i32
        %add3A_404 = arith.addi %mul3A_90, %add3A_403 : i32
        %swap3A_405 = arith.index_cast %add3A_404 : i32 to index
        %swap3A_406 = arith.constant 80 : index
        %swap3A_407 = tpu.vector_load %arg9[%swap3A_405, %swap3A_406] {strides = array<i32>} : memref<128x128xf32, #tpu.memory_space<vmem>>, vector<16xf32>,
        tpu.vector_store %arg9[%swap3A_405, %swap3A_406], %bitcast3A_402 {strides = array<i32>} : memref<128x128xf32, #tpu.memory_space<vmem>>, vector<16xf32>,
        %add3A_408 = arith.constant 3 : i32
        %add3A_409 = arith.addi %mul3A_90, %add3A_408 : i32
        %get3A_410 = arith.index_cast %add3A_409 : i32 to index
        %get3A_411 = arith.constant 32 : index
        %get3A_412 = tpu.vector_load %arg8[%get3A_410, %get3A_411] {strides = array<i32>} : memref<128x64xi32, #tpu.memory_space<vmem>>, vector<16xi32>,
        %shift_left3A_413 = arith.constant 16 : i32
        %shift_left3A_414 = vector.broadcast %shift_left3A_413 : i32 to vector<16xi32>
        %shift_left3A_415 = arith.shli %get3A_412, %shift_left3A_414 : vector<16xi32>
        %bitcast3A_416 = vector.bitcast %shift_left3A_415 : vector<16xi32> to vector<16xf32>
        %add3A_417 = arith.constant 3 : i32
        %add3A_418 = arith.addi %mul3A_90, %add3A_417 : i32
        %swap3A_419 = arith.index_cast %add3A_418 : i32 to index
        %swap3A_420 = arith.constant 32 : index
        %swap3A_421 = tpu.vector_load %arg9[%swap3A_419, %swap3A_420] {strides = array<i32>} : memref<128x128xf32, #tpu.memory_space<vmem>>, vector<16xf32>,
        tpu.vector_store %arg9[%swap3A_419, %swap3A_420], %bitcast3A_416 {strides = array<i32>} : memref<128x128xf32, #tpu.memory_space<vmem>>, vector<16xf32>,
        %and3A_422 = arith.constant -65536 : i32
        %and3A_423 = vector.broadcast %and3A_422 : i32 to vector<16xi32>
        %and3A_424 = arith.andi %get3A_412, %and3A_423 : vector<16xi32>
        %bitcast3A_425 = vector.bitcast %and3A_424 : vector<16xi32> to vector<16xf32>
        %add3A_426 = arith.constant 3 : i32
        %add3A_427 = arith.addi %mul3A_90, %add3A_426 : i32
        %swap3A_428 = arith.index_cast %add3A_427 : i32 to index
        %swap3A_429 = arith.constant 96 : index
        %swap3A_430 = tpu.vector_load %arg9[%swap3A_428, %swap3A_429] {strides = array<i32>} : memref<128x128xf32, #tpu.memory_space<vmem>>, vector<16xf32>,
        tpu.vector_store %arg9[%swap3A_428, %swap3A_429], %bitcast3A_425 {strides = array<i32>} : memref<128x128xf32, #tpu.memory_space<vmem>>, vector<16xf32>,
        %add3A_431 = arith.constant 3 : i32
        %add3A_432 = arith.addi %mul3A_90, %add3A_431 : i32
        %get3A_433 = arith.index_cast %add3A_432 : i32 to index
        %get3A_434 = arith.constant 48 : index
        %get3A_435 = tpu.vector_load %arg8[%get3A_433, %get3A_434] {strides = array<i32>} : memref<128x64xi32, #tpu.memory_space<vmem>>, vector<16xi32>,
        %shift_left3A_436 = arith.constant 16 : i32
        %shift_left3A_437 = vector.broadcast %shift_left3A_436 : i32 to vector<16xi32>
        %shift_left3A_438 = arith.shli %get3A_435, %shift_left3A_437 : vector<16xi32>
        %bitcast3A_439 = vector.bitcast %shift_left3A_438 : vector<16xi32> to vector<16xf32>
        %add3A_440 = arith.constant 3 : i32
        %add3A_441 = arith.addi %mul3A_90, %add3A_440 : i32
        %swap3A_442 = arith.index_cast %add3A_441 : i32 to index
        %swap3A_443 = arith.constant 48 : index
        %swap3A_444 = tpu.vector_load %arg9[%swap3A_442, %swap3A_443] {strides = array<i32>} : memref<128x128xf32, #tpu.memory_space<vmem>>, vector<16xf32>,
        tpu.vector_store %arg9[%swap3A_442, %swap3A_443], %bitcast3A_439 {strides = array<i32>} : memref<128x128xf32, #tpu.memory_space<vmem>>, vector<16xf32>,
        %and3A_445 = arith.constant -65536 : i32
        %and3A_446 = vector.broadcast %and3A_445 : i32 to vector<16xi32>
        %and3A_447 = arith.andi %get3A_435, %and3A_446 : vector<16xi32>
        %bitcast3A_448 = vector.bitcast %and3A_447 : vector<16xi32> to vector<16xf32>
        %add3A_449 = arith.constant 3 : i32
        %add3A_450 = arith.addi %mul3A_90, %add3A_449 : i32
        %swap3A_451 = arith.index_cast %add3A_450 : i32 to index
        %swap3A_452 = arith.constant 112 : index
        %swap3A_453 = tpu.vector_load %arg9[%swap3A_451, %swap3A_452] {strides = array<i32>} : memref<128x128xf32, #tpu.memory_space<vmem>>, vector<16xf32>,
        tpu.vector_store %arg9[%swap3A_451, %swap3A_452], %bitcast3A_448 {strides = array<i32>} : memref<128x128xf32, #tpu.memory_space<vmem>>, vector<16xf32>,
      }
      %scan3A_85 = arith.constant 32 : i32
      %add3A_86 = arith.constant 0 : i32
      %add3A_87 = arith.addi %add3A_86, %add3A_50 : i32
      "tpu.region"() ({
        %run_scoped3A_88 = tpu.sem_alloc : memref<!tpu.dma_semaphore, #tpu.memory_space<semaphore_mem>>
        %dma_start3A_89 = arith.constant 0 : i32
        %dma_start3A_90 = tpu.memref_slice %arg10[%add3A_87, %dma_start3A_89] : memref<80x128xi32, #tpu.memory_space<vmem>> -> memref<1x128xi32, #tpu.memory_space<vmem>>
        %dma_start3A_91 = tpu.memref_squeeze %dma_start3A_90 : memref<1x128xi32, #tpu.memory_space<vmem>> -> memref<128xi32, #tpu.memory_space<vmem>>
        %dma_start3A_92 = arith.constant 0 : i32
        %dma_start3A_93 = arith.constant 0 : i32
        %dma_start3A_94 = tpu.memref_slice %arg11[%dma_start3A_92, %dma_start3A_93] : memref<10112x128xf32, #tpu.memory_space<vmem_shared>> -> memref<10112x128xf32, #tpu.memory_space<vmem_shared>>
        tpu.enqueue_indirect_dma source(%arg9 : memref<128x128xf32, #tpu.memory_space<vmem>>) target(%dma_start3A_94 : memref<10112x128xf32, #tpu.memory_space<vmem_shared>>) offsets(%dma_start3A_91 : memref<128xi32, #tpu.memory_space<vmem>>) semaphore(%run_scoped3A_88 : memref<!tpu.dma_semaphore, #tpu.memory_space<semaphore_mem>>) {add = true}
        %dma_wait3A_95 = arith.constant 0 : i32
        %dma_wait3A_96 = tpu.memref_slice %arg10[%add3A_87, %dma_wait3A_95] : memref<80x128xi32, #tpu.memory_space<vmem>> -> memref<1x128xi32, #tpu.memory_space<vmem>>
        %dma_wait3A_97 = tpu.memref_squeeze %dma_wait3A_96 : memref<1x128xi32, #tpu.memory_space<vmem>> -> memref<128xi32, #tpu.memory_space<vmem>>
        %dma_wait3A_98 = arith.constant 0 : i32
        %dma_wait3A_99 = arith.constant 0 : i32
        %dma_wait3A_100 = tpu.memref_slice %arg11[%dma_wait3A_98, %dma_wait3A_99] : memref<10112x128xf32, #tpu.memory_space<vmem_shared>> -> memref<10112x128xf32, #tpu.memory_space<vmem_shared>>
        tpu.wait_indirect_dma semaphore(%run_scoped3A_88 : memref<!tpu.dma_semaphore, #tpu.memory_space<semaphore_mem>>) src(%arg9 : memref<128x128xf32, #tpu.memory_space<vmem>>) dst(%dma_wait3A_100 : memref<10112x128xf32, #tpu.memory_space<vmem_shared>>)
        tpu.yield
      }) : () -> ()
    }
    %scan3A_30 = arith.constant 20 : i32
    %run_scoped3A_31 = arith.constant 1 : i32
    "tpu.region"() ({
      %run_scoped3A_46 = tpu.sem_alloc : memref<!tpu.dma_semaphore, #tpu.memory_space<semaphore_mem>>
      %dma_start3A_47 = arith.constant 0 : i32
      %dma_start3A_48 = arith.constant 0 : i32
      %dma_start3A_49 = tpu.memref_slice %arg3[%add3A, %run_scoped3A_31, %dma_start3A_47, %dma_start3A_48] : memref<32x2x40x128xi32, #tpu.memory_space<hbm>> -> memref<1x1x40x128xi32, #tpu.memory_space<hbm>>
      %dma_start3A_50 = tpu.memref_squeeze %dma_start3A_49 : memref<1x1x40x128xi32, #tpu.memory_space<hbm>> -> memref<40x128xi32, #tpu.memory_space<hbm>>
      %dma_start3A_51 = arith.constant 0 : i32
      %dma_start3A_52 = arith.constant 0 : i32
      %dma_start3A_53 = tpu.memref_slice %arg3[%add3A, %run_scoped3A_31, %dma_start3A_51, %dma_start3A_52] : memref<32x2x40x128xi32, #tpu.memory_space<hbm>> -> memref<1x1x40x128xi32, #tpu.memory_space<hbm>>
      %dma_start3A_54 = tpu.memref_squeeze %dma_start3A_53 : memref<1x1x40x128xi32, #tpu.memory_space<hbm>> -> memref<40x128xi32, #tpu.memory_space<hbm>>
      tpu.enqueue_dma source(%dma_start3A_54 : memref<40x128xi32, #tpu.memory_space<hbm>>) target(%arg6 : memref<40x128xi32, #tpu.memory_space<vmem>>) target_semaphore(%run_scoped3A_46 : memref<!tpu.dma_semaphore, #tpu.memory_space<semaphore_mem>>)
      %dma_wait3A = arith.constant 0 : i32
      %dma_wait3A_55 = arith.constant 0 : i32
      %dma_wait3A_56 = tpu.memref_slice %arg3[%add3A, %run_scoped3A_31, %dma_wait3A, %dma_wait3A_55] : memref<32x2x40x128xi32, #tpu.memory_space<hbm>> -> memref<1x1x40x128xi32, #tpu.memory_space<hbm>>
      %dma_wait3A_57 = tpu.memref_squeeze %dma_wait3A_56 : memref<1x1x40x128xi32, #tpu.memory_space<hbm>> -> memref<40x128xi32, #tpu.memory_space<hbm>>
      %dma_wait3A_58 = arith.constant 0 : i32
      %dma_wait3A_59 = arith.constant 0 : i32
      %dma_wait3A_60 = tpu.memref_slice %arg3[%add3A, %run_scoped3A_31, %dma_wait3A_58, %dma_wait3A_59] : memref<32x2x40x128xi32, #tpu.memory_space<hbm>> -> memref<1x1x40x128xi32, #tpu.memory_space<hbm>>
      %dma_wait3A_61 = tpu.memref_squeeze %dma_wait3A_60 : memref<1x1x40x128xi32, #tpu.memory_space<hbm>> -> memref<40x128xi32, #tpu.memory_space<hbm>>
      tpu.wait_dma2 semaphore(%run_scoped3A_46 : memref<!tpu.dma_semaphore, #tpu.memory_space<semaphore_mem>>) src(%dma_wait3A_61 : memref<40x128xi32, #tpu.memory_space<hbm>>) dst(%arg6 : memref<40x128xi32, #tpu.memory_space<vmem>>)
      tpu.yield
    }) : () -> ()
    %dma_start3A_32 = arith.constant 0 : i32
    %dma_start3A_33 = arith.constant 0 : i32
    %dma_start3A_34 = tpu.memref_slice %arg6[%dma_start3A_32, %dma_start3A_33] : memref<40x128xi32, #tpu.memory_space<vmem>> -> memref<1x128xi32, #tpu.memory_space<vmem>>
    %dma_start3A_35 = tpu.memref_squeeze %dma_start3A_34 : memref<1x128xi32, #tpu.memory_space<vmem>> -> memref<128xi32, #tpu.memory_space<vmem>>
    %dma_start3A_36 = arith.constant 0 : i32
    %dma_start3A_37 = arith.constant 0 : i32
    %dma_start3A_38 = tpu.memref_slice %arg2[%dma_start3A_36, %dma_start3A_37] : memref<10112x64xi32, #tpu.memory_space<hbm>> -> memref<10112x64xi32, #tpu.memory_space<hbm>>
    tpu.enqueue_indirect_dma source(%dma_start3A_38 : memref<10112x64xi32, #tpu.memory_space<hbm>>) target(%arg7 : memref<128x64xi32, #tpu.memory_space<vmem>>) offsets(%dma_start3A_35 : memref<128xi32, #tpu.memory_space<vmem>>) semaphore(%arg12 : memref<!tpu.dma_semaphore, #tpu.memory_space<semaphore_mem>>)
    %scan3A_39 = arith.constant 0 : i32
    %scan3A_40 = arith.constant 0 : i32
    %scan3A_41 = arith.constant 20 : i32
    %scan3A_42 = arith.addi %scan3A_40, %scan3A_41 : i32
    %scan3A_43 = arith.constant 1 : i32
    scf.for %scan3A_46 = %scan3A_40 to %scan3A_42 step %scan3A_43  : i32 {
      %mul3A_47 = arith.constant 2 : i32
      %mul3A_48 = arith.muli %mul3A_47, %scan3A_46 : i32
      %add3A_49 = arith.constant 1 : i32
      %add3A_50 = arith.addi %mul3A_48, %add3A_49 : i32
      %dma_wait3A = arith.constant 0 : i32
      %dma_wait3A_51 = tpu.memref_slice %arg6[%mul3A_48, %dma_wait3A] : memref<40x128xi32, #tpu.memory_space<vmem>> -> memref<1x128xi32, #tpu.memory_space<vmem>>
      %dma_wait3A_52 = tpu.memref_squeeze %dma_wait3A_51 : memref<1x128xi32, #tpu.memory_space<vmem>> -> memref<128xi32, #tpu.memory_space<vmem>>
      %dma_wait3A_53 = arith.constant 0 : i32
      %dma_wait3A_54 = arith.constant 0 : i32
      %dma_wait3A_55 = tpu.memref_slice %arg2[%dma_wait3A_53, %dma_wait3A_54] : memref<10112x64xi32, #tpu.memory_space<hbm>> -> memref<10112x64xi32, #tpu.memory_space<hbm>>
      tpu.wait_indirect_dma semaphore(%arg12 : memref<!tpu.dma_semaphore, #tpu.memory_space<semaphore_mem>>) src(%dma_wait3A_55 : memref<10112x64xi32, #tpu.memory_space<hbm>>) dst(%arg7 : memref<128x64xi32, #tpu.memory_space<vmem>>)
      %dma_start3A_56 = arith.constant 0 : i32
      %dma_start3A_57 = tpu.memref_slice %arg6[%add3A_50, %dma_start3A_56] : memref<40x128xi32, #tpu.memory_space<vmem>> -> memref<1x128xi32, #tpu.memory_space<vmem>>
      %dma_start3A_58 = tpu.memref_squeeze %dma_start3A_57 : memref<1x128xi32, #tpu.memory_space<vmem>> -> memref<128xi32, #tpu.memory_space<vmem>>
      %dma_start3A_59 = arith.constant 0 : i32
      %dma_start3A_60 = arith.constant 0 : i32
      %dma_start3A_61 = tpu.memref_slice %arg2[%dma_start3A_59, %dma_start3A_60] : memref<10112x64xi32, #tpu.memory_space<hbm>> -> memref<10112x64xi32, #tpu.memory_space<hbm>>
      tpu.enqueue_indirect_dma source(%dma_start3A_61 : memref<10112x64xi32, #tpu.memory_space<hbm>>) target(%arg8 : memref<128x64xi32, #tpu.memory_space<vmem>>) offsets(%dma_start3A_58 : memref<128xi32, #tpu.memory_space<vmem>>) semaphore(%arg13 : memref<!tpu.dma_semaphore, #tpu.memory_space<semaphore_mem>>)
      %scan3A_62 = arith.constant 0 : i32
      %scan3A_63 = arith.constant 0 : i32
      %scan3A_64 = arith.constant 32 : i32
      %scan3A_65 = arith.addi %scan3A_63, %scan3A_64 : i32
      %scan3A_66 = arith.constant 1 : i32
      scf.for %scan3A_88 = %scan3A_63 to %scan3A_65 step %scan3A_66  : i32 {
        %mul3A_89 = arith.constant 4 : i32
        %mul3A_90 = arith.muli %mul3A_89, %scan3A_88 : i32
        %add3A_91 = arith.constant 0 : i32
        %add3A_92 = arith.addi %mul3A_90, %add3A_91 : i32
        %get3A = arith.index_cast %add3A_92 : i32 to index
        %get3A_93 = arith.constant 0 : index
        %get3A_94 = tpu.vector_load %arg7[%get3A, %get3A_93] {strides = array<i32>} : memref<128x64xi32, #tpu.memory_space<vmem>>, vector<16xi32>,
        %shift_left3A = arith.constant 16 : i32
        %shift_left3A_95 = vector.broadcast %shift_left3A : i32 to vector<16xi32>
        %shift_left3A_96 = arith.shli %get3A_94, %shift_left3A_95 : vector<16xi32>
        %bitcast3A = vector.bitcast %shift_left3A_96 : vector<16xi32> to vector<16xf32>
        %add3A_97 = arith.constant 0 : i32
        %add3A_98 = arith.addi %mul3A_90, %add3A_97 : i32
        %swap3A = arith.index_cast %add3A_98 : i32 to index
        %swap3A_99 = arith.constant 0 : index
        %swap3A_100 = tpu.vector_load %arg9[%swap3A, %swap3A_99] {strides = array<i32>} : memref<128x128xf32, #tpu.memory_space<vmem>>, vector<16xf32>,
        tpu.vector_store %arg9[%swap3A, %swap3A_99], %bitcast3A {strides = array<i32>} : memref<128x128xf32, #tpu.memory_space<vmem>>, vector<16xf32>,
        %and3A = arith.constant -65536 : i32
        %and3A_101 = vector.broadcast %and3A : i32 to vector<16xi32>
        %and3A_102 = arith.andi %get3A_94, %and3A_101 : vector<16xi32>
        %bitcast3A_103 = vector.bitcast %and3A_102 : vector<16xi32> to vector<16xf32>
        %add3A_104 = arith.constant 0 : i32
        %add3A_105 = arith.addi %mul3A_90, %add3A_104 : i32
        %swap3A_106 = arith.index_cast %add3A_105 : i32 to index
        %swap3A_107 = arith.constant 64 : index
        %swap3A_108 = tpu.vector_load %arg9[%swap3A_106, %swap3A_107] {strides = array<i32>} : memref<128x128xf32, #tpu.memory_space<vmem>>, vector<16xf32>,
        tpu.vector_store %arg9[%swap3A_106, %swap3A_107], %bitcast3A_103 {strides = array<i32>} : memref<128x128xf32, #tpu.memory_space<vmem>>, vector<16xf32>,
        %add3A_109 = arith.constant 0 : i32
        %add3A_110 = arith.addi %mul3A_90, %add3A_109 : i32
        %get3A_111 = arith.index_cast %add3A_110 : i32 to index
        %get3A_112 = arith.constant 16 : index
        %get3A_113 = tpu.vector_load %arg7[%get3A_111, %get3A_112] {strides = array<i32>} : memref<128x64xi32, #tpu.memory_space<vmem>>, vector<16xi32>,
        %shift_left3A_114 = arith.constant 16 : i32
        %shift_left3A_115 = vector.broadcast %shift_left3A_114 : i32 to vector<16xi32>
        %shift_left3A_116 = arith.shli %get3A_113, %shift_left3A_115 : vector<16xi32>
        %bitcast3A_117 = vector.bitcast %shift_left3A_116 : vector<16xi32> to vector<16xf32>
        %add3A_118 = arith.constant 0 : i32
        %add3A_119 = arith.addi %mul3A_90, %add3A_118 : i32
        %swap3A_120 = arith.index_cast %add3A_119 : i32 to index
        %swap3A_121 = arith.constant 16 : index
        %swap3A_122 = tpu.vector_load %arg9[%swap3A_120, %swap3A_121] {strides = array<i32>} : memref<128x128xf32, #tpu.memory_space<vmem>>, vector<16xf32>,
        tpu.vector_store %arg9[%swap3A_120, %swap3A_121], %bitcast3A_117 {strides = array<i32>} : memref<128x128xf32, #tpu.memory_space<vmem>>, vector<16xf32>,
        %and3A_123 = arith.constant -65536 : i32
        %and3A_124 = vector.broadcast %and3A_123 : i32 to vector<16xi32>
        %and3A_125 = arith.andi %get3A_113, %and3A_124 : vector<16xi32>
        %bitcast3A_126 = vector.bitcast %and3A_125 : vector<16xi32> to vector<16xf32>
        %add3A_127 = arith.constant 0 : i32
        %add3A_128 = arith.addi %mul3A_90, %add3A_127 : i32
        %swap3A_129 = arith.index_cast %add3A_128 : i32 to index
        %swap3A_130 = arith.constant 80 : index
        %swap3A_131 = tpu.vector_load %arg9[%swap3A_129, %swap3A_130] {strides = array<i32>} : memref<128x128xf32, #tpu.memory_space<vmem>>, vector<16xf32>,
        tpu.vector_store %arg9[%swap3A_129, %swap3A_130], %bitcast3A_126 {strides = array<i32>} : memref<128x128xf32, #tpu.memory_space<vmem>>, vector<16xf32>,
        %add3A_132 = arith.constant 0 : i32
        %add3A_133 = arith.addi %mul3A_90, %add3A_132 : i32
        %get3A_134 = arith.index_cast %add3A_133 : i32 to index
        %get3A_135 = arith.constant 32 : index
        %get3A_136 = tpu.vector_load %arg7[%get3A_134, %get3A_135] {strides = array<i32>} : memref<128x64xi32, #tpu.memory_space<vmem>>, vector<16xi32>,
        %shift_left3A_137 = arith.constant 16 : i32
        %shift_left3A_138 = vector.broadcast %shift_left3A_137 : i32 to vector<16xi32>
        %shift_left3A_139 = arith.shli %get3A_136, %shift_left3A_138 : vector<16xi32>
        %bitcast3A_140 = vector.bitcast %shift_left3A_139 : vector<16xi32> to vector<16xf32>
        %add3A_141 = arith.constant 0 : i32
        %add3A_142 = arith.addi %mul3A_90, %add3A_141 : i32
        %swap3A_143 = arith.index_cast %add3A_142 : i32 to index
        %swap3A_144 = arith.constant 32 : index
        %swap3A_145 = tpu.vector_load %arg9[%swap3A_143, %swap3A_144] {strides = array<i32>} : memref<128x128xf32, #tpu.memory_space<vmem>>, vector<16xf32>,
        tpu.vector_store %arg9[%swap3A_143, %swap3A_144], %bitcast3A_140 {strides = array<i32>} : memref<128x128xf32, #tpu.memory_space<vmem>>, vector<16xf32>,
        %and3A_146 = arith.constant -65536 : i32
        %and3A_147 = vector.broadcast %and3A_146 : i32 to vector<16xi32>
        %and3A_148 = arith.andi %get3A_136, %and3A_147 : vector<16xi32>
        %bitcast3A_149 = vector.bitcast %and3A_148 : vector<16xi32> to vector<16xf32>
        %add3A_150 = arith.constant 0 : i32
        %add3A_151 = arith.addi %mul3A_90, %add3A_150 : i32
        %swap3A_152 = arith.index_cast %add3A_151 : i32 to index
        %swap3A_153 = arith.constant 96 : index
        %swap3A_154 = tpu.vector_load %arg9[%swap3A_152, %swap3A_153] {strides = array<i32>} : memref<128x128xf32, #tpu.memory_space<vmem>>, vector<16xf32>,
        tpu.vector_store %arg9[%swap3A_152, %swap3A_153], %bitcast3A_149 {strides = array<i32>} : memref<128x128xf32, #tpu.memory_space<vmem>>, vector<16xf32>,
        %add3A_155 = arith.constant 0 : i32
        %add3A_156 = arith.addi %mul3A_90, %add3A_155 : i32
        %get3A_157 = arith.index_cast %add3A_156 : i32 to index
        %get3A_158 = arith.constant 48 : index
        %get3A_159 = tpu.vector_load %arg7[%get3A_157, %get3A_158] {strides = array<i32>} : memref<128x64xi32, #tpu.memory_space<vmem>>, vector<16xi32>,
        %shift_left3A_160 = arith.constant 16 : i32
        %shift_left3A_161 = vector.broadcast %shift_left3A_160 : i32 to vector<16xi32>
        %shift_left3A_162 = arith.shli %get3A_159, %shift_left3A_161 : vector<16xi32>
        %bitcast3A_163 = vector.bitcast %shift_left3A_162 : vector<16xi32> to vector<16xf32>
        %add3A_164 = arith.constant 0 : i32
        %add3A_165 = arith.addi %mul3A_90, %add3A_164 : i32
        %swap3A_166 = arith.index_cast %add3A_165 : i32 to index
        %swap3A_167 = arith.constant 48 : index
        %swap3A_168 = tpu.vector_load %arg9[%swap3A_166, %swap3A_167] {strides = array<i32>} : memref<128x128xf32, #tpu.memory_space<vmem>>, vector<16xf32>,
        tpu.vector_store %arg9[%swap3A_166, %swap3A_167], %bitcast3A_163 {strides = array<i32>} : memref<128x128xf32, #tpu.memory_space<vmem>>, vector<16xf32>,
        %and3A_169 = arith.constant -65536 : i32
        %and3A_170 = vector.broadcast %and3A_169 : i32 to vector<16xi32>
        %and3A_171 = arith.andi %get3A_159, %and3A_170 : vector<16xi32>
        %bitcast3A_172 = vector.bitcast %and3A_171 : vector<16xi32> to vector<16xf32>
        %add3A_173 = arith.constant 0 : i32
        %add3A_174 = arith.addi %mul3A_90, %add3A_173 : i32
        %swap3A_175 = arith.index_cast %add3A_174 : i32 to index
        %swap3A_176 = arith.constant 112 : index
        %swap3A_177 = tpu.vector_load %arg9[%swap3A_175, %swap3A_176] {strides = array<i32>} : memref<128x128xf32, #tpu.memory_space<vmem>>, vector<16xf32>,
        tpu.vector_store %arg9[%swap3A_175, %swap3A_176], %bitcast3A_172 {strides = array<i32>} : memref<128x128xf32, #tpu.memory_space<vmem>>, vector<16xf32>,
        %add3A_178 = arith.constant 1 : i32
        %add3A_179 = arith.addi %mul3A_90, %add3A_178 : i32
        %get3A_180 = arith.index_cast %add3A_179 : i32 to index
        %get3A_181 = arith.constant 0 : index
        %get3A_182 = tpu.vector_load %arg7[%get3A_180, %get3A_181] {strides = array<i32>} : memref<128x64xi32, #tpu.memory_space<vmem>>, vector<16xi32>,
        %shift_left3A_183 = arith.constant 16 : i32
        %shift_left3A_184 = vector.broadcast %shift_left3A_183 : i32 to vector<16xi32>
        %shift_left3A_185 = arith.shli %get3A_182, %shift_left3A_184 : vector<16xi32>
        %bitcast3A_186 = vector.bitcast %shift_left3A_185 : vector<16xi32> to vector<16xf32>
        %add3A_187 = arith.constant 1 : i32
        %add3A_188 = arith.addi %mul3A_90, %add3A_187 : i32
        %swap3A_189 = arith.index_cast %add3A_188 : i32 to index
        %swap3A_190 = arith.constant 0 : index
        %swap3A_191 = tpu.vector_load %arg9[%swap3A_189, %swap3A_190] {strides = array<i32>} : memref<128x128xf32, #tpu.memory_space<vmem>>, vector<16xf32>,
        tpu.vector_store %arg9[%swap3A_189, %swap3A_190], %bitcast3A_186 {strides = array<i32>} : memref<128x128xf32, #tpu.memory_space<vmem>>, vector<16xf32>,
        %and3A_192 = arith.constant -65536 : i32
        %and3A_193 = vector.broadcast %and3A_192 : i32 to vector<16xi32>
        %and3A_194 = arith.andi %get3A_182, %and3A_193 : vector<16xi32>
        %bitcast3A_195 = vector.bitcast %and3A_194 : vector<16xi32> to vector<16xf32>
        %add3A_196 = arith.constant 1 : i32
        %add3A_197 = arith.addi %mul3A_90, %add3A_196 : i32
        %swap3A_198 = arith.index_cast %add3A_197 : i32 to index
        %swap3A_199 = arith.constant 64 : index
        %swap3A_200 = tpu.vector_load %arg9[%swap3A_198, %swap3A_199] {strides = array<i32>} : memref<128x128xf32, #tpu.memory_space<vmem>>, vector<16xf32>,
        tpu.vector_store %arg9[%swap3A_198, %swap3A_199], %bitcast3A_195 {strides = array<i32>} : memref<128x128xf32, #tpu.memory_space<vmem>>, vector<16xf32>,
        %add3A_201 = arith.constant 1 : i32
        %add3A_202 = arith.addi %mul3A_90, %add3A_201 : i32
        %get3A_203 = arith.index_cast %add3A_202 : i32 to index
        %get3A_204 = arith.constant 16 : index
        %get3A_205 = tpu.vector_load %arg7[%get3A_203, %get3A_204] {strides = array<i32>} : memref<128x64xi32, #tpu.memory_space<vmem>>, vector<16xi32>,
        %shift_left3A_206 = arith.constant 16 : i32
        %shift_left3A_207 = vector.broadcast %shift_left3A_206 : i32 to vector<16xi32>
        %shift_left3A_208 = arith.shli %get3A_205, %shift_left3A_207 : vector<16xi32>
        %bitcast3A_209 = vector.bitcast %shift_left3A_208 : vector<16xi32> to vector<16xf32>
        %add3A_210 = arith.constant 1 : i32
        %add3A_211 = arith.addi %mul3A_90, %add3A_210 : i32
        %swap3A_212 = arith.index_cast %add3A_211 : i32 to index
        %swap3A_213 = arith.constant 16 : index
        %swap3A_214 = tpu.vector_load %arg9[%swap3A_212, %swap3A_213] {strides = array<i32>} : memref<128x128xf32, #tpu.memory_space<vmem>>, vector<16xf32>,
        tpu.vector_store %arg9[%swap3A_212, %swap3A_213], %bitcast3A_209 {strides = array<i32>} : memref<128x128xf32, #tpu.memory_space<vmem>>, vector<16xf32>,
        %and3A_215 = arith.constant -65536 : i32
        %and3A_216 = vector.broadcast %and3A_215 : i32 to vector<16xi32>
        %and3A_217 = arith.andi %get3A_205, %and3A_216 : vector<16xi32>
        %bitcast3A_218 = vector.bitcast %and3A_217 : vector<16xi32> to vector<16xf32>
        %add3A_219 = arith.constant 1 : i32
        %add3A_220 = arith.addi %mul3A_90, %add3A_219 : i32
        %swap3A_221 = arith.index_cast %add3A_220 : i32 to index
        %swap3A_222 = arith.constant 80 : index
        %swap3A_223 = tpu.vector_load %arg9[%swap3A_221, %swap3A_222] {strides = array<i32>} : memref<128x128xf32, #tpu.memory_space<vmem>>, vector<16xf32>,
        tpu.vector_store %arg9[%swap3A_221, %swap3A_222], %bitcast3A_218 {strides = array<i32>} : memref<128x128xf32, #tpu.memory_space<vmem>>, vector<16xf32>,
        %add3A_224 = arith.constant 1 : i32
        %add3A_225 = arith.addi %mul3A_90, %add3A_224 : i32
        %get3A_226 = arith.index_cast %add3A_225 : i32 to index
        %get3A_227 = arith.constant 32 : index
        %get3A_228 = tpu.vector_load %arg7[%get3A_226, %get3A_227] {strides = array<i32>} : memref<128x64xi32, #tpu.memory_space<vmem>>, vector<16xi32>,
        %shift_left3A_229 = arith.constant 16 : i32
        %shift_left3A_230 = vector.broadcast %shift_left3A_229 : i32 to vector<16xi32>
        %shift_left3A_231 = arith.shli %get3A_228, %shift_left3A_230 : vector<16xi32>
        %bitcast3A_232 = vector.bitcast %shift_left3A_231 : vector<16xi32> to vector<16xf32>
        %add3A_233 = arith.constant 1 : i32
        %add3A_234 = arith.addi %mul3A_90, %add3A_233 : i32
        %swap3A_235 = arith.index_cast %add3A_234 : i32 to index
        %swap3A_236 = arith.constant 32 : index
        %swap3A_237 = tpu.vector_load %arg9[%swap3A_235, %swap3A_236] {strides = array<i32>} : memref<128x128xf32, #tpu.memory_space<vmem>>, vector<16xf32>,
        tpu.vector_store %arg9[%swap3A_235, %swap3A_236], %bitcast3A_232 {strides = array<i32>} : memref<128x128xf32, #tpu.memory_space<vmem>>, vector<16xf32>,
        %and3A_238 = arith.constant -65536 : i32
        %and3A_239 = vector.broadcast %and3A_238 : i32 to vector<16xi32>
        %and3A_240 = arith.andi %get3A_228, %and3A_239 : vector<16xi32>
        %bitcast3A_241 = vector.bitcast %and3A_240 : vector<16xi32> to vector<16xf32>
        %add3A_242 = arith.constant 1 : i32
        %add3A_243 = arith.addi %mul3A_90, %add3A_242 : i32
        %swap3A_244 = arith.index_cast %add3A_243 : i32 to index
        %swap3A_245 = arith.constant 96 : index
        %swap3A_246 = tpu.vector_load %arg9[%swap3A_244, %swap3A_245] {strides = array<i32>} : memref<128x128xf32, #tpu.memory_space<vmem>>, vector<16xf32>,
        tpu.vector_store %arg9[%swap3A_244, %swap3A_245], %bitcast3A_241 {strides = array<i32>} : memref<128x128xf32, #tpu.memory_space<vmem>>, vector<16xf32>,
        %add3A_247 = arith.constant 1 : i32
        %add3A_248 = arith.addi %mul3A_90, %add3A_247 : i32
        %get3A_249 = arith.index_cast %add3A_248 : i32 to index
        %get3A_250 = arith.constant 48 : index
        %get3A_251 = tpu.vector_load %arg7[%get3A_249, %get3A_250] {strides = array<i32>} : memref<128x64xi32, #tpu.memory_space<vmem>>, vector<16xi32>,
        %shift_left3A_252 = arith.constant 16 : i32
        %shift_left3A_253 = vector.broadcast %shift_left3A_252 : i32 to vector<16xi32>
        %shift_left3A_254 = arith.shli %get3A_251, %shift_left3A_253 : vector<16xi32>
        %bitcast3A_255 = vector.bitcast %shift_left3A_254 : vector<16xi32> to vector<16xf32>
        %add3A_256 = arith.constant 1 : i32
        %add3A_257 = arith.addi %mul3A_90, %add3A_256 : i32
        %swap3A_258 = arith.index_cast %add3A_257 : i32 to index
        %swap3A_259 = arith.constant 48 : index
        %swap3A_260 = tpu.vector_load %arg9[%swap3A_258, %swap3A_259] {strides = array<i32>} : memref<128x128xf32, #tpu.memory_space<vmem>>, vector<16xf32>,
        tpu.vector_store %arg9[%swap3A_258, %swap3A_259], %bitcast3A_255 {strides = array<i32>} : memref<128x128xf32, #tpu.memory_space<vmem>>, vector<16xf32>,
        %and3A_261 = arith.constant -65536 : i32
        %and3A_262 = vector.broadcast %and3A_261 : i32 to vector<16xi32>
        %and3A_263 = arith.andi %get3A_251, %and3A_262 : vector<16xi32>
        %bitcast3A_264 = vector.bitcast %and3A_263 : vector<16xi32> to vector<16xf32>
        %add3A_265 = arith.constant 1 : i32
        %add3A_266 = arith.addi %mul3A_90, %add3A_265 : i32
        %swap3A_267 = arith.index_cast %add3A_266 : i32 to index
        %swap3A_268 = arith.constant 112 : index
        %swap3A_269 = tpu.vector_load %arg9[%swap3A_267, %swap3A_268] {strides = array<i32>} : memref<128x128xf32, #tpu.memory_space<vmem>>, vector<16xf32>,
        tpu.vector_store %arg9[%swap3A_267, %swap3A_268], %bitcast3A_264 {strides = array<i32>} : memref<128x128xf32, #tpu.memory_space<vmem>>, vector<16xf32>,
        %add3A_270 = arith.constant 2 : i32
        %add3A_271 = arith.addi %mul3A_90, %add3A_270 : i32
        %get3A_272 = arith.index_cast %add3A_271 : i32 to index
        %get3A_273 = arith.constant 0 : index
        %get3A_274 = tpu.vector_load %arg7[%get3A_272, %get3A_273] {strides = array<i32>} : memref<128x64xi32, #tpu.memory_space<vmem>>, vector<16xi32>,
        %shift_left3A_275 = arith.constant 16 : i32
        %shift_left3A_276 = vector.broadcast %shift_left3A_275 : i32 to vector<16xi32>
        %shift_left3A_277 = arith.shli %get3A_274, %shift_left3A_276 : vector<16xi32>
        %bitcast3A_278 = vector.bitcast %shift_left3A_277 : vector<16xi32> to vector<16xf32>
        %add3A_279 = arith.constant 2 : i32
        %add3A_280 = arith.addi %mul3A_90, %add3A_279 : i32
        %swap3A_281 = arith.index_cast %add3A_280 : i32 to index
        %swap3A_282 = arith.constant 0 : index
        %swap3A_283 = tpu.vector_load %arg9[%swap3A_281, %swap3A_282] {strides = array<i32>} : memref<128x128xf32, #tpu.memory_space<vmem>>, vector<16xf32>,
        tpu.vector_store %arg9[%swap3A_281, %swap3A_282], %bitcast3A_278 {strides = array<i32>} : memref<128x128xf32, #tpu.memory_space<vmem>>, vector<16xf32>,
        %and3A_284 = arith.constant -65536 : i32
        %and3A_285 = vector.broadcast %and3A_284 : i32 to vector<16xi32>
        %and3A_286 = arith.andi %get3A_274, %and3A_285 : vector<16xi32>
        %bitcast3A_287 = vector.bitcast %and3A_286 : vector<16xi32> to vector<16xf32>
        %add3A_288 = arith.constant 2 : i32
        %add3A_289 = arith.addi %mul3A_90, %add3A_288 : i32
        %swap3A_290 = arith.index_cast %add3A_289 : i32 to index
        %swap3A_291 = arith.constant 64 : index
        %swap3A_292 = tpu.vector_load %arg9[%swap3A_290, %swap3A_291] {strides = array<i32>} : memref<128x128xf32, #tpu.memory_space<vmem>>, vector<16xf32>,
        tpu.vector_store %arg9[%swap3A_290, %swap3A_291], %bitcast3A_287 {strides = array<i32>} : memref<128x128xf32, #tpu.memory_space<vmem>>, vector<16xf32>,
        %add3A_293 = arith.constant 2 : i32
        %add3A_294 = arith.addi %mul3A_90, %add3A_293 : i32
        %get3A_295 = arith.index_cast %add3A_294 : i32 to index
        %get3A_296 = arith.constant 16 : index
        %get3A_297 = tpu.vector_load %arg7[%get3A_295, %get3A_296] {strides = array<i32>} : memref<128x64xi32, #tpu.memory_space<vmem>>, vector<16xi32>,
        %shift_left3A_298 = arith.constant 16 : i32
        %shift_left3A_299 = vector.broadcast %shift_left3A_298 : i32 to vector<16xi32>
        %shift_left3A_300 = arith.shli %get3A_297, %shift_left3A_299 : vector<16xi32>
        %bitcast3A_301 = vector.bitcast %shift_left3A_300 : vector<16xi32> to vector<16xf32>
        %add3A_302 = arith.constant 2 : i32
        %add3A_303 = arith.addi %mul3A_90, %add3A_302 : i32
        %swap3A_304 = arith.index_cast %add3A_303 : i32 to index
        %swap3A_305 = arith.constant 16 : index
        %swap3A_306 = tpu.vector_load %arg9[%swap3A_304, %swap3A_305] {strides = array<i32>} : memref<128x128xf32, #tpu.memory_space<vmem>>, vector<16xf32>,
        tpu.vector_store %arg9[%swap3A_304, %swap3A_305], %bitcast3A_301 {strides = array<i32>} : memref<128x128xf32, #tpu.memory_space<vmem>>, vector<16xf32>,
        %and3A_307 = arith.constant -65536 : i32
        %and3A_308 = vector.broadcast %and3A_307 : i32 to vector<16xi32>
        %and3A_309 = arith.andi %get3A_297, %and3A_308 : vector<16xi32>
        %bitcast3A_310 = vector.bitcast %and3A_309 : vector<16xi32> to vector<16xf32>
        %add3A_311 = arith.constant 2 : i32
        %add3A_312 = arith.addi %mul3A_90, %add3A_311 : i32
        %swap3A_313 = arith.index_cast %add3A_312 : i32 to index
        %swap3A_314 = arith.constant 80 : index
        %swap3A_315 = tpu.vector_load %arg9[%swap3A_313, %swap3A_314] {strides = array<i32>} : memref<128x128xf32, #tpu.memory_space<vmem>>, vector<16xf32>,
        tpu.vector_store %arg9[%swap3A_313, %swap3A_314], %bitcast3A_310 {strides = array<i32>} : memref<128x128xf32, #tpu.memory_space<vmem>>, vector<16xf32>,
        %add3A_316 = arith.constant 2 : i32
        %add3A_317 = arith.addi %mul3A_90, %add3A_316 : i32
        %get3A_318 = arith.index_cast %add3A_317 : i32 to index
        %get3A_319 = arith.constant 32 : index
        %get3A_320 = tpu.vector_load %arg7[%get3A_318, %get3A_319] {strides = array<i32>} : memref<128x64xi32, #tpu.memory_space<vmem>>, vector<16xi32>,
        %shift_left3A_321 = arith.constant 16 : i32
        %shift_left3A_322 = vector.broadcast %shift_left3A_321 : i32 to vector<16xi32>
        %shift_left3A_323 = arith.shli %get3A_320, %shift_left3A_322 : vector<16xi32>
        %bitcast3A_324 = vector.bitcast %shift_left3A_323 : vector<16xi32> to vector<16xf32>
        %add3A_325 = arith.constant 2 : i32
        %add3A_326 = arith.addi %mul3A_90, %add3A_325 : i32
        %swap3A_327 = arith.index_cast %add3A_326 : i32 to index
        %swap3A_328 = arith.constant 32 : index
        %swap3A_329 = tpu.vector_load %arg9[%swap3A_327, %swap3A_328] {strides = array<i32>} : memref<128x128xf32, #tpu.memory_space<vmem>>, vector<16xf32>,
        tpu.vector_store %arg9[%swap3A_327, %swap3A_328], %bitcast3A_324 {strides = array<i32>} : memref<128x128xf32, #tpu.memory_space<vmem>>, vector<16xf32>,
        %and3A_330 = arith.constant -65536 : i32
        %and3A_331 = vector.broadcast %and3A_330 : i32 to vector<16xi32>
        %and3A_332 = arith.andi %get3A_320, %and3A_331 : vector<16xi32>
        %bitcast3A_333 = vector.bitcast %and3A_332 : vector<16xi32> to vector<16xf32>
        %add3A_334 = arith.constant 2 : i32
        %add3A_335 = arith.addi %mul3A_90, %add3A_334 : i32
        %swap3A_336 = arith.index_cast %add3A_335 : i32 to index
        %swap3A_337 = arith.constant 96 : index
        %swap3A_338 = tpu.vector_load %arg9[%swap3A_336, %swap3A_337] {strides = array<i32>} : memref<128x128xf32, #tpu.memory_space<vmem>>, vector<16xf32>,
        tpu.vector_store %arg9[%swap3A_336, %swap3A_337], %bitcast3A_333 {strides = array<i32>} : memref<128x128xf32, #tpu.memory_space<vmem>>, vector<16xf32>,
        %add3A_339 = arith.constant 2 : i32
        %add3A_340 = arith.addi %mul3A_90, %add3A_339 : i32
        %get3A_341 = arith.index_cast %add3A_340 : i32 to index
        %get3A_342 = arith.constant 48 : index
        %get3A_343 = tpu.vector_load %arg7[%get3A_341, %get3A_342] {strides = array<i32>} : memref<128x64xi32, #tpu.memory_space<vmem>>, vector<16xi32>,
        %shift_left3A_344 = arith.constant 16 : i32
        %shift_left3A_345 = vector.broadcast %shift_left3A_344 : i32 to vector<16xi32>
        %shift_left3A_346 = arith.shli %get3A_343, %shift_left3A_345 : vector<16xi32>
        %bitcast3A_347 = vector.bitcast %shift_left3A_346 : vector<16xi32> to vector<16xf32>
        %add3A_348 = arith.constant 2 : i32
        %add3A_349 = arith.addi %mul3A_90, %add3A_348 : i32
        %swap3A_350 = arith.index_cast %add3A_349 : i32 to index
        %swap3A_351 = arith.constant 48 : index
        %swap3A_352 = tpu.vector_load %arg9[%swap3A_350, %swap3A_351] {strides = array<i32>} : memref<128x128xf32, #tpu.memory_space<vmem>>, vector<16xf32>,
        tpu.vector_store %arg9[%swap3A_350, %swap3A_351], %bitcast3A_347 {strides = array<i32>} : memref<128x128xf32, #tpu.memory_space<vmem>>, vector<16xf32>,
        %and3A_353 = arith.constant -65536 : i32
        %and3A_354 = vector.broadcast %and3A_353 : i32 to vector<16xi32>
        %and3A_355 = arith.andi %get3A_343, %and3A_354 : vector<16xi32>
        %bitcast3A_356 = vector.bitcast %and3A_355 : vector<16xi32> to vector<16xf32>
        %add3A_357 = arith.constant 2 : i32
        %add3A_358 = arith.addi %mul3A_90, %add3A_357 : i32
        %swap3A_359 = arith.index_cast %add3A_358 : i32 to index
        %swap3A_360 = arith.constant 112 : index
        %swap3A_361 = tpu.vector_load %arg9[%swap3A_359, %swap3A_360] {strides = array<i32>} : memref<128x128xf32, #tpu.memory_space<vmem>>, vector<16xf32>,
        tpu.vector_store %arg9[%swap3A_359, %swap3A_360], %bitcast3A_356 {strides = array<i32>} : memref<128x128xf32, #tpu.memory_space<vmem>>, vector<16xf32>,
        %add3A_362 = arith.constant 3 : i32
        %add3A_363 = arith.addi %mul3A_90, %add3A_362 : i32
        %get3A_364 = arith.index_cast %add3A_363 : i32 to index
        %get3A_365 = arith.constant 0 : index
        %get3A_366 = tpu.vector_load %arg7[%get3A_364, %get3A_365] {strides = array<i32>} : memref<128x64xi32, #tpu.memory_space<vmem>>, vector<16xi32>,
        %shift_left3A_367 = arith.constant 16 : i32
        %shift_left3A_368 = vector.broadcast %shift_left3A_367 : i32 to vector<16xi32>
        %shift_left3A_369 = arith.shli %get3A_366, %shift_left3A_368 : vector<16xi32>
        %bitcast3A_370 = vector.bitcast %shift_left3A_369 : vector<16xi32> to vector<16xf32>
        %add3A_371 = arith.constant 3 : i32
        %add3A_372 = arith.addi %mul3A_90, %add3A_371 : i32
        %swap3A_373 = arith.index_cast %add3A_372 : i32 to index
        %swap3A_374 = arith.constant 0 : index
        %swap3A_375 = tpu.vector_load %arg9[%swap3A_373, %swap3A_374] {strides = array<i32>} : memref<128x128xf32, #tpu.memory_space<vmem>>, vector<16xf32>,
        tpu.vector_store %arg9[%swap3A_373, %swap3A_374], %bitcast3A_370 {strides = array<i32>} : memref<128x128xf32, #tpu.memory_space<vmem>>, vector<16xf32>,
        %and3A_376 = arith.constant -65536 : i32
        %and3A_377 = vector.broadcast %and3A_376 : i32 to vector<16xi32>
        %and3A_378 = arith.andi %get3A_366, %and3A_377 : vector<16xi32>
        %bitcast3A_379 = vector.bitcast %and3A_378 : vector<16xi32> to vector<16xf32>
        %add3A_380 = arith.constant 3 : i32
        %add3A_381 = arith.addi %mul3A_90, %add3A_380 : i32
        %swap3A_382 = arith.index_cast %add3A_381 : i32 to index
        %swap3A_383 = arith.constant 64 : index
        %swap3A_384 = tpu.vector_load %arg9[%swap3A_382, %swap3A_383] {strides = array<i32>} : memref<128x128xf32, #tpu.memory_space<vmem>>, vector<16xf32>,
        tpu.vector_store %arg9[%swap3A_382, %swap3A_383], %bitcast3A_379 {strides = array<i32>} : memref<128x128xf32, #tpu.memory_space<vmem>>, vector<16xf32>,
        %add3A_385 = arith.constant 3 : i32
        %add3A_386 = arith.addi %mul3A_90, %add3A_385 : i32
        %get3A_387 = arith.index_cast %add3A_386 : i32 to index
        %get3A_388 = arith.constant 16 : index
        %get3A_389 = tpu.vector_load %arg7[%get3A_387, %get3A_388] {strides = array<i32>} : memref<128x64xi32, #tpu.memory_space<vmem>>, vector<16xi32>,
        %shift_left3A_390 = arith.constant 16 : i32
        %shift_left3A_391 = vector.broadcast %shift_left3A_390 : i32 to vector<16xi32>
        %shift_left3A_392 = arith.shli %get3A_389, %shift_left3A_391 : vector<16xi32>
        %bitcast3A_393 = vector.bitcast %shift_left3A_392 : vector<16xi32> to vector<16xf32>
        %add3A_394 = arith.constant 3 : i32
        %add3A_395 = arith.addi %mul3A_90, %add3A_394 : i32
        %swap3A_396 = arith.index_cast %add3A_395 : i32 to index
        %swap3A_397 = arith.constant 16 : index
        %swap3A_398 = tpu.vector_load %arg9[%swap3A_396, %swap3A_397] {strides = array<i32>} : memref<128x128xf32, #tpu.memory_space<vmem>>, vector<16xf32>,
        tpu.vector_store %arg9[%swap3A_396, %swap3A_397], %bitcast3A_393 {strides = array<i32>} : memref<128x128xf32, #tpu.memory_space<vmem>>, vector<16xf32>,
        %and3A_399 = arith.constant -65536 : i32
        %and3A_400 = vector.broadcast %and3A_399 : i32 to vector<16xi32>
        %and3A_401 = arith.andi %get3A_389, %and3A_400 : vector<16xi32>
        %bitcast3A_402 = vector.bitcast %and3A_401 : vector<16xi32> to vector<16xf32>
        %add3A_403 = arith.constant 3 : i32
        %add3A_404 = arith.addi %mul3A_90, %add3A_403 : i32
        %swap3A_405 = arith.index_cast %add3A_404 : i32 to index
        %swap3A_406 = arith.constant 80 : index
        %swap3A_407 = tpu.vector_load %arg9[%swap3A_405, %swap3A_406] {strides = array<i32>} : memref<128x128xf32, #tpu.memory_space<vmem>>, vector<16xf32>,
        tpu.vector_store %arg9[%swap3A_405, %swap3A_406], %bitcast3A_402 {strides = array<i32>} : memref<128x128xf32, #tpu.memory_space<vmem>>, vector<16xf32>,
        %add3A_408 = arith.constant 3 : i32
        %add3A_409 = arith.addi %mul3A_90, %add3A_408 : i32
        %get3A_410 = arith.index_cast %add3A_409 : i32 to index
        %get3A_411 = arith.constant 32 : index
        %get3A_412 = tpu.vector_load %arg7[%get3A_410, %get3A_411] {strides = array<i32>} : memref<128x64xi32, #tpu.memory_space<vmem>>, vector<16xi32>,
        %shift_left3A_413 = arith.constant 16 : i32
        %shift_left3A_414 = vector.broadcast %shift_left3A_413 : i32 to vector<16xi32>
        %shift_left3A_415 = arith.shli %get3A_412, %shift_left3A_414 : vector<16xi32>
        %bitcast3A_416 = vector.bitcast %shift_left3A_415 : vector<16xi32> to vector<16xf32>
        %add3A_417 = arith.constant 3 : i32
        %add3A_418 = arith.addi %mul3A_90, %add3A_417 : i32
        %swap3A_419 = arith.index_cast %add3A_418 : i32 to index
        %swap3A_420 = arith.constant 32 : index
        %swap3A_421 = tpu.vector_load %arg9[%swap3A_419, %swap3A_420] {strides = array<i32>} : memref<128x128xf32, #tpu.memory_space<vmem>>, vector<16xf32>,
        tpu.vector_store %arg9[%swap3A_419, %swap3A_420], %bitcast3A_416 {strides = array<i32>} : memref<128x128xf32, #tpu.memory_space<vmem>>, vector<16xf32>,
        %and3A_422 = arith.constant -65536 : i32
        %and3A_423 = vector.broadcast %and3A_422 : i32 to vector<16xi32>
        %and3A_424 = arith.andi %get3A_412, %and3A_423 : vector<16xi32>
        %bitcast3A_425 = vector.bitcast %and3A_424 : vector<16xi32> to vector<16xf32>
        %add3A_426 = arith.constant 3 : i32
        %add3A_427 = arith.addi %mul3A_90, %add3A_426 : i32
        %swap3A_428 = arith.index_cast %add3A_427 : i32 to index
        %swap3A_429 = arith.constant 96 : index
        %swap3A_430 = tpu.vector_load %arg9[%swap3A_428, %swap3A_429] {strides = array<i32>} : memref<128x128xf32, #tpu.memory_space<vmem>>, vector<16xf32>,
        tpu.vector_store %arg9[%swap3A_428, %swap3A_429], %bitcast3A_425 {strides = array<i32>} : memref<128x128xf32, #tpu.memory_space<vmem>>, vector<16xf32>,
        %add3A_431 = arith.constant 3 : i32
        %add3A_432 = arith.addi %mul3A_90, %add3A_431 : i32
        %get3A_433 = arith.index_cast %add3A_432 : i32 to index
        %get3A_434 = arith.constant 48 : index
        %get3A_435 = tpu.vector_load %arg7[%get3A_433, %get3A_434] {strides = array<i32>} : memref<128x64xi32, #tpu.memory_space<vmem>>, vector<16xi32>,
        %shift_left3A_436 = arith.constant 16 : i32
        %shift_left3A_437 = vector.broadcast %shift_left3A_436 : i32 to vector<16xi32>
        %shift_left3A_438 = arith.shli %get3A_435, %shift_left3A_437 : vector<16xi32>
        %bitcast3A_439 = vector.bitcast %shift_left3A_438 : vector<16xi32> to vector<16xf32>
        %add3A_440 = arith.constant 3 : i32
        %add3A_441 = arith.addi %mul3A_90, %add3A_440 : i32
        %swap3A_442 = arith.index_cast %add3A_441 : i32 to index
        %swap3A_443 = arith.constant 48 : index
        %swap3A_444 = tpu.vector_load %arg9[%swap3A_442, %swap3A_443] {strides = array<i32>} : memref<128x128xf32, #tpu.memory_space<vmem>>, vector<16xf32>,
        tpu.vector_store %arg9[%swap3A_442, %swap3A_443], %bitcast3A_439 {strides = array<i32>} : memref<128x128xf32, #tpu.memory_space<vmem>>, vector<16xf32>,
        %and3A_445 = arith.constant -65536 : i32
        %and3A_446 = vector.broadcast %and3A_445 : i32 to vector<16xi32>
        %and3A_447 = arith.andi %get3A_435, %and3A_446 : vector<16xi32>
        %bitcast3A_448 = vector.bitcast %and3A_447 : vector<16xi32> to vector<16xf32>
        %add3A_449 = arith.constant 3 : i32
        %add3A_450 = arith.addi %mul3A_90, %add3A_449 : i32
        %swap3A_451 = arith.index_cast %add3A_450 : i32 to index
        %swap3A_452 = arith.constant 112 : index
        %swap3A_453 = tpu.vector_load %arg9[%swap3A_451, %swap3A_452] {strides = array<i32>} : memref<128x128xf32, #tpu.memory_space<vmem>>, vector<16xf32>,
        tpu.vector_store %arg9[%swap3A_451, %swap3A_452], %bitcast3A_448 {strides = array<i32>} : memref<128x128xf32, #tpu.memory_space<vmem>>, vector<16xf32>,
      }
      %scan3A_67 = arith.constant 32 : i32
      %add3A_68 = arith.constant 40 : i32
      %add3A_69 = arith.addi %add3A_68, %mul3A_48 : i32
      "tpu.region"() ({
        %run_scoped3A_88 = tpu.sem_alloc : memref<!tpu.dma_semaphore, #tpu.memory_space<semaphore_mem>>
        %dma_start3A_89 = arith.constant 0 : i32
        %dma_start3A_90 = tpu.memref_slice %arg10[%add3A_69, %dma_start3A_89] : memref<80x128xi32, #tpu.memory_space<vmem>> -> memref<1x128xi32, #tpu.memory_space<vmem>>
        %dma_start3A_91 = tpu.memref_squeeze %dma_start3A_90 : memref<1x128xi32, #tpu.memory_space<vmem>> -> memref<128xi32, #tpu.memory_space<vmem>>
        %dma_start3A_92 = arith.constant 0 : i32
        %dma_start3A_93 = arith.constant 0 : i32
        %dma_start3A_94 = tpu.memref_slice %arg11[%dma_start3A_92, %dma_start3A_93] : memref<10112x128xf32, #tpu.memory_space<vmem_shared>> -> memref<10112x128xf32, #tpu.memory_space<vmem_shared>>
        tpu.enqueue_indirect_dma source(%arg9 : memref<128x128xf32, #tpu.memory_space<vmem>>) target(%dma_start3A_94 : memref<10112x128xf32, #tpu.memory_space<vmem_shared>>) offsets(%dma_start3A_91 : memref<128xi32, #tpu.memory_space<vmem>>) semaphore(%run_scoped3A_88 : memref<!tpu.dma_semaphore, #tpu.memory_space<semaphore_mem>>) {add = true}
        %dma_wait3A_95 = arith.constant 0 : i32
        %dma_wait3A_96 = tpu.memref_slice %arg10[%add3A_69, %dma_wait3A_95] : memref<80x128xi32, #tpu.memory_space<vmem>> -> memref<1x128xi32, #tpu.memory_space<vmem>>
        %dma_wait3A_97 = tpu.memref_squeeze %dma_wait3A_96 : memref<1x128xi32, #tpu.memory_space<vmem>> -> memref<128xi32, #tpu.memory_space<vmem>>
        %dma_wait3A_98 = arith.constant 0 : i32
        %dma_wait3A_99 = arith.constant 0 : i32
        %dma_wait3A_100 = tpu.memref_slice %arg11[%dma_wait3A_98, %dma_wait3A_99] : memref<10112x128xf32, #tpu.memory_space<vmem_shared>> -> memref<10112x128xf32, #tpu.memory_space<vmem_shared>>
        tpu.wait_indirect_dma semaphore(%run_scoped3A_88 : memref<!tpu.dma_semaphore, #tpu.memory_space<semaphore_mem>>) src(%arg9 : memref<128x128xf32, #tpu.memory_space<vmem>>) dst(%dma_wait3A_100 : memref<10112x128xf32, #tpu.memory_space<vmem_shared>>)
        tpu.yield
      }) : () -> ()
      %dma_wait3A_70 = arith.constant 0 : i32
      %dma_wait3A_71 = tpu.memref_slice %arg6[%add3A_50, %dma_wait3A_70] : memref<40x128xi32, #tpu.memory_space<vmem>> -> memref<1x128xi32, #tpu.memory_space<vmem>>
      %dma_wait3A_72 = tpu.memref_squeeze %dma_wait3A_71 : memref<1x128xi32, #tpu.memory_space<vmem>> -> memref<128xi32, #tpu.memory_space<vmem>>
      %dma_wait3A_73 = arith.constant 0 : i32
      %dma_wait3A_74 = arith.constant 0 : i32
      %dma_wait3A_75 = tpu.memref_slice %arg2[%dma_wait3A_73, %dma_wait3A_74] : memref<10112x64xi32, #tpu.memory_space<hbm>> -> memref<10112x64xi32, #tpu.memory_space<hbm>>
      tpu.wait_indirect_dma semaphore(%arg13 : memref<!tpu.dma_semaphore, #tpu.memory_space<semaphore_mem>>) src(%dma_wait3A_75 : memref<10112x64xi32, #tpu.memory_space<hbm>>) dst(%arg8 : memref<128x64xi32, #tpu.memory_space<vmem>>)
      %add3A_76 = arith.constant 2 : i32
      %add3A_77 = arith.addi %mul3A_48, %add3A_76 : i32
      %lt3A = arith.constant 40 : i32
      %lt3A_78 = arith.cmpi slt, %add3A_77, %lt3A : i32
      %convert_element_type3A = arith.extui %lt3A_78 : i1 to i32
      %cond3A = arith.constant 0 : i32
      %cond3A_79 = arith.cmpi ne, %convert_element_type3A, %cond3A : i32
      scf.if %cond3A_79 {
        %add3A_88 = arith.constant 2 : i32
        %add3A_89 = arith.addi %mul3A_48, %add3A_88 : i32
        %dma_start3A_90 = arith.constant 0 : i32
        %dma_start3A_91 = tpu.memref_slice %arg6[%add3A_89, %dma_start3A_90] : memref<40x128xi32, #tpu.memory_space<vmem>> -> memref<1x128xi32, #tpu.memory_space<vmem>>
        %dma_start3A_92 = tpu.memref_squeeze %dma_start3A_91 : memref<1x128xi32, #tpu.memory_space<vmem>> -> memref<128xi32, #tpu.memory_space<vmem>>
        %dma_start3A_93 = arith.constant 0 : i32
        %dma_start3A_94 = arith.constant 0 : i32
        %dma_start3A_95 = tpu.memref_slice %arg2[%dma_start3A_93, %dma_start3A_94] : memref<10112x64xi32, #tpu.memory_space<hbm>> -> memref<10112x64xi32, #tpu.memory_space<hbm>>
        tpu.enqueue_indirect_dma source(%dma_start3A_95 : memref<10112x64xi32, #tpu.memory_space<hbm>>) target(%arg7 : memref<128x64xi32, #tpu.memory_space<vmem>>) offsets(%dma_start3A_92 : memref<128xi32, #tpu.memory_space<vmem>>) semaphore(%arg12 : memref<!tpu.dma_semaphore, #tpu.memory_space<semaphore_mem>>)
      } else {
      }
      %scan3A_80 = arith.constant 0 : i32
      %scan3A_81 = arith.constant 0 : i32
      %scan3A_82 = arith.constant 32 : i32
      %scan3A_83 = arith.addi %scan3A_81, %scan3A_82 : i32
      %scan3A_84 = arith.constant 1 : i32
      scf.for %scan3A_88 = %scan3A_81 to %scan3A_83 step %scan3A_84  : i32 {
        %mul3A_89 = arith.constant 4 : i32
        %mul3A_90 = arith.muli %mul3A_89, %scan3A_88 : i32
        %add3A_91 = arith.constant 0 : i32
        %add3A_92 = arith.addi %mul3A_90, %add3A_91 : i32
        %get3A = arith.index_cast %add3A_92 : i32 to index
        %get3A_93 = arith.constant 0 : index
        %get3A_94 = tpu.vector_load %arg8[%get3A, %get3A_93] {strides = array<i32>} : memref<128x64xi32, #tpu.memory_space<vmem>>, vector<16xi32>,
        %shift_left3A = arith.constant 16 : i32
        %shift_left3A_95 = vector.broadcast %shift_left3A : i32 to vector<16xi32>
        %shift_left3A_96 = arith.shli %get3A_94, %shift_left3A_95 : vector<16xi32>
        %bitcast3A = vector.bitcast %shift_left3A_96 : vector<16xi32> to vector<16xf32>
        %add3A_97 = arith.constant 0 : i32
        %add3A_98 = arith.addi %mul3A_90, %add3A_97 : i32
        %swap3A = arith.index_cast %add3A_98 : i32 to index
        %swap3A_99 = arith.constant 0 : index
        %swap3A_100 = tpu.vector_load %arg9[%swap3A, %swap3A_99] {strides = array<i32>} : memref<128x128xf32, #tpu.memory_space<vmem>>, vector<16xf32>,
        tpu.vector_store %arg9[%swap3A, %swap3A_99], %bitcast3A {strides = array<i32>} : memref<128x128xf32, #tpu.memory_space<vmem>>, vector<16xf32>,
        %and3A = arith.constant -65536 : i32
        %and3A_101 = vector.broadcast %and3A : i32 to vector<16xi32>
        %and3A_102 = arith.andi %get3A_94, %and3A_101 : vector<16xi32>
        %bitcast3A_103 = vector.bitcast %and3A_102 : vector<16xi32> to vector<16xf32>
        %add3A_104 = arith.constant 0 : i32
        %add3A_105 = arith.addi %mul3A_90, %add3A_104 : i32
        %swap3A_106 = arith.index_cast %add3A_105 : i32 to index
        %swap3A_107 = arith.constant 64 : index
        %swap3A_108 = tpu.vector_load %arg9[%swap3A_106, %swap3A_107] {strides = array<i32>} : memref<128x128xf32, #tpu.memory_space<vmem>>, vector<16xf32>,
        tpu.vector_store %arg9[%swap3A_106, %swap3A_107], %bitcast3A_103 {strides = array<i32>} : memref<128x128xf32, #tpu.memory_space<vmem>>, vector<16xf32>,
        %add3A_109 = arith.constant 0 : i32
        %add3A_110 = arith.addi %mul3A_90, %add3A_109 : i32
        %get3A_111 = arith.index_cast %add3A_110 : i32 to index
        %get3A_112 = arith.constant 16 : index
        %get3A_113 = tpu.vector_load %arg8[%get3A_111, %get3A_112] {strides = array<i32>} : memref<128x64xi32, #tpu.memory_space<vmem>>, vector<16xi32>,
        %shift_left3A_114 = arith.constant 16 : i32
        %shift_left3A_115 = vector.broadcast %shift_left3A_114 : i32 to vector<16xi32>
        %shift_left3A_116 = arith.shli %get3A_113, %shift_left3A_115 : vector<16xi32>
        %bitcast3A_117 = vector.bitcast %shift_left3A_116 : vector<16xi32> to vector<16xf32>
        %add3A_118 = arith.constant 0 : i32
        %add3A_119 = arith.addi %mul3A_90, %add3A_118 : i32
        %swap3A_120 = arith.index_cast %add3A_119 : i32 to index
        %swap3A_121 = arith.constant 16 : index
        %swap3A_122 = tpu.vector_load %arg9[%swap3A_120, %swap3A_121] {strides = array<i32>} : memref<128x128xf32, #tpu.memory_space<vmem>>, vector<16xf32>,
        tpu.vector_store %arg9[%swap3A_120, %swap3A_121], %bitcast3A_117 {strides = array<i32>} : memref<128x128xf32, #tpu.memory_space<vmem>>, vector<16xf32>,
        %and3A_123 = arith.constant -65536 : i32
        %and3A_124 = vector.broadcast %and3A_123 : i32 to vector<16xi32>
        %and3A_125 = arith.andi %get3A_113, %and3A_124 : vector<16xi32>
        %bitcast3A_126 = vector.bitcast %and3A_125 : vector<16xi32> to vector<16xf32>
        %add3A_127 = arith.constant 0 : i32
        %add3A_128 = arith.addi %mul3A_90, %add3A_127 : i32
        %swap3A_129 = arith.index_cast %add3A_128 : i32 to index
        %swap3A_130 = arith.constant 80 : index
        %swap3A_131 = tpu.vector_load %arg9[%swap3A_129, %swap3A_130] {strides = array<i32>} : memref<128x128xf32, #tpu.memory_space<vmem>>, vector<16xf32>,
        tpu.vector_store %arg9[%swap3A_129, %swap3A_130], %bitcast3A_126 {strides = array<i32>} : memref<128x128xf32, #tpu.memory_space<vmem>>, vector<16xf32>,
        %add3A_132 = arith.constant 0 : i32
        %add3A_133 = arith.addi %mul3A_90, %add3A_132 : i32
        %get3A_134 = arith.index_cast %add3A_133 : i32 to index
        %get3A_135 = arith.constant 32 : index
        %get3A_136 = tpu.vector_load %arg8[%get3A_134, %get3A_135] {strides = array<i32>} : memref<128x64xi32, #tpu.memory_space<vmem>>, vector<16xi32>,
        %shift_left3A_137 = arith.constant 16 : i32
        %shift_left3A_138 = vector.broadcast %shift_left3A_137 : i32 to vector<16xi32>
        %shift_left3A_139 = arith.shli %get3A_136, %shift_left3A_138 : vector<16xi32>
        %bitcast3A_140 = vector.bitcast %shift_left3A_139 : vector<16xi32> to vector<16xf32>
        %add3A_141 = arith.constant 0 : i32
        %add3A_142 = arith.addi %mul3A_90, %add3A_141 : i32
        %swap3A_143 = arith.index_cast %add3A_142 : i32 to index
        %swap3A_144 = arith.constant 32 : index
        %swap3A_145 = tpu.vector_load %arg9[%swap3A_143, %swap3A_144] {strides = array<i32>} : memref<128x128xf32, #tpu.memory_space<vmem>>, vector<16xf32>,
        tpu.vector_store %arg9[%swap3A_143, %swap3A_144], %bitcast3A_140 {strides = array<i32>} : memref<128x128xf32, #tpu.memory_space<vmem>>, vector<16xf32>,
        %and3A_146 = arith.constant -65536 : i32
        %and3A_147 = vector.broadcast %and3A_146 : i32 to vector<16xi32>
        %and3A_148 = arith.andi %get3A_136, %and3A_147 : vector<16xi32>
        %bitcast3A_149 = vector.bitcast %and3A_148 : vector<16xi32> to vector<16xf32>
        %add3A_150 = arith.constant 0 : i32
        %add3A_151 = arith.addi %mul3A_90, %add3A_150 : i32
        %swap3A_152 = arith.index_cast %add3A_151 : i32 to index
        %swap3A_153 = arith.constant 96 : index
        %swap3A_154 = tpu.vector_load %arg9[%swap3A_152, %swap3A_153] {strides = array<i32>} : memref<128x128xf32, #tpu.memory_space<vmem>>, vector<16xf32>,
        tpu.vector_store %arg9[%swap3A_152, %swap3A_153], %bitcast3A_149 {strides = array<i32>} : memref<128x128xf32, #tpu.memory_space<vmem>>, vector<16xf32>,
        %add3A_155 = arith.constant 0 : i32
        %add3A_156 = arith.addi %mul3A_90, %add3A_155 : i32
        %get3A_157 = arith.index_cast %add3A_156 : i32 to index
        %get3A_158 = arith.constant 48 : index
        %get3A_159 = tpu.vector_load %arg8[%get3A_157, %get3A_158] {strides = array<i32>} : memref<128x64xi32, #tpu.memory_space<vmem>>, vector<16xi32>,
        %shift_left3A_160 = arith.constant 16 : i32
        %shift_left3A_161 = vector.broadcast %shift_left3A_160 : i32 to vector<16xi32>
        %shift_left3A_162 = arith.shli %get3A_159, %shift_left3A_161 : vector<16xi32>
        %bitcast3A_163 = vector.bitcast %shift_left3A_162 : vector<16xi32> to vector<16xf32>
        %add3A_164 = arith.constant 0 : i32
        %add3A_165 = arith.addi %mul3A_90, %add3A_164 : i32
        %swap3A_166 = arith.index_cast %add3A_165 : i32 to index
        %swap3A_167 = arith.constant 48 : index
        %swap3A_168 = tpu.vector_load %arg9[%swap3A_166, %swap3A_167] {strides = array<i32>} : memref<128x128xf32, #tpu.memory_space<vmem>>, vector<16xf32>,
        tpu.vector_store %arg9[%swap3A_166, %swap3A_167], %bitcast3A_163 {strides = array<i32>} : memref<128x128xf32, #tpu.memory_space<vmem>>, vector<16xf32>,
        %and3A_169 = arith.constant -65536 : i32
        %and3A_170 = vector.broadcast %and3A_169 : i32 to vector<16xi32>
        %and3A_171 = arith.andi %get3A_159, %and3A_170 : vector<16xi32>
        %bitcast3A_172 = vector.bitcast %and3A_171 : vector<16xi32> to vector<16xf32>
        %add3A_173 = arith.constant 0 : i32
        %add3A_174 = arith.addi %mul3A_90, %add3A_173 : i32
        %swap3A_175 = arith.index_cast %add3A_174 : i32 to index
        %swap3A_176 = arith.constant 112 : index
        %swap3A_177 = tpu.vector_load %arg9[%swap3A_175, %swap3A_176] {strides = array<i32>} : memref<128x128xf32, #tpu.memory_space<vmem>>, vector<16xf32>,
        tpu.vector_store %arg9[%swap3A_175, %swap3A_176], %bitcast3A_172 {strides = array<i32>} : memref<128x128xf32, #tpu.memory_space<vmem>>, vector<16xf32>,
        %add3A_178 = arith.constant 1 : i32
        %add3A_179 = arith.addi %mul3A_90, %add3A_178 : i32
        %get3A_180 = arith.index_cast %add3A_179 : i32 to index
        %get3A_181 = arith.constant 0 : index
        %get3A_182 = tpu.vector_load %arg8[%get3A_180, %get3A_181] {strides = array<i32>} : memref<128x64xi32, #tpu.memory_space<vmem>>, vector<16xi32>,
        %shift_left3A_183 = arith.constant 16 : i32
        %shift_left3A_184 = vector.broadcast %shift_left3A_183 : i32 to vector<16xi32>
        %shift_left3A_185 = arith.shli %get3A_182, %shift_left3A_184 : vector<16xi32>
        %bitcast3A_186 = vector.bitcast %shift_left3A_185 : vector<16xi32> to vector<16xf32>
        %add3A_187 = arith.constant 1 : i32
        %add3A_188 = arith.addi %mul3A_90, %add3A_187 : i32
        %swap3A_189 = arith.index_cast %add3A_188 : i32 to index
        %swap3A_190 = arith.constant 0 : index
        %swap3A_191 = tpu.vector_load %arg9[%swap3A_189, %swap3A_190] {strides = array<i32>} : memref<128x128xf32, #tpu.memory_space<vmem>>, vector<16xf32>,
        tpu.vector_store %arg9[%swap3A_189, %swap3A_190], %bitcast3A_186 {strides = array<i32>} : memref<128x128xf32, #tpu.memory_space<vmem>>, vector<16xf32>,
        %and3A_192 = arith.constant -65536 : i32
        %and3A_193 = vector.broadcast %and3A_192 : i32 to vector<16xi32>
        %and3A_194 = arith.andi %get3A_182, %and3A_193 : vector<16xi32>
        %bitcast3A_195 = vector.bitcast %and3A_194 : vector<16xi32> to vector<16xf32>
        %add3A_196 = arith.constant 1 : i32
        %add3A_197 = arith.addi %mul3A_90, %add3A_196 : i32
        %swap3A_198 = arith.index_cast %add3A_197 : i32 to index
        %swap3A_199 = arith.constant 64 : index
        %swap3A_200 = tpu.vector_load %arg9[%swap3A_198, %swap3A_199] {strides = array<i32>} : memref<128x128xf32, #tpu.memory_space<vmem>>, vector<16xf32>,
        tpu.vector_store %arg9[%swap3A_198, %swap3A_199], %bitcast3A_195 {strides = array<i32>} : memref<128x128xf32, #tpu.memory_space<vmem>>, vector<16xf32>,
        %add3A_201 = arith.constant 1 : i32
        %add3A_202 = arith.addi %mul3A_90, %add3A_201 : i32
        %get3A_203 = arith.index_cast %add3A_202 : i32 to index
        %get3A_204 = arith.constant 16 : index
        %get3A_205 = tpu.vector_load %arg8[%get3A_203, %get3A_204] {strides = array<i32>} : memref<128x64xi32, #tpu.memory_space<vmem>>, vector<16xi32>,
        %shift_left3A_206 = arith.constant 16 : i32
        %shift_left3A_207 = vector.broadcast %shift_left3A_206 : i32 to vector<16xi32>
        %shift_left3A_208 = arith.shli %get3A_205, %shift_left3A_207 : vector<16xi32>
        %bitcast3A_209 = vector.bitcast %shift_left3A_208 : vector<16xi32> to vector<16xf32>
        %add3A_210 = arith.constant 1 : i32
        %add3A_211 = arith.addi %mul3A_90, %add3A_210 : i32
        %swap3A_212 = arith.index_cast %add3A_211 : i32 to index
        %swap3A_213 = arith.constant 16 : index
        %swap3A_214 = tpu.vector_load %arg9[%swap3A_212, %swap3A_213] {strides = array<i32>} : memref<128x128xf32, #tpu.memory_space<vmem>>, vector<16xf32>,
        tpu.vector_store %arg9[%swap3A_212, %swap3A_213], %bitcast3A_209 {strides = array<i32>} : memref<128x128xf32, #tpu.memory_space<vmem>>, vector<16xf32>,
        %and3A_215 = arith.constant -65536 : i32
        %and3A_216 = vector.broadcast %and3A_215 : i32 to vector<16xi32>
        %and3A_217 = arith.andi %get3A_205, %and3A_216 : vector<16xi32>
        %bitcast3A_218 = vector.bitcast %and3A_217 : vector<16xi32> to vector<16xf32>
        %add3A_219 = arith.constant 1 : i32
        %add3A_220 = arith.addi %mul3A_90, %add3A_219 : i32
        %swap3A_221 = arith.index_cast %add3A_220 : i32 to index
        %swap3A_222 = arith.constant 80 : index
        %swap3A_223 = tpu.vector_load %arg9[%swap3A_221, %swap3A_222] {strides = array<i32>} : memref<128x128xf32, #tpu.memory_space<vmem>>, vector<16xf32>,
        tpu.vector_store %arg9[%swap3A_221, %swap3A_222], %bitcast3A_218 {strides = array<i32>} : memref<128x128xf32, #tpu.memory_space<vmem>>, vector<16xf32>,
        %add3A_224 = arith.constant 1 : i32
        %add3A_225 = arith.addi %mul3A_90, %add3A_224 : i32
        %get3A_226 = arith.index_cast %add3A_225 : i32 to index
        %get3A_227 = arith.constant 32 : index
        %get3A_228 = tpu.vector_load %arg8[%get3A_226, %get3A_227] {strides = array<i32>} : memref<128x64xi32, #tpu.memory_space<vmem>>, vector<16xi32>,
        %shift_left3A_229 = arith.constant 16 : i32
        %shift_left3A_230 = vector.broadcast %shift_left3A_229 : i32 to vector<16xi32>
        %shift_left3A_231 = arith.shli %get3A_228, %shift_left3A_230 : vector<16xi32>
        %bitcast3A_232 = vector.bitcast %shift_left3A_231 : vector<16xi32> to vector<16xf32>
        %add3A_233 = arith.constant 1 : i32
        %add3A_234 = arith.addi %mul3A_90, %add3A_233 : i32
        %swap3A_235 = arith.index_cast %add3A_234 : i32 to index
        %swap3A_236 = arith.constant 32 : index
        %swap3A_237 = tpu.vector_load %arg9[%swap3A_235, %swap3A_236] {strides = array<i32>} : memref<128x128xf32, #tpu.memory_space<vmem>>, vector<16xf32>,
        tpu.vector_store %arg9[%swap3A_235, %swap3A_236], %bitcast3A_232 {strides = array<i32>} : memref<128x128xf32, #tpu.memory_space<vmem>>, vector<16xf32>,
        %and3A_238 = arith.constant -65536 : i32
        %and3A_239 = vector.broadcast %and3A_238 : i32 to vector<16xi32>
        %and3A_240 = arith.andi %get3A_228, %and3A_239 : vector<16xi32>
        %bitcast3A_241 = vector.bitcast %and3A_240 : vector<16xi32> to vector<16xf32>
        %add3A_242 = arith.constant 1 : i32
        %add3A_243 = arith.addi %mul3A_90, %add3A_242 : i32
        %swap3A_244 = arith.index_cast %add3A_243 : i32 to index
        %swap3A_245 = arith.constant 96 : index
        %swap3A_246 = tpu.vector_load %arg9[%swap3A_244, %swap3A_245] {strides = array<i32>} : memref<128x128xf32, #tpu.memory_space<vmem>>, vector<16xf32>,
        tpu.vector_store %arg9[%swap3A_244, %swap3A_245], %bitcast3A_241 {strides = array<i32>} : memref<128x128xf32, #tpu.memory_space<vmem>>, vector<16xf32>,
        %add3A_247 = arith.constant 1 : i32
        %add3A_248 = arith.addi %mul3A_90, %add3A_247 : i32
        %get3A_249 = arith.index_cast %add3A_248 : i32 to index
        %get3A_250 = arith.constant 48 : index
        %get3A_251 = tpu.vector_load %arg8[%get3A_249, %get3A_250] {strides = array<i32>} : memref<128x64xi32, #tpu.memory_space<vmem>>, vector<16xi32>,
        %shift_left3A_252 = arith.constant 16 : i32
        %shift_left3A_253 = vector.broadcast %shift_left3A_252 : i32 to vector<16xi32>
        %shift_left3A_254 = arith.shli %get3A_251, %shift_left3A_253 : vector<16xi32>
        %bitcast3A_255 = vector.bitcast %shift_left3A_254 : vector<16xi32> to vector<16xf32>
        %add3A_256 = arith.constant 1 : i32
        %add3A_257 = arith.addi %mul3A_90, %add3A_256 : i32
        %swap3A_258 = arith.index_cast %add3A_257 : i32 to index
        %swap3A_259 = arith.constant 48 : index
        %swap3A_260 = tpu.vector_load %arg9[%swap3A_258, %swap3A_259] {strides = array<i32>} : memref<128x128xf32, #tpu.memory_space<vmem>>, vector<16xf32>,
        tpu.vector_store %arg9[%swap3A_258, %swap3A_259], %bitcast3A_255 {strides = array<i32>} : memref<128x128xf32, #tpu.memory_space<vmem>>, vector<16xf32>,
        %and3A_261 = arith.constant -65536 : i32
        %and3A_262 = vector.broadcast %and3A_261 : i32 to vector<16xi32>
        %and3A_263 = arith.andi %get3A_251, %and3A_262 : vector<16xi32>
        %bitcast3A_264 = vector.bitcast %and3A_263 : vector<16xi32> to vector<16xf32>
        %add3A_265 = arith.constant 1 : i32
        %add3A_266 = arith.addi %mul3A_90, %add3A_265 : i32
        %swap3A_267 = arith.index_cast %add3A_266 : i32 to index
        %swap3A_268 = arith.constant 112 : index
        %swap3A_269 = tpu.vector_load %arg9[%swap3A_267, %swap3A_268] {strides = array<i32>} : memref<128x128xf32, #tpu.memory_space<vmem>>, vector<16xf32>,
        tpu.vector_store %arg9[%swap3A_267, %swap3A_268], %bitcast3A_264 {strides = array<i32>} : memref<128x128xf32, #tpu.memory_space<vmem>>, vector<16xf32>,
        %add3A_270 = arith.constant 2 : i32
        %add3A_271 = arith.addi %mul3A_90, %add3A_270 : i32
        %get3A_272 = arith.index_cast %add3A_271 : i32 to index
        %get3A_273 = arith.constant 0 : index
        %get3A_274 = tpu.vector_load %arg8[%get3A_272, %get3A_273] {strides = array<i32>} : memref<128x64xi32, #tpu.memory_space<vmem>>, vector<16xi32>,
        %shift_left3A_275 = arith.constant 16 : i32
        %shift_left3A_276 = vector.broadcast %shift_left3A_275 : i32 to vector<16xi32>
        %shift_left3A_277 = arith.shli %get3A_274, %shift_left3A_276 : vector<16xi32>
        %bitcast3A_278 = vector.bitcast %shift_left3A_277 : vector<16xi32> to vector<16xf32>
        %add3A_279 = arith.constant 2 : i32
        %add3A_280 = arith.addi %mul3A_90, %add3A_279 : i32
        %swap3A_281 = arith.index_cast %add3A_280 : i32 to index
        %swap3A_282 = arith.constant 0 : index
        %swap3A_283 = tpu.vector_load %arg9[%swap3A_281, %swap3A_282] {strides = array<i32>} : memref<128x128xf32, #tpu.memory_space<vmem>>, vector<16xf32>,
        tpu.vector_store %arg9[%swap3A_281, %swap3A_282], %bitcast3A_278 {strides = array<i32>} : memref<128x128xf32, #tpu.memory_space<vmem>>, vector<16xf32>,
        %and3A_284 = arith.constant -65536 : i32
        %and3A_285 = vector.broadcast %and3A_284 : i32 to vector<16xi32>
        %and3A_286 = arith.andi %get3A_274, %and3A_285 : vector<16xi32>
        %bitcast3A_287 = vector.bitcast %and3A_286 : vector<16xi32> to vector<16xf32>
        %add3A_288 = arith.constant 2 : i32
        %add3A_289 = arith.addi %mul3A_90, %add3A_288 : i32
        %swap3A_290 = arith.index_cast %add3A_289 : i32 to index
        %swap3A_291 = arith.constant 64 : index
        %swap3A_292 = tpu.vector_load %arg9[%swap3A_290, %swap3A_291] {strides = array<i32>} : memref<128x128xf32, #tpu.memory_space<vmem>>, vector<16xf32>,
        tpu.vector_store %arg9[%swap3A_290, %swap3A_291], %bitcast3A_287 {strides = array<i32>} : memref<128x128xf32, #tpu.memory_space<vmem>>, vector<16xf32>,
        %add3A_293 = arith.constant 2 : i32
        %add3A_294 = arith.addi %mul3A_90, %add3A_293 : i32
        %get3A_295 = arith.index_cast %add3A_294 : i32 to index
        %get3A_296 = arith.constant 16 : index
        %get3A_297 = tpu.vector_load %arg8[%get3A_295, %get3A_296] {strides = array<i32>} : memref<128x64xi32, #tpu.memory_space<vmem>>, vector<16xi32>,
        %shift_left3A_298 = arith.constant 16 : i32
        %shift_left3A_299 = vector.broadcast %shift_left3A_298 : i32 to vector<16xi32>
        %shift_left3A_300 = arith.shli %get3A_297, %shift_left3A_299 : vector<16xi32>
        %bitcast3A_301 = vector.bitcast %shift_left3A_300 : vector<16xi32> to vector<16xf32>
        %add3A_302 = arith.constant 2 : i32
        %add3A_303 = arith.addi %mul3A_90, %add3A_302 : i32
        %swap3A_304 = arith.index_cast %add3A_303 : i32 to index
        %swap3A_305 = arith.constant 16 : index
        %swap3A_306 = tpu.vector_load %arg9[%swap3A_304, %swap3A_305] {strides = array<i32>} : memref<128x128xf32, #tpu.memory_space<vmem>>, vector<16xf32>,
        tpu.vector_store %arg9[%swap3A_304, %swap3A_305], %bitcast3A_301 {strides = array<i32>} : memref<128x128xf32, #tpu.memory_space<vmem>>, vector<16xf32>,
        %and3A_307 = arith.constant -65536 : i32
        %and3A_308 = vector.broadcast %and3A_307 : i32 to vector<16xi32>
        %and3A_309 = arith.andi %get3A_297, %and3A_308 : vector<16xi32>
        %bitcast3A_310 = vector.bitcast %and3A_309 : vector<16xi32> to vector<16xf32>
        %add3A_311 = arith.constant 2 : i32
        %add3A_312 = arith.addi %mul3A_90, %add3A_311 : i32
        %swap3A_313 = arith.index_cast %add3A_312 : i32 to index
        %swap3A_314 = arith.constant 80 : index
        %swap3A_315 = tpu.vector_load %arg9[%swap3A_313, %swap3A_314] {strides = array<i32>} : memref<128x128xf32, #tpu.memory_space<vmem>>, vector<16xf32>,
        tpu.vector_store %arg9[%swap3A_313, %swap3A_314], %bitcast3A_310 {strides = array<i32>} : memref<128x128xf32, #tpu.memory_space<vmem>>, vector<16xf32>,
        %add3A_316 = arith.constant 2 : i32
        %add3A_317 = arith.addi %mul3A_90, %add3A_316 : i32
        %get3A_318 = arith.index_cast %add3A_317 : i32 to index
        %get3A_319 = arith.constant 32 : index
        %get3A_320 = tpu.vector_load %arg8[%get3A_318, %get3A_319] {strides = array<i32>} : memref<128x64xi32, #tpu.memory_space<vmem>>, vector<16xi32>,
        %shift_left3A_321 = arith.constant 16 : i32
        %shift_left3A_322 = vector.broadcast %shift_left3A_321 : i32 to vector<16xi32>
        %shift_left3A_323 = arith.shli %get3A_320, %shift_left3A_322 : vector<16xi32>
        %bitcast3A_324 = vector.bitcast %shift_left3A_323 : vector<16xi32> to vector<16xf32>
        %add3A_325 = arith.constant 2 : i32
        %add3A_326 = arith.addi %mul3A_90, %add3A_325 : i32
        %swap3A_327 = arith.index_cast %add3A_326 : i32 to index
        %swap3A_328 = arith.constant 32 : index
        %swap3A_329 = tpu.vector_load %arg9[%swap3A_327, %swap3A_328] {strides = array<i32>} : memref<128x128xf32, #tpu.memory_space<vmem>>, vector<16xf32>,
        tpu.vector_store %arg9[%swap3A_327, %swap3A_328], %bitcast3A_324 {strides = array<i32>} : memref<128x128xf32, #tpu.memory_space<vmem>>, vector<16xf32>,
        %and3A_330 = arith.constant -65536 : i32
        %and3A_331 = vector.broadcast %and3A_330 : i32 to vector<16xi32>
        %and3A_332 = arith.andi %get3A_320, %and3A_331 : vector<16xi32>
        %bitcast3A_333 = vector.bitcast %and3A_332 : vector<16xi32> to vector<16xf32>
        %add3A_334 = arith.constant 2 : i32
        %add3A_335 = arith.addi %mul3A_90, %add3A_334 : i32
        %swap3A_336 = arith.index_cast %add3A_335 : i32 to index
        %swap3A_337 = arith.constant 96 : index
        %swap3A_338 = tpu.vector_load %arg9[%swap3A_336, %swap3A_337] {strides = array<i32>} : memref<128x128xf32, #tpu.memory_space<vmem>>, vector<16xf32>,
        tpu.vector_store %arg9[%swap3A_336, %swap3A_337], %bitcast3A_333 {strides = array<i32>} : memref<128x128xf32, #tpu.memory_space<vmem>>, vector<16xf32>,
        %add3A_339 = arith.constant 2 : i32
        %add3A_340 = arith.addi %mul3A_90, %add3A_339 : i32
        %get3A_341 = arith.index_cast %add3A_340 : i32 to index
        %get3A_342 = arith.constant 48 : index
        %get3A_343 = tpu.vector_load %arg8[%get3A_341, %get3A_342] {strides = array<i32>} : memref<128x64xi32, #tpu.memory_space<vmem>>, vector<16xi32>,
        %shift_left3A_344 = arith.constant 16 : i32
        %shift_left3A_345 = vector.broadcast %shift_left3A_344 : i32 to vector<16xi32>
        %shift_left3A_346 = arith.shli %get3A_343, %shift_left3A_345 : vector<16xi32>
        %bitcast3A_347 = vector.bitcast %shift_left3A_346 : vector<16xi32> to vector<16xf32>
        %add3A_348 = arith.constant 2 : i32
        %add3A_349 = arith.addi %mul3A_90, %add3A_348 : i32
        %swap3A_350 = arith.index_cast %add3A_349 : i32 to index
        %swap3A_351 = arith.constant 48 : index
        %swap3A_352 = tpu.vector_load %arg9[%swap3A_350, %swap3A_351] {strides = array<i32>} : memref<128x128xf32, #tpu.memory_space<vmem>>, vector<16xf32>,
        tpu.vector_store %arg9[%swap3A_350, %swap3A_351], %bitcast3A_347 {strides = array<i32>} : memref<128x128xf32, #tpu.memory_space<vmem>>, vector<16xf32>,
        %and3A_353 = arith.constant -65536 : i32
        %and3A_354 = vector.broadcast %and3A_353 : i32 to vector<16xi32>
        %and3A_355 = arith.andi %get3A_343, %and3A_354 : vector<16xi32>
        %bitcast3A_356 = vector.bitcast %and3A_355 : vector<16xi32> to vector<16xf32>
        %add3A_357 = arith.constant 2 : i32
        %add3A_358 = arith.addi %mul3A_90, %add3A_357 : i32
        %swap3A_359 = arith.index_cast %add3A_358 : i32 to index
        %swap3A_360 = arith.constant 112 : index
        %swap3A_361 = tpu.vector_load %arg9[%swap3A_359, %swap3A_360] {strides = array<i32>} : memref<128x128xf32, #tpu.memory_space<vmem>>, vector<16xf32>,
        tpu.vector_store %arg9[%swap3A_359, %swap3A_360], %bitcast3A_356 {strides = array<i32>} : memref<128x128xf32, #tpu.memory_space<vmem>>, vector<16xf32>,
        %add3A_362 = arith.constant 3 : i32
        %add3A_363 = arith.addi %mul3A_90, %add3A_362 : i32
        %get3A_364 = arith.index_cast %add3A_363 : i32 to index
        %get3A_365 = arith.constant 0 : index
        %get3A_366 = tpu.vector_load %arg8[%get3A_364, %get3A_365] {strides = array<i32>} : memref<128x64xi32, #tpu.memory_space<vmem>>, vector<16xi32>,
        %shift_left3A_367 = arith.constant 16 : i32
        %shift_left3A_368 = vector.broadcast %shift_left3A_367 : i32 to vector<16xi32>
        %shift_left3A_369 = arith.shli %get3A_366, %shift_left3A_368 : vector<16xi32>
        %bitcast3A_370 = vector.bitcast %shift_left3A_369 : vector<16xi32> to vector<16xf32>
        %add3A_371 = arith.constant 3 : i32
        %add3A_372 = arith.addi %mul3A_90, %add3A_371 : i32
        %swap3A_373 = arith.index_cast %add3A_372 : i32 to index
        %swap3A_374 = arith.constant 0 : index
        %swap3A_375 = tpu.vector_load %arg9[%swap3A_373, %swap3A_374] {strides = array<i32>} : memref<128x128xf32, #tpu.memory_space<vmem>>, vector<16xf32>,
        tpu.vector_store %arg9[%swap3A_373, %swap3A_374], %bitcast3A_370 {strides = array<i32>} : memref<128x128xf32, #tpu.memory_space<vmem>>, vector<16xf32>,
        %and3A_376 = arith.constant -65536 : i32
        %and3A_377 = vector.broadcast %and3A_376 : i32 to vector<16xi32>
        %and3A_378 = arith.andi %get3A_366, %and3A_377 : vector<16xi32>
        %bitcast3A_379 = vector.bitcast %and3A_378 : vector<16xi32> to vector<16xf32>
        %add3A_380 = arith.constant 3 : i32
        %add3A_381 = arith.addi %mul3A_90, %add3A_380 : i32
        %swap3A_382 = arith.index_cast %add3A_381 : i32 to index
        %swap3A_383 = arith.constant 64 : index
        %swap3A_384 = tpu.vector_load %arg9[%swap3A_382, %swap3A_383] {strides = array<i32>} : memref<128x128xf32, #tpu.memory_space<vmem>>, vector<16xf32>,
        tpu.vector_store %arg9[%swap3A_382, %swap3A_383], %bitcast3A_379 {strides = array<i32>} : memref<128x128xf32, #tpu.memory_space<vmem>>, vector<16xf32>,
        %add3A_385 = arith.constant 3 : i32
        %add3A_386 = arith.addi %mul3A_90, %add3A_385 : i32
        %get3A_387 = arith.index_cast %add3A_386 : i32 to index
        %get3A_388 = arith.constant 16 : index
        %get3A_389 = tpu.vector_load %arg8[%get3A_387, %get3A_388] {strides = array<i32>} : memref<128x64xi32, #tpu.memory_space<vmem>>, vector<16xi32>,
        %shift_left3A_390 = arith.constant 16 : i32
        %shift_left3A_391 = vector.broadcast %shift_left3A_390 : i32 to vector<16xi32>
        %shift_left3A_392 = arith.shli %get3A_389, %shift_left3A_391 : vector<16xi32>
        %bitcast3A_393 = vector.bitcast %shift_left3A_392 : vector<16xi32> to vector<16xf32>
        %add3A_394 = arith.constant 3 : i32
        %add3A_395 = arith.addi %mul3A_90, %add3A_394 : i32
        %swap3A_396 = arith.index_cast %add3A_395 : i32 to index
        %swap3A_397 = arith.constant 16 : index
        %swap3A_398 = tpu.vector_load %arg9[%swap3A_396, %swap3A_397] {strides = array<i32>} : memref<128x128xf32, #tpu.memory_space<vmem>>, vector<16xf32>,
        tpu.vector_store %arg9[%swap3A_396, %swap3A_397], %bitcast3A_393 {strides = array<i32>} : memref<128x128xf32, #tpu.memory_space<vmem>>, vector<16xf32>,
        %and3A_399 = arith.constant -65536 : i32
        %and3A_400 = vector.broadcast %and3A_399 : i32 to vector<16xi32>
        %and3A_401 = arith.andi %get3A_389, %and3A_400 : vector<16xi32>
        %bitcast3A_402 = vector.bitcast %and3A_401 : vector<16xi32> to vector<16xf32>
        %add3A_403 = arith.constant 3 : i32
        %add3A_404 = arith.addi %mul3A_90, %add3A_403 : i32
        %swap3A_405 = arith.index_cast %add3A_404 : i32 to index
        %swap3A_406 = arith.constant 80 : index
        %swap3A_407 = tpu.vector_load %arg9[%swap3A_405, %swap3A_406] {strides = array<i32>} : memref<128x128xf32, #tpu.memory_space<vmem>>, vector<16xf32>,
        tpu.vector_store %arg9[%swap3A_405, %swap3A_406], %bitcast3A_402 {strides = array<i32>} : memref<128x128xf32, #tpu.memory_space<vmem>>, vector<16xf32>,
        %add3A_408 = arith.constant 3 : i32
        %add3A_409 = arith.addi %mul3A_90, %add3A_408 : i32
        %get3A_410 = arith.index_cast %add3A_409 : i32 to index
        %get3A_411 = arith.constant 32 : index
        %get3A_412 = tpu.vector_load %arg8[%get3A_410, %get3A_411] {strides = array<i32>} : memref<128x64xi32, #tpu.memory_space<vmem>>, vector<16xi32>,
        %shift_left3A_413 = arith.constant 16 : i32
        %shift_left3A_414 = vector.broadcast %shift_left3A_413 : i32 to vector<16xi32>
        %shift_left3A_415 = arith.shli %get3A_412, %shift_left3A_414 : vector<16xi32>
        %bitcast3A_416 = vector.bitcast %shift_left3A_415 : vector<16xi32> to vector<16xf32>
        %add3A_417 = arith.constant 3 : i32
        %add3A_418 = arith.addi %mul3A_90, %add3A_417 : i32
        %swap3A_419 = arith.index_cast %add3A_418 : i32 to index
        %swap3A_420 = arith.constant 32 : index
        %swap3A_421 = tpu.vector_load %arg9[%swap3A_419, %swap3A_420] {strides = array<i32>} : memref<128x128xf32, #tpu.memory_space<vmem>>, vector<16xf32>,
        tpu.vector_store %arg9[%swap3A_419, %swap3A_420], %bitcast3A_416 {strides = array<i32>} : memref<128x128xf32, #tpu.memory_space<vmem>>, vector<16xf32>,
        %and3A_422 = arith.constant -65536 : i32
        %and3A_423 = vector.broadcast %and3A_422 : i32 to vector<16xi32>
        %and3A_424 = arith.andi %get3A_412, %and3A_423 : vector<16xi32>
        %bitcast3A_425 = vector.bitcast %and3A_424 : vector<16xi32> to vector<16xf32>
        %add3A_426 = arith.constant 3 : i32
        %add3A_427 = arith.addi %mul3A_90, %add3A_426 : i32
        %swap3A_428 = arith.index_cast %add3A_427 : i32 to index
        %swap3A_429 = arith.constant 96 : index
        %swap3A_430 = tpu.vector_load %arg9[%swap3A_428, %swap3A_429] {strides = array<i32>} : memref<128x128xf32, #tpu.memory_space<vmem>>, vector<16xf32>,
        tpu.vector_store %arg9[%swap3A_428, %swap3A_429], %bitcast3A_425 {strides = array<i32>} : memref<128x128xf32, #tpu.memory_space<vmem>>, vector<16xf32>,
        %add3A_431 = arith.constant 3 : i32
        %add3A_432 = arith.addi %mul3A_90, %add3A_431 : i32
        %get3A_433 = arith.index_cast %add3A_432 : i32 to index
        %get3A_434 = arith.constant 48 : index
        %get3A_435 = tpu.vector_load %arg8[%get3A_433, %get3A_434] {strides = array<i32>} : memref<128x64xi32, #tpu.memory_space<vmem>>, vector<16xi32>,
        %shift_left3A_436 = arith.constant 16 : i32
        %shift_left3A_437 = vector.broadcast %shift_left3A_436 : i32 to vector<16xi32>
        %shift_left3A_438 = arith.shli %get3A_435, %shift_left3A_437 : vector<16xi32>
        %bitcast3A_439 = vector.bitcast %shift_left3A_438 : vector<16xi32> to vector<16xf32>
        %add3A_440 = arith.constant 3 : i32
        %add3A_441 = arith.addi %mul3A_90, %add3A_440 : i32
        %swap3A_442 = arith.index_cast %add3A_441 : i32 to index
        %swap3A_443 = arith.constant 48 : index
        %swap3A_444 = tpu.vector_load %arg9[%swap3A_442, %swap3A_443] {strides = array<i32>} : memref<128x128xf32, #tpu.memory_space<vmem>>, vector<16xf32>,
        tpu.vector_store %arg9[%swap3A_442, %swap3A_443], %bitcast3A_439 {strides = array<i32>} : memref<128x128xf32, #tpu.memory_space<vmem>>, vector<16xf32>,
        %and3A_445 = arith.constant -65536 : i32
        %and3A_446 = vector.broadcast %and3A_445 : i32 to vector<16xi32>
        %and3A_447 = arith.andi %get3A_435, %and3A_446 : vector<16xi32>
        %bitcast3A_448 = vector.bitcast %and3A_447 : vector<16xi32> to vector<16xf32>
        %add3A_449 = arith.constant 3 : i32
        %add3A_450 = arith.addi %mul3A_90, %add3A_449 : i32
        %swap3A_451 = arith.index_cast %add3A_450 : i32 to index
        %swap3A_452 = arith.constant 112 : index
        %swap3A_453 = tpu.vector_load %arg9[%swap3A_451, %swap3A_452] {strides = array<i32>} : memref<128x128xf32, #tpu.memory_space<vmem>>, vector<16xf32>,
        tpu.vector_store %arg9[%swap3A_451, %swap3A_452], %bitcast3A_448 {strides = array<i32>} : memref<128x128xf32, #tpu.memory_space<vmem>>, vector<16xf32>,
      }
      %scan3A_85 = arith.constant 32 : i32
      %add3A_86 = arith.constant 40 : i32
      %add3A_87 = arith.addi %add3A_86, %add3A_50 : i32
      "tpu.region"() ({
        %run_scoped3A_88 = tpu.sem_alloc : memref<!tpu.dma_semaphore, #tpu.memory_space<semaphore_mem>>
        %dma_start3A_89 = arith.constant 0 : i32
        %dma_start3A_90 = tpu.memref_slice %arg10[%add3A_87, %dma_start3A_89] : memref<80x128xi32, #tpu.memory_space<vmem>> -> memref<1x128xi32, #tpu.memory_space<vmem>>
        %dma_start3A_91 = tpu.memref_squeeze %dma_start3A_90 : memref<1x128xi32, #tpu.memory_space<vmem>> -> memref<128xi32, #tpu.memory_space<vmem>>
        %dma_start3A_92 = arith.constant 0 : i32
        %dma_start3A_93 = arith.constant 0 : i32
        %dma_start3A_94 = tpu.memref_slice %arg11[%dma_start3A_92, %dma_start3A_93] : memref<10112x128xf32, #tpu.memory_space<vmem_shared>> -> memref<10112x128xf32, #tpu.memory_space<vmem_shared>>
        tpu.enqueue_indirect_dma source(%arg9 : memref<128x128xf32, #tpu.memory_space<vmem>>) target(%dma_start3A_94 : memref<10112x128xf32, #tpu.memory_space<vmem_shared>>) offsets(%dma_start3A_91 : memref<128xi32, #tpu.memory_space<vmem>>) semaphore(%run_scoped3A_88 : memref<!tpu.dma_semaphore, #tpu.memory_space<semaphore_mem>>) {add = true}
        %dma_wait3A_95 = arith.constant 0 : i32
        %dma_wait3A_96 = tpu.memref_slice %arg10[%add3A_87, %dma_wait3A_95] : memref<80x128xi32, #tpu.memory_space<vmem>> -> memref<1x128xi32, #tpu.memory_space<vmem>>
        %dma_wait3A_97 = tpu.memref_squeeze %dma_wait3A_96 : memref<1x128xi32, #tpu.memory_space<vmem>> -> memref<128xi32, #tpu.memory_space<vmem>>
        %dma_wait3A_98 = arith.constant 0 : i32
        %dma_wait3A_99 = arith.constant 0 : i32
        %dma_wait3A_100 = tpu.memref_slice %arg11[%dma_wait3A_98, %dma_wait3A_99] : memref<10112x128xf32, #tpu.memory_space<vmem_shared>> -> memref<10112x128xf32, #tpu.memory_space<vmem_shared>>
        tpu.wait_indirect_dma semaphore(%run_scoped3A_88 : memref<!tpu.dma_semaphore, #tpu.memory_space<semaphore_mem>>) src(%arg9 : memref<128x128xf32, #tpu.memory_space<vmem>>) dst(%dma_wait3A_100 : memref<10112x128xf32, #tpu.memory_space<vmem_shared>>)
        tpu.yield
      }) : () -> ()
    }
    %scan3A_44 = arith.constant 20 : i32
    %barrier3A_45 = arith.constant 0 : index
    tpu.barrier barrier_id(%barrier3A_45)
    "tpu.region"() ({
      %run_scoped3A_46 = tpu.sem_alloc : memref<!tpu.dma_semaphore, #tpu.memory_space<semaphore_mem>>
      %dma_start3A_47 = arith.constant 0 : i32
      %dma_start3A_48 = tpu.memref_slice %arg5[%arg0, %mul3A_3, %dma_start3A_47] : memref<2x10112x128xf32, #tpu.memory_space<hbm>> -> memref<1x632x128xf32, #tpu.memory_space<hbm>>
      %dma_start3A_49 = tpu.memref_squeeze %dma_start3A_48 : memref<1x632x128xf32, #tpu.memory_space<hbm>> -> memref<632x128xf32, #tpu.memory_space<hbm>>
      %dma_start3A_50 = arith.constant 0 : i32
      %dma_start3A_51 = tpu.memref_slice %arg11[%mul3A_3, %dma_start3A_50] : memref<10112x128xf32, #tpu.memory_space<vmem_shared>> -> memref<632x128xf32, #tpu.memory_space<vmem_shared>>
      tpu.enqueue_dma source(%dma_start3A_51 : memref<632x128xf32, #tpu.memory_space<vmem_shared>>) target(%dma_start3A_49 : memref<632x128xf32, #tpu.memory_space<hbm>>) target_semaphore(%run_scoped3A_46 : memref<!tpu.dma_semaphore, #tpu.memory_space<semaphore_mem>>)
      %dma_wait3A = arith.constant 0 : i32
      %dma_wait3A_52 = tpu.memref_slice %arg5[%arg0, %mul3A_3, %dma_wait3A] : memref<2x10112x128xf32, #tpu.memory_space<hbm>> -> memref<1x632x128xf32, #tpu.memory_space<hbm>>
      %dma_wait3A_53 = tpu.memref_squeeze %dma_wait3A_52 : memref<1x632x128xf32, #tpu.memory_space<hbm>> -> memref<632x128xf32, #tpu.memory_space<hbm>>
      %dma_wait3A_54 = arith.constant 0 : i32
      %dma_wait3A_55 = tpu.memref_slice %arg11[%mul3A_3, %dma_wait3A_54] : memref<10112x128xf32, #tpu.memory_space<vmem_shared>> -> memref<632x128xf32, #tpu.memory_space<vmem_shared>>
      tpu.wait_dma2 semaphore(%run_scoped3A_46 : memref<!tpu.dma_semaphore, #tpu.memory_space<semaphore_mem>>) src(%dma_wait3A_55 : memref<632x128xf32, #tpu.memory_space<vmem_shared>>) dst(%dma_wait3A_53 : memref<632x128xf32, #tpu.memory_space<hbm>>)
      tpu.yield
    }) : () -> ()
    return
  }
}

module attributes {stable_mosaic.version = 14 : i64} {
  func.func @_hist_body(%arg0: i32, %arg1: memref<2048x1xi32, #tpu.memory_space<vmem>>, %arg2: memref<80x128xf32, #tpu.memory_space<vmem>>) attributes {dimension_semantics = [#tpu.dimension_semantics<arbitrary>], iteration_bounds = array<i64: 160>, scalar_prefetch = 0 : i64, scratch_operands = 0 : i64, tpu.core_type = #tpu.core_type<tc>, window_params = [{transform_indices = @transform_0, window_bounds = array<i64: 2048, 1>}, {pipeline_mode = #tpu.pipeline_mode<synchronous>, transform_indices = @transform_1, window_bounds = array<i64: 80, 128>}]} {
    %eq3A = arith.constant 0 : i32
    %eq3A_0 = arith.cmpi eq, %arg0, %eq3A : i32
    %convert_element_type3A = arith.extui %eq3A_0 : i1 to i32
    %cond3A = arith.constant 0 : i32
    %cond3A_1 = arith.cmpi ne, %convert_element_type3A, %cond3A : i32
    scf.if %cond3A_1 {
      %broadcast_in_dim3A_26 = arith.constant 0.000000e+00 : f32
      %broadcast_in_dim3A_27 = vector.broadcast %broadcast_in_dim3A_26 : f32 to vector<80x128xf32>
      %swap3A_28 = arith.constant 0 : index
      %swap3A_29 = arith.constant 0 : index
      %swap3A_30 = vector.load %arg2[%swap3A_28, %swap3A_29] : memref<80x128xf32, #tpu.memory_space<vmem>>, vector<80x128xf32>
      tpu.vector_store %arg2[%swap3A_28, %swap3A_29], %broadcast_in_dim3A_27 {strides = array<i32>} : memref<80x128xf32, #tpu.memory_space<vmem>>, vector<80x128xf32>,
    } else {
    }
    %get3A = arith.constant 0 : index
    %get3A_2 = arith.constant 0 : index
    %get3A_3 = vector.load %arg1[%get3A, %get3A_2] : memref<2048x1xi32, #tpu.memory_space<vmem>>, vector<2048x1xi32>
    %iota3A = tpu.iota {dimensions = array<i32: 1>} : vector<2048x80xi32>
    %iota3A_4 = tpu.iota {dimensions = array<i32: 1>} : vector<2048x128xi32>
    %shift_right_arithmetic3A = arith.constant 7 : i32
    %shift_right_arithmetic3A_5 = vector.broadcast %shift_right_arithmetic3A : i32 to vector<2048x1xi32>
    %shift_right_arithmetic3A_6 = arith.shrsi %get3A_3, %shift_right_arithmetic3A_5 : vector<2048x1xi32>
    %eq3A_7 = vector.broadcast %shift_right_arithmetic3A_6 : vector<2048x1xi32> to vector<2048x80xi32>
    %eq3A_8 = arith.cmpi eq, %iota3A, %eq3A_7 : vector<2048x80xi32>
    %jit3A = arith.constant 1.000000e+00 : f32
    %jit3A_9 = arith.constant 0.000000e+00 : f32
    %broadcast_in_dim3A = vector.broadcast %jit3A : f32 to vector<2048x80xf32>
    %broadcast_in_dim3A_10 = vector.broadcast %jit3A_9 : f32 to vector<2048x80xf32>
    %select_n3A = arith.select %eq3A_8, %broadcast_in_dim3A, %broadcast_in_dim3A_10 : vector<2048x80xi1>, vector<2048x80xf32>
    %and3A = arith.constant 127 : i32
    %and3A_11 = vector.broadcast %and3A : i32 to vector<2048x1xi32>
    %and3A_12 = arith.andi %get3A_3, %and3A_11 : vector<2048x1xi32>
    %eq3A_13 = vector.broadcast %and3A_12 : vector<2048x1xi32> to vector<2048x128xi32>
    %eq3A_14 = arith.cmpi eq, %iota3A_4, %eq3A_13 : vector<2048x128xi32>
    %jit3A_15 = arith.constant 1.000000e+00 : f32
    %jit3A_16 = arith.constant 0.000000e+00 : f32
    %broadcast_in_dim3A_17 = vector.broadcast %jit3A_15 : f32 to vector<2048x128xf32>
    %broadcast_in_dim3A_18 = vector.broadcast %jit3A_16 : f32 to vector<2048x128xf32>
    %select_n3A_19 = arith.select %eq3A_14, %broadcast_in_dim3A_17, %broadcast_in_dim3A_18 : vector<2048x128xi1>, vector<2048x128xf32>
    %get3A_20 = arith.constant 0 : index
    %get3A_21 = arith.constant 0 : index
    %get3A_22 = vector.load %arg2[%get3A_20, %get3A_21] : memref<80x128xf32, #tpu.memory_space<vmem>>, vector<80x128xf32>
    %dot_general3A = arith.constant dense<0.000000e+00> : vector<80x128xf32>
    %dot_general3A_23 = tpu.matmul %select_n3A, %select_n3A_19, %dot_general3A {dimension_numbers = #tpu.dot_dimension_numbers<[0], [0], [1], [1], [0, 1, 1, 1], [], []>, transpose_lhs_hint = false} : vector<2048x80xf32>, vector<2048x128xf32>, vector<80x128xf32> -> vector<80x128xf32>
    %add3A = arith.addf %get3A_22, %dot_general3A_23 : vector<80x128xf32>
    %swap3A = arith.constant 0 : index
    %swap3A_24 = arith.constant 0 : index
    %swap3A_25 = vector.load %arg2[%swap3A, %swap3A_24] : memref<80x128xf32, #tpu.memory_space<vmem>>, vector<80x128xf32>
    tpu.vector_store %arg2[%swap3A, %swap3A_24], %add3A {strides = array<i32>} : memref<80x128xf32, #tpu.memory_space<vmem>>, vector<80x128xf32>,
    return
  }
  func.func @transform_0(%arg0: i32) -> (i32, i32) {
    %c0_i32 = arith.constant 0 : i32
    %c0_i32_0 = arith.constant 0 : i32
    return %arg0, %c0_i32 : i32, i32
  }
  func.func @transform_1(%arg0: i32) -> (i32, i32) {
    %c0_i32 = arith.constant 0 : i32
    %c0_i32_0 = arith.constant 0 : i32
    %c0_i32_1 = arith.constant 0 : i32
    return %c0_i32, %c0_i32_0 : i32, i32
  }
}

module attributes {stable_mosaic.version = 14 : i64} {
  func.func @_dense1_body(%arg0: i32, %arg1: memref<2x632x128xf32, #tpu.memory_space<vmem>>, %arg2: memref<632x1xf32, #tpu.memory_space<vmem>>, %arg3: memref<632x128xf32, #tpu.memory_space<vmem>>, %arg4: memref<128x128xf32, #tpu.memory_space<vmem>>, %arg5: memref<128x128xf32, #tpu.memory_space<vmem>>, %arg6: memref<1x128xf32, #tpu.memory_space<vmem>>, %arg7: memref<632x64xi32, #tpu.memory_space<vmem>>) attributes {dimension_semantics = [#tpu.dimension_semantics<arbitrary>], iteration_bounds = array<i64: 16>, scalar_prefetch = 0 : i64, scratch_operands = 0 : i64, tpu.core_type = #tpu.core_type<tc>, window_params = [{transform_indices = @transform_0, window_bounds = array<i64: 2, 632, 128>}, {transform_indices = @transform_1, window_bounds = array<i64: 632, 1>}, {transform_indices = @transform_2, window_bounds = array<i64: 632, 128>}, {pipeline_mode = #tpu.pipeline_mode<synchronous>, transform_indices = @transform_3, window_bounds = array<i64: 128, 128>}, {pipeline_mode = #tpu.pipeline_mode<synchronous>, transform_indices = @transform_4, window_bounds = array<i64: 128, 128>}, {pipeline_mode = #tpu.pipeline_mode<synchronous>, transform_indices = @transform_5, window_bounds = array<i64: 1, 128>}, {transform_indices = @transform_6, window_bounds = array<i64: 632, 64>}]} {
    %get3A = arith.constant 0 : index
    %get3A_0 = arith.constant 0 : index
    %get3A_1 = arith.constant 0 : index
    %get3A_2 = vector.load %arg1[%get3A, %get3A_0, %get3A_1] : memref<2x632x128xf32, #tpu.memory_space<vmem>>, vector<1x632x128xf32>
    %get3A_3 = vector.shape_cast %get3A_2 : vector<1x632x128xf32> to vector<632x128xf32>
    %get3A_4 = arith.constant 1 : index
    %get3A_5 = arith.constant 0 : index
    %get3A_6 = arith.constant 0 : index
    %get3A_7 = vector.load %arg1[%get3A_4, %get3A_5, %get3A_6] : memref<2x632x128xf32, #tpu.memory_space<vmem>>, vector<1x632x128xf32>
    %get3A_8 = vector.shape_cast %get3A_7 : vector<1x632x128xf32> to vector<632x128xf32>
    %add3A = arith.addf %get3A_3, %get3A_8 : vector<632x128xf32>
    %get3A_9 = arith.constant 0 : index
    %get3A_10 = arith.constant 0 : index
    %get3A_11 = vector.load %arg2[%get3A_9, %get3A_10] : memref<632x1xf32, #tpu.memory_space<vmem>>, vector<632x1xf32>
    %jit3A = arith.constant 1.000000e+00 : f32
    %max3A = vector.broadcast %jit3A : f32 to vector<632x1xf32>
    %max3A_12 = arith.maximumf %max3A, %get3A_11 : vector<632x1xf32>
    %div3A = vector.broadcast %max3A_12 : vector<632x1xf32> to vector<632x128xf32>
    %div3A_13 = arith.divf %add3A, %div3A : vector<632x128xf32>
    %get3A_14 = arith.constant 0 : index
    %get3A_15 = arith.constant 0 : index
    %get3A_16 = vector.load %arg4[%get3A_14, %get3A_15] : memref<128x128xf32, #tpu.memory_space<vmem>>, vector<128x128xf32>
    %dot_general3A = arith.constant dense<0.000000e+00> : vector<632x128xf32>
    %dot_general3A_17 = tpu.matmul %div3A_13, %get3A_16, %dot_general3A {dimension_numbers = #tpu.dot_dimension_numbers<[1], [0], [0], [1], [0, 0, 1, 1], [], []>, transpose_lhs_hint = false} : vector<632x128xf32>, vector<128x128xf32>, vector<632x128xf32> -> vector<632x128xf32>
    %get3A_18 = arith.constant 0 : index
    %get3A_19 = arith.constant 0 : index
    %get3A_20 = vector.load %arg6[%get3A_18, %get3A_19] : memref<1x128xf32, #tpu.memory_space<vmem>>, vector<1x128xf32>
    %add3A_21 = vector.broadcast %get3A_20 : vector<1x128xf32> to vector<632x128xf32>
    %add3A_22 = arith.addf %dot_general3A_17, %add3A_21 : vector<632x128xf32>
    %get3A_23 = arith.constant 0 : index
    %get3A_24 = arith.constant 0 : index
    %get3A_25 = vector.load %arg3[%get3A_23, %get3A_24] : memref<632x128xf32, #tpu.memory_space<vmem>>, vector<632x128xf32>
    %get3A_26 = arith.constant 0 : index
    %get3A_27 = arith.constant 0 : index
    %get3A_28 = vector.load %arg5[%get3A_26, %get3A_27] : memref<128x128xf32, #tpu.memory_space<vmem>>, vector<128x128xf32>
    %dot_general3A_29 = arith.constant dense<0.000000e+00> : vector<632x128xf32>
    %dot_general3A_30 = tpu.matmul %get3A_25, %get3A_28, %dot_general3A_29 {dimension_numbers = #tpu.dot_dimension_numbers<[1], [0], [0], [1], [0, 0, 1, 1], [], []>, transpose_lhs_hint = false} : vector<632x128xf32>, vector<128x128xf32>, vector<632x128xf32> -> vector<632x128xf32>
    %add3A_31 = arith.addf %add3A_22, %dot_general3A_30 : vector<632x128xf32>
    %max3A_32 = arith.constant 0.000000e+00 : f32
    %max3A_33 = vector.broadcast %max3A_32 : f32 to vector<632x128xf32>
    %max3A_34 = arith.maximumf %add3A_31, %max3A_33 : vector<632x128xf32>
    %slice3A = vector.extract_strided_slice %max3A_34 {offsets = [0, 0], sizes = [632, 64], strides = [1, 1]} : vector<632x128xf32> to vector<632x64xf32>
    %bitcast_convert_type3A = tpu.bitcast %slice3A : vector<632x64xf32> -> vector<632x64xi32>
    %slice3A_35 = vector.extract_strided_slice %max3A_34 {offsets = [0, 64], sizes = [632, 64], strides = [1, 1]} : vector<632x128xf32> to vector<632x64xf32>
    %bitcast_convert_type3A_36 = tpu.bitcast %slice3A_35 : vector<632x64xf32> -> vector<632x64xi32>
    %add3A_37 = arith.constant 32768 : i32
    %add3A_38 = vector.broadcast %add3A_37 : i32 to vector<632x64xi32>
    %add3A_39 = arith.addi %bitcast_convert_type3A, %add3A_38 : vector<632x64xi32>
    %shift_right_logical3A = arith.constant 16 : i32
    %shift_right_logical3A_40 = vector.broadcast %shift_right_logical3A : i32 to vector<632x64xi32>
    %shift_right_logical3A_41 = arith.shrui %add3A_39, %shift_right_logical3A_40 : vector<632x64xi32>
    %add3A_42 = arith.constant 32768 : i32
    %add3A_43 = vector.broadcast %add3A_42 : i32 to vector<632x64xi32>
    %add3A_44 = arith.addi %bitcast_convert_type3A_36, %add3A_43 : vector<632x64xi32>
    %and3A = arith.constant -65536 : i32
    %and3A_45 = vector.broadcast %and3A : i32 to vector<632x64xi32>
    %and3A_46 = arith.andi %add3A_44, %and3A_45 : vector<632x64xi32>
    %or3A = arith.ori %shift_right_logical3A_41, %and3A_46 : vector<632x64xi32>
    %swap3A = arith.constant 0 : index
    %swap3A_47 = arith.constant 0 : index
    %swap3A_48 = vector.load %arg7[%swap3A, %swap3A_47] : memref<632x64xi32, #tpu.memory_space<vmem>>, vector<632x64xi32>
    tpu.vector_store %arg7[%swap3A, %swap3A_47], %or3A {strides = array<i32>} : memref<632x64xi32, #tpu.memory_space<vmem>>, vector<632x64xi32>,
    return
  }
  func.func @transform_0(%arg0: i32) -> (i32, i32, i32) {
    %c0_i32 = arith.constant 0 : i32
    %c0_i32_0 = arith.constant 0 : i32
    %c0_i32_1 = arith.constant 0 : i32
    return %c0_i32, %arg0, %c0_i32_0 : i32, i32, i32
  }
  func.func @transform_1(%arg0: i32) -> (i32, i32) {
    %c0_i32 = arith.constant 0 : i32
    %c0_i32_0 = arith.constant 0 : i32
    return %arg0, %c0_i32 : i32, i32
  }
  func.func @transform_2(%arg0: i32) -> (i32, i32) {
    %c0_i32 = arith.constant 0 : i32
    %c0_i32_0 = arith.constant 0 : i32
    return %arg0, %c0_i32 : i32, i32
  }
  func.func @transform_3(%arg0: i32) -> (i32, i32) {
    %c0_i32 = arith.constant 0 : i32
    %c0_i32_0 = arith.constant 0 : i32
    %c0_i32_1 = arith.constant 0 : i32
    return %c0_i32, %c0_i32_0 : i32, i32
  }
  func.func @transform_4(%arg0: i32) -> (i32, i32) {
    %c0_i32 = arith.constant 0 : i32
    %c0_i32_0 = arith.constant 0 : i32
    %c0_i32_1 = arith.constant 0 : i32
    return %c0_i32, %c0_i32_0 : i32, i32
  }
  func.func @transform_5(%arg0: i32) -> (i32, i32) {
    %c0_i32 = arith.constant 0 : i32
    %c0_i32_0 = arith.constant 0 : i32
    %c0_i32_1 = arith.constant 0 : i32
    return %c0_i32, %c0_i32_0 : i32, i32
  }
  func.func @transform_6(%arg0: i32) -> (i32, i32) {
    %c0_i32 = arith.constant 0 : i32
    %c0_i32_0 = arith.constant 0 : i32
    return %arg0, %c0_i32 : i32, i32
  }
}

module attributes {stable_mosaic.version = 14 : i64} {
  func.func @_dense2_body(%arg0: i32, %arg1: memref<2x632x128xf32, #tpu.memory_space<vmem>>, %arg2: memref<632x1xf32, #tpu.memory_space<vmem>>, %arg3: memref<632x64xi32, #tpu.memory_space<vmem>>, %arg4: memref<128x128xf32, #tpu.memory_space<vmem>>, %arg5: memref<128x128xf32, #tpu.memory_space<vmem>>, %arg6: memref<1x128xf32, #tpu.memory_space<vmem>>, %arg7: memref<632x128xf32, #tpu.memory_space<vmem>>) attributes {dimension_semantics = [#tpu.dimension_semantics<arbitrary>], iteration_bounds = array<i64: 16>, scalar_prefetch = 0 : i64, scratch_operands = 0 : i64, tpu.core_type = #tpu.core_type<tc>, window_params = [{transform_indices = @transform_0, window_bounds = array<i64: 2, 632, 128>}, {transform_indices = @transform_1, window_bounds = array<i64: 632, 1>}, {transform_indices = @transform_2, window_bounds = array<i64: 632, 64>}, {pipeline_mode = #tpu.pipeline_mode<synchronous>, transform_indices = @transform_3, window_bounds = array<i64: 128, 128>}, {pipeline_mode = #tpu.pipeline_mode<synchronous>, transform_indices = @transform_4, window_bounds = array<i64: 128, 128>}, {pipeline_mode = #tpu.pipeline_mode<synchronous>, transform_indices = @transform_5, window_bounds = array<i64: 1, 128>}, {transform_indices = @transform_6, window_bounds = array<i64: 632, 128>}]} {
    %get3A = arith.constant 0 : index
    %get3A_0 = arith.constant 0 : index
    %get3A_1 = arith.constant 0 : index
    %get3A_2 = vector.load %arg1[%get3A, %get3A_0, %get3A_1] : memref<2x632x128xf32, #tpu.memory_space<vmem>>, vector<1x632x128xf32>
    %get3A_3 = vector.shape_cast %get3A_2 : vector<1x632x128xf32> to vector<632x128xf32>
    %get3A_4 = arith.constant 1 : index
    %get3A_5 = arith.constant 0 : index
    %get3A_6 = arith.constant 0 : index
    %get3A_7 = vector.load %arg1[%get3A_4, %get3A_5, %get3A_6] : memref<2x632x128xf32, #tpu.memory_space<vmem>>, vector<1x632x128xf32>
    %get3A_8 = vector.shape_cast %get3A_7 : vector<1x632x128xf32> to vector<632x128xf32>
    %add3A = arith.addf %get3A_3, %get3A_8 : vector<632x128xf32>
    %get3A_9 = arith.constant 0 : index
    %get3A_10 = arith.constant 0 : index
    %get3A_11 = vector.load %arg2[%get3A_9, %get3A_10] : memref<632x1xf32, #tpu.memory_space<vmem>>, vector<632x1xf32>
    %jit3A = arith.constant 1.000000e+00 : f32
    %max3A = vector.broadcast %jit3A : f32 to vector<632x1xf32>
    %max3A_12 = arith.maximumf %max3A, %get3A_11 : vector<632x1xf32>
    %div3A = vector.broadcast %max3A_12 : vector<632x1xf32> to vector<632x128xf32>
    %div3A_13 = arith.divf %add3A, %div3A : vector<632x128xf32>
    %get3A_14 = arith.constant 0 : index
    %get3A_15 = arith.constant 0 : index
    %get3A_16 = vector.load %arg3[%get3A_14, %get3A_15] : memref<632x64xi32, #tpu.memory_space<vmem>>, vector<632x64xi32>
    %shift_left3A = arith.constant 16 : i32
    %shift_left3A_17 = vector.broadcast %shift_left3A : i32 to vector<632x64xi32>
    %shift_left3A_18 = arith.shli %get3A_16, %shift_left3A_17 : vector<632x64xi32>
    %bitcast_convert_type3A = tpu.bitcast %shift_left3A_18 : vector<632x64xi32> -> vector<632x64xf32>
    %and3A = arith.constant -65536 : i32
    %and3A_19 = vector.broadcast %and3A : i32 to vector<632x64xi32>
    %and3A_20 = arith.andi %get3A_16, %and3A_19 : vector<632x64xi32>
    %bitcast_convert_type3A_21 = tpu.bitcast %and3A_20 : vector<632x64xi32> -> vector<632x64xf32>
    %concatenate3A = tpu.concatenate %bitcast_convert_type3A, %bitcast_convert_type3A_21 in 1 : vector<632x64xf32>, vector<632x64xf32> -> vector<632x128xf32>
    %get3A_22 = arith.constant 0 : index
    %get3A_23 = arith.constant 0 : index
    %get3A_24 = vector.load %arg4[%get3A_22, %get3A_23] : memref<128x128xf32, #tpu.memory_space<vmem>>, vector<128x128xf32>
    %dot_general3A = arith.constant dense<0.000000e+00> : vector<632x128xf32>
    %dot_general3A_25 = tpu.matmul %div3A_13, %get3A_24, %dot_general3A {dimension_numbers = #tpu.dot_dimension_numbers<[1], [0], [0], [1], [0, 0, 1, 1], [], []>, transpose_lhs_hint = false} : vector<632x128xf32>, vector<128x128xf32>, vector<632x128xf32> -> vector<632x128xf32>
    %get3A_26 = arith.constant 0 : index
    %get3A_27 = arith.constant 0 : index
    %get3A_28 = vector.load %arg6[%get3A_26, %get3A_27] : memref<1x128xf32, #tpu.memory_space<vmem>>, vector<1x128xf32>
    %add3A_29 = vector.broadcast %get3A_28 : vector<1x128xf32> to vector<632x128xf32>
    %add3A_30 = arith.addf %dot_general3A_25, %add3A_29 : vector<632x128xf32>
    %get3A_31 = arith.constant 0 : index
    %get3A_32 = arith.constant 0 : index
    %get3A_33 = vector.load %arg5[%get3A_31, %get3A_32] : memref<128x128xf32, #tpu.memory_space<vmem>>, vector<128x128xf32>
    %dot_general3A_34 = arith.constant dense<0.000000e+00> : vector<632x128xf32>
    %dot_general3A_35 = tpu.matmul %concatenate3A, %get3A_33, %dot_general3A_34 {dimension_numbers = #tpu.dot_dimension_numbers<[1], [0], [0], [1], [0, 0, 1, 1], [], []>, transpose_lhs_hint = false} : vector<632x128xf32>, vector<128x128xf32>, vector<632x128xf32> -> vector<632x128xf32>
    %add3A_36 = arith.addf %add3A_30, %dot_general3A_35 : vector<632x128xf32>
    %swap3A = arith.constant 0 : index
    %swap3A_37 = arith.constant 0 : index
    %swap3A_38 = vector.load %arg7[%swap3A, %swap3A_37] : memref<632x128xf32, #tpu.memory_space<vmem>>, vector<632x128xf32>
    tpu.vector_store %arg7[%swap3A, %swap3A_37], %add3A_36 {strides = array<i32>} : memref<632x128xf32, #tpu.memory_space<vmem>>, vector<632x128xf32>,
    return
  }
  func.func @transform_0(%arg0: i32) -> (i32, i32, i32) {
    %c0_i32 = arith.constant 0 : i32
    %c0_i32_0 = arith.constant 0 : i32
    %c0_i32_1 = arith.constant 0 : i32
    return %c0_i32, %arg0, %c0_i32_0 : i32, i32, i32
  }
  func.func @transform_1(%arg0: i32) -> (i32, i32) {
    %c0_i32 = arith.constant 0 : i32
    %c0_i32_0 = arith.constant 0 : i32
    return %arg0, %c0_i32 : i32, i32
  }
  func.func @transform_2(%arg0: i32) -> (i32, i32) {
    %c0_i32 = arith.constant 0 : i32
    %c0_i32_0 = arith.constant 0 : i32
    return %arg0, %c0_i32 : i32, i32
  }
  func.func @transform_3(%arg0: i32) -> (i32, i32) {
    %c0_i32 = arith.constant 0 : i32
    %c0_i32_0 = arith.constant 0 : i32
    %c0_i32_1 = arith.constant 0 : i32
    return %c0_i32, %c0_i32_0 : i32, i32
  }
  func.func @transform_4(%arg0: i32) -> (i32, i32) {
    %c0_i32 = arith.constant 0 : i32
    %c0_i32_0 = arith.constant 0 : i32
    %c0_i32_1 = arith.constant 0 : i32
    return %c0_i32, %c0_i32_0 : i32, i32
  }
  func.func @transform_5(%arg0: i32) -> (i32, i32) {
    %c0_i32 = arith.constant 0 : i32
    %c0_i32_0 = arith.constant 0 : i32
    %c0_i32_1 = arith.constant 0 : i32
    return %c0_i32, %c0_i32_0 : i32, i32
  }
  func.func @transform_6(%arg0: i32) -> (i32, i32) {
    %c0_i32 = arith.constant 0 : i32
    %c0_i32_0 = arith.constant 0 : i32
    return %arg0, %c0_i32 : i32, i32
  }
}

</mosaic_0001>

<sc_bundles>
// kernel: kernel.10.cloned.1.call-start
scs
__scs_entry_jumppad:
0x0: {  	(pc) =	sbr.rel $0x88, $3  }
0x1: {  	(tag) =	ssettag $0x0;
	lr =	simm.s32 $0x1  }
0x2: {  	[smem:$0x3F99] =	sst lr;
	_ =	strace $0xD0000000  }
0x3: {  	_ = 	snop  }
0x4: {  	_ = 	snop  }
0x5: {  	_ = 	snop  }
0x6: {  	_ = 	snop  }
0x7: {  	_ = 	snop  }
__scs_overlays_trampoline_lowered:
0x8: {  	[smem:$0x3FA8] =	sst s0  }
0x9: {  	[smem:$0x3FA9] =	sst s1  }
0xa: {  	[smem:$0x3FAA] =	sst s2  }
0xb: {  	[smem:$0x3FAB] =	sst s3  }
0xc: {  	[smem:$0x3FAC] =	sst s4  }
0xd: {  	[smem:$0x3FAD] =	sst s5  }
0xe: {  	[smem:$0x3FAE] =	sst s6  }
0xf: {  	[smem:$0x3FAF] =	sst s7  }
0x10: {  	[smem:$0x3FB0] =	sst s8  }
0x11: {  	[smem:$0x3FB1] =	sst s9;
	s0 =	simm.s32 @!p0 $0x0  }
0x12: {  	s1 =	sld [smem:$0x3F97];
	s0 =	simm.s32 @p0 $0x1  }
0x13: {  	[smem:$0x3FB2] =	sst s0;
	s0 =	simm.s32 @!p1 $0x0  }
0x14: {  	s2 =	sld [smem:$0x3F96];
	s0 =	simm.s32 @p1 $0x1  }
0x15: {  	[smem:$0x3FB3] =	sst s0;
	s0 =	simm.s32 @!p2 $0x0  }
0x16: {  	s3 =	sld [smem:$0x3FDB];
	s0 =	simm.s32 @p2 $0x1  }
0x17: {  	s4 =	simm.s32 $0x1BF5;
	[smem:$0x3FB5] =	sst s0  }
0x18: {  	s0 =	sld [smem:$0x3F98];
	_ =	swait.ge [sflag:s4], $0x0  }
0x19: {  	s7 =	sld [smem:$0x3F99]  }
0x1a: {  	s8 =	sadd.s32 $0xFFFFE003, lr  }
0x1b: {  	s9 =	sadd.s32 $0xFFFFFEF7, lr;
	s5 =	simm.s32 $0xFFFFFFFF;
	p2 =	slt.u32 s8, $0xFFFFF086  }
0x1c: {  	p1 =	slt.u32 s9, $0xF7A;
	s5 =	simm.s32 @!p2 $0x0  }
0x1d: {  	s5 =	simm.s32 @p1 $0x1;
	p0 =	seq.s32 s7, s2  }
0x1e: {  	s7 =	smul.u32 @!p0 $0xF7A, s2;
	p2 =	seq.s32 @!p0 s5, $0x0  }
0x1f: {  	s9 =	smul.u32 $0xF7A, s1;
	s8 =	simm.s32 @!p0 $0x1BF5;
	p2 =	por !p2, p0  }
0x20: {  	[sflag:s8] =	ssyncset.s32 @!p0 $0xFFFFF086;
	s6 =	sadd.s32 @!p0 s3, s7;
	s7 =	simm.s32 @!p0 $0x108  }
0x21: {  	s3 =	sadd.s32 s3, s9;
	s6 =	sadd.s32 @!p0 $0x88, s6;
	s7 =	simm.s32 @p2 $0x1082  }
0x22: {  	[simem:s7], [sflag:s8] =	dma.local @!p0 [hbm:s6], $0xF7A  }
0x23: {  	s9 =	sor.u32 $0xD0000000, s2;
	s6 =	simm.s32 $0x108;
	_ =	swait.ge @!p0 [sflag:s8], $0x0  }
0x24: {  	s3 =	sadd.s32 $0x88, s3;
	s6 =	simm.s32 @!p1 $0x1082;
	[sflag:s4] =	ssyncset.s32 $0xFFFFF086  }
0x25: {  	[simem:s6], [sflag:s4] =	dma.local [hbm:s3], $0xF7A  }
0x26: {  	[smem:$0x3F99] =	sst s1;
	(tag) =	ssettag s2;
	_ =	strace s9  }
0x27: {  	s1 =	sld [smem:$0x3FA9]  }
0x28: {  	s2 =	sld [smem:$0x3FAA]  }
0x29: {  	s4 =	sld [smem:$0x3FAC]  }
0x2a: {  	p0 =	seq.s32 s5, $0x0;
	s5 =	sld [smem:$0x3FAD]  }
0x2b: {  	s6 =	sld [smem:$0x3FAE]  }
0x2c: {  	s7 =	sld [smem:$0x3FAF]  }
0x2d: {  	s3 =	simm.s32 $0x108;
	s8 =	sld [smem:$0x3FB0]  }
0x2e: {  	s3 =	simm.s32 @!p0 $0x1082;
	s9 =	sld [smem:$0x3FB1]  }
0x2f: {  	lr =	sadd.s32 s0, s3;
	s0 =	sld [smem:$0x3FA8]  }
0x30: {  	s3 =	sld [smem:$0x3FAB]  }
0x31: {  	[smem:$0x3FB4] =	sst s10  }
0x32: {  	s10 =	sld [smem:$0x3FB2];
	_ =	sdelay $0x3  }
0x33: {  	p0 =	seq.s32 s10, $0x1;
	s10 =	sld [smem:$0x3FB4];
	_ =	sdelay $0x3  }
0x34: {  	[smem:$0x3FB4] =	sst s10  }
0x35: {  	s10 =	sld [smem:$0x3FB3];
	_ =	sdelay $0x3  }
0x36: {  	p1 =	seq.s32 s10, $0x1;
	s10 =	sld [smem:$0x3FB4];
	_ =	sdelay $0x3  }
0x37: {  	[smem:$0x3FB4] =	sst s10  }
0x38: {  	s10 =	sld [smem:$0x3FB5]  }
0x39: {  	_ = 	snop;
	(pc) =	sbr.ind lr, $3  }
0x3a: {  	_ = 	snop  }
0x3b: {  	_ = 	snop  }
0x3c: {  	p2 =	seq.s32 s10, $0x1;
	s10 =	sld [smem:$0x3FB4]  }
0x3d: {  	_ =	shalt  }
0x3e: {  	_ =	shalt  }
0x3f: {  	_ =	shalt  }
0x40: {  	_ =	shalt  }
0x41: {  	_ =	shalt  }
0x42: {  	_ =	shalt  }
0x43: {  	_ =	shalt  }
0x44: {  	_ =	shalt  }
0x45: {  	_ =	shalt  }
0x46: {  	_ =	shalt  }
0x47: {  	_ =	shalt  }
0x48: {  	_ =	shalt  }
0x49: {  	_ =	shalt  }
0x4a: {  	_ =	shalt  }
0x4b: {  	_ =	shalt  }
0x4c: {  	_ =	shalt  }
0x4d: {  	_ =	shalt  }
0x4e: {  	_ =	shalt  }
0x4f: {  	_ =	shalt  }
0x50: {  	_ =	shalt  }
0x51: {  	_ =	shalt  }
0x52: {  	_ =	shalt  }
0x53: {  	_ =	shalt  }
0x54: {  	_ =	shalt  }
0x55: {  	_ =	shalt  }
0x56: {  	_ =	shalt  }
0x57: {  	_ =	shalt  }
0x58: {  	_ =	shalt  }
0x59: {  	_ =	shalt  }
0x5a: {  	_ =	shalt  }
0x5b: {  	_ =	shalt  }
0x5c: {  	_ =	shalt  }
0x5d: {  	_ =	shalt  }
0x5e: {  	_ =	shalt  }
0x5f: {  	_ =	shalt  }
0x60: {  	_ =	shalt  }
0x61: {  	_ =	shalt  }
0x62: {  	_ =	shalt  }
0x63: {  	_ =	shalt  }
0x64: {  	_ =	shalt  }
0x65: {  	_ =	shalt  }
0x66: {  	_ =	shalt  }
0x67: {  	_ =	shalt  }
0x68: {  	_ =	shalt  }
0x69: {  	_ =	shalt  }
0x6a: {  	_ =	shalt  }
0x6b: {  	_ =	shalt  }
0x6c: {  	_ =	shalt  }
0x6d: {  	_ =	shalt  }
0x6e: {  	_ =	shalt  }
0x6f: {  	_ =	shalt  }
0x70: {  	_ =	shalt  }
0x71: {  	_ =	shalt  }
0x72: {  	_ =	shalt  }
0x73: {  	_ =	shalt  }
0x74: {  	_ =	shalt  }
0x75: {  	_ =	shalt  }
0x76: {  	_ =	shalt  }
0x77: {  	_ =	shalt  }
0x78: {  	_ =	shalt  }
0x79: {  	_ =	shalt  }
0x7a: {  	_ =	shalt  }
0x7b: {  	_ =	shalt  }
0x7c: {  	_ =	shalt  }
0x7d: {  	_ =	shalt  }
0x7e: {  	_ =	shalt  }
0x7f: {  	_ =	shalt  }
0x80: {  	_ =	shalt  }
0x81: {  	_ =	shalt  }
0x82: {  	_ =	shalt  }
0x83: {  	_ =	shalt  }
0x84: {  	_ =	shalt  }
0x85: {  	_ =	shalt  }
0x86: {  	_ =	shalt  }
0x87: {  	_ =	shalt  }
.Lfunc_end0:
.L_simem_size_0:
called_computation.1_lowered:
.L_overlay_start_0:
0x88: {  	s2 =	sld [smem:$0x3FD9]  }
0x89: {  	s3 =	sld [smem:$0x3FFE];
	_ =	sdelay $0x1  }
0x8a: {  	s1 =	srdreg.scid  }
0x8b: {  	s0 =	sand.u32 $0x1, s1  }
0x8c: {  	s17 =	sshll.u32 s0, $0xA;
	s2 =	sadd.s32 s3, s2  }
0x8d: {  	s2 =	sadd.s32 s2, s17  }
0x8e: {  	[smem:$0x3FC0] =	sst s2  }
0x8f: {  	_ = 	snop  }
0x90: {  	s2 =	sld [smem:$0x3FD0];
	(tm) =	ssettm $0x1  }
0x91: {  	s18 =	sld [smem:$0x3FFB];
	_ =	sdelay $0x3  }
0x92: {  	_ =	strace s18  }
0x93: {  	s3 =	sld [smem:$0x3FFC];
	_ =	sdelay $0x3  }
0x94: {  	_ =	strace s3  }
0x95: {  	s3 =	sld [smem:$0x3FFD];
	_ =	sdelay $0x3  }
0x96: {  	_ =	strace s3  }
0x97: {  	_ =	strace $0x8FFFFFFF  }
0x98: {  	s19 =	sld [smem:$0x3FDB];
	_ =	sdelay $0x1  }
0x99: {  	s4 =	simm.s32 $_scs_section_size  }
0x9a: {  	s5 =	simm.s32 $_size__tile_overlayer_lowered;
	s6 =	simm.s32 $_tile_overlayer_lowered  }
0x9b: {  	s22 =	simm.s32 $0x1BFF;
	s21 =	sshll.u32 s6, $0x1;
	s3 =	sadd.s32 s4, s19  }
0x9c: {  	s7 =	simm.s32 $0x0;
	s20 =	sshll.u32 s5, $0x1;
	s5 =	sadd.s32 s21, s3  }
0x9d: {  	[timem:s7], [sflag:s22] =	dma.local [hbm:s5], s20  }
0x9e: {  	_ =	swait.ge [sflag:s22], s20  }
0x9f: {  	s4 =	ssub.s32 $0x0, s20;
	[sflag:s22] =	ssyncset.done $0x0  }
0xa0: {  	[sflag:s22] =	ssyncadd.s32 s4;
	_ =	sdelay $0x1  }
0xa1: {  	s23 =	simm.s32 $0x1B8B  }
0xa2: {  	_ =	swait.ge [sflag:s23], $0x1  }
0xa3: {  	[sflag:s23] =	ssyncset.done $0x0  }
0xa4: {  	s25 =	simm.s32 $0x1B8E;
	s24 =	sld [smem:$0x3FFE];
	[sflag:s23] =	ssyncadd.s32 $0xFFFFFFFF  }
0xa5: {  	s26 =	simm.s32 $execute0_lowered;
	[smem:$0x3FD2] =	sst s25  }
0xa6: {  	s5 =	sshll.u32 s26, $0x1;
	_ =	strace $0x80000049;
	[dreg:$0x1] =	wrdreg $0xFFFFFFFF  }
0xa7: {  	s28 =	simm.s32 $_size_execute0_lowered;
	s3 =	sadd.s32 s3, s5;
	[dreg:$0x0] =	wrdreg $0x0  }
0xa8: {  	s5 =	sshll.u32 s28, $0x1;
	[dreg:$0x2] =	wrdreg s3  }
0xa9: {  	[dreg:$0x3] =	wrdreg s5  }
0xaa: {  	[dreg:$0x4] =	wrdreg $0xC0  }
0xab: {  	_ =	task [dreg:s7], $0x5FFFF  }
0xac: {  	[dreg:$0x1] =	wrdreg $0xFFFFFFFF  }
0xad: {  	[dreg:$0x0] =	wrdreg $0x60  }
0xae: {  	[dreg:$0x2] =	wrdreg s2  }
0xaf: {  	[dreg:$0x3] =	wrdreg s24  }
0xb0: {  	[dreg:$0x4] =	wrdreg $0xBC000  }
0xb1: {  	[dreg:$0x5] =	wrdreg $0x9  }
0xb2: {  	_ =	task.clear_ibuf [dreg:s7], $0x6FFFF;
	_ =	strace $0x90000049  }
0xb3: {  	s29 =	simm.s32 $0x9;
	_ =	strace $0x8000004B  }
0xb4: {  	_ =	swait.ge [sflag:s29], $0x1  }
0xb5: {  	[sflag:s29] =	ssyncadd.s32 $0xFFFFFFFF  }
0xb6: {  	_ =	strace $0x9000004B  }
0xb7: {  	_ =	sfence  }
0xb8: {  	s30 =	sld [smem:$0x0];
	_ =	sdelay $0x2  }
0xb9: {  	s31 =	sshll.u32 s1, $0xD;
	s1 =	sshrl.u32 s1, $0x2  }
0xba: {  	s3 =	sand.u32 $0x4000, s31;
	s1 =	sadd.s32 s1, s30  }
0xbb: {  	s0 =	sor.u32 s3, s0;
	s1 =	sshll.u32 s1, $0x11  }
0xbc: {  	s0 =	sor.u32 s1, s0  }
0xbd: {  	s0 =	sadd.s32 $0x8F2B, s0  }
0xbe: {  	[sflag:s0] =	ssyncadd.remote.s32 $0x1  }
0xbf: {  	_ =	sfence.sel $0xFFFF  }
0xc0: {  	[dreg:$0x0] =	wrdreg $0xFFFFFFFF;
	(pc) =	sbr.abs _section_cstart, $3  }
0xc1: {  	[dreg:$0x1] =	wrdreg $0xFFFFFFFF  }
0xc2: {  	_ =	task.clear_ibuf [dreg:s7], $0x2FFFF;
	_ =	strace $0x9FFFFFFF  }
0xc3: {  	(tm) =	ssettm $0x7FFFFFFF  }
tec
execute0_lowered:
.L_overlay_start_1:
0x0: {  	(tag) =	ssettag $0x1  }
0x1: {  	s1 =	rddreg [dreg:$0x0]  }
0x2: {  	s6 =	rddreg [dreg:$0x1]  }
0x3: {  	s0 =	srdreg.scid;
	s3 =	rddreg [dreg:$0x2];
	s4 =	simm.s32 $0x0  }
0x4: {  	s15 =	simm.s32 $0x5400;
	s16 =	simm.s32 $0x3;
	s17 =	simm.s32 $0x9400  }
0x5: {  	s18 =	simm.s32 $0x80;
	s19 =	simm.s32 $0x1400;
	s20 =	simm.s32 $0x1  }
0x6: {  	s21 =	simm.s32 $0x3400;
	s5 =	sand.u32 $0x1, s0;
	s0 =	stileid.u32  }
0x7: {  	s22 =	simm.s32 $0x2;
	[smem:$0x7FF] =	sst s4;
	s8 =	smul.u32 $0x13C00, s0  }
0x8: {  	s2 =	sshll.u32 s5, $0x4;
	s9 =	smul.u32 $0x13C000, s5;
	s5 =	ssub.s32 $0x2, s5  }
0x9: {  	s10 =	smul.u32 $0x4F000, s0;
	s2 =	sor.u32 s0, s2;
	s30 =	sshrl.u32 s5, $0x1  }
0xa: {  	s7 =	smul.u32 $0x2800, s2;
	s2 =	rddreg [dreg:$0x3];
	_ =	strace $0x8000004A  }
0xb: {  	s29 =	sadd.s32 s8, s9;
	s10 =	sshrl.u32 s10, $0x2;
	s14 =	ssub.s32 s5, s30  }
0xc: {  	s5 =	sadd.s32 s8, s3;
	s31 =	sadd.s32 s10, s3;
	s7 =	sshrl.u32 s7, $0x3  }
0xd: {  	s14 =	smax.u32 s14, $0x1;
	s12 =	sadd.s32 s7, s6;
	s7 =	sshrl.u32 s29, $0x3  }
0xe: {  	s8 =	sadd.s32 $0xC000, s31;
	s9 =	sadd.s32 $0x10000, s31;
	s13 =	sadd.s32 s7, s6  }
0xf: {  	s6 =	sadd.s32 $0x4000, s31;
	s7 =	sadd.s32 $0x8000, s31;
	s10 =	sadd.s32 $0x1200, s12  }
0x10: {  	v0 =	vimm.f32 $0.0e+00;
	s11 =	sadd.s32 $0xB200, s12;
	s12 =	sadd.s32 $0xB480, s12;
	s13 =	sadd.s32 $0x3CA00, s13  }
.LBB2_1:
0x11: {  	s23 =	simm.s32 $0x0;
	s24 =	simm.s32 $0x200  }
.LBB2_2:
0x12: {  	p0 =	sne.s32 s24, $0xFE00;
	[tilespmem:s23+$0x5470] =	vst v0  }
0x13: {  	[tilespmem:s23+$0x5400] =	vst v0  }
0x14: {  	[tilespmem:s23+$0x5410] =	vst v0  }
.Ltmp0:
0x15: {  	[tilespmem:s23+$0x5420] =	vst v0;
	(pc) =	sbr.rel @p0 .LBB2_2-.Ltmp0, $4  }
0x16: {  	[tilespmem:s23+$0x5430] =	vst v0  }
0x17: {  	[tilespmem:s23+$0x5440] =	vst v0  }
0x18: {  	[tilespmem:s23+$0x5450] =	vst v0  }
0x19: {  	[tilespmem:s23+$0x5460] =	vst v0;
	s23 =	sshra.s32 s24, $0x2;
	s24 =	sadd.s32 $0x200, s24  }
0x1a: {  	[tilespmem:s23+$0x5470] =	vst v0  }
0x1b: {  	[tilespmem:s23+$0x5400] =	vst v0  }
0x1c: {  	[tilespmem:s23+$0x5410] =	vst v0  }
0x1d: {  	[tilespmem:s23+$0x5420] =	vst v0  }
0x1e: {  	[tilespmem:s23+$0x5430] =	vst v0  }
0x1f: {  	[tilespmem:s23+$0x5440] =	vst v0  }
0x20: {  	[tilespmem:s23+$0x5450] =	vst v0  }
0x21: {  	[tilespmem:s23+$0x5460] =	vst v0  }
0x22: {  	[spmem:s5] =	stream.linear.scatter [tilespmem:s15], [sflag:$0x3], $0x4000, $0x38;
	[tilespmem:$0x1F800] =	vst v63  }
0x23: {  	_ =	swait.ge [sflag:s16], $0x4000  }
0x24: {  	[sflag:s16] =	ssyncset.done $0x0  }
0x25: {  	[sflag:s16] =	ssyncadd.s32 $0xFFFFC000  }
0x26: {  	[spmem:s6] =	stream.linear.scatter [tilespmem:s15], [sflag:$0x3], $0x4000, $0x38;
	[tilespmem:$0x1F800] =	vst v63  }
0x27: {  	_ =	swait.ge [sflag:s16], $0x4000  }
0x28: {  	[sflag:s16] =	ssyncset.done $0x0  }
0x29: {  	[sflag:s16] =	ssyncadd.s32 $0xFFFFC000  }
0x2a: {  	[spmem:s7] =	stream.linear.scatter [tilespmem:s15], [sflag:$0x3], $0x4000, $0x38;
	[tilespmem:$0x1F800] =	vst v63  }
0x2b: {  	_ =	swait.ge [sflag:s16], $0x4000  }
0x2c: {  	[sflag:s16] =	ssyncset.done $0x0  }
0x2d: {  	[sflag:s16] =	ssyncadd.s32 $0xFFFFC000  }
0x2e: {  	[spmem:s8] =	stream.linear.scatter [tilespmem:s15], [sflag:$0x3], $0x4000, $0x38;
	[tilespmem:$0x1F800] =	vst v63  }
0x2f: {  	_ =	swait.ge [sflag:s16], $0x4000  }
0x30: {  	[sflag:s16] =	ssyncset.done $0x0  }
0x31: {  	[sflag:s16] =	ssyncadd.s32 $0xFFFFC000  }
0x32: {  	[spmem:s9] =	stream.linear.scatter [tilespmem:s15], [sflag:$0x3], $0x3C00, $0x38;
	[tilespmem:$0x1F800] =	vst v63  }
0x33: {  	_ =	swait.ge [sflag:s16], $0x3C00  }
0x34: {  	[sflag:s16] =	ssyncset.done $0x0  }
0x35: {  	s23 =	simm.s32 $0x0;
	[sflag:s16] =	ssyncadd.s32 $0xFFFFC400  }
0x36: {  	[tilespmem:s17], [sflag:$0x3] =	stream.linear.gather [hbm4b:s10+s23], $0x2800, $0x38;
	[tilespmem:$0x1F800] =	vst v63  }
0x37: {  	_ =	swait.ge [sflag:s16], $0x2800  }
0x38: {  	[sflag:s16] =	ssyncset.done $0x0  }
0x39: {  	[sflag:s16] =	ssyncadd.s32 $0xFFFFD800  }
0x3a: {  	[bflag:$0x0] =	sbarrier.arrive $0xFFFF  }
0x3b: {  	[tilespmem:s23], [sflag:$0x3] =	stream.linear.gather [hbm4b:s11+s23], $0x1400, $0x38;
	[tilespmem:$0x1F800] =	vst v63  }
0x3c: {  	_ =	swait.ge [sflag:s16], $0x1400  }
0x3d: {  	[sflag:s16] =	ssyncset.done $0x0  }
0x3e: {  	[sflag:s16] =	ssyncadd.s32 $0xFFFFEC00  }
0x3f: {  	[tilespmem:s19], [sflag:$0x1] =	stream.indirect.gather [hbm4b:s1+s18], $0x40, s23, s18, $0xb8;
	[tilespmem:$0x1F800] =	vst v63  }
.LBB2_4:
0x40: {  	_ =	swait.ge [sflag:s20], $0x2000  }
0x41: {  	s24 =	sshll.u32 s23, $0x8;
	[sflag:s20] =	ssyncset.done $0x0  }
0x42: {  	s26 =	simm.s32 $0x0;
	s24 =	sor.u32 $0x80, s24;
	[sflag:s20] =	ssyncadd.s32 $0xFFFFE000  }
0x43: {  	[tilespmem:s21], [sflag:$0x2] =	stream.indirect.gather [hbm4b:s1+s18], $0x40, s24, s18, $0xb8;
	[tilespmem:$0x1F800] =	vst v63  }
0x44: {  	v1 =	vld [tilespmem:s26+$0x1400];
	_ =	sdelay $0x4  }
0x45: {  	s25 =	simm.s32 $0x5500;
	v2 =	vshll.u32 v1, $0x10  }
0x46: {  	v1 =	vand.u32 $0xFFFF0000, v1;
	[tilespmem:s25+$0xFFFFFF00] =	vst v2  }
0x47: {  	[tilespmem:s25+$0xFFFFFF40] =	vst v1  }
0x48: {  	v1 =	vld [tilespmem:s26+$0x1410];
	_ =	sdelay $0x4  }
0x49: {  	v2 =	vshll.u32 v1, $0x10  }
0x4a: {  	v1 =	vand.u32 $0xFFFF0000, v1;
	[tilespmem:s25+$0xFFFFFF10] =	vst v2  }
0x4b: {  	[tilespmem:s25+$0xFFFFFF50] =	vst v1  }
0x4c: {  	v1 =	vld [tilespmem:s26+$0x1420];
	_ =	sdelay $0x4  }
0x4d: {  	v2 =	vshll.u32 v1, $0x10  }
0x4e: {  	v1 =	vand.u32 $0xFFFF0000, v1;
	[tilespmem:s25+$0xFFFFFF20] =	vst v2  }
0x4f: {  	[tilespmem:s25+$0xFFFFFF60] =	vst v1  }
0x50: {  	v1 =	vld [tilespmem:s26+$0x1430];
	_ =	sdelay $0x4  }
0x51: {  	v2 =	vshll.u32 v1, $0x10  }
0x52: {  	v1 =	vand.u32 $0xFFFF0000, v1;
	[tilespmem:s25+$0xFFFFFF30] =	vst v2  }
0x53: {  	[tilespmem:s25+$0xFFFFFF70] =	vst v1  }
0x54: {  	v1 =	vld [tilespmem:s26+$0x1440];
	_ =	sdelay $0x4  }
0x55: {  	v2 =	vshll.u32 v1, $0x10  }
0x56: {  	v1 =	vand.u32 $0xFFFF0000, v1;
	[tilespmem:s25+$0xFFFFFF80] =	vst v2  }
0x57: {  	[tilespmem:s25+$0xFFFFFFC0] =	vst v1  }
0x58: {  	v1 =	vld [tilespmem:s26+$0x1450];
	_ =	sdelay $0x4  }
0x59: {  	v2 =	vshll.u32 v1, $0x10  }
0x5a: {  	v1 =	vand.u32 $0xFFFF0000, v1;
	[tilespmem:s25+$0xFFFFFF90] =	vst v2  }
0x5b: {  	[tilespmem:s25+$0xFFFFFFD0] =	vst v1  }
0x5c: {  	v1 =	vld [tilespmem:s26+$0x1460];
	_ =	sdelay $0x4  }
0x5d: {  	v2 =	vshll.u32 v1, $0x10  }
0x5e: {  	v1 =	vand.u32 $0xFFFF0000, v1;
	[tilespmem:s25+$0xFFFFFFA0] =	vst v2  }
0x5f: {  	[tilespmem:s25+$0xFFFFFFE0] =	vst v1  }
0x60: {  	v1 =	vld [tilespmem:s26+$0x1470];
	_ =	sdelay $0x4  }
0x61: {  	v2 =	vshll.u32 v1, $0x10  }
0x62: {  	v1 =	vand.u32 $0xFFFF0000, v1;
	[tilespmem:s25+$0xFFFFFFB0] =	vst v2  }
0x63: {  	[tilespmem:s25+$0xFFFFFFF0] =	vst v1  }
0x64: {  	v1 =	vld [tilespmem:s26+$0x1480];
	_ =	sdelay $0x4  }
0x65: {  	v2 =	vshll.u32 v1, $0x10  }
0x66: {  	v1 =	vand.u32 $0xFFFF0000, v1;
	[tilespmem:s25+$0x0] =	vst v2  }
0x67: {  	[tilespmem:s25+$0x40] =	vst v1  }
0x68: {  	v1 =	vld [tilespmem:s26+$0x1490];
	_ =	sdelay $0x4  }
0x69: {  	v2 =	vshll.u32 v1, $0x10  }
0x6a: {  	v1 =	vand.u32 $0xFFFF0000, v1;
	[tilespmem:s25+$0x10] =	vst v2  }
0x6b: {  	[tilespmem:s25+$0x50] =	vst v1  }
0x6c: {  	v1 =	vld [tilespmem:s26+$0x14A0];
	_ =	sdelay $0x4  }
0x6d: {  	v2 =	vshll.u32 v1, $0x10  }
0x6e: {  	v1 =	vand.u32 $0xFFFF0000, v1;
	[tilespmem:s25+$0x20] =	vst v2  }
0x6f: {  	[tilespmem:s25+$0x60] =	vst v1  }
0x70: {  	v1 =	vld [tilespmem:s26+$0x14B0];
	_ =	sdelay $0x4  }
0x71: {  	v2 =	vshll.u32 v1, $0x10  }
0x72: {  	v1 =	vand.u32 $0xFFFF0000, v1;
	[tilespmem:s25+$0x30] =	vst v2  }
0x73: {  	[tilespmem:s25+$0x70] =	vst v1  }
0x74: {  	v1 =	vld [tilespmem:s26+$0x14C0];
	_ =	sdelay $0x4  }
0x75: {  	v2 =	vshll.u32 v1, $0x10  }
0x76: {  	v1 =	vand.u32 $0xFFFF0000, v1;
	[tilespmem:s25+$0x80] =	vst v2  }
0x77: {  	[tilespmem:s25+$0xC0] =	vst v1  }
0x78: {  	v1 =	vld [tilespmem:s26+$0x14D0];
	_ =	sdelay $0x4  }
0x79: {  	v2 =	vshll.u32 v1, $0x10  }
0x7a: {  	s28 =	simm.s32 $0x400;
	s29 =	simm.s32 $0x5500;
	v1 =	vand.u32 $0xFFFF0000, v1;
	[tilespmem:s25+$0x90] =	vst v2  }
.LBB2_5:
0x7b: {  	p0 =	sne.s32 s28, $0x7C00  }
0x7c: {  	[tilespmem:s25+$0xD0] =	vst v1;
	s29 =	sadd.s32 $0x200, s29;
	s30 =	smov.u32 s28;
	s28 =	sadd.s32 $0x400, s28  }
0x7d: {  	v1 =	vld [tilespmem:s26+$0x14E0];
	_ =	sdelay $0x4  }
0x7e: {  	v2 =	vshll.u32 v1, $0x10;
	v1 =	vand.u32 $0xFFFF0000, v1  }
0x7f: {  	[tilespmem:s25+$0xA0] =	vst v2  }
0x80: {  	[tilespmem:s25+$0xE0] =	vst v1  }
0x81: {  	v1 =	vld [tilespmem:s26+$0x14F0];
	_ =	sdelay $0x4  }
0x82: {  	v2 =	vshll.u32 v1, $0x10;
	v1 =	vand.u32 $0xFFFF0000, v1  }
0x83: {  	[tilespmem:s25+$0xB0] =	vst v2  }
0x84: {  	s26 =	sshra.s32 s30, $0x2;
	[tilespmem:s25+$0xF0] =	vst v1;
	s25 =	smov.u32 s29  }
0x85: {  	v1 =	vld [tilespmem:s26+$0x1400];
	_ =	sdelay $0x4  }
0x86: {  	v2 =	vshll.u32 v1, $0x10;
	v1 =	vand.u32 $0xFFFF0000, v1  }
0x87: {  	[tilespmem:s29+$0xFFFFFF00] =	vst v2  }
0x88: {  	[tilespmem:s29+$0xFFFFFF40] =	vst v1  }
0x89: {  	v1 =	vld [tilespmem:s26+$0x1410];
	_ =	sdelay $0x4  }
0x8a: {  	v2 =	vshll.u32 v1, $0x10;
	v1 =	vand.u32 $0xFFFF0000, v1  }
0x8b: {  	[tilespmem:s29+$0xFFFFFF10] =	vst v2  }
0x8c: {  	[tilespmem:s29+$0xFFFFFF50] =	vst v1  }
0x8d: {  	v1 =	vld [tilespmem:s26+$0x1420];
	_ =	sdelay $0x4  }
0x8e: {  	v2 =	vshll.u32 v1, $0x10;
	v1 =	vand.u32 $0xFFFF0000, v1  }
0x8f: {  	[tilespmem:s29+$0xFFFFFF20] =	vst v2  }
0x90: {  	[tilespmem:s29+$0xFFFFFF60] =	vst v1  }
0x91: {  	v1 =	vld [tilespmem:s26+$0x1430];
	_ =	sdelay $0x4  }
0x92: {  	v2 =	vshll.u32 v1, $0x10;
	v1 =	vand.u32 $0xFFFF0000, v1  }
0x93: {  	[tilespmem:s29+$0xFFFFFF30] =	vst v2  }
0x94: {  	[tilespmem:s29+$0xFFFFFF70] =	vst v1  }
0x95: {  	v1 =	vld [tilespmem:s26+$0x1440];
	_ =	sdelay $0x4  }
0x96: {  	v2 =	vshll.u32 v1, $0x10;
	v1 =	vand.u32 $0xFFFF0000, v1  }
0x97: {  	[tilespmem:s29+$0xFFFFFF80] =	vst v2  }
0x98: {  	[tilespmem:s29+$0xFFFFFFC0] =	vst v1  }
0x99: {  	v1 =	vld [tilespmem:s26+$0x1450];
	_ =	sdelay $0x4  }
0x9a: {  	v2 =	vshll.u32 v1, $0x10;
	v1 =	vand.u32 $0xFFFF0000, v1  }
0x9b: {  	[tilespmem:s29+$0xFFFFFF90] =	vst v2  }
0x9c: {  	[tilespmem:s29+$0xFFFFFFD0] =	vst v1  }
0x9d: {  	v1 =	vld [tilespmem:s26+$0x1460];
	_ =	sdelay $0x4  }
0x9e: {  	v2 =	vshll.u32 v1, $0x10;
	v1 =	vand.u32 $0xFFFF0000, v1  }
0x9f: {  	[tilespmem:s29+$0xFFFFFFA0] =	vst v2  }
0xa0: {  	[tilespmem:s29+$0xFFFFFFE0] =	vst v1  }
0xa1: {  	v1 =	vld [tilespmem:s26+$0x1470];
	_ =	sdelay $0x4  }
0xa2: {  	v2 =	vshll.u32 v1, $0x10;
	v1 =	vand.u32 $0xFFFF0000, v1  }
0xa3: {  	[tilespmem:s29+$0xFFFFFFB0] =	vst v2  }
0xa4: {  	[tilespmem:s29+$0xFFFFFFF0] =	vst v1  }
0xa5: {  	v1 =	vld [tilespmem:s26+$0x1480];
	_ =	sdelay $0x4  }
0xa6: {  	v2 =	vshll.u32 v1, $0x10;
	v1 =	vand.u32 $0xFFFF0000, v1  }
0xa7: {  	[tilespmem:s29+$0x0] =	vst v2  }
0xa8: {  	[tilespmem:s29+$0x40] =	vst v1  }
0xa9: {  	v1 =	vld [tilespmem:s26+$0x1490];
	_ =	sdelay $0x4  }
0xaa: {  	v2 =	vshll.u32 v1, $0x10;
	v1 =	vand.u32 $0xFFFF0000, v1  }
0xab: {  	[tilespmem:s29+$0x10] =	vst v2  }
0xac: {  	[tilespmem:s29+$0x50] =	vst v1  }
0xad: {  	v1 =	vld [tilespmem:s26+$0x14A0];
	_ =	sdelay $0x4  }
0xae: {  	v2 =	vshll.u32 v1, $0x10;
	v1 =	vand.u32 $0xFFFF0000, v1  }
0xaf: {  	[tilespmem:s29+$0x20] =	vst v2  }
0xb0: {  	[tilespmem:s29+$0x60] =	vst v1  }
0xb1: {  	v1 =	vld [tilespmem:s26+$0x14B0];
	_ =	sdelay $0x4  }
0xb2: {  	v2 =	vshll.u32 v1, $0x10;
	v1 =	vand.u32 $0xFFFF0000, v1  }
0xb3: {  	[tilespmem:s29+$0x30] =	vst v2  }
0xb4: {  	[tilespmem:s29+$0x70] =	vst v1  }
0xb5: {  	v1 =	vld [tilespmem:s26+$0x14C0];
	_ =	sdelay $0x4  }
0xb6: {  	v2 =	vshll.u32 v1, $0x10;
	v1 =	vand.u32 $0xFFFF0000, v1  }
0xb7: {  	[tilespmem:s29+$0x80] =	vst v2  }
0xb8: {  	[tilespmem:s29+$0xC0] =	vst v1  }
0xb9: {  	v1 =	vld [tilespmem:s26+$0x14D0];
	_ =	sdelay $0x1  }
.Ltmp1:
0xba: {  	(pc) =	sbr.rel @p0 .LBB2_5-.Ltmp1, $3  }
0xbb: {  	_ =	sdelay $0x1  }
0xbc: {  	v2 =	vshll.u32 v1, $0x10;
	v1 =	vand.u32 $0xFFFF0000, v1  }
0xbd: {  	[tilespmem:s29+$0x90] =	vst v2  }
0xbe: {  	[tilespmem:s25+$0xD0] =	vst v1  }
0xbf: {  	v1 =	vld [tilespmem:s26+$0x14E0];
	_ =	sdelay $0x4  }
0xc0: {  	v2 =	vshll.u32 v1, $0x10  }
0xc1: {  	v1 =	vand.u32 $0xFFFF0000, v1;
	[tilespmem:s25+$0xA0] =	vst v2  }
0xc2: {  	[tilespmem:s25+$0xE0] =	vst v1  }
0xc3: {  	v1 =	vld [tilespmem:s26+$0x14F0];
	_ =	sdelay $0x4  }
0xc4: {  	s26 =	sshll.u32 s23, $0xA;
	v2 =	vshll.u32 v1, $0x10  }
0xc5: {  	s28 =	sshrl.u32 s26, $0x2;
	v1 =	vand.u32 $0xFFFF0000, v1;
	[tilespmem:s25+$0xB0] =	vst v2  }
0xc6: {  	s31 =	sadd.s32 $0x9400, s28;
	[tilespmem:s25+$0xF0] =	vst v1  }
0xc7: {  	[spmem:s3] =	stream.indirect.scatter.add.f32 [tilespmem:s15], [sflag:$0x3], $0x80, s31, s18, $0xb8;
	[tilespmem:$0x1F800] =	vst v63  }
0xc8: {  	_ =	swait.ge [sflag:s16], $0x4000  }
0xc9: {  	[sflag:s16] =	ssyncset.done $0x0  }
0xca: {  	[sflag:s16] =	ssyncadd.s32 $0xFFFFC000  }
0xcb: {  	p0 =	seq.s32 s23, $0x13;
	_ =	swait.ge [sflag:s22], $0x2000  }
0xcc: {  	s28 =	simm.s32 @!p0 $0x1400;
	s25 =	sshrl.u32 @!p0 s26, $0x2;
	[sflag:s22] =	ssyncset.done $0x0  }
0xcd: {  	s26 =	simm.s32 @!p0 $0x80;
	s25 =	sadd.s32 @!p0 $0x100, s25;
	[sflag:s22] =	ssyncadd.s32 $0xFFFFE000  }
0xce: {  	[tilespmem:s28], [sflag:$0x1] =	stream.indirect.gather @!p0 [hbm4b:s1+s26], $0x40, s25, s26, $0xb8;
	[tilespmem:$0x1F800] =	vst v63  }
0xcf: {  	s26 =	simm.s32 $0x0  }
0xd0: {  	v1 =	vld [tilespmem:s26+$0x3400];
	_ =	sdelay $0x4  }
0xd1: {  	s25 =	simm.s32 $0x5500;
	v2 =	vshll.u32 v1, $0x10  }
0xd2: {  	v1 =	vand.u32 $0xFFFF0000, v1;
	[tilespmem:s25+$0xFFFFFF00] =	vst v2  }
0xd3: {  	[tilespmem:s25+$0xFFFFFF40] =	vst v1  }
0xd4: {  	v1 =	vld [tilespmem:s26+$0x3410];
	_ =	sdelay $0x4  }
0xd5: {  	v2 =	vshll.u32 v1, $0x10  }
0xd6: {  	v1 =	vand.u32 $0xFFFF0000, v1;
	[tilespmem:s25+$0xFFFFFF10] =	vst v2  }
0xd7: {  	[tilespmem:s25+$0xFFFFFF50] =	vst v1  }
0xd8: {  	v1 =	vld [tilespmem:s26+$0x3420];
	_ =	sdelay $0x4  }
0xd9: {  	v2 =	vshll.u32 v1, $0x10  }
0xda: {  	v1 =	vand.u32 $0xFFFF0000, v1;
	[tilespmem:s25+$0xFFFFFF20] =	vst v2  }
0xdb: {  	[tilespmem:s25+$0xFFFFFF60] =	vst v1  }
0xdc: {  	v1 =	vld [tilespmem:s26+$0x3430];
	_ =	sdelay $0x4  }
0xdd: {  	v2 =	vshll.u32 v1, $0x10  }
0xde: {  	v1 =	vand.u32 $0xFFFF0000, v1;
	[tilespmem:s25+$0xFFFFFF30] =	vst v2  }
0xdf: {  	[tilespmem:s25+$0xFFFFFF70] =	vst v1  }
0xe0: {  	v1 =	vld [tilespmem:s26+$0x3440];
	_ =	sdelay $0x4  }
0xe1: {  	v2 =	vshll.u32 v1, $0x10  }
0xe2: {  	v1 =	vand.u32 $0xFFFF0000, v1;
	[tilespmem:s25+$0xFFFFFF80] =	vst v2  }
0xe3: {  	[tilespmem:s25+$0xFFFFFFC0] =	vst v1  }
0xe4: {  	v1 =	vld [tilespmem:s26+$0x3450];
	_ =	sdelay $0x4  }
0xe5: {  	v2 =	vshll.u32 v1, $0x10  }
0xe6: {  	v1 =	vand.u32 $0xFFFF0000, v1;
	[tilespmem:s25+$0xFFFFFF90] =	vst v2  }
0xe7: {  	[tilespmem:s25+$0xFFFFFFD0] =	vst v1  }
0xe8: {  	v1 =	vld [tilespmem:s26+$0x3460];
	_ =	sdelay $0x4  }
0xe9: {  	v2 =	vshll.u32 v1, $0x10  }
0xea: {  	v1 =	vand.u32 $0xFFFF0000, v1;
	[tilespmem:s25+$0xFFFFFFA0] =	vst v2  }
0xeb: {  	[tilespmem:s25+$0xFFFFFFE0] =	vst v1  }
0xec: {  	v1 =	vld [tilespmem:s26+$0x3470];
	_ =	sdelay $0x4  }
0xed: {  	v2 =	vshll.u32 v1, $0x10  }
0xee: {  	v1 =	vand.u32 $0xFFFF0000, v1;
	[tilespmem:s25+$0xFFFFFFB0] =	vst v2  }
0xef: {  	[tilespmem:s25+$0xFFFFFFF0] =	vst v1  }
0xf0: {  	v1 =	vld [tilespmem:s26+$0x3480];
	_ =	sdelay $0x4  }
0xf1: {  	v2 =	vshll.u32 v1, $0x10  }
0xf2: {  	v1 =	vand.u32 $0xFFFF0000, v1;
	[tilespmem:s25+$0x0] =	vst v2  }
0xf3: {  	[tilespmem:s25+$0x40] =	vst v1  }
0xf4: {  	v1 =	vld [tilespmem:s26+$0x3490];
	_ =	sdelay $0x4  }
0xf5: {  	v2 =	vshll.u32 v1, $0x10  }
0xf6: {  	v1 =	vand.u32 $0xFFFF0000, v1;
	[tilespmem:s25+$0x10] =	vst v2  }
0xf7: {  	[tilespmem:s25+$0x50] =	vst v1  }
0xf8: {  	v1 =	vld [tilespmem:s26+$0x34A0];
	_ =	sdelay $0x4  }
0xf9: {  	v2 =	vshll.u32 v1, $0x10  }
0xfa: {  	v1 =	vand.u32 $0xFFFF0000, v1;
	[tilespmem:s25+$0x20] =	vst v2  }
0xfb: {  	[tilespmem:s25+$0x60] =	vst v1  }
0xfc: {  	v1 =	vld [tilespmem:s26+$0x34B0];
	_ =	sdelay $0x4  }
0xfd: {  	v2 =	vshll.u32 v1, $0x10  }
0xfe: {  	v1 =	vand.u32 $0xFFFF0000, v1;
	[tilespmem:s25+$0x30] =	vst v2  }
0xff: {  	[tilespmem:s25+$0x70] =	vst v1  }
0x100: {  	v1 =	vld [tilespmem:s26+$0x34C0];
	_ =	sdelay $0x4  }
0x101: {  	v2 =	vshll.u32 v1, $0x10  }
0x102: {  	v1 =	vand.u32 $0xFFFF0000, v1;
	[tilespmem:s25+$0x80] =	vst v2  }
0x103: {  	[tilespmem:s25+$0xC0] =	vst v1  }
0x104: {  	v1 =	vld [tilespmem:s26+$0x34D0];
	_ =	sdelay $0x4  }
0x105: {  	v2 =	vshll.u32 v1, $0x10  }
0x106: {  	s29 =	simm.s32 $0x5500;
	s28 =	simm.s32 $0x400;
	v1 =	vand.u32 $0xFFFF0000, v1;
	[tilespmem:s25+$0x90] =	vst v2  }
.LBB2_7:
0x107: {  	p0 =	sne.s32 s28, $0x7C00  }
0x108: {  	[tilespmem:s25+$0xD0] =	vst v1;
	s29 =	sadd.s32 $0x200, s29;
	s30 =	smov.u32 s28;
	s28 =	sadd.s32 $0x400, s28  }
0x109: {  	v1 =	vld [tilespmem:s26+$0x34E0];
	_ =	sdelay $0x4  }
0x10a: {  	v2 =	vshll.u32 v1, $0x10;
	v1 =	vand.u32 $0xFFFF0000, v1  }
0x10b: {  	[tilespmem:s25+$0xA0] =	vst v2  }
0x10c: {  	[tilespmem:s25+$0xE0] =	vst v1  }
0x10d: {  	v1 =	vld [tilespmem:s26+$0x34F0];
	_ =	sdelay $0x4  }
0x10e: {  	v2 =	vshll.u32 v1, $0x10;
	v1 =	vand.u32 $0xFFFF0000, v1  }
0x10f: {  	[tilespmem:s25+$0xB0] =	vst v2  }
0x110: {  	s26 =	sshra.s32 s30, $0x2;
	[tilespmem:s25+$0xF0] =	vst v1;
	s25 =	smov.u32 s29  }
0x111: {  	v1 =	vld [tilespmem:s26+$0x3400];
	_ =	sdelay $0x4  }
0x112: {  	v2 =	vshll.u32 v1, $0x10;
	v1 =	vand.u32 $0xFFFF0000, v1  }
0x113: {  	[tilespmem:s29+$0xFFFFFF00] =	vst v2  }
0x114: {  	[tilespmem:s29+$0xFFFFFF40] =	vst v1  }
0x115: {  	v1 =	vld [tilespmem:s26+$0x3410];
	_ =	sdelay $0x4  }
0x116: {  	v2 =	vshll.u32 v1, $0x10;
	v1 =	vand.u32 $0xFFFF0000, v1  }
0x117: {  	[tilespmem:s29+$0xFFFFFF10] =	vst v2  }
0x118: {  	[tilespmem:s29+$0xFFFFFF50] =	vst v1  }
0x119: {  	v1 =	vld [tilespmem:s26+$0x3420];
	_ =	sdelay $0x4  }
0x11a: {  	v2 =	vshll.u32 v1, $0x10;
	v1 =	vand.u32 $0xFFFF0000, v1  }
0x11b: {  	[tilespmem:s29+$0xFFFFFF20] =	vst v2  }
0x11c: {  	[tilespmem:s29+$0xFFFFFF60] =	vst v1  }
0x11d: {  	v1 =	vld [tilespmem:s26+$0x3430];
	_ =	sdelay $0x4  }
0x11e: {  	v2 =	vshll.u32 v1, $0x10;
	v1 =	vand.u32 $0xFFFF0000, v1  }
0x11f: {  	[tilespmem:s29+$0xFFFFFF30] =	vst v2  }
0x120: {  	[tilespmem:s29+$0xFFFFFF70] =	vst v1  }
0x121: {  	v1 =	vld [tilespmem:s26+$0x3440];
	_ =	sdelay $0x4  }
0x122: {  	v2 =	vshll.u32 v1, $0x10;
	v1 =	vand.u32 $0xFFFF0000, v1  }
0x123: {  	[tilespmem:s29+$0xFFFFFF80] =	vst v2  }
0x124: {  	[tilespmem:s29+$0xFFFFFFC0] =	vst v1  }
0x125: {  	v1 =	vld [tilespmem:s26+$0x3450];
	_ =	sdelay $0x4  }
0x126: {  	v2 =	vshll.u32 v1, $0x10;
	v1 =	vand.u32 $0xFFFF0000, v1  }
0x127: {  	[tilespmem:s29+$0xFFFFFF90] =	vst v2  }
0x128: {  	[tilespmem:s29+$0xFFFFFFD0] =	vst v1  }
0x129: {  	v1 =	vld [tilespmem:s26+$0x3460];
	_ =	sdelay $0x4  }
0x12a: {  	v2 =	vshll.u32 v1, $0x10;
	v1 =	vand.u32 $0xFFFF0000, v1  }
0x12b: {  	[tilespmem:s29+$0xFFFFFFA0] =	vst v2  }
0x12c: {  	[tilespmem:s29+$0xFFFFFFE0] =	vst v1  }
0x12d: {  	v1 =	vld [tilespmem:s26+$0x3470];
	_ =	sdelay $0x4  }
0x12e: {  	v2 =	vshll.u32 v1, $0x10;
	v1 =	vand.u32 $0xFFFF0000, v1  }
0x12f: {  	[tilespmem:s29+$0xFFFFFFB0] =	vst v2  }
0x130: {  	[tilespmem:s29+$0xFFFFFFF0] =	vst v1  }
0x131: {  	v1 =	vld [tilespmem:s26+$0x3480];
	_ =	sdelay $0x4  }
0x132: {  	v2 =	vshll.u32 v1, $0x10;
	v1 =	vand.u32 $0xFFFF0000, v1  }
0x133: {  	[tilespmem:s29+$0x0] =	vst v2  }
0x134: {  	[tilespmem:s29+$0x40] =	vst v1  }
0x135: {  	v1 =	vld [tilespmem:s26+$0x3490];
	_ =	sdelay $0x4  }
0x136: {  	v2 =	vshll.u32 v1, $0x10;
	v1 =	vand.u32 $0xFFFF0000, v1  }
0x137: {  	[tilespmem:s29+$0x10] =	vst v2  }
0x138: {  	[tilespmem:s29+$0x50] =	vst v1  }
0x139: {  	v1 =	vld [tilespmem:s26+$0x34A0];
	_ =	sdelay $0x4  }
0x13a: {  	v2 =	vshll.u32 v1, $0x10;
	v1 =	vand.u32 $0xFFFF0000, v1  }
0x13b: {  	[tilespmem:s29+$0x20] =	vst v2  }
0x13c: {  	[tilespmem:s29+$0x60] =	vst v1  }
0x13d: {  	v1 =	vld [tilespmem:s26+$0x34B0];
	_ =	sdelay $0x4  }
0x13e: {  	v2 =	vshll.u32 v1, $0x10;
	v1 =	vand.u32 $0xFFFF0000, v1  }
0x13f: {  	[tilespmem:s29+$0x30] =	vst v2  }
0x140: {  	[tilespmem:s29+$0x70] =	vst v1  }
0x141: {  	v1 =	vld [tilespmem:s26+$0x34C0];
	_ =	sdelay $0x4  }
0x142: {  	v2 =	vshll.u32 v1, $0x10;
	v1 =	vand.u32 $0xFFFF0000, v1  }
0x143: {  	[tilespmem:s29+$0x80] =	vst v2  }
0x144: {  	[tilespmem:s29+$0xC0] =	vst v1  }
0x145: {  	v1 =	vld [tilespmem:s26+$0x34D0];
	_ =	sdelay $0x1  }
.Ltmp2:
0x146: {  	(pc) =	sbr.rel @p0 .LBB2_7-.Ltmp2, $3  }
0x147: {  	_ =	sdelay $0x1  }
0x148: {  	v2 =	vshll.u32 v1, $0x10;
	v1 =	vand.u32 $0xFFFF0000, v1  }
0x149: {  	[tilespmem:s29+$0x90] =	vst v2  }
0x14a: {  	[tilespmem:s25+$0xD0] =	vst v1  }
0x14b: {  	v1 =	vld [tilespmem:s26+$0x34E0];
	_ =	sdelay $0x4  }
0x14c: {  	v2 =	vshll.u32 v1, $0x10  }
0x14d: {  	v1 =	vand.u32 $0xFFFF0000, v1;
	[tilespmem:s25+$0xA0] =	vst v2  }
0x14e: {  	[tilespmem:s25+$0xE0] =	vst v1  }
0x14f: {  	v1 =	vld [tilespmem:s26+$0x34F0];
	_ =	sdelay $0x4  }
0x150: {  	s23 =	sadd.s32 $0x1, s23;
	v2 =	vshll.u32 v1, $0x10  }
0x151: {  	p0 =	sne.s32 s23, $0x14;
	v1 =	vand.u32 $0xFFFF0000, v1;
	[tilespmem:s25+$0xB0] =	vst v2  }
.Ltmp3:
0x152: {  	s24 =	sadd.s32 $0x9400, s24;
	[tilespmem:s25+$0xF0] =	vst v1;
	(pc) =	sbr.rel @p0 .LBB2_4-.Ltmp3, $4  }
0x153: {  	[spmem:s3] =	stream.indirect.scatter.add.f32 [tilespmem:s15], [sflag:$0x3], $0x80, s24, s18, $0xb8;
	[tilespmem:$0x1F800] =	vst v63  }
0x154: {  	_ =	swait.ge [sflag:s16], $0x4000  }
0x155: {  	[sflag:s16] =	ssyncset.done $0x0  }
0x156: {  	[sflag:s16] =	ssyncadd.s32 $0xFFFFC000  }
0x157: {  	s23 =	simm.s32 $0x0  }
0x158: {  	[tilespmem:s23], [sflag:$0x3] =	stream.linear.gather [hbm4b:s12+s23], $0x1400, $0x38;
	[tilespmem:$0x1F800] =	vst v63  }
0x159: {  	_ =	swait.ge [sflag:s16], $0x1400  }
0x15a: {  	[sflag:s16] =	ssyncset.done $0x0  }
0x15b: {  	[sflag:s16] =	ssyncadd.s32 $0xFFFFEC00  }
0x15c: {  	[tilespmem:s19], [sflag:$0x1] =	stream.indirect.gather [hbm4b:s1+s18], $0x40, s23, s18, $0xb8;
	[tilespmem:$0x1F800] =	vst v63  }
.LBB2_10:
0x15d: {  	s24 =	sshll.u32 s23, $0xA;
	_ =	swait.ge [sflag:s20], $0x2000  }
0x15e: {  	[sflag:s20] =	ssyncset.done $0x0;
	s24 =	sshrl.u32 s24, $0x2  }
0x15f: {  	s26 =	simm.s32 $0x0;
	[sflag:s20] =	ssyncadd.s32 $0xFFFFE000;
	s25 =	sor.u32 $0x80, s24  }
0x160: {  	[tilespmem:s21], [sflag:$0x2] =	stream.indirect.gather [hbm4b:s1+s18], $0x40, s25, s18, $0xb8;
	[tilespmem:$0x1F800] =	vst v63  }
0x161: {  	v1 =	vld [tilespmem:s26+$0x1400];
	_ =	sdelay $0x4  }
0x162: {  	s25 =	simm.s32 $0x5500;
	v2 =	vshll.u32 v1, $0x10  }
0x163: {  	v1 =	vand.u32 $0xFFFF0000, v1;
	[tilespmem:s25+$0xFFFFFF00] =	vst v2  }
0x164: {  	[tilespmem:s25+$0xFFFFFF40] =	vst v1  }
0x165: {  	v1 =	vld [tilespmem:s26+$0x1410];
	_ =	sdelay $0x4  }
0x166: {  	v2 =	vshll.u32 v1, $0x10  }
0x167: {  	v1 =	vand.u32 $0xFFFF0000, v1;
	[tilespmem:s25+$0xFFFFFF10] =	vst v2  }
0x168: {  	[tilespmem:s25+$0xFFFFFF50] =	vst v1  }
0x169: {  	v1 =	vld [tilespmem:s26+$0x1420];
	_ =	sdelay $0x4  }
0x16a: {  	v2 =	vshll.u32 v1, $0x10  }
0x16b: {  	v1 =	vand.u32 $0xFFFF0000, v1;
	[tilespmem:s25+$0xFFFFFF20] =	vst v2  }
0x16c: {  	[tilespmem:s25+$0xFFFFFF60] =	vst v1  }
0x16d: {  	v1 =	vld [tilespmem:s26+$0x1430];
	_ =	sdelay $0x4  }
0x16e: {  	v2 =	vshll.u32 v1, $0x10  }
0x16f: {  	v1 =	vand.u32 $0xFFFF0000, v1;
	[tilespmem:s25+$0xFFFFFF30] =	vst v2  }
0x170: {  	[tilespmem:s25+$0xFFFFFF70] =	vst v1  }
0x171: {  	v1 =	vld [tilespmem:s26+$0x1440];
	_ =	sdelay $0x4  }
0x172: {  	v2 =	vshll.u32 v1, $0x10  }
0x173: {  	v1 =	vand.u32 $0xFFFF0000, v1;
	[tilespmem:s25+$0xFFFFFF80] =	vst v2  }
0x174: {  	[tilespmem:s25+$0xFFFFFFC0] =	vst v1  }
0x175: {  	v1 =	vld [tilespmem:s26+$0x1450];
	_ =	sdelay $0x4  }
0x176: {  	v2 =	vshll.u32 v1, $0x10  }
0x177: {  	v1 =	vand.u32 $0xFFFF0000, v1;
	[tilespmem:s25+$0xFFFFFF90] =	vst v2  }
0x178: {  	[tilespmem:s25+$0xFFFFFFD0] =	vst v1  }
0x179: {  	v1 =	vld [tilespmem:s26+$0x1460];
	_ =	sdelay $0x4  }
0x17a: {  	v2 =	vshll.u32 v1, $0x10  }
0x17b: {  	v1 =	vand.u32 $0xFFFF0000, v1;
	[tilespmem:s25+$0xFFFFFFA0] =	vst v2  }
0x17c: {  	[tilespmem:s25+$0xFFFFFFE0] =	vst v1  }
0x17d: {  	v1 =	vld [tilespmem:s26+$0x1470];
	_ =	sdelay $0x4  }
0x17e: {  	v2 =	vshll.u32 v1, $0x10  }
0x17f: {  	v1 =	vand.u32 $0xFFFF0000, v1;
	[tilespmem:s25+$0xFFFFFFB0] =	vst v2  }
0x180: {  	[tilespmem:s25+$0xFFFFFFF0] =	vst v1  }
0x181: {  	v1 =	vld [tilespmem:s26+$0x1480];
	_ =	sdelay $0x4  }
0x182: {  	v2 =	vshll.u32 v1, $0x10  }
0x183: {  	v1 =	vand.u32 $0xFFFF0000, v1;
	[tilespmem:s25+$0x0] =	vst v2  }
0x184: {  	[tilespmem:s25+$0x40] =	vst v1  }
0x185: {  	v1 =	vld [tilespmem:s26+$0x1490];
	_ =	sdelay $0x4  }
0x186: {  	v2 =	vshll.u32 v1, $0x10  }
0x187: {  	v1 =	vand.u32 $0xFFFF0000, v1;
	[tilespmem:s25+$0x10] =	vst v2  }
0x188: {  	[tilespmem:s25+$0x50] =	vst v1  }
0x189: {  	v1 =	vld [tilespmem:s26+$0x14A0];
	_ =	sdelay $0x4  }
0x18a: {  	v2 =	vshll.u32 v1, $0x10  }
0x18b: {  	v1 =	vand.u32 $0xFFFF0000, v1;
	[tilespmem:s25+$0x20] =	vst v2  }
0x18c: {  	[tilespmem:s25+$0x60] =	vst v1  }
0x18d: {  	v1 =	vld [tilespmem:s26+$0x14B0];
	_ =	sdelay $0x4  }
0x18e: {  	v2 =	vshll.u32 v1, $0x10  }
0x18f: {  	v1 =	vand.u32 $0xFFFF0000, v1;
	[tilespmem:s25+$0x30] =	vst v2  }
0x190: {  	[tilespmem:s25+$0x70] =	vst v1  }
0x191: {  	v1 =	vld [tilespmem:s26+$0x14C0];
	_ =	sdelay $0x4  }
0x192: {  	v2 =	vshll.u32 v1, $0x10  }
0x193: {  	v1 =	vand.u32 $0xFFFF0000, v1;
	[tilespmem:s25+$0x80] =	vst v2  }
0x194: {  	[tilespmem:s25+$0xC0] =	vst v1  }
0x195: {  	v1 =	vld [tilespmem:s26+$0x14D0];
	_ =	sdelay $0x4  }
0x196: {  	v2 =	vshll.u32 v1, $0x10  }
0x197: {  	s28 =	simm.s32 $0x400;
	s29 =	simm.s32 $0x5500;
	v1 =	vand.u32 $0xFFFF0000, v1;
	[tilespmem:s25+$0x90] =	vst v2  }
.LBB2_11:
0x198: {  	p0 =	sne.s32 s28, $0x7C00  }
0x199: {  	[tilespmem:s25+$0xD0] =	vst v1;
	s29 =	sadd.s32 $0x200, s29;
	s30 =	smov.u32 s28;
	s28 =	sadd.s32 $0x400, s28  }
0x19a: {  	v1 =	vld [tilespmem:s26+$0x14E0];
	_ =	sdelay $0x4  }
0x19b: {  	v2 =	vshll.u32 v1, $0x10;
	v1 =	vand.u32 $0xFFFF0000, v1  }
0x19c: {  	[tilespmem:s25+$0xA0] =	vst v2  }
0x19d: {  	[tilespmem:s25+$0xE0] =	vst v1  }
0x19e: {  	v1 =	vld [tilespmem:s26+$0x14F0];
	_ =	sdelay $0x4  }
0x19f: {  	v2 =	vshll.u32 v1, $0x10;
	v1 =	vand.u32 $0xFFFF0000, v1  }
0x1a0: {  	[tilespmem:s25+$0xB0] =	vst v2  }
0x1a1: {  	s26 =	sshra.s32 s30, $0x2;
	[tilespmem:s25+$0xF0] =	vst v1;
	s25 =	smov.u32 s29  }
0x1a2: {  	v1 =	vld [tilespmem:s26+$0x1400];
	_ =	sdelay $0x4  }
0x1a3: {  	v2 =	vshll.u32 v1, $0x10;
	v1 =	vand.u32 $0xFFFF0000, v1  }
0x1a4: {  	[tilespmem:s29+$0xFFFFFF00] =	vst v2  }
0x1a5: {  	[tilespmem:s29+$0xFFFFFF40] =	vst v1  }
0x1a6: {  	v1 =	vld [tilespmem:s26+$0x1410];
	_ =	sdelay $0x4  }
0x1a7: {  	v2 =	vshll.u32 v1, $0x10;
	v1 =	vand.u32 $0xFFFF0000, v1  }
0x1a8: {  	[tilespmem:s29+$0xFFFFFF10] =	vst v2  }
0x1a9: {  	[tilespmem:s29+$0xFFFFFF50] =	vst v1  }
0x1aa: {  	v1 =	vld [tilespmem:s26+$0x1420];
	_ =	sdelay $0x4  }
0x1ab: {  	v2 =	vshll.u32 v1, $0x10;
	v1 =	vand.u32 $0xFFFF0000, v1  }
0x1ac: {  	[tilespmem:s29+$0xFFFFFF20] =	vst v2  }
0x1ad: {  	[tilespmem:s29+$0xFFFFFF60] =	vst v1  }
0x1ae: {  	v1 =	vld [tilespmem:s26+$0x1430];
	_ =	sdelay $0x4  }
0x1af: {  	v2 =	vshll.u32 v1, $0x10;
	v1 =	vand.u32 $0xFFFF0000, v1  }
0x1b0: {  	[tilespmem:s29+$0xFFFFFF30] =	vst v2  }
0x1b1: {  	[tilespmem:s29+$0xFFFFFF70] =	vst v1  }
0x1b2: {  	v1 =	vld [tilespmem:s26+$0x1440];
	_ =	sdelay $0x4  }
0x1b3: {  	v2 =	vshll.u32 v1, $0x10;
	v1 =	vand.u32 $0xFFFF0000, v1  }
0x1b4: {  	[tilespmem:s29+$0xFFFFFF80] =	vst v2  }
0x1b5: {  	[tilespmem:s29+$0xFFFFFFC0] =	vst v1  }
0x1b6: {  	v1 =	vld [tilespmem:s26+$0x1450];
	_ =	sdelay $0x4  }
0x1b7: {  	v2 =	vshll.u32 v1, $0x10;
	v1 =	vand.u32 $0xFFFF0000, v1  }
0x1b8: {  	[tilespmem:s29+$0xFFFFFF90] =	vst v2  }
0x1b9: {  	[tilespmem:s29+$0xFFFFFFD0] =	vst v1  }
0x1ba: {  	v1 =	vld [tilespmem:s26+$0x1460];
	_ =	sdelay $0x4  }
0x1bb: {  	v2 =	vshll.u32 v1, $0x10;
	v1 =	vand.u32 $0xFFFF0000, v1  }
0x1bc: {  	[tilespmem:s29+$0xFFFFFFA0] =	vst v2  }
0x1bd: {  	[tilespmem:s29+$0xFFFFFFE0] =	vst v1  }
0x1be: {  	v1 =	vld [tilespmem:s26+$0x1470];
	_ =	sdelay $0x4  }
0x1bf: {  	v2 =	vshll.u32 v1, $0x10;
	v1 =	vand.u32 $0xFFFF0000, v1  }
0x1c0: {  	[tilespmem:s29+$0xFFFFFFB0] =	vst v2  }
0x1c1: {  	[tilespmem:s29+$0xFFFFFFF0] =	vst v1  }
0x1c2: {  	v1 =	vld [tilespmem:s26+$0x1480];
	_ =	sdelay $0x4  }
0x1c3: {  	v2 =	vshll.u32 v1, $0x10;
	v1 =	vand.u32 $0xFFFF0000, v1  }
0x1c4: {  	[tilespmem:s29+$0x0] =	vst v2  }
0x1c5: {  	[tilespmem:s29+$0x40] =	vst v1  }
0x1c6: {  	v1 =	vld [tilespmem:s26+$0x1490];
	_ =	sdelay $0x4  }
0x1c7: {  	v2 =	vshll.u32 v1, $0x10;
	v1 =	vand.u32 $0xFFFF0000, v1  }
0x1c8: {  	[tilespmem:s29+$0x10] =	vst v2  }
0x1c9: {  	[tilespmem:s29+$0x50] =	vst v1  }
0x1ca: {  	v1 =	vld [tilespmem:s26+$0x14A0];
	_ =	sdelay $0x4  }
0x1cb: {  	v2 =	vshll.u32 v1, $0x10;
	v1 =	vand.u32 $0xFFFF0000, v1  }
0x1cc: {  	[tilespmem:s29+$0x20] =	vst v2  }
0x1cd: {  	[tilespmem:s29+$0x60] =	vst v1  }
0x1ce: {  	v1 =	vld [tilespmem:s26+$0x14B0];
	_ =	sdelay $0x4  }
0x1cf: {  	v2 =	vshll.u32 v1, $0x10;
	v1 =	vand.u32 $0xFFFF0000, v1  }
0x1d0: {  	[tilespmem:s29+$0x30] =	vst v2  }
0x1d1: {  	[tilespmem:s29+$0x70] =	vst v1  }
0x1d2: {  	v1 =	vld [tilespmem:s26+$0x14C0];
	_ =	sdelay $0x4  }
0x1d3: {  	v2 =	vshll.u32 v1, $0x10;
	v1 =	vand.u32 $0xFFFF0000, v1  }
0x1d4: {  	[tilespmem:s29+$0x80] =	vst v2  }
0x1d5: {  	[tilespmem:s29+$0xC0] =	vst v1  }
0x1d6: {  	v1 =	vld [tilespmem:s26+$0x14D0];
	_ =	sdelay $0x1  }
.Ltmp4:
0x1d7: {  	(pc) =	sbr.rel @p0 .LBB2_11-.Ltmp4, $3  }
0x1d8: {  	_ =	sdelay $0x1  }
0x1d9: {  	v2 =	vshll.u32 v1, $0x10;
	v1 =	vand.u32 $0xFFFF0000, v1  }
0x1da: {  	[tilespmem:s29+$0x90] =	vst v2  }
0x1db: {  	[tilespmem:s25+$0xD0] =	vst v1  }
0x1dc: {  	v1 =	vld [tilespmem:s26+$0x14E0];
	_ =	sdelay $0x4  }
0x1dd: {  	v2 =	vshll.u32 v1, $0x10  }
0x1de: {  	v1 =	vand.u32 $0xFFFF0000, v1;
	[tilespmem:s25+$0xA0] =	vst v2  }
0x1df: {  	[tilespmem:s25+$0xE0] =	vst v1  }
0x1e0: {  	v1 =	vld [tilespmem:s26+$0x14F0];
	_ =	sdelay $0x4  }
0x1e1: {  	v2 =	vshll.u32 v1, $0x10  }
0x1e2: {  	v1 =	vand.u32 $0xFFFF0000, v1;
	[tilespmem:s25+$0xB0] =	vst v2  }
0x1e3: {  	s31 =	sadd.s32 $0xA800, s24;
	[tilespmem:s25+$0xF0] =	vst v1  }
0x1e4: {  	[spmem:s3] =	stream.indirect.scatter.add.f32 [tilespmem:s15], [sflag:$0x3], $0x80, s31, s18, $0xb8;
	[tilespmem:$0x1F800] =	vst v63  }
0x1e5: {  	_ =	swait.ge [sflag:s16], $0x4000  }
0x1e6: {  	[sflag:s16] =	ssyncset.done $0x0  }
0x1e7: {  	[sflag:s16] =	ssyncadd.s32 $0xFFFFC000  }
0x1e8: {  	p0 =	seq.s32 s23, $0x13;
	_ =	swait.ge [sflag:s22], $0x2000  }
0x1e9: {  	s28 =	simm.s32 @!p0 $0x1400;
	[sflag:s22] =	ssyncset.done $0x0  }
0x1ea: {  	s26 =	simm.s32 @!p0 $0x80;
	s25 =	sadd.s32 @!p0 $0x100, s24;
	[sflag:s22] =	ssyncadd.s32 $0xFFFFE000  }
0x1eb: {  	[tilespmem:s28], [sflag:$0x1] =	stream.indirect.gather @!p0 [hbm4b:s1+s26], $0x40, s25, s26, $0xb8;
	[tilespmem:$0x1F800] =	vst v63  }
0x1ec: {  	s26 =	simm.s32 $0x0  }
0x1ed: {  	v1 =	vld [tilespmem:s26+$0x3400];
	_ =	sdelay $0x4  }
0x1ee: {  	s25 =	simm.s32 $0x5500;
	v2 =	vshll.u32 v1, $0x10  }
0x1ef: {  	v1 =	vand.u32 $0xFFFF0000, v1;
	[tilespmem:s25+$0xFFFFFF00] =	vst v2  }
0x1f0: {  	[tilespmem:s25+$0xFFFFFF40] =	vst v1  }
0x1f1: {  	v1 =	vld [tilespmem:s26+$0x3410];
	_ =	sdelay $0x4  }
0x1f2: {  	v2 =	vshll.u32 v1, $0x10  }
0x1f3: {  	v1 =	vand.u32 $0xFFFF0000, v1;
	[tilespmem:s25+$0xFFFFFF10] =	vst v2  }
0x1f4: {  	[tilespmem:s25+$0xFFFFFF50] =	vst v1  }
0x1f5: {  	v1 =	vld [tilespmem:s26+$0x3420];
	_ =	sdelay $0x4  }
0x1f6: {  	v2 =	vshll.u32 v1, $0x10  }
0x1f7: {  	v1 =	vand.u32 $0xFFFF0000, v1;
	[tilespmem:s25+$0xFFFFFF20] =	vst v2  }
0x1f8: {  	[tilespmem:s25+$0xFFFFFF60] =	vst v1  }
0x1f9: {  	v1 =	vld [tilespmem:s26+$0x3430];
	_ =	sdelay $0x4  }
0x1fa: {  	v2 =	vshll.u32 v1, $0x10  }
0x1fb: {  	v1 =	vand.u32 $0xFFFF0000, v1;
	[tilespmem:s25+$0xFFFFFF30] =	vst v2  }
0x1fc: {  	[tilespmem:s25+$0xFFFFFF70] =	vst v1  }
0x1fd: {  	v1 =	vld [tilespmem:s26+$0x3440];
	_ =	sdelay $0x4  }
0x1fe: {  	v2 =	vshll.u32 v1, $0x10  }
0x1ff: {  	v1 =	vand.u32 $0xFFFF0000, v1;
	[tilespmem:s25+$0xFFFFFF80] =	vst v2  }
0x200: {  	[tilespmem:s25+$0xFFFFFFC0] =	vst v1  }
0x201: {  	v1 =	vld [tilespmem:s26+$0x3450];
	_ =	sdelay $0x4  }
0x202: {  	v2 =	vshll.u32 v1, $0x10  }
0x203: {  	v1 =	vand.u32 $0xFFFF0000, v1;
	[tilespmem:s25+$0xFFFFFF90] =	vst v2  }
0x204: {  	[tilespmem:s25+$0xFFFFFFD0] =	vst v1  }
0x205: {  	v1 =	vld [tilespmem:s26+$0x3460];
	_ =	sdelay $0x4  }
0x206: {  	v2 =	vshll.u32 v1, $0x10  }
0x207: {  	v1 =	vand.u32 $0xFFFF0000, v1;
	[tilespmem:s25+$0xFFFFFFA0] =	vst v2  }
0x208: {  	[tilespmem:s25+$0xFFFFFFE0] =	vst v1  }
0x209: {  	v1 =	vld [tilespmem:s26+$0x3470];
	_ =	sdelay $0x4  }
0x20a: {  	v2 =	vshll.u32 v1, $0x10  }
0x20b: {  	v1 =	vand.u32 $0xFFFF0000, v1;
	[tilespmem:s25+$0xFFFFFFB0] =	vst v2  }
0x20c: {  	[tilespmem:s25+$0xFFFFFFF0] =	vst v1  }
0x20d: {  	v1 =	vld [tilespmem:s26+$0x3480];
	_ =	sdelay $0x4  }
0x20e: {  	v2 =	vshll.u32 v1, $0x10  }
0x20f: {  	v1 =	vand.u32 $0xFFFF0000, v1;
	[tilespmem:s25+$0x0] =	vst v2  }
0x210: {  	[tilespmem:s25+$0x40] =	vst v1  }
0x211: {  	v1 =	vld [tilespmem:s26+$0x3490];
	_ =	sdelay $0x4  }
0x212: {  	v2 =	vshll.u32 v1, $0x10  }
0x213: {  	v1 =	vand.u32 $0xFFFF0000, v1;
	[tilespmem:s25+$0x10] =	vst v2  }
0x214: {  	[tilespmem:s25+$0x50] =	vst v1  }
0x215: {  	v1 =	vld [tilespmem:s26+$0x34A0];
	_ =	sdelay $0x4  }
0x216: {  	v2 =	vshll.u32 v1, $0x10  }
0x217: {  	v1 =	vand.u32 $0xFFFF0000, v1;
	[tilespmem:s25+$0x20] =	vst v2  }
0x218: {  	[tilespmem:s25+$0x60] =	vst v1  }
0x219: {  	v1 =	vld [tilespmem:s26+$0x34B0];
	_ =	sdelay $0x4  }
0x21a: {  	v2 =	vshll.u32 v1, $0x10  }
0x21b: {  	v1 =	vand.u32 $0xFFFF0000, v1;
	[tilespmem:s25+$0x30] =	vst v2  }
0x21c: {  	[tilespmem:s25+$0x70] =	vst v1  }
0x21d: {  	v1 =	vld [tilespmem:s26+$0x34C0];
	_ =	sdelay $0x4  }
0x21e: {  	v2 =	vshll.u32 v1, $0x10  }
0x21f: {  	v1 =	vand.u32 $0xFFFF0000, v1;
	[tilespmem:s25+$0x80] =	vst v2  }
0x220: {  	[tilespmem:s25+$0xC0] =	vst v1  }
0x221: {  	v1 =	vld [tilespmem:s26+$0x34D0];
	_ =	sdelay $0x4  }
0x222: {  	v2 =	vshll.u32 v1, $0x10  }
0x223: {  	s29 =	simm.s32 $0x5500;
	s28 =	simm.s32 $0x400;
	v1 =	vand.u32 $0xFFFF0000, v1;
	[tilespmem:s25+$0x90] =	vst v2  }
.LBB2_13:
0x224: {  	p0 =	sne.s32 s28, $0x7C00  }
0x225: {  	[tilespmem:s25+$0xD0] =	vst v1;
	s29 =	sadd.s32 $0x200, s29;
	s30 =	smov.u32 s28;
	s28 =	sadd.s32 $0x400, s28  }
0x226: {  	v1 =	vld [tilespmem:s26+$0x34E0];
	_ =	sdelay $0x4  }
0x227: {  	v2 =	vshll.u32 v1, $0x10;
	v1 =	vand.u32 $0xFFFF0000, v1  }
0x228: {  	[tilespmem:s25+$0xA0] =	vst v2  }
0x229: {  	[tilespmem:s25+$0xE0] =	vst v1  }
0x22a: {  	v1 =	vld [tilespmem:s26+$0x34F0];
	_ =	sdelay $0x4  }
0x22b: {  	v2 =	vshll.u32 v1, $0x10;
	v1 =	vand.u32 $0xFFFF0000, v1  }
0x22c: {  	[tilespmem:s25+$0xB0] =	vst v2  }
0x22d: {  	s26 =	sshra.s32 s30, $0x2;
	[tilespmem:s25+$0xF0] =	vst v1;
	s25 =	smov.u32 s29  }
0x22e: {  	v1 =	vld [tilespmem:s26+$0x3400];
	_ =	sdelay $0x4  }
0x22f: {  	v2 =	vshll.u32 v1, $0x10;
	v1 =	vand.u32 $0xFFFF0000, v1  }
0x230: {  	[tilespmem:s29+$0xFFFFFF00] =	vst v2  }
0x231: {  	[tilespmem:s29+$0xFFFFFF40] =	vst v1  }
0x232: {  	v1 =	vld [tilespmem:s26+$0x3410];
	_ =	sdelay $0x4  }
0x233: {  	v2 =	vshll.u32 v1, $0x10;
	v1 =	vand.u32 $0xFFFF0000, v1  }
0x234: {  	[tilespmem:s29+$0xFFFFFF10] =	vst v2  }
0x235: {  	[tilespmem:s29+$0xFFFFFF50] =	vst v1  }
0x236: {  	v1 =	vld [tilespmem:s26+$0x3420];
	_ =	sdelay $0x4  }
0x237: {  	v2 =	vshll.u32 v1, $0x10;
	v1 =	vand.u32 $0xFFFF0000, v1  }
0x238: {  	[tilespmem:s29+$0xFFFFFF20] =	vst v2  }
0x239: {  	[tilespmem:s29+$0xFFFFFF60] =	vst v1  }
0x23a: {  	v1 =	vld [tilespmem:s26+$0x3430];
	_ =	sdelay $0x4  }
0x23b: {  	v2 =	vshll.u32 v1, $0x10;
	v1 =	vand.u32 $0xFFFF0000, v1  }
0x23c: {  	[tilespmem:s29+$0xFFFFFF30] =	vst v2  }
0x23d: {  	[tilespmem:s29+$0xFFFFFF70] =	vst v1  }
0x23e: {  	v1 =	vld [tilespmem:s26+$0x3440];
	_ =	sdelay $0x4  }
0x23f: {  	v2 =	vshll.u32 v1, $0x10;
	v1 =	vand.u32 $0xFFFF0000, v1  }
0x240: {  	[tilespmem:s29+$0xFFFFFF80] =	vst v2  }
0x241: {  	[tilespmem:s29+$0xFFFFFFC0] =	vst v1  }
0x242: {  	v1 =	vld [tilespmem:s26+$0x3450];
	_ =	sdelay $0x4  }
0x243: {  	v2 =	vshll.u32 v1, $0x10;
	v1 =	vand.u32 $0xFFFF0000, v1  }
0x244: {  	[tilespmem:s29+$0xFFFFFF90] =	vst v2  }
0x245: {  	[tilespmem:s29+$0xFFFFFFD0] =	vst v1  }
0x246: {  	v1 =	vld [tilespmem:s26+$0x3460];
	_ =	sdelay $0x4  }
0x247: {  	v2 =	vshll.u32 v1, $0x10;
	v1 =	vand.u32 $0xFFFF0000, v1  }
0x248: {  	[tilespmem:s29+$0xFFFFFFA0] =	vst v2  }
0x249: {  	[tilespmem:s29+$0xFFFFFFE0] =	vst v1  }
0x24a: {  	v1 =	vld [tilespmem:s26+$0x3470];
	_ =	sdelay $0x4  }
0x24b: {  	v2 =	vshll.u32 v1, $0x10;
	v1 =	vand.u32 $0xFFFF0000, v1  }
0x24c: {  	[tilespmem:s29+$0xFFFFFFB0] =	vst v2  }
0x24d: {  	[tilespmem:s29+$0xFFFFFFF0] =	vst v1  }
0x24e: {  	v1 =	vld [tilespmem:s26+$0x3480];
	_ =	sdelay $0x4  }
0x24f: {  	v2 =	vshll.u32 v1, $0x10;
	v1 =	vand.u32 $0xFFFF0000, v1  }
0x250: {  	[tilespmem:s29+$0x0] =	vst v2  }
0x251: {  	[tilespmem:s29+$0x40] =	vst v1  }
0x252: {  	v1 =	vld [tilespmem:s26+$0x3490];
	_ =	sdelay $0x4  }
0x253: {  	v2 =	vshll.u32 v1, $0x10;
	v1 =	vand.u32 $0xFFFF0000, v1  }
0x254: {  	[tilespmem:s29+$0x10] =	vst v2  }
0x255: {  	[tilespmem:s29+$0x50] =	vst v1  }
0x256: {  	v1 =	vld [tilespmem:s26+$0x34A0];
	_ =	sdelay $0x4  }
0x257: {  	v2 =	vshll.u32 v1, $0x10;
	v1 =	vand.u32 $0xFFFF0000, v1  }
0x258: {  	[tilespmem:s29+$0x20] =	vst v2  }
0x259: {  	[tilespmem:s29+$0x60] =	vst v1  }
0x25a: {  	v1 =	vld [tilespmem:s26+$0x34B0];
	_ =	sdelay $0x4  }
0x25b: {  	v2 =	vshll.u32 v1, $0x10;
	v1 =	vand.u32 $0xFFFF0000, v1  }
0x25c: {  	[tilespmem:s29+$0x30] =	vst v2  }
0x25d: {  	[tilespmem:s29+$0x70] =	vst v1  }
0x25e: {  	v1 =	vld [tilespmem:s26+$0x34C0];
	_ =	sdelay $0x4  }
0x25f: {  	v2 =	vshll.u32 v1, $0x10;
	v1 =	vand.u32 $0xFFFF0000, v1  }
0x260: {  	[tilespmem:s29+$0x80] =	vst v2  }
0x261: {  	[tilespmem:s29+$0xC0] =	vst v1  }
0x262: {  	v1 =	vld [tilespmem:s26+$0x34D0];
	_ =	sdelay $0x1  }
.Ltmp5:
0x263: {  	(pc) =	sbr.rel @p0 .LBB2_13-.Ltmp5, $3  }
0x264: {  	_ =	sdelay $0x1  }
0x265: {  	v2 =	vshll.u32 v1, $0x10;
	v1 =	vand.u32 $0xFFFF0000, v1  }
0x266: {  	[tilespmem:s29+$0x90] =	vst v2  }
0x267: {  	[tilespmem:s25+$0xD0] =	vst v1  }
0x268: {  	v1 =	vld [tilespmem:s26+$0x34E0];
	_ =	sdelay $0x4  }
0x269: {  	v2 =	vshll.u32 v1, $0x10  }
0x26a: {  	v1 =	vand.u32 $0xFFFF0000, v1;
	[tilespmem:s25+$0xA0] =	vst v2  }
0x26b: {  	[tilespmem:s25+$0xE0] =	vst v1  }
0x26c: {  	v1 =	vld [tilespmem:s26+$0x34F0];
	_ =	sdelay $0x4  }
0x26d: {  	s23 =	sadd.s32 $0x1, s23;
	v2 =	vshll.u32 v1, $0x10  }
0x26e: {  	p0 =	sne.s32 s23, $0x14;
	v1 =	vand.u32 $0xFFFF0000, v1;
	[tilespmem:s25+$0xB0] =	vst v2  }
.Ltmp6:
0x26f: {  	s24 =	sadd.s32 $0xA880, s24;
	[tilespmem:s25+$0xF0] =	vst v1;
	(pc) =	sbr.rel @p0 .LBB2_10-.Ltmp6, $4  }
0x270: {  	[spmem:s3] =	stream.indirect.scatter.add.f32 [tilespmem:s15], [sflag:$0x3], $0x80, s24, s18, $0xb8;
	[tilespmem:$0x1F800] =	vst v63  }
0x271: {  	_ =	swait.ge [sflag:s16], $0x4000  }
0x272: {  	[sflag:s16] =	ssyncset.done $0x0  }
0x273: {  	[sflag:s16] =	ssyncadd.s32 $0xFFFFC000  }
0x274: {  	s4 =	sadd.s32 $0x1, s4  }
0x275: {  	s23 =	sshll.u32 s0, $0x6;
	[bflag:$0x0] =	sbarrier.arrive $0xFFFF;
	p0 =	sne.s32 s4, s14  }
.Ltmp7:
0x276: {  	s24 =	sshrl.u32 s5, $0x3;
	s23 =	sor.u32 $0x1C03, s23;
	(pc) =	sbr.rel @p0 .LBB2_1-.Ltmp7, $4  }
0x277: {  	[hbm:s13], [sflag:s23] =	dma.local [spmem:s24], $0x2780  }
0x278: {  	_ =	swait.ge [sflag:s16], $0x2780  }
0x279: {  	[sflag:s16] =	ssyncset.done $0x0  }
0x27a: {  	[sflag:s16] =	ssyncadd.s32 $0xFFFFD880  }
0x27b: {  	_ =	sfence.sel $0x180000  }
0x27c: {  	[bflag:$0x0] =	sbarrier.arrive $0xFFFF  }
0x27d: {  	p0 =	sne.s32 s0, $0x0;
	_ =	strace $0x9000004A  }
0x27e: {  	s0 =	sadd.s32 @!p0 $0x100000, s2;
	[bflag:$0x2] =	sbarrier.arrive $0xFFFF  }
0x27f: {  	[sflag:s0] =	ssyncadd.tile.s32 @!p0 $0x1;
	_ =	shalt  }
.Lfunc_end2:
_tile_overlayer_lowered:
.L_overlay_start_2:
0x280: {  	(tag) =	ssettag $0x2  }
0x281: {  	s0 =	rddreg [dreg:$0x0];
	s2 =	stileid.u32  }
0x282: {  	s1 =	rddreg [dreg:$0x1];
	p0 =	sne.s32 s2, $0x0  }
0x283: {  	s3 =	rddreg [dreg:$0x2];
	[bflag:$0x3] =	sbarrier.arrive $0xFFFF;
	s2 =	simm.s32 @!p0 $0x1C03  }
0x284: {  	[timem:s3], [sflag:s2] =	dma.local @!p0 [hbm:s0], s1  }
0x285: {  	s0 =	simm.s32 @!p0 $0x3  }
0x286: {  	_ =	swait.ge @!p0 [sflag:s0], s1  }
0x287: {  	s1 =	ssub.s32 @!p0 $0x0, s1;
	[sflag:s0] =	ssyncset.done @!p0 $0x0  }
0x288: {  	[sflag:s0] =	ssyncadd.s32 @!p0 s1  }
0x289: {  	[bflag:$0x3] =	sbarrier.arrive $0xFFFF  }
0x28a: {  	_ =	shalt  }

// kernel: kernel.7.cloned.1.call-start
scs
__scs_entry_jumppad:
0x0: {  	(pc) =	sbr.rel $0x88, $3  }
0x1: {  	(tag) =	ssettag $0x0;
	lr =	simm.s32 $0x1  }
0x2: {  	[smem:$0x3F99] =	sst lr;
	_ =	strace $0xD0000000  }
0x3: {  	_ = 	snop  }
0x4: {  	_ = 	snop  }
0x5: {  	_ = 	snop  }
0x6: {  	_ = 	snop  }
0x7: {  	_ = 	snop  }
__scs_overlays_trampoline_lowered:
0x8: {  	[smem:$0x3FA8] =	sst s0  }
0x9: {  	[smem:$0x3FA9] =	sst s1  }
0xa: {  	[smem:$0x3FAA] =	sst s2  }
0xb: {  	[smem:$0x3FAB] =	sst s3  }
0xc: {  	[smem:$0x3FAC] =	sst s4  }
0xd: {  	[smem:$0x3FAD] =	sst s5  }
0xe: {  	[smem:$0x3FAE] =	sst s6  }
0xf: {  	[smem:$0x3FAF] =	sst s7  }
0x10: {  	[smem:$0x3FB0] =	sst s8  }
0x11: {  	[smem:$0x3FB1] =	sst s9;
	s0 =	simm.s32 @!p0 $0x0  }
0x12: {  	s1 =	sld [smem:$0x3F97];
	s0 =	simm.s32 @p0 $0x1  }
0x13: {  	[smem:$0x3FB2] =	sst s0;
	s0 =	simm.s32 @!p1 $0x0  }
0x14: {  	s2 =	sld [smem:$0x3F96];
	s0 =	simm.s32 @p1 $0x1  }
0x15: {  	[smem:$0x3FB3] =	sst s0;
	s0 =	simm.s32 @!p2 $0x0  }
0x16: {  	s3 =	sld [smem:$0x3FDB];
	s0 =	simm.s32 @p2 $0x1  }
0x17: {  	s4 =	simm.s32 $0x1BF5;
	[smem:$0x3FB5] =	sst s0  }
0x18: {  	s0 =	sld [smem:$0x3F98];
	_ =	swait.ge [sflag:s4], $0x0  }
0x19: {  	s7 =	sld [smem:$0x3F99]  }
0x1a: {  	s8 =	sadd.s32 $0xFFFFE003, lr  }
0x1b: {  	s9 =	sadd.s32 $0xFFFFFEF7, lr;
	s5 =	simm.s32 $0xFFFFFFFF;
	p2 =	slt.u32 s8, $0xFFFFF086  }
0x1c: {  	p1 =	slt.u32 s9, $0xF7A;
	s5 =	simm.s32 @!p2 $0x0  }
0x1d: {  	s5 =	simm.s32 @p1 $0x1;
	p0 =	seq.s32 s7, s2  }
0x1e: {  	s7 =	smul.u32 @!p0 $0xF7A, s2;
	p2 =	seq.s32 @!p0 s5, $0x0  }
0x1f: {  	s9 =	smul.u32 $0xF7A, s1;
	s8 =	simm.s32 @!p0 $0x1BF5;
	p2 =	por !p2, p0  }
0x20: {  	[sflag:s8] =	ssyncset.s32 @!p0 $0xFFFFF086;
	s6 =	sadd.s32 @!p0 s3, s7;
	s7 =	simm.s32 @!p0 $0x108  }
0x21: {  	s3 =	sadd.s32 s3, s9;
	s6 =	sadd.s32 @!p0 $0x88, s6;
	s7 =	simm.s32 @p2 $0x1082  }
0x22: {  	[simem:s7], [sflag:s8] =	dma.local @!p0 [hbm:s6], $0xF7A  }
0x23: {  	s9 =	sor.u32 $0xD0000000, s2;
	s6 =	simm.s32 $0x108;
	_ =	swait.ge @!p0 [sflag:s8], $0x0  }
0x24: {  	s3 =	sadd.s32 $0x88, s3;
	s6 =	simm.s32 @!p1 $0x1082;
	[sflag:s4] =	ssyncset.s32 $0xFFFFF086  }
0x25: {  	[simem:s6], [sflag:s4] =	dma.local [hbm:s3], $0xF7A  }
0x26: {  	[smem:$0x3F99] =	sst s1;
	(tag) =	ssettag s2;
	_ =	strace s9  }
0x27: {  	s1 =	sld [smem:$0x3FA9]  }
0x28: {  	s2 =	sld [smem:$0x3FAA]  }
0x29: {  	s4 =	sld [smem:$0x3FAC]  }
0x2a: {  	p0 =	seq.s32 s5, $0x0;
	s5 =	sld [smem:$0x3FAD]  }
0x2b: {  	s6 =	sld [smem:$0x3FAE]  }
0x2c: {  	s7 =	sld [smem:$0x3FAF]  }
0x2d: {  	s3 =	simm.s32 $0x108;
	s8 =	sld [smem:$0x3FB0]  }
0x2e: {  	s3 =	simm.s32 @!p0 $0x1082;
	s9 =	sld [smem:$0x3FB1]  }
0x2f: {  	lr =	sadd.s32 s0, s3;
	s0 =	sld [smem:$0x3FA8]  }
0x30: {  	s3 =	sld [smem:$0x3FAB]  }
0x31: {  	[smem:$0x3FB4] =	sst s10  }
0x32: {  	s10 =	sld [smem:$0x3FB2];
	_ =	sdelay $0x3  }
0x33: {  	p0 =	seq.s32 s10, $0x1;
	s10 =	sld [smem:$0x3FB4];
	_ =	sdelay $0x3  }
0x34: {  	[smem:$0x3FB4] =	sst s10  }
0x35: {  	s10 =	sld [smem:$0x3FB3];
	_ =	sdelay $0x3  }
0x36: {  	p1 =	seq.s32 s10, $0x1;
	s10 =	sld [smem:$0x3FB4];
	_ =	sdelay $0x3  }
0x37: {  	[smem:$0x3FB4] =	sst s10  }
0x38: {  	s10 =	sld [smem:$0x3FB5]  }
0x39: {  	_ = 	snop;
	(pc) =	sbr.ind lr, $3  }
0x3a: {  	_ = 	snop  }
0x3b: {  	_ = 	snop  }
0x3c: {  	p2 =	seq.s32 s10, $0x1;
	s10 =	sld [smem:$0x3FB4]  }
0x3d: {  	_ =	shalt  }
0x3e: {  	_ =	shalt  }
0x3f: {  	_ =	shalt  }
0x40: {  	_ =	shalt  }
0x41: {  	_ =	shalt  }
0x42: {  	_ =	shalt  }
0x43: {  	_ =	shalt  }
0x44: {  	_ =	shalt  }
0x45: {  	_ =	shalt  }
0x46: {  	_ =	shalt  }
0x47: {  	_ =	shalt  }
0x48: {  	_ =	shalt  }
0x49: {  	_ =	shalt  }
0x4a: {  	_ =	shalt  }
0x4b: {  	_ =	shalt  }
0x4c: {  	_ =	shalt  }
0x4d: {  	_ =	shalt  }
0x4e: {  	_ =	shalt  }
0x4f: {  	_ =	shalt  }
0x50: {  	_ =	shalt  }
0x51: {  	_ =	shalt  }
0x52: {  	_ =	shalt  }
0x53: {  	_ =	shalt  }
0x54: {  	_ =	shalt  }
0x55: {  	_ =	shalt  }
0x56: {  	_ =	shalt  }
0x57: {  	_ =	shalt  }
0x58: {  	_ =	shalt  }
0x59: {  	_ =	shalt  }
0x5a: {  	_ =	shalt  }
0x5b: {  	_ =	shalt  }
0x5c: {  	_ =	shalt  }
0x5d: {  	_ =	shalt  }
0x5e: {  	_ =	shalt  }
0x5f: {  	_ =	shalt  }
0x60: {  	_ =	shalt  }
0x61: {  	_ =	shalt  }
0x62: {  	_ =	shalt  }
0x63: {  	_ =	shalt  }
0x64: {  	_ =	shalt  }
0x65: {  	_ =	shalt  }
0x66: {  	_ =	shalt  }
0x67: {  	_ =	shalt  }
0x68: {  	_ =	shalt  }
0x69: {  	_ =	shalt  }
0x6a: {  	_ =	shalt  }
0x6b: {  	_ =	shalt  }
0x6c: {  	_ =	shalt  }
0x6d: {  	_ =	shalt  }
0x6e: {  	_ =	shalt  }
0x6f: {  	_ =	shalt  }
0x70: {  	_ =	shalt  }
0x71: {  	_ =	shalt  }
0x72: {  	_ =	shalt  }
0x73: {  	_ =	shalt  }
0x74: {  	_ =	shalt  }
0x75: {  	_ =	shalt  }
0x76: {  	_ =	shalt  }
0x77: {  	_ =	shalt  }
0x78: {  	_ =	shalt  }
0x79: {  	_ =	shalt  }
0x7a: {  	_ =	shalt  }
0x7b: {  	_ =	shalt  }
0x7c: {  	_ =	shalt  }
0x7d: {  	_ =	shalt  }
0x7e: {  	_ =	shalt  }
0x7f: {  	_ =	shalt  }
0x80: {  	_ =	shalt  }
0x81: {  	_ =	shalt  }
0x82: {  	_ =	shalt  }
0x83: {  	_ =	shalt  }
0x84: {  	_ =	shalt  }
0x85: {  	_ =	shalt  }
0x86: {  	_ =	shalt  }
0x87: {  	_ =	shalt  }
.Lfunc_end0:
.L_simem_size_0:
called_computation_lowered:
.L_overlay_start_0:
0x88: {  	s2 =	sld [smem:$0x3FD9]  }
0x89: {  	s3 =	sld [smem:$0x3FFE];
	_ =	sdelay $0x1  }
0x8a: {  	s1 =	srdreg.scid  }
0x8b: {  	s0 =	sand.u32 $0x1, s1  }
0x8c: {  	s17 =	sshll.u32 s0, $0xA;
	s2 =	sadd.s32 s3, s2  }
0x8d: {  	s2 =	sadd.s32 s2, s17  }
0x8e: {  	[smem:$0x3FC0] =	sst s2  }
0x8f: {  	_ = 	snop  }
0x90: {  	s2 =	sld [smem:$0x3FD0];
	(tm) =	ssettm $0x1  }
0x91: {  	s18 =	sld [smem:$0x3FFB];
	_ =	sdelay $0x3  }
0x92: {  	_ =	strace s18  }
0x93: {  	s3 =	sld [smem:$0x3FFC];
	_ =	sdelay $0x3  }
0x94: {  	_ =	strace s3  }
0x95: {  	s3 =	sld [smem:$0x3FFD];
	_ =	sdelay $0x3  }
0x96: {  	_ =	strace s3  }
0x97: {  	_ =	strace $0x8FFFFFFF  }
0x98: {  	s19 =	sld [smem:$0x3FDB];
	_ =	sdelay $0x1  }
0x99: {  	s4 =	simm.s32 $_scs_section_size  }
0x9a: {  	s5 =	simm.s32 $_size__tile_overlayer_lowered;
	s6 =	simm.s32 $_tile_overlayer_lowered  }
0x9b: {  	s22 =	simm.s32 $0x1BFF;
	s21 =	sshll.u32 s6, $0x1;
	s3 =	sadd.s32 s4, s19  }
0x9c: {  	s7 =	simm.s32 $0x0;
	s20 =	sshll.u32 s5, $0x1;
	s5 =	sadd.s32 s21, s3  }
0x9d: {  	[timem:s7], [sflag:s22] =	dma.local [hbm:s5], s20  }
0x9e: {  	_ =	swait.ge [sflag:s22], s20  }
0x9f: {  	s4 =	ssub.s32 $0x0, s20;
	[sflag:s22] =	ssyncset.done $0x0  }
0xa0: {  	[sflag:s22] =	ssyncadd.s32 s4;
	_ =	sdelay $0x1  }
0xa1: {  	s23 =	simm.s32 $0x1B8B  }
0xa2: {  	_ =	swait.ge [sflag:s23], $0x1  }
0xa3: {  	[sflag:s23] =	ssyncset.done $0x0  }
0xa4: {  	s25 =	simm.s32 $0x1B8E;
	s24 =	sld [smem:$0x3FFE];
	[sflag:s23] =	ssyncadd.s32 $0xFFFFFFFF  }
0xa5: {  	s26 =	simm.s32 $execute0_lowered;
	[smem:$0x3FD2] =	sst s25  }
0xa6: {  	s5 =	sshll.u32 s26, $0x1;
	_ =	strace $0x80000046;
	[dreg:$0x1] =	wrdreg $0xFFFFFFFF  }
0xa7: {  	s28 =	simm.s32 $_size_execute0_lowered;
	s3 =	sadd.s32 s3, s5;
	[dreg:$0x0] =	wrdreg $0x0  }
0xa8: {  	s5 =	sshll.u32 s28, $0x1;
	[dreg:$0x2] =	wrdreg s3  }
0xa9: {  	[dreg:$0x3] =	wrdreg s5  }
0xaa: {  	[dreg:$0x4] =	wrdreg $0xC0  }
0xab: {  	_ =	task [dreg:s7], $0x5FFFF  }
0xac: {  	[dreg:$0x1] =	wrdreg $0xFFFFFFFF  }
0xad: {  	[dreg:$0x0] =	wrdreg $0x60  }
0xae: {  	[dreg:$0x2] =	wrdreg s2  }
0xaf: {  	[dreg:$0x3] =	wrdreg s24  }
0xb0: {  	[dreg:$0x4] =	wrdreg $0xBC000  }
0xb1: {  	[dreg:$0x5] =	wrdreg $0x9  }
0xb2: {  	_ =	task.clear_ibuf [dreg:s7], $0x6FFFF;
	_ =	strace $0x90000046  }
0xb3: {  	s29 =	simm.s32 $0x9;
	_ =	strace $0x80000048  }
0xb4: {  	_ =	swait.ge [sflag:s29], $0x1  }
0xb5: {  	[sflag:s29] =	ssyncadd.s32 $0xFFFFFFFF  }
0xb6: {  	_ =	strace $0x90000048  }
0xb7: {  	_ =	sfence  }
0xb8: {  	s30 =	sld [smem:$0x0];
	_ =	sdelay $0x2  }
0xb9: {  	s31 =	sshll.u32 s1, $0xD;
	s1 =	sshrl.u32 s1, $0x2  }
0xba: {  	s3 =	sand.u32 $0x4000, s31;
	s1 =	sadd.s32 s1, s30  }
0xbb: {  	s0 =	sor.u32 s3, s0;
	s1 =	sshll.u32 s1, $0x11  }
0xbc: {  	s0 =	sor.u32 s1, s0  }
0xbd: {  	s0 =	sadd.s32 $0x8F2B, s0  }
0xbe: {  	[sflag:s0] =	ssyncadd.remote.s32 $0x1  }
0xbf: {  	_ =	sfence.sel $0xFFFF  }
0xc0: {  	[dreg:$0x0] =	wrdreg $0xFFFFFFFF;
	(pc) =	sbr.abs _section_cstart, $3  }
0xc1: {  	[dreg:$0x1] =	wrdreg $0xFFFFFFFF  }
0xc2: {  	_ =	task.clear_ibuf [dreg:s7], $0x2FFFF;
	_ =	strace $0x9FFFFFFF  }
0xc3: {  	(tm) =	ssettm $0x7FFFFFFF  }
tec
execute0_lowered:
.L_overlay_start_1:
0x0: {  	(tag) =	ssettag $0x1  }
0x1: {  	s1 =	rddreg [dreg:$0x0]  }
0x2: {  	s6 =	rddreg [dreg:$0x1]  }
0x3: {  	s0 =	srdreg.scid;
	s3 =	rddreg [dreg:$0x2];
	s4 =	simm.s32 $0x0  }
0x4: {  	s15 =	simm.s32 $0x5400;
	s16 =	simm.s32 $0x3;
	s17 =	simm.s32 $0x9400  }
0x5: {  	s18 =	simm.s32 $0x80;
	s19 =	simm.s32 $0x1400;
	s20 =	simm.s32 $0x1  }
0x6: {  	s21 =	simm.s32 $0x3400;
	s5 =	sand.u32 $0x1, s0;
	s0 =	stileid.u32  }
0x7: {  	s22 =	simm.s32 $0x2;
	[smem:$0x7FF] =	sst s4;
	s8 =	smul.u32 $0x13C00, s0  }
0x8: {  	s2 =	sshll.u32 s5, $0x4;
	s9 =	smul.u32 $0x13C000, s5;
	s5 =	ssub.s32 $0x2, s5  }
0x9: {  	s10 =	smul.u32 $0x4F000, s0;
	s2 =	sor.u32 s0, s2;
	s30 =	sshrl.u32 s5, $0x1  }
0xa: {  	s7 =	smul.u32 $0x2800, s2;
	s2 =	rddreg [dreg:$0x3];
	_ =	strace $0x80000047  }
0xb: {  	s29 =	sadd.s32 s8, s9;
	s10 =	sshrl.u32 s10, $0x2;
	s14 =	ssub.s32 s5, s30  }
0xc: {  	s5 =	sadd.s32 s8, s3;
	s31 =	sadd.s32 s10, s3;
	s7 =	sshrl.u32 s7, $0x3  }
0xd: {  	s14 =	smax.u32 s14, $0x1;
	s12 =	sadd.s32 s7, s6;
	s7 =	sshrl.u32 s29, $0x3  }
0xe: {  	s8 =	sadd.s32 $0xC000, s31;
	s9 =	sadd.s32 $0x10000, s31;
	s13 =	sadd.s32 s7, s6  }
0xf: {  	s6 =	sadd.s32 $0x4000, s31;
	s7 =	sadd.s32 $0x8000, s31;
	s10 =	sadd.s32 $0x1200, s12  }
0x10: {  	v0 =	vimm.f32 $0.0e+00;
	s11 =	sadd.s32 $0xB200, s12;
	s12 =	sadd.s32 $0xB480, s12;
	s13 =	sadd.s32 $0x15200, s13  }
.LBB2_1:
0x11: {  	s23 =	simm.s32 $0x0;
	s24 =	simm.s32 $0x200  }
.LBB2_2:
0x12: {  	p0 =	sne.s32 s24, $0xFE00;
	[tilespmem:s23+$0x5470] =	vst v0  }
0x13: {  	[tilespmem:s23+$0x5400] =	vst v0  }
0x14: {  	[tilespmem:s23+$0x5410] =	vst v0  }
.Ltmp0:
0x15: {  	[tilespmem:s23+$0x5420] =	vst v0;
	(pc) =	sbr.rel @p0 .LBB2_2-.Ltmp0, $4  }
0x16: {  	[tilespmem:s23+$0x5430] =	vst v0  }
0x17: {  	[tilespmem:s23+$0x5440] =	vst v0  }
0x18: {  	[tilespmem:s23+$0x5450] =	vst v0  }
0x19: {  	[tilespmem:s23+$0x5460] =	vst v0;
	s23 =	sshra.s32 s24, $0x2;
	s24 =	sadd.s32 $0x200, s24  }
0x1a: {  	[tilespmem:s23+$0x5470] =	vst v0  }
0x1b: {  	[tilespmem:s23+$0x5400] =	vst v0  }
0x1c: {  	[tilespmem:s23+$0x5410] =	vst v0  }
0x1d: {  	[tilespmem:s23+$0x5420] =	vst v0  }
0x1e: {  	[tilespmem:s23+$0x5430] =	vst v0  }
0x1f: {  	[tilespmem:s23+$0x5440] =	vst v0  }
0x20: {  	[tilespmem:s23+$0x5450] =	vst v0  }
0x21: {  	[tilespmem:s23+$0x5460] =	vst v0  }
0x22: {  	[spmem:s5] =	stream.linear.scatter [tilespmem:s15], [sflag:$0x3], $0x4000, $0x38;
	[tilespmem:$0x1F800] =	vst v63  }
0x23: {  	_ =	swait.ge [sflag:s16], $0x4000  }
0x24: {  	[sflag:s16] =	ssyncset.done $0x0  }
0x25: {  	[sflag:s16] =	ssyncadd.s32 $0xFFFFC000  }
0x26: {  	[spmem:s6] =	stream.linear.scatter [tilespmem:s15], [sflag:$0x3], $0x4000, $0x38;
	[tilespmem:$0x1F800] =	vst v63  }
0x27: {  	_ =	swait.ge [sflag:s16], $0x4000  }
0x28: {  	[sflag:s16] =	ssyncset.done $0x0  }
0x29: {  	[sflag:s16] =	ssyncadd.s32 $0xFFFFC000  }
0x2a: {  	[spmem:s7] =	stream.linear.scatter [tilespmem:s15], [sflag:$0x3], $0x4000, $0x38;
	[tilespmem:$0x1F800] =	vst v63  }
0x2b: {  	_ =	swait.ge [sflag:s16], $0x4000  }
0x2c: {  	[sflag:s16] =	ssyncset.done $0x0  }
0x2d: {  	[sflag:s16] =	ssyncadd.s32 $0xFFFFC000  }
0x2e: {  	[spmem:s8] =	stream.linear.scatter [tilespmem:s15], [sflag:$0x3], $0x4000, $0x38;
	[tilespmem:$0x1F800] =	vst v63  }
0x2f: {  	_ =	swait.ge [sflag:s16], $0x4000  }
0x30: {  	[sflag:s16] =	ssyncset.done $0x0  }
0x31: {  	[sflag:s16] =	ssyncadd.s32 $0xFFFFC000  }
0x32: {  	[spmem:s9] =	stream.linear.scatter [tilespmem:s15], [sflag:$0x3], $0x3C00, $0x38;
	[tilespmem:$0x1F800] =	vst v63  }
0x33: {  	_ =	swait.ge [sflag:s16], $0x3C00  }
0x34: {  	[sflag:s16] =	ssyncset.done $0x0  }
0x35: {  	s23 =	simm.s32 $0x0;
	[sflag:s16] =	ssyncadd.s32 $0xFFFFC400  }
0x36: {  	[tilespmem:s17], [sflag:$0x3] =	stream.linear.gather [hbm4b:s10+s23], $0x2800, $0x38;
	[tilespmem:$0x1F800] =	vst v63  }
0x37: {  	_ =	swait.ge [sflag:s16], $0x2800  }
0x38: {  	[sflag:s16] =	ssyncset.done $0x0  }
0x39: {  	[sflag:s16] =	ssyncadd.s32 $0xFFFFD800  }
0x3a: {  	[bflag:$0x0] =	sbarrier.arrive $0xFFFF  }
0x3b: {  	[tilespmem:s23], [sflag:$0x3] =	stream.linear.gather [hbm4b:s11+s23], $0x1400, $0x38;
	[tilespmem:$0x1F800] =	vst v63  }
0x3c: {  	_ =	swait.ge [sflag:s16], $0x1400  }
0x3d: {  	[sflag:s16] =	ssyncset.done $0x0  }
0x3e: {  	[sflag:s16] =	ssyncadd.s32 $0xFFFFEC00  }
0x3f: {  	[tilespmem:s19], [sflag:$0x1] =	stream.indirect.gather [hbm4b:s1+s18], $0x40, s23, s18, $0xb8;
	[tilespmem:$0x1F800] =	vst v63  }
.LBB2_4:
0x40: {  	_ =	swait.ge [sflag:s20], $0x2000  }
0x41: {  	s24 =	sshll.u32 s23, $0x8;
	[sflag:s20] =	ssyncset.done $0x0  }
0x42: {  	s26 =	simm.s32 $0x0;
	s24 =	sor.u32 $0x80, s24;
	[sflag:s20] =	ssyncadd.s32 $0xFFFFE000  }
0x43: {  	[tilespmem:s21], [sflag:$0x2] =	stream.indirect.gather [hbm4b:s1+s18], $0x40, s24, s18, $0xb8;
	[tilespmem:$0x1F800] =	vst v63  }
0x44: {  	v1 =	vld [tilespmem:s26+$0x1400];
	_ =	sdelay $0x4  }
0x45: {  	s25 =	simm.s32 $0x5500;
	v2 =	vshll.u32 v1, $0x10  }
0x46: {  	v1 =	vand.u32 $0xFFFF0000, v1;
	[tilespmem:s25+$0xFFFFFF00] =	vst v2  }
0x47: {  	[tilespmem:s25+$0xFFFFFF40] =	vst v1  }
0x48: {  	v1 =	vld [tilespmem:s26+$0x1410];
	_ =	sdelay $0x4  }
0x49: {  	v2 =	vshll.u32 v1, $0x10  }
0x4a: {  	v1 =	vand.u32 $0xFFFF0000, v1;
	[tilespmem:s25+$0xFFFFFF10] =	vst v2  }
0x4b: {  	[tilespmem:s25+$0xFFFFFF50] =	vst v1  }
0x4c: {  	v1 =	vld [tilespmem:s26+$0x1420];
	_ =	sdelay $0x4  }
0x4d: {  	v2 =	vshll.u32 v1, $0x10  }
0x4e: {  	v1 =	vand.u32 $0xFFFF0000, v1;
	[tilespmem:s25+$0xFFFFFF20] =	vst v2  }
0x4f: {  	[tilespmem:s25+$0xFFFFFF60] =	vst v1  }
0x50: {  	v1 =	vld [tilespmem:s26+$0x1430];
	_ =	sdelay $0x4  }
0x51: {  	v2 =	vshll.u32 v1, $0x10  }
0x52: {  	v1 =	vand.u32 $0xFFFF0000, v1;
	[tilespmem:s25+$0xFFFFFF30] =	vst v2  }
0x53: {  	[tilespmem:s25+$0xFFFFFF70] =	vst v1  }
0x54: {  	v1 =	vld [tilespmem:s26+$0x1440];
	_ =	sdelay $0x4  }
0x55: {  	v2 =	vshll.u32 v1, $0x10  }
0x56: {  	v1 =	vand.u32 $0xFFFF0000, v1;
	[tilespmem:s25+$0xFFFFFF80] =	vst v2  }
0x57: {  	[tilespmem:s25+$0xFFFFFFC0] =	vst v1  }
0x58: {  	v1 =	vld [tilespmem:s26+$0x1450];
	_ =	sdelay $0x4  }
0x59: {  	v2 =	vshll.u32 v1, $0x10  }
0x5a: {  	v1 =	vand.u32 $0xFFFF0000, v1;
	[tilespmem:s25+$0xFFFFFF90] =	vst v2  }
0x5b: {  	[tilespmem:s25+$0xFFFFFFD0] =	vst v1  }
0x5c: {  	v1 =	vld [tilespmem:s26+$0x1460];
	_ =	sdelay $0x4  }
0x5d: {  	v2 =	vshll.u32 v1, $0x10  }
0x5e: {  	v1 =	vand.u32 $0xFFFF0000, v1;
	[tilespmem:s25+$0xFFFFFFA0] =	vst v2  }
0x5f: {  	[tilespmem:s25+$0xFFFFFFE0] =	vst v1  }
0x60: {  	v1 =	vld [tilespmem:s26+$0x1470];
	_ =	sdelay $0x4  }
0x61: {  	v2 =	vshll.u32 v1, $0x10  }
0x62: {  	v1 =	vand.u32 $0xFFFF0000, v1;
	[tilespmem:s25+$0xFFFFFFB0] =	vst v2  }
0x63: {  	[tilespmem:s25+$0xFFFFFFF0] =	vst v1  }
0x64: {  	v1 =	vld [tilespmem:s26+$0x1480];
	_ =	sdelay $0x4  }
0x65: {  	v2 =	vshll.u32 v1, $0x10  }
0x66: {  	v1 =	vand.u32 $0xFFFF0000, v1;
	[tilespmem:s25+$0x0] =	vst v2  }
0x67: {  	[tilespmem:s25+$0x40] =	vst v1  }
0x68: {  	v1 =	vld [tilespmem:s26+$0x1490];
	_ =	sdelay $0x4  }
0x69: {  	v2 =	vshll.u32 v1, $0x10  }
0x6a: {  	v1 =	vand.u32 $0xFFFF0000, v1;
	[tilespmem:s25+$0x10] =	vst v2  }
0x6b: {  	[tilespmem:s25+$0x50] =	vst v1  }
0x6c: {  	v1 =	vld [tilespmem:s26+$0x14A0];
	_ =	sdelay $0x4  }
0x6d: {  	v2 =	vshll.u32 v1, $0x10  }
0x6e: {  	v1 =	vand.u32 $0xFFFF0000, v1;
	[tilespmem:s25+$0x20] =	vst v2  }
0x6f: {  	[tilespmem:s25+$0x60] =	vst v1  }
0x70: {  	v1 =	vld [tilespmem:s26+$0x14B0];
	_ =	sdelay $0x4  }
0x71: {  	v2 =	vshll.u32 v1, $0x10  }
0x72: {  	v1 =	vand.u32 $0xFFFF0000, v1;
	[tilespmem:s25+$0x30] =	vst v2  }
0x73: {  	[tilespmem:s25+$0x70] =	vst v1  }
0x74: {  	v1 =	vld [tilespmem:s26+$0x14C0];
	_ =	sdelay $0x4  }
0x75: {  	v2 =	vshll.u32 v1, $0x10  }
0x76: {  	v1 =	vand.u32 $0xFFFF0000, v1;
	[tilespmem:s25+$0x80] =	vst v2  }
0x77: {  	[tilespmem:s25+$0xC0] =	vst v1  }
0x78: {  	v1 =	vld [tilespmem:s26+$0x14D0];
	_ =	sdelay $0x4  }
0x79: {  	v2 =	vshll.u32 v1, $0x10  }
0x7a: {  	s28 =	simm.s32 $0x400;
	s29 =	simm.s32 $0x5500;
	v1 =	vand.u32 $0xFFFF0000, v1;
	[tilespmem:s25+$0x90] =	vst v2  }
.LBB2_5:
0x7b: {  	p0 =	sne.s32 s28, $0x7C00  }
0x7c: {  	[tilespmem:s25+$0xD0] =	vst v1;
	s29 =	sadd.s32 $0x200, s29;
	s30 =	smov.u32 s28;
	s28 =	sadd.s32 $0x400, s28  }
0x7d: {  	v1 =	vld [tilespmem:s26+$0x14E0];
	_ =	sdelay $0x4  }
0x7e: {  	v2 =	vshll.u32 v1, $0x10;
	v1 =	vand.u32 $0xFFFF0000, v1  }
0x7f: {  	[tilespmem:s25+$0xA0] =	vst v2  }
0x80: {  	[tilespmem:s25+$0xE0] =	vst v1  }
0x81: {  	v1 =	vld [tilespmem:s26+$0x14F0];
	_ =	sdelay $0x4  }
0x82: {  	v2 =	vshll.u32 v1, $0x10;
	v1 =	vand.u32 $0xFFFF0000, v1  }
0x83: {  	[tilespmem:s25+$0xB0] =	vst v2  }
0x84: {  	s26 =	sshra.s32 s30, $0x2;
	[tilespmem:s25+$0xF0] =	vst v1;
	s25 =	smov.u32 s29  }
0x85: {  	v1 =	vld [tilespmem:s26+$0x1400];
	_ =	sdelay $0x4  }
0x86: {  	v2 =	vshll.u32 v1, $0x10;
	v1 =	vand.u32 $0xFFFF0000, v1  }
0x87: {  	[tilespmem:s29+$0xFFFFFF00] =	vst v2  }
0x88: {  	[tilespmem:s29+$0xFFFFFF40] =	vst v1  }
0x89: {  	v1 =	vld [tilespmem:s26+$0x1410];
	_ =	sdelay $0x4  }
0x8a: {  	v2 =	vshll.u32 v1, $0x10;
	v1 =	vand.u32 $0xFFFF0000, v1  }
0x8b: {  	[tilespmem:s29+$0xFFFFFF10] =	vst v2  }
0x8c: {  	[tilespmem:s29+$0xFFFFFF50] =	vst v1  }
0x8d: {  	v1 =	vld [tilespmem:s26+$0x1420];
	_ =	sdelay $0x4  }
0x8e: {  	v2 =	vshll.u32 v1, $0x10;
	v1 =	vand.u32 $0xFFFF0000, v1  }
0x8f: {  	[tilespmem:s29+$0xFFFFFF20] =	vst v2  }
0x90: {  	[tilespmem:s29+$0xFFFFFF60] =	vst v1  }
0x91: {  	v1 =	vld [tilespmem:s26+$0x1430];
	_ =	sdelay $0x4  }
0x92: {  	v2 =	vshll.u32 v1, $0x10;
	v1 =	vand.u32 $0xFFFF0000, v1  }
0x93: {  	[tilespmem:s29+$0xFFFFFF30] =	vst v2  }
0x94: {  	[tilespmem:s29+$0xFFFFFF70] =	vst v1  }
0x95: {  	v1 =	vld [tilespmem:s26+$0x1440];
	_ =	sdelay $0x4  }
0x96: {  	v2 =	vshll.u32 v1, $0x10;
	v1 =	vand.u32 $0xFFFF0000, v1  }
0x97: {  	[tilespmem:s29+$0xFFFFFF80] =	vst v2  }
0x98: {  	[tilespmem:s29+$0xFFFFFFC0] =	vst v1  }
0x99: {  	v1 =	vld [tilespmem:s26+$0x1450];
	_ =	sdelay $0x4  }
0x9a: {  	v2 =	vshll.u32 v1, $0x10;
	v1 =	vand.u32 $0xFFFF0000, v1  }
0x9b: {  	[tilespmem:s29+$0xFFFFFF90] =	vst v2  }
0x9c: {  	[tilespmem:s29+$0xFFFFFFD0] =	vst v1  }
0x9d: {  	v1 =	vld [tilespmem:s26+$0x1460];
	_ =	sdelay $0x4  }
0x9e: {  	v2 =	vshll.u32 v1, $0x10;
	v1 =	vand.u32 $0xFFFF0000, v1  }
0x9f: {  	[tilespmem:s29+$0xFFFFFFA0] =	vst v2  }
0xa0: {  	[tilespmem:s29+$0xFFFFFFE0] =	vst v1  }
0xa1: {  	v1 =	vld [tilespmem:s26+$0x1470];
	_ =	sdelay $0x4  }
0xa2: {  	v2 =	vshll.u32 v1, $0x10;
	v1 =	vand.u32 $0xFFFF0000, v1  }
0xa3: {  	[tilespmem:s29+$0xFFFFFFB0] =	vst v2  }
0xa4: {  	[tilespmem:s29+$0xFFFFFFF0] =	vst v1  }
0xa5: {  	v1 =	vld [tilespmem:s26+$0x1480];
	_ =	sdelay $0x4  }
0xa6: {  	v2 =	vshll.u32 v1, $0x10;
	v1 =	vand.u32 $0xFFFF0000, v1  }
0xa7: {  	[tilespmem:s29+$0x0] =	vst v2  }
0xa8: {  	[tilespmem:s29+$0x40] =	vst v1  }
0xa9: {  	v1 =	vld [tilespmem:s26+$0x1490];
	_ =	sdelay $0x4  }
0xaa: {  	v2 =	vshll.u32 v1, $0x10;
	v1 =	vand.u32 $0xFFFF0000, v1  }
0xab: {  	[tilespmem:s29+$0x10] =	vst v2  }
0xac: {  	[tilespmem:s29+$0x50] =	vst v1  }
0xad: {  	v1 =	vld [tilespmem:s26+$0x14A0];
	_ =	sdelay $0x4  }
0xae: {  	v2 =	vshll.u32 v1, $0x10;
	v1 =	vand.u32 $0xFFFF0000, v1  }
0xaf: {  	[tilespmem:s29+$0x20] =	vst v2  }
0xb0: {  	[tilespmem:s29+$0x60] =	vst v1  }
0xb1: {  	v1 =	vld [tilespmem:s26+$0x14B0];
	_ =	sdelay $0x4  }
0xb2: {  	v2 =	vshll.u32 v1, $0x10;
	v1 =	vand.u32 $0xFFFF0000, v1  }
0xb3: {  	[tilespmem:s29+$0x30] =	vst v2  }
0xb4: {  	[tilespmem:s29+$0x70] =	vst v1  }
0xb5: {  	v1 =	vld [tilespmem:s26+$0x14C0];
	_ =	sdelay $0x4  }
0xb6: {  	v2 =	vshll.u32 v1, $0x10;
	v1 =	vand.u32 $0xFFFF0000, v1  }
0xb7: {  	[tilespmem:s29+$0x80] =	vst v2  }
0xb8: {  	[tilespmem:s29+$0xC0] =	vst v1  }
0xb9: {  	v1 =	vld [tilespmem:s26+$0x14D0];
	_ =	sdelay $0x1  }
.Ltmp1:
0xba: {  	(pc) =	sbr.rel @p0 .LBB2_5-.Ltmp1, $3  }
0xbb: {  	_ =	sdelay $0x1  }
0xbc: {  	v2 =	vshll.u32 v1, $0x10;
	v1 =	vand.u32 $0xFFFF0000, v1  }
0xbd: {  	[tilespmem:s29+$0x90] =	vst v2  }
0xbe: {  	[tilespmem:s25+$0xD0] =	vst v1  }
0xbf: {  	v1 =	vld [tilespmem:s26+$0x14E0];
	_ =	sdelay $0x4  }
0xc0: {  	v2 =	vshll.u32 v1, $0x10  }
0xc1: {  	v1 =	vand.u32 $0xFFFF0000, v1;
	[tilespmem:s25+$0xA0] =	vst v2  }
0xc2: {  	[tilespmem:s25+$0xE0] =	vst v1  }
0xc3: {  	v1 =	vld [tilespmem:s26+$0x14F0];
	_ =	sdelay $0x4  }
0xc4: {  	s26 =	sshll.u32 s23, $0xA;
	v2 =	vshll.u32 v1, $0x10  }
0xc5: {  	s28 =	sshrl.u32 s26, $0x2;
	v1 =	vand.u32 $0xFFFF0000, v1;
	[tilespmem:s25+$0xB0] =	vst v2  }
0xc6: {  	s31 =	sadd.s32 $0x9400, s28;
	[tilespmem:s25+$0xF0] =	vst v1  }
0xc7: {  	[spmem:s3] =	stream.indirect.scatter.add.f32 [tilespmem:s15], [sflag:$0x3], $0x80, s31, s18, $0xb8;
	[tilespmem:$0x1F800] =	vst v63  }
0xc8: {  	_ =	swait.ge [sflag:s16], $0x4000  }
0xc9: {  	[sflag:s16] =	ssyncset.done $0x0  }
0xca: {  	[sflag:s16] =	ssyncadd.s32 $0xFFFFC000  }
0xcb: {  	p0 =	seq.s32 s23, $0x13;
	_ =	swait.ge [sflag:s22], $0x2000  }
0xcc: {  	s28 =	simm.s32 @!p0 $0x1400;
	s25 =	sshrl.u32 @!p0 s26, $0x2;
	[sflag:s22] =	ssyncset.done $0x0  }
0xcd: {  	s26 =	simm.s32 @!p0 $0x80;
	s25 =	sadd.s32 @!p0 $0x100, s25;
	[sflag:s22] =	ssyncadd.s32 $0xFFFFE000  }
0xce: {  	[tilespmem:s28], [sflag:$0x1] =	stream.indirect.gather @!p0 [hbm4b:s1+s26], $0x40, s25, s26, $0xb8;
	[tilespmem:$0x1F800] =	vst v63  }
0xcf: {  	s26 =	simm.s32 $0x0  }
0xd0: {  	v1 =	vld [tilespmem:s26+$0x3400];
	_ =	sdelay $0x4  }
0xd1: {  	s25 =	simm.s32 $0x5500;
	v2 =	vshll.u32 v1, $0x10  }
0xd2: {  	v1 =	vand.u32 $0xFFFF0000, v1;
	[tilespmem:s25+$0xFFFFFF00] =	vst v2  }
0xd3: {  	[tilespmem:s25+$0xFFFFFF40] =	vst v1  }
0xd4: {  	v1 =	vld [tilespmem:s26+$0x3410];
	_ =	sdelay $0x4  }
0xd5: {  	v2 =	vshll.u32 v1, $0x10  }
0xd6: {  	v1 =	vand.u32 $0xFFFF0000, v1;
	[tilespmem:s25+$0xFFFFFF10] =	vst v2  }
0xd7: {  	[tilespmem:s25+$0xFFFFFF50] =	vst v1  }
0xd8: {  	v1 =	vld [tilespmem:s26+$0x3420];
	_ =	sdelay $0x4  }
0xd9: {  	v2 =	vshll.u32 v1, $0x10  }
0xda: {  	v1 =	vand.u32 $0xFFFF0000, v1;
	[tilespmem:s25+$0xFFFFFF20] =	vst v2  }
0xdb: {  	[tilespmem:s25+$0xFFFFFF60] =	vst v1  }
0xdc: {  	v1 =	vld [tilespmem:s26+$0x3430];
	_ =	sdelay $0x4  }
0xdd: {  	v2 =	vshll.u32 v1, $0x10  }
0xde: {  	v1 =	vand.u32 $0xFFFF0000, v1;
	[tilespmem:s25+$0xFFFFFF30] =	vst v2  }
0xdf: {  	[tilespmem:s25+$0xFFFFFF70] =	vst v1  }
0xe0: {  	v1 =	vld [tilespmem:s26+$0x3440];
	_ =	sdelay $0x4  }
0xe1: {  	v2 =	vshll.u32 v1, $0x10  }
0xe2: {  	v1 =	vand.u32 $0xFFFF0000, v1;
	[tilespmem:s25+$0xFFFFFF80] =	vst v2  }
0xe3: {  	[tilespmem:s25+$0xFFFFFFC0] =	vst v1  }
0xe4: {  	v1 =	vld [tilespmem:s26+$0x3450];
	_ =	sdelay $0x4  }
0xe5: {  	v2 =	vshll.u32 v1, $0x10  }
0xe6: {  	v1 =	vand.u32 $0xFFFF0000, v1;
	[tilespmem:s25+$0xFFFFFF90] =	vst v2  }
0xe7: {  	[tilespmem:s25+$0xFFFFFFD0] =	vst v1  }
0xe8: {  	v1 =	vld [tilespmem:s26+$0x3460];
	_ =	sdelay $0x4  }
0xe9: {  	v2 =	vshll.u32 v1, $0x10  }
0xea: {  	v1 =	vand.u32 $0xFFFF0000, v1;
	[tilespmem:s25+$0xFFFFFFA0] =	vst v2  }
0xeb: {  	[tilespmem:s25+$0xFFFFFFE0] =	vst v1  }
0xec: {  	v1 =	vld [tilespmem:s26+$0x3470];
	_ =	sdelay $0x4  }
0xed: {  	v2 =	vshll.u32 v1, $0x10  }
0xee: {  	v1 =	vand.u32 $0xFFFF0000, v1;
	[tilespmem:s25+$0xFFFFFFB0] =	vst v2  }
0xef: {  	[tilespmem:s25+$0xFFFFFFF0] =	vst v1  }
0xf0: {  	v1 =	vld [tilespmem:s26+$0x3480];
	_ =	sdelay $0x4  }
0xf1: {  	v2 =	vshll.u32 v1, $0x10  }
0xf2: {  	v1 =	vand.u32 $0xFFFF0000, v1;
	[tilespmem:s25+$0x0] =	vst v2  }
0xf3: {  	[tilespmem:s25+$0x40] =	vst v1  }
0xf4: {  	v1 =	vld [tilespmem:s26+$0x3490];
	_ =	sdelay $0x4  }
0xf5: {  	v2 =	vshll.u32 v1, $0x10  }
0xf6: {  	v1 =	vand.u32 $0xFFFF0000, v1;
	[tilespmem:s25+$0x10] =	vst v2  }
0xf7: {  	[tilespmem:s25+$0x50] =	vst v1  }
0xf8: {  	v1 =	vld [tilespmem:s26+$0x34A0];
	_ =	sdelay $0x4  }
0xf9: {  	v2 =	vshll.u32 v1, $0x10  }
0xfa: {  	v1 =	vand.u32 $0xFFFF0000, v1;
	[tilespmem:s25+$0x20] =	vst v2  }
0xfb: {  	[tilespmem:s25+$0x60] =	vst v1  }
0xfc: {  	v1 =	vld [tilespmem:s26+$0x34B0];
	_ =	sdelay $0x4  }
0xfd: {  	v2 =	vshll.u32 v1, $0x10  }
0xfe: {  	v1 =	vand.u32 $0xFFFF0000, v1;
	[tilespmem:s25+$0x30] =	vst v2  }
0xff: {  	[tilespmem:s25+$0x70] =	vst v1  }
0x100: {  	v1 =	vld [tilespmem:s26+$0x34C0];
	_ =	sdelay $0x4  }
0x101: {  	v2 =	vshll.u32 v1, $0x10  }
0x102: {  	v1 =	vand.u32 $0xFFFF0000, v1;
	[tilespmem:s25+$0x80] =	vst v2  }
0x103: {  	[tilespmem:s25+$0xC0] =	vst v1  }
0x104: {  	v1 =	vld [tilespmem:s26+$0x34D0];
	_ =	sdelay $0x4  }
0x105: {  	v2 =	vshll.u32 v1, $0x10  }
0x106: {  	s29 =	simm.s32 $0x5500;
	s28 =	simm.s32 $0x400;
	v1 =	vand.u32 $0xFFFF0000, v1;
	[tilespmem:s25+$0x90] =	vst v2  }
.LBB2_7:
0x107: {  	p0 =	sne.s32 s28, $0x7C00  }
0x108: {  	[tilespmem:s25+$0xD0] =	vst v1;
	s29 =	sadd.s32 $0x200, s29;
	s30 =	smov.u32 s28;
	s28 =	sadd.s32 $0x400, s28  }
0x109: {  	v1 =	vld [tilespmem:s26+$0x34E0];
	_ =	sdelay $0x4  }
0x10a: {  	v2 =	vshll.u32 v1, $0x10;
	v1 =	vand.u32 $0xFFFF0000, v1  }
0x10b: {  	[tilespmem:s25+$0xA0] =	vst v2  }
0x10c: {  	[tilespmem:s25+$0xE0] =	vst v1  }
0x10d: {  	v1 =	vld [tilespmem:s26+$0x34F0];
	_ =	sdelay $0x4  }
0x10e: {  	v2 =	vshll.u32 v1, $0x10;
	v1 =	vand.u32 $0xFFFF0000, v1  }
0x10f: {  	[tilespmem:s25+$0xB0] =	vst v2  }
0x110: {  	s26 =	sshra.s32 s30, $0x2;
	[tilespmem:s25+$0xF0] =	vst v1;
	s25 =	smov.u32 s29  }
0x111: {  	v1 =	vld [tilespmem:s26+$0x3400];
	_ =	sdelay $0x4  }
0x112: {  	v2 =	vshll.u32 v1, $0x10;
	v1 =	vand.u32 $0xFFFF0000, v1  }
0x113: {  	[tilespmem:s29+$0xFFFFFF00] =	vst v2  }
0x114: {  	[tilespmem:s29+$0xFFFFFF40] =	vst v1  }
0x115: {  	v1 =	vld [tilespmem:s26+$0x3410];
	_ =	sdelay $0x4  }
0x116: {  	v2 =	vshll.u32 v1, $0x10;
	v1 =	vand.u32 $0xFFFF0000, v1  }
0x117: {  	[tilespmem:s29+$0xFFFFFF10] =	vst v2  }
0x118: {  	[tilespmem:s29+$0xFFFFFF50] =	vst v1  }
0x119: {  	v1 =	vld [tilespmem:s26+$0x3420];
	_ =	sdelay $0x4  }
0x11a: {  	v2 =	vshll.u32 v1, $0x10;
	v1 =	vand.u32 $0xFFFF0000, v1  }
0x11b: {  	[tilespmem:s29+$0xFFFFFF20] =	vst v2  }
0x11c: {  	[tilespmem:s29+$0xFFFFFF60] =	vst v1  }
0x11d: {  	v1 =	vld [tilespmem:s26+$0x3430];
	_ =	sdelay $0x4  }
0x11e: {  	v2 =	vshll.u32 v1, $0x10;
	v1 =	vand.u32 $0xFFFF0000, v1  }
0x11f: {  	[tilespmem:s29+$0xFFFFFF30] =	vst v2  }
0x120: {  	[tilespmem:s29+$0xFFFFFF70] =	vst v1  }
0x121: {  	v1 =	vld [tilespmem:s26+$0x3440];
	_ =	sdelay $0x4  }
0x122: {  	v2 =	vshll.u32 v1, $0x10;
	v1 =	vand.u32 $0xFFFF0000, v1  }
0x123: {  	[tilespmem:s29+$0xFFFFFF80] =	vst v2  }
0x124: {  	[tilespmem:s29+$0xFFFFFFC0] =	vst v1  }
0x125: {  	v1 =	vld [tilespmem:s26+$0x3450];
	_ =	sdelay $0x4  }
0x126: {  	v2 =	vshll.u32 v1, $0x10;
	v1 =	vand.u32 $0xFFFF0000, v1  }
0x127: {  	[tilespmem:s29+$0xFFFFFF90] =	vst v2  }
0x128: {  	[tilespmem:s29+$0xFFFFFFD0] =	vst v1  }
0x129: {  	v1 =	vld [tilespmem:s26+$0x3460];
	_ =	sdelay $0x4  }
0x12a: {  	v2 =	vshll.u32 v1, $0x10;
	v1 =	vand.u32 $0xFFFF0000, v1  }
0x12b: {  	[tilespmem:s29+$0xFFFFFFA0] =	vst v2  }
0x12c: {  	[tilespmem:s29+$0xFFFFFFE0] =	vst v1  }
0x12d: {  	v1 =	vld [tilespmem:s26+$0x3470];
	_ =	sdelay $0x4  }
0x12e: {  	v2 =	vshll.u32 v1, $0x10;
	v1 =	vand.u32 $0xFFFF0000, v1  }
0x12f: {  	[tilespmem:s29+$0xFFFFFFB0] =	vst v2  }
0x130: {  	[tilespmem:s29+$0xFFFFFFF0] =	vst v1  }
0x131: {  	v1 =	vld [tilespmem:s26+$0x3480];
	_ =	sdelay $0x4  }
0x132: {  	v2 =	vshll.u32 v1, $0x10;
	v1 =	vand.u32 $0xFFFF0000, v1  }
0x133: {  	[tilespmem:s29+$0x0] =	vst v2  }
0x134: {  	[tilespmem:s29+$0x40] =	vst v1  }
0x135: {  	v1 =	vld [tilespmem:s26+$0x3490];
	_ =	sdelay $0x4  }
0x136: {  	v2 =	vshll.u32 v1, $0x10;
	v1 =	vand.u32 $0xFFFF0000, v1  }
0x137: {  	[tilespmem:s29+$0x10] =	vst v2  }
0x138: {  	[tilespmem:s29+$0x50] =	vst v1  }
0x139: {  	v1 =	vld [tilespmem:s26+$0x34A0];
	_ =	sdelay $0x4  }
0x13a: {  	v2 =	vshll.u32 v1, $0x10;
	v1 =	vand.u32 $0xFFFF0000, v1  }
0x13b: {  	[tilespmem:s29+$0x20] =	vst v2  }
0x13c: {  	[tilespmem:s29+$0x60] =	vst v1  }
0x13d: {  	v1 =	vld [tilespmem:s26+$0x34B0];
	_ =	sdelay $0x4  }
0x13e: {  	v2 =	vshll.u32 v1, $0x10;
	v1 =	vand.u32 $0xFFFF0000, v1  }
0x13f: {  	[tilespmem:s29+$0x30] =	vst v2  }
0x140: {  	[tilespmem:s29+$0x70] =	vst v1  }
0x141: {  	v1 =	vld [tilespmem:s26+$0x34C0];
	_ =	sdelay $0x4  }
0x142: {  	v2 =	vshll.u32 v1, $0x10;
	v1 =	vand.u32 $0xFFFF0000, v1  }
0x143: {  	[tilespmem:s29+$0x80] =	vst v2  }
0x144: {  	[tilespmem:s29+$0xC0] =	vst v1  }
0x145: {  	v1 =	vld [tilespmem:s26+$0x34D0];
	_ =	sdelay $0x1  }
.Ltmp2:
0x146: {  	(pc) =	sbr.rel @p0 .LBB2_7-.Ltmp2, $3  }
0x147: {  	_ =	sdelay $0x1  }
0x148: {  	v2 =	vshll.u32 v1, $0x10;
	v1 =	vand.u32 $0xFFFF0000, v1  }
0x149: {  	[tilespmem:s29+$0x90] =	vst v2  }
0x14a: {  	[tilespmem:s25+$0xD0] =	vst v1  }
0x14b: {  	v1 =	vld [tilespmem:s26+$0x34E0];
	_ =	sdelay $0x4  }
0x14c: {  	v2 =	vshll.u32 v1, $0x10  }
0x14d: {  	v1 =	vand.u32 $0xFFFF0000, v1;
	[tilespmem:s25+$0xA0] =	vst v2  }
0x14e: {  	[tilespmem:s25+$0xE0] =	vst v1  }
0x14f: {  	v1 =	vld [tilespmem:s26+$0x34F0];
	_ =	sdelay $0x4  }
0x150: {  	s23 =	sadd.s32 $0x1, s23;
	v2 =	vshll.u32 v1, $0x10  }
0x151: {  	p0 =	sne.s32 s23, $0x14;
	v1 =	vand.u32 $0xFFFF0000, v1;
	[tilespmem:s25+$0xB0] =	vst v2  }
.Ltmp3:
0x152: {  	s24 =	sadd.s32 $0x9400, s24;
	[tilespmem:s25+$0xF0] =	vst v1;
	(pc) =	sbr.rel @p0 .LBB2_4-.Ltmp3, $4  }
0x153: {  	[spmem:s3] =	stream.indirect.scatter.add.f32 [tilespmem:s15], [sflag:$0x3], $0x80, s24, s18, $0xb8;
	[tilespmem:$0x1F800] =	vst v63  }
0x154: {  	_ =	swait.ge [sflag:s16], $0x4000  }
0x155: {  	[sflag:s16] =	ssyncset.done $0x0  }
0x156: {  	[sflag:s16] =	ssyncadd.s32 $0xFFFFC000  }
0x157: {  	s23 =	simm.s32 $0x0  }
0x158: {  	[tilespmem:s23], [sflag:$0x3] =	stream.linear.gather [hbm4b:s12+s23], $0x1400, $0x38;
	[tilespmem:$0x1F800] =	vst v63  }
0x159: {  	_ =	swait.ge [sflag:s16], $0x1400  }
0x15a: {  	[sflag:s16] =	ssyncset.done $0x0  }
0x15b: {  	[sflag:s16] =	ssyncadd.s32 $0xFFFFEC00  }
0x15c: {  	[tilespmem:s19], [sflag:$0x1] =	stream.indirect.gather [hbm4b:s1+s18], $0x40, s23, s18, $0xb8;
	[tilespmem:$0x1F800] =	vst v63  }
.LBB2_10:
0x15d: {  	s24 =	sshll.u32 s23, $0xA;
	_ =	swait.ge [sflag:s20], $0x2000  }
0x15e: {  	[sflag:s20] =	ssyncset.done $0x0;
	s24 =	sshrl.u32 s24, $0x2  }
0x15f: {  	s26 =	simm.s32 $0x0;
	[sflag:s20] =	ssyncadd.s32 $0xFFFFE000;
	s25 =	sor.u32 $0x80, s24  }
0x160: {  	[tilespmem:s21], [sflag:$0x2] =	stream.indirect.gather [hbm4b:s1+s18], $0x40, s25, s18, $0xb8;
	[tilespmem:$0x1F800] =	vst v63  }
0x161: {  	v1 =	vld [tilespmem:s26+$0x1400];
	_ =	sdelay $0x4  }
0x162: {  	s25 =	simm.s32 $0x5500;
	v2 =	vshll.u32 v1, $0x10  }
0x163: {  	v1 =	vand.u32 $0xFFFF0000, v1;
	[tilespmem:s25+$0xFFFFFF00] =	vst v2  }
0x164: {  	[tilespmem:s25+$0xFFFFFF40] =	vst v1  }
0x165: {  	v1 =	vld [tilespmem:s26+$0x1410];
	_ =	sdelay $0x4  }
0x166: {  	v2 =	vshll.u32 v1, $0x10  }
0x167: {  	v1 =	vand.u32 $0xFFFF0000, v1;
	[tilespmem:s25+$0xFFFFFF10] =	vst v2  }
0x168: {  	[tilespmem:s25+$0xFFFFFF50] =	vst v1  }
0x169: {  	v1 =	vld [tilespmem:s26+$0x1420];
	_ =	sdelay $0x4  }
0x16a: {  	v2 =	vshll.u32 v1, $0x10  }
0x16b: {  	v1 =	vand.u32 $0xFFFF0000, v1;
	[tilespmem:s25+$0xFFFFFF20] =	vst v2  }
0x16c: {  	[tilespmem:s25+$0xFFFFFF60] =	vst v1  }
0x16d: {  	v1 =	vld [tilespmem:s26+$0x1430];
	_ =	sdelay $0x4  }
0x16e: {  	v2 =	vshll.u32 v1, $0x10  }
0x16f: {  	v1 =	vand.u32 $0xFFFF0000, v1;
	[tilespmem:s25+$0xFFFFFF30] =	vst v2  }
0x170: {  	[tilespmem:s25+$0xFFFFFF70] =	vst v1  }
0x171: {  	v1 =	vld [tilespmem:s26+$0x1440];
	_ =	sdelay $0x4  }
0x172: {  	v2 =	vshll.u32 v1, $0x10  }
0x173: {  	v1 =	vand.u32 $0xFFFF0000, v1;
	[tilespmem:s25+$0xFFFFFF80] =	vst v2  }
0x174: {  	[tilespmem:s25+$0xFFFFFFC0] =	vst v1  }
0x175: {  	v1 =	vld [tilespmem:s26+$0x1450];
	_ =	sdelay $0x4  }
0x176: {  	v2 =	vshll.u32 v1, $0x10  }
0x177: {  	v1 =	vand.u32 $0xFFFF0000, v1;
	[tilespmem:s25+$0xFFFFFF90] =	vst v2  }
0x178: {  	[tilespmem:s25+$0xFFFFFFD0] =	vst v1  }
0x179: {  	v1 =	vld [tilespmem:s26+$0x1460];
	_ =	sdelay $0x4  }
0x17a: {  	v2 =	vshll.u32 v1, $0x10  }
0x17b: {  	v1 =	vand.u32 $0xFFFF0000, v1;
	[tilespmem:s25+$0xFFFFFFA0] =	vst v2  }
0x17c: {  	[tilespmem:s25+$0xFFFFFFE0] =	vst v1  }
0x17d: {  	v1 =	vld [tilespmem:s26+$0x1470];
	_ =	sdelay $0x4  }
0x17e: {  	v2 =	vshll.u32 v1, $0x10  }
0x17f: {  	v1 =	vand.u32 $0xFFFF0000, v1;
	[tilespmem:s25+$0xFFFFFFB0] =	vst v2  }
0x180: {  	[tilespmem:s25+$0xFFFFFFF0] =	vst v1  }
0x181: {  	v1 =	vld [tilespmem:s26+$0x1480];
	_ =	sdelay $0x4  }
0x182: {  	v2 =	vshll.u32 v1, $0x10  }
0x183: {  	v1 =	vand.u32 $0xFFFF0000, v1;
	[tilespmem:s25+$0x0] =	vst v2  }
0x184: {  	[tilespmem:s25+$0x40] =	vst v1  }
0x185: {  	v1 =	vld [tilespmem:s26+$0x1490];
	_ =	sdelay $0x4  }
0x186: {  	v2 =	vshll.u32 v1, $0x10  }
0x187: {  	v1 =	vand.u32 $0xFFFF0000, v1;
	[tilespmem:s25+$0x10] =	vst v2  }
0x188: {  	[tilespmem:s25+$0x50] =	vst v1  }
0x189: {  	v1 =	vld [tilespmem:s26+$0x14A0];
	_ =	sdelay $0x4  }
0x18a: {  	v2 =	vshll.u32 v1, $0x10  }
0x18b: {  	v1 =	vand.u32 $0xFFFF0000, v1;
	[tilespmem:s25+$0x20] =	vst v2  }
0x18c: {  	[tilespmem:s25+$0x60] =	vst v1  }
0x18d: {  	v1 =	vld [tilespmem:s26+$0x14B0];
	_ =	sdelay $0x4  }
0x18e: {  	v2 =	vshll.u32 v1, $0x10  }
0x18f: {  	v1 =	vand.u32 $0xFFFF0000, v1;
	[tilespmem:s25+$0x30] =	vst v2  }
0x190: {  	[tilespmem:s25+$0x70] =	vst v1  }
0x191: {  	v1 =	vld [tilespmem:s26+$0x14C0];
	_ =	sdelay $0x4  }
0x192: {  	v2 =	vshll.u32 v1, $0x10  }
0x193: {  	v1 =	vand.u32 $0xFFFF0000, v1;
	[tilespmem:s25+$0x80] =	vst v2  }
0x194: {  	[tilespmem:s25+$0xC0] =	vst v1  }
0x195: {  	v1 =	vld [tilespmem:s26+$0x14D0];
	_ =	sdelay $0x4  }
0x196: {  	v2 =	vshll.u32 v1, $0x10  }
0x197: {  	s28 =	simm.s32 $0x400;
	s29 =	simm.s32 $0x5500;
	v1 =	vand.u32 $0xFFFF0000, v1;
	[tilespmem:s25+$0x90] =	vst v2  }
.LBB2_11:
0x198: {  	p0 =	sne.s32 s28, $0x7C00  }
0x199: {  	[tilespmem:s25+$0xD0] =	vst v1;
	s29 =	sadd.s32 $0x200, s29;
	s30 =	smov.u32 s28;
	s28 =	sadd.s32 $0x400, s28  }
0x19a: {  	v1 =	vld [tilespmem:s26+$0x14E0];
	_ =	sdelay $0x4  }
0x19b: {  	v2 =	vshll.u32 v1, $0x10;
	v1 =	vand.u32 $0xFFFF0000, v1  }
0x19c: {  	[tilespmem:s25+$0xA0] =	vst v2  }
0x19d: {  	[tilespmem:s25+$0xE0] =	vst v1  }
0x19e: {  	v1 =	vld [tilespmem:s26+$0x14F0];
	_ =	sdelay $0x4  }
0x19f: {  	v2 =	vshll.u32 v1, $0x10;
	v1 =	vand.u32 $0xFFFF0000, v1  }
0x1a0: {  	[tilespmem:s25+$0xB0] =	vst v2  }
0x1a1: {  	s26 =	sshra.s32 s30, $0x2;
	[tilespmem:s25+$0xF0] =	vst v1;
	s25 =	smov.u32 s29  }
0x1a2: {  	v1 =	vld [tilespmem:s26+$0x1400];
	_ =	sdelay $0x4  }
0x1a3: {  	v2 =	vshll.u32 v1, $0x10;
	v1 =	vand.u32 $0xFFFF0000, v1  }
0x1a4: {  	[tilespmem:s29+$0xFFFFFF00] =	vst v2  }
0x1a5: {  	[tilespmem:s29+$0xFFFFFF40] =	vst v1  }
0x1a6: {  	v1 =	vld [tilespmem:s26+$0x1410];
	_ =	sdelay $0x4  }
0x1a7: {  	v2 =	vshll.u32 v1, $0x10;
	v1 =	vand.u32 $0xFFFF0000, v1  }
0x1a8: {  	[tilespmem:s29+$0xFFFFFF10] =	vst v2  }
0x1a9: {  	[tilespmem:s29+$0xFFFFFF50] =	vst v1  }
0x1aa: {  	v1 =	vld [tilespmem:s26+$0x1420];
	_ =	sdelay $0x4  }
0x1ab: {  	v2 =	vshll.u32 v1, $0x10;
	v1 =	vand.u32 $0xFFFF0000, v1  }
0x1ac: {  	[tilespmem:s29+$0xFFFFFF20] =	vst v2  }
0x1ad: {  	[tilespmem:s29+$0xFFFFFF60] =	vst v1  }
0x1ae: {  	v1 =	vld [tilespmem:s26+$0x1430];
	_ =	sdelay $0x4  }
0x1af: {  	v2 =	vshll.u32 v1, $0x10;
	v1 =	vand.u32 $0xFFFF0000, v1  }
0x1b0: {  	[tilespmem:s29+$0xFFFFFF30] =	vst v2  }
0x1b1: {  	[tilespmem:s29+$0xFFFFFF70] =	vst v1  }
0x1b2: {  	v1 =	vld [tilespmem:s26+$0x1440];
	_ =	sdelay $0x4  }
0x1b3: {  	v2 =	vshll.u32 v1, $0x10;
	v1 =	vand.u32 $0xFFFF0000, v1  }
0x1b4: {  	[tilespmem:s29+$0xFFFFFF80] =	vst v2  }
0x1b5: {  	[tilespmem:s29+$0xFFFFFFC0] =	vst v1  }
0x1b6: {  	v1 =	vld [tilespmem:s26+$0x1450];
	_ =	sdelay $0x4  }
0x1b7: {  	v2 =	vshll.u32 v1, $0x10;
	v1 =	vand.u32 $0xFFFF0000, v1  }
0x1b8: {  	[tilespmem:s29+$0xFFFFFF90] =	vst v2  }
0x1b9: {  	[tilespmem:s29+$0xFFFFFFD0] =	vst v1  }
0x1ba: {  	v1 =	vld [tilespmem:s26+$0x1460];
	_ =	sdelay $0x4  }
0x1bb: {  	v2 =	vshll.u32 v1, $0x10;
	v1 =	vand.u32 $0xFFFF0000, v1  }
0x1bc: {  	[tilespmem:s29+$0xFFFFFFA0] =	vst v2  }
0x1bd: {  	[tilespmem:s29+$0xFFFFFFE0] =	vst v1  }
0x1be: {  	v1 =	vld [tilespmem:s26+$0x1470];
	_ =	sdelay $0x4  }
0x1bf: {  	v2 =	vshll.u32 v1, $0x10;
	v1 =	vand.u32 $0xFFFF0000, v1  }
0x1c0: {  	[tilespmem:s29+$0xFFFFFFB0] =	vst v2  }
0x1c1: {  	[tilespmem:s29+$0xFFFFFFF0] =	vst v1  }
0x1c2: {  	v1 =	vld [tilespmem:s26+$0x1480];
	_ =	sdelay $0x4  }
0x1c3: {  	v2 =	vshll.u32 v1, $0x10;
	v1 =	vand.u32 $0xFFFF0000, v1  }
0x1c4: {  	[tilespmem:s29+$0x0] =	vst v2  }
0x1c5: {  	[tilespmem:s29+$0x40] =	vst v1  }
0x1c6: {  	v1 =	vld [tilespmem:s26+$0x1490];
	_ =	sdelay $0x4  }
0x1c7: {  	v2 =	vshll.u32 v1, $0x10;
	v1 =	vand.u32 $0xFFFF0000, v1  }
0x1c8: {  	[tilespmem:s29+$0x10] =	vst v2  }
0x1c9: {  	[tilespmem:s29+$0x50] =	vst v1  }
0x1ca: {  	v1 =	vld [tilespmem:s26+$0x14A0];
	_ =	sdelay $0x4  }
0x1cb: {  	v2 =	vshll.u32 v1, $0x10;
	v1 =	vand.u32 $0xFFFF0000, v1  }
0x1cc: {  	[tilespmem:s29+$0x20] =	vst v2  }
0x1cd: {  	[tilespmem:s29+$0x60] =	vst v1  }
0x1ce: {  	v1 =	vld [tilespmem:s26+$0x14B0];
	_ =	sdelay $0x4  }
0x1cf: {  	v2 =	vshll.u32 v1, $0x10;
	v1 =	vand.u32 $0xFFFF0000, v1  }
0x1d0: {  	[tilespmem:s29+$0x30] =	vst v2  }
0x1d1: {  	[tilespmem:s29+$0x70] =	vst v1  }
0x1d2: {  	v1 =	vld [tilespmem:s26+$0x14C0];
	_ =	sdelay $0x4  }
0x1d3: {  	v2 =	vshll.u32 v1, $0x10;
	v1 =	vand.u32 $0xFFFF0000, v1  }
0x1d4: {  	[tilespmem:s29+$0x80] =	vst v2  }
0x1d5: {  	[tilespmem:s29+$0xC0] =	vst v1  }
0x1d6: {  	v1 =	vld [tilespmem:s26+$0x14D0];
	_ =	sdelay $0x1  }
.Ltmp4:
0x1d7: {  	(pc) =	sbr.rel @p0 .LBB2_11-.Ltmp4, $3  }
0x1d8: {  	_ =	sdelay $0x1  }
0x1d9: {  	v2 =	vshll.u32 v1, $0x10;
	v1 =	vand.u32 $0xFFFF0000, v1  }
0x1da: {  	[tilespmem:s29+$0x90] =	vst v2  }
0x1db: {  	[tilespmem:s25+$0xD0] =	vst v1  }
0x1dc: {  	v1 =	vld [tilespmem:s26+$0x14E0];
	_ =	sdelay $0x4  }
0x1dd: {  	v2 =	vshll.u32 v1, $0x10  }
0x1de: {  	v1 =	vand.u32 $0xFFFF0000, v1;
	[tilespmem:s25+$0xA0] =	vst v2  }
0x1df: {  	[tilespmem:s25+$0xE0] =	vst v1  }
0x1e0: {  	v1 =	vld [tilespmem:s26+$0x14F0];
	_ =	sdelay $0x4  }
0x1e1: {  	v2 =	vshll.u32 v1, $0x10  }
0x1e2: {  	v1 =	vand.u32 $0xFFFF0000, v1;
	[tilespmem:s25+$0xB0] =	vst v2  }
0x1e3: {  	s31 =	sadd.s32 $0xA800, s24;
	[tilespmem:s25+$0xF0] =	vst v1  }
0x1e4: {  	[spmem:s3] =	stream.indirect.scatter.add.f32 [tilespmem:s15], [sflag:$0x3], $0x80, s31, s18, $0xb8;
	[tilespmem:$0x1F800] =	vst v63  }
0x1e5: {  	_ =	swait.ge [sflag:s16], $0x4000  }
0x1e6: {  	[sflag:s16] =	ssyncset.done $0x0  }
0x1e7: {  	[sflag:s16] =	ssyncadd.s32 $0xFFFFC000  }
0x1e8: {  	p0 =	seq.s32 s23, $0x13;
	_ =	swait.ge [sflag:s22], $0x2000  }
0x1e9: {  	s28 =	simm.s32 @!p0 $0x1400;
	[sflag:s22] =	ssyncset.done $0x0  }
0x1ea: {  	s26 =	simm.s32 @!p0 $0x80;
	s25 =	sadd.s32 @!p0 $0x100, s24;
	[sflag:s22] =	ssyncadd.s32 $0xFFFFE000  }
0x1eb: {  	[tilespmem:s28], [sflag:$0x1] =	stream.indirect.gather @!p0 [hbm4b:s1+s26], $0x40, s25, s26, $0xb8;
	[tilespmem:$0x1F800] =	vst v63  }
0x1ec: {  	s26 =	simm.s32 $0x0  }
0x1ed: {  	v1 =	vld [tilespmem:s26+$0x3400];
	_ =	sdelay $0x4  }
0x1ee: {  	s25 =	simm.s32 $0x5500;
	v2 =	vshll.u32 v1, $0x10  }
0x1ef: {  	v1 =	vand.u32 $0xFFFF0000, v1;
	[tilespmem:s25+$0xFFFFFF00] =	vst v2  }
0x1f0: {  	[tilespmem:s25+$0xFFFFFF40] =	vst v1  }
0x1f1: {  	v1 =	vld [tilespmem:s26+$0x3410];
	_ =	sdelay $0x4  }
0x1f2: {  	v2 =	vshll.u32 v1, $0x10  }
0x1f3: {  	v1 =	vand.u32 $0xFFFF0000, v1;
	[tilespmem:s25+$0xFFFFFF10] =	vst v2  }
0x1f4: {  	[tilespmem:s25+$0xFFFFFF50] =	vst v1  }
0x1f5: {  	v1 =	vld [tilespmem:s26+$0x3420];
	_ =	sdelay $0x4  }
0x1f6: {  	v2 =	vshll.u32 v1, $0x10  }
0x1f7: {  	v1 =	vand.u32 $0xFFFF0000, v1;
	[tilespmem:s25+$0xFFFFFF20] =	vst v2  }
0x1f8: {  	[tilespmem:s25+$0xFFFFFF60] =	vst v1  }
0x1f9: {  	v1 =	vld [tilespmem:s26+$0x3430];
	_ =	sdelay $0x4  }
0x1fa: {  	v2 =	vshll.u32 v1, $0x10  }
0x1fb: {  	v1 =	vand.u32 $0xFFFF0000, v1;
	[tilespmem:s25+$0xFFFFFF30] =	vst v2  }
0x1fc: {  	[tilespmem:s25+$0xFFFFFF70] =	vst v1  }
0x1fd: {  	v1 =	vld [tilespmem:s26+$0x3440];
	_ =	sdelay $0x4  }
0x1fe: {  	v2 =	vshll.u32 v1, $0x10  }
0x1ff: {  	v1 =	vand.u32 $0xFFFF0000, v1;
	[tilespmem:s25+$0xFFFFFF80] =	vst v2  }
0x200: {  	[tilespmem:s25+$0xFFFFFFC0] =	vst v1  }
0x201: {  	v1 =	vld [tilespmem:s26+$0x3450];
	_ =	sdelay $0x4  }
0x202: {  	v2 =	vshll.u32 v1, $0x10  }
0x203: {  	v1 =	vand.u32 $0xFFFF0000, v1;
	[tilespmem:s25+$0xFFFFFF90] =	vst v2  }
0x204: {  	[tilespmem:s25+$0xFFFFFFD0] =	vst v1  }
0x205: {  	v1 =	vld [tilespmem:s26+$0x3460];
	_ =	sdelay $0x4  }
0x206: {  	v2 =	vshll.u32 v1, $0x10  }
0x207: {  	v1 =	vand.u32 $0xFFFF0000, v1;
	[tilespmem:s25+$0xFFFFFFA0] =	vst v2  }
0x208: {  	[tilespmem:s25+$0xFFFFFFE0] =	vst v1  }
0x209: {  	v1 =	vld [tilespmem:s26+$0x3470];
	_ =	sdelay $0x4  }
0x20a: {  	v2 =	vshll.u32 v1, $0x10  }
0x20b: {  	v1 =	vand.u32 $0xFFFF0000, v1;
	[tilespmem:s25+$0xFFFFFFB0] =	vst v2  }
0x20c: {  	[tilespmem:s25+$0xFFFFFFF0] =	vst v1  }
0x20d: {  	v1 =	vld [tilespmem:s26+$0x3480];
	_ =	sdelay $0x4  }
0x20e: {  	v2 =	vshll.u32 v1, $0x10  }
0x20f: {  	v1 =	vand.u32 $0xFFFF0000, v1;
	[tilespmem:s25+$0x0] =	vst v2  }
0x210: {  	[tilespmem:s25+$0x40] =	vst v1  }
0x211: {  	v1 =	vld [tilespmem:s26+$0x3490];
	_ =	sdelay $0x4  }
0x212: {  	v2 =	vshll.u32 v1, $0x10  }
0x213: {  	v1 =	vand.u32 $0xFFFF0000, v1;
	[tilespmem:s25+$0x10] =	vst v2  }
0x214: {  	[tilespmem:s25+$0x50] =	vst v1  }
0x215: {  	v1 =	vld [tilespmem:s26+$0x34A0];
	_ =	sdelay $0x4  }
0x216: {  	v2 =	vshll.u32 v1, $0x10  }
0x217: {  	v1 =	vand.u32 $0xFFFF0000, v1;
	[tilespmem:s25+$0x20] =	vst v2  }
0x218: {  	[tilespmem:s25+$0x60] =	vst v1  }
0x219: {  	v1 =	vld [tilespmem:s26+$0x34B0];
	_ =	sdelay $0x4  }
0x21a: {  	v2 =	vshll.u32 v1, $0x10  }
0x21b: {  	v1 =	vand.u32 $0xFFFF0000, v1;
	[tilespmem:s25+$0x30] =	vst v2  }
0x21c: {  	[tilespmem:s25+$0x70] =	vst v1  }
0x21d: {  	v1 =	vld [tilespmem:s26+$0x34C0];
	_ =	sdelay $0x4  }
0x21e: {  	v2 =	vshll.u32 v1, $0x10  }
0x21f: {  	v1 =	vand.u32 $0xFFFF0000, v1;
	[tilespmem:s25+$0x80] =	vst v2  }
0x220: {  	[tilespmem:s25+$0xC0] =	vst v1  }
0x221: {  	v1 =	vld [tilespmem:s26+$0x34D0];
	_ =	sdelay $0x4  }
0x222: {  	v2 =	vshll.u32 v1, $0x10  }
0x223: {  	s29 =	simm.s32 $0x5500;
	s28 =	simm.s32 $0x400;
	v1 =	vand.u32 $0xFFFF0000, v1;
	[tilespmem:s25+$0x90] =	vst v2  }
.LBB2_13:
0x224: {  	p0 =	sne.s32 s28, $0x7C00  }
0x225: {  	[tilespmem:s25+$0xD0] =	vst v1;
	s29 =	sadd.s32 $0x200, s29;
	s30 =	smov.u32 s28;
	s28 =	sadd.s32 $0x400, s28  }
0x226: {  	v1 =	vld [tilespmem:s26+$0x34E0];
	_ =	sdelay $0x4  }
0x227: {  	v2 =	vshll.u32 v1, $0x10;
	v1 =	vand.u32 $0xFFFF0000, v1  }
0x228: {  	[tilespmem:s25+$0xA0] =	vst v2  }
0x229: {  	[tilespmem:s25+$0xE0] =	vst v1  }
0x22a: {  	v1 =	vld [tilespmem:s26+$0x34F0];
	_ =	sdelay $0x4  }
0x22b: {  	v2 =	vshll.u32 v1, $0x10;
	v1 =	vand.u32 $0xFFFF0000, v1  }
0x22c: {  	[tilespmem:s25+$0xB0] =	vst v2  }
0x22d: {  	s26 =	sshra.s32 s30, $0x2;
	[tilespmem:s25+$0xF0] =	vst v1;
	s25 =	smov.u32 s29  }
0x22e: {  	v1 =	vld [tilespmem:s26+$0x3400];
	_ =	sdelay $0x4  }
0x22f: {  	v2 =	vshll.u32 v1, $0x10;
	v1 =	vand.u32 $0xFFFF0000, v1  }
0x230: {  	[tilespmem:s29+$0xFFFFFF00] =	vst v2  }
0x231: {  	[tilespmem:s29+$0xFFFFFF40] =	vst v1  }
0x232: {  	v1 =	vld [tilespmem:s26+$0x3410];
	_ =	sdelay $0x4  }
0x233: {  	v2 =	vshll.u32 v1, $0x10;
	v1 =	vand.u32 $0xFFFF0000, v1  }
0x234: {  	[tilespmem:s29+$0xFFFFFF10] =	vst v2  }
0x235: {  	[tilespmem:s29+$0xFFFFFF50] =	vst v1  }
0x236: {  	v1 =	vld [tilespmem:s26+$0x3420];
	_ =	sdelay $0x4  }
0x237: {  	v2 =	vshll.u32 v1, $0x10;
	v1 =	vand.u32 $0xFFFF0000, v1  }
0x238: {  	[tilespmem:s29+$0xFFFFFF20] =	vst v2  }
0x239: {  	[tilespmem:s29+$0xFFFFFF60] =	vst v1  }
0x23a: {  	v1 =	vld [tilespmem:s26+$0x3430];
	_ =	sdelay $0x4  }
0x23b: {  	v2 =	vshll.u32 v1, $0x10;
	v1 =	vand.u32 $0xFFFF0000, v1  }
0x23c: {  	[tilespmem:s29+$0xFFFFFF30] =	vst v2  }
0x23d: {  	[tilespmem:s29+$0xFFFFFF70] =	vst v1  }
0x23e: {  	v1 =	vld [tilespmem:s26+$0x3440];
	_ =	sdelay $0x4  }
0x23f: {  	v2 =	vshll.u32 v1, $0x10;
	v1 =	vand.u32 $0xFFFF0000, v1  }
0x240: {  	[tilespmem:s29+$0xFFFFFF80] =	vst v2  }
0x241: {  	[tilespmem:s29+$0xFFFFFFC0] =	vst v1  }
0x242: {  	v1 =	vld [tilespmem:s26+$0x3450];
	_ =	sdelay $0x4  }
0x243: {  	v2 =	vshll.u32 v1, $0x10;
	v1 =	vand.u32 $0xFFFF0000, v1  }
0x244: {  	[tilespmem:s29+$0xFFFFFF90] =	vst v2  }
0x245: {  	[tilespmem:s29+$0xFFFFFFD0] =	vst v1  }
0x246: {  	v1 =	vld [tilespmem:s26+$0x3460];
	_ =	sdelay $0x4  }
0x247: {  	v2 =	vshll.u32 v1, $0x10;
	v1 =	vand.u32 $0xFFFF0000, v1  }
0x248: {  	[tilespmem:s29+$0xFFFFFFA0] =	vst v2  }
0x249: {  	[tilespmem:s29+$0xFFFFFFE0] =	vst v1  }
0x24a: {  	v1 =	vld [tilespmem:s26+$0x3470];
	_ =	sdelay $0x4  }
0x24b: {  	v2 =	vshll.u32 v1, $0x10;
	v1 =	vand.u32 $0xFFFF0000, v1  }
0x24c: {  	[tilespmem:s29+$0xFFFFFFB0] =	vst v2  }
0x24d: {  	[tilespmem:s29+$0xFFFFFFF0] =	vst v1  }
0x24e: {  	v1 =	vld [tilespmem:s26+$0x3480];
	_ =	sdelay $0x4  }
0x24f: {  	v2 =	vshll.u32 v1, $0x10;
	v1 =	vand.u32 $0xFFFF0000, v1  }
0x250: {  	[tilespmem:s29+$0x0] =	vst v2  }
0x251: {  	[tilespmem:s29+$0x40] =	vst v1  }
0x252: {  	v1 =	vld [tilespmem:s26+$0x3490];
	_ =	sdelay $0x4  }
0x253: {  	v2 =	vshll.u32 v1, $0x10;
	v1 =	vand.u32 $0xFFFF0000, v1  }
0x254: {  	[tilespmem:s29+$0x10] =	vst v2  }
0x255: {  	[tilespmem:s29+$0x50] =	vst v1  }
0x256: {  	v1 =	vld [tilespmem:s26+$0x34A0];
	_ =	sdelay $0x4  }
0x257: {  	v2 =	vshll.u32 v1, $0x10;
	v1 =	vand.u32 $0xFFFF0000, v1  }
0x258: {  	[tilespmem:s29+$0x20] =	vst v2  }
0x259: {  	[tilespmem:s29+$0x60] =	vst v1  }
0x25a: {  	v1 =	vld [tilespmem:s26+$0x34B0];
	_ =	sdelay $0x4  }
0x25b: {  	v2 =	vshll.u32 v1, $0x10;
	v1 =	vand.u32 $0xFFFF0000, v1  }
0x25c: {  	[tilespmem:s29+$0x30] =	vst v2  }
0x25d: {  	[tilespmem:s29+$0x70] =	vst v1  }
0x25e: {  	v1 =	vld [tilespmem:s26+$0x34C0];
	_ =	sdelay $0x4  }
0x25f: {  	v2 =	vshll.u32 v1, $0x10;
	v1 =	vand.u32 $0xFFFF0000, v1  }
0x260: {  	[tilespmem:s29+$0x80] =	vst v2  }
0x261: {  	[tilespmem:s29+$0xC0] =	vst v1  }
0x262: {  	v1 =	vld [tilespmem:s26+$0x34D0];
	_ =	sdelay $0x1  }
.Ltmp5:
0x263: {  	(pc) =	sbr.rel @p0 .LBB2_13-.Ltmp5, $3  }
0x264: {  	_ =	sdelay $0x1  }
0x265: {  	v2 =	vshll.u32 v1, $0x10;
	v1 =	vand.u32 $0xFFFF0000, v1  }
0x266: {  	[tilespmem:s29+$0x90] =	vst v2  }
0x267: {  	[tilespmem:s25+$0xD0] =	vst v1  }
0x268: {  	v1 =	vld [tilespmem:s26+$0x34E0];
	_ =	sdelay $0x4  }
0x269: {  	v2 =	vshll.u32 v1, $0x10  }
0x26a: {  	v1 =	vand.u32 $0xFFFF0000, v1;
	[tilespmem:s25+$0xA0] =	vst v2  }
0x26b: {  	[tilespmem:s25+$0xE0] =	vst v1  }
0x26c: {  	v1 =	vld [tilespmem:s26+$0x34F0];
	_ =	sdelay $0x4  }
0x26d: {  	s23 =	sadd.s32 $0x1, s23;
	v2 =	vshll.u32 v1, $0x10  }
0x26e: {  	p0 =	sne.s32 s23, $0x14;
	v1 =	vand.u32 $0xFFFF0000, v1;
	[tilespmem:s25+$0xB0] =	vst v2  }
.Ltmp6:
0x26f: {  	s24 =	sadd.s32 $0xA880, s24;
	[tilespmem:s25+$0xF0] =	vst v1;
	(pc) =	sbr.rel @p0 .LBB2_10-.Ltmp6, $4  }
0x270: {  	[spmem:s3] =	stream.indirect.scatter.add.f32 [tilespmem:s15], [sflag:$0x3], $0x80, s24, s18, $0xb8;
	[tilespmem:$0x1F800] =	vst v63  }
0x271: {  	_ =	swait.ge [sflag:s16], $0x4000  }
0x272: {  	[sflag:s16] =	ssyncset.done $0x0  }
0x273: {  	[sflag:s16] =	ssyncadd.s32 $0xFFFFC000  }
0x274: {  	s4 =	sadd.s32 $0x1, s4  }
0x275: {  	s23 =	sshll.u32 s0, $0x6;
	[bflag:$0x0] =	sbarrier.arrive $0xFFFF;
	p0 =	sne.s32 s4, s14  }
.Ltmp7:
0x276: {  	s24 =	sshrl.u32 s5, $0x3;
	s23 =	sor.u32 $0x1C03, s23;
	(pc) =	sbr.rel @p0 .LBB2_1-.Ltmp7, $4  }
0x277: {  	[hbm:s13], [sflag:s23] =	dma.local [spmem:s24], $0x2780  }
0x278: {  	_ =	swait.ge [sflag:s16], $0x2780  }
0x279: {  	[sflag:s16] =	ssyncset.done $0x0  }
0x27a: {  	[sflag:s16] =	ssyncadd.s32 $0xFFFFD880  }
0x27b: {  	_ =	sfence.sel $0x180000  }
0x27c: {  	[bflag:$0x0] =	sbarrier.arrive $0xFFFF  }
0x27d: {  	p0 =	sne.s32 s0, $0x0;
	_ =	strace $0x90000047  }
0x27e: {  	s0 =	sadd.s32 @!p0 $0x100000, s2;
	[bflag:$0x2] =	sbarrier.arrive $0xFFFF  }
0x27f: {  	[sflag:s0] =	ssyncadd.tile.s32 @!p0 $0x1;
	_ =	shalt  }
.Lfunc_end2:
_tile_overlayer_lowered:
.L_overlay_start_2:
0x280: {  	(tag) =	ssettag $0x2  }
0x281: {  	s0 =	rddreg [dreg:$0x0];
	s2 =	stileid.u32  }
0x282: {  	s1 =	rddreg [dreg:$0x1];
	p0 =	sne.s32 s2, $0x0  }
0x283: {  	s3 =	rddreg [dreg:$0x2];
	[bflag:$0x3] =	sbarrier.arrive $0xFFFF;
	s2 =	simm.s32 @!p0 $0x1C03  }
0x284: {  	[timem:s3], [sflag:s2] =	dma.local @!p0 [hbm:s0], s1  }
0x285: {  	s0 =	simm.s32 @!p0 $0x3  }
0x286: {  	_ =	swait.ge @!p0 [sflag:s0], s1  }
0x287: {  	s1 =	ssub.s32 @!p0 $0x0, s1;
	[sflag:s0] =	ssyncset.done @!p0 $0x0  }
0x288: {  	[sflag:s0] =	ssyncadd.s32 @!p0 s1  }
0x289: {  	[bflag:$0x3] =	sbarrier.arrive $0xFFFF  }
0x28a: {  	_ =	shalt  }

</sc_bundles>
